<compile_context>
chip_gen: v7x
topology: tpu7x:2x2x1
jax: 0.10.2.dev20260603
libtpu: 0.0.44.dev20260713+nightly
codegen_flags: <defaults>
</compile_context>

<pallas_src>
import functools

import jax
import jax.numpy as jnp
from jax import lax
from jax.experimental import pallas as pl
from jax.experimental.pallas import tpu as pltpu
from jax.experimental.pallas import tpu_sc as plsc

N_NODES = 10000
N_EDGES = 320000
D_IN = 128
HID = 64
N_GRAPHS = 100

NC = 2
NS = 16
NW = NC * NS
EDGES_PER_W = N_EDGES // NW
CHUNK = 40
CHUNKS_PER_W = EDGES_PER_W // CHUNK
ROWS_PER_TILE = N_NODES // NS
K = 5
SUPER = CHUNKS_PER_W // (2 * K)
REM = CHUNKS_PER_W - SUPER * 2 * K


def _sc_agg_body(p_hbm, ei_hbm, zeros_hbm, out_hbm,
                 acc_sh, src_v, dst_v, rows_v, gsem0, gsem1, ssem0, ssem1):
    c = lax.axis_index("c")
    s = lax.axis_index("s")
    wid = c * NS + s
    rstart = s * ROWS_PER_TILE
    pltpu.sync_copy(zeros_hbm.at[pl.ds(rstart, ROWS_PER_TILE)],
                    acc_sh.at[pl.ds(rstart, ROWS_PER_TILE)])
    pltpu.sync_copy(ei_hbm.at[0].at[pl.ds(wid * EDGES_PER_W, EDGES_PER_W)],
                    src_v)
    pltpu.sync_copy(ei_hbm.at[1].at[pl.ds(wid * EDGES_PER_W, EDGES_PER_W)],
                    dst_v)
    plsc.subcore_barrier()

    def idx(j):
        return pl.ds(pl.multiple_of(j * CHUNK, 8), CHUNK)

    def drain(n, sem):
        for _ in range(n):
            pltpu.make_async_copy(p_hbm.at[pl.ds(0, CHUNK)], rows_v.at[0],
                                  sem).wait()

    def fire_gathers(j0, bank, sem):
        for i in range(K):
            pltpu.async_copy(p_hbm.at[src_v.at[idx(j0 + i)]],
                             rows_v.at[bank * K + i], sem)

    def fire_scatters(j0, bank, sem):
        for i in range(K):
            pltpu.async_copy(rows_v.at[bank * K + i],
                             acc_sh.at[dst_v.at[idx(j0 + i)]], sem, add=True)

    def body(g, carry):
        j0 = g * 2 * K

        @pl.when(g > 0)
        def _():
            drain(K, ssem1)
        fire_gathers(j0 + K, 1, gsem1)
        drain(K, gsem0)
        fire_scatters(j0, 0, ssem0)
        drain(K, ssem0)

        @pl.when(g < SUPER - 1)
        def _():
            fire_gathers(j0 + 2 * K, 0, gsem0)
        drain(K, gsem1)
        fire_scatters(j0 + K, 1, ssem1)
        return carry

    fire_gathers(0, 0, gsem0)
    lax.fori_loop(0, SUPER, body, 0, unroll=False)
    drain(K, ssem1)
    for r in range(REM):
        pltpu.async_copy(p_hbm.at[src_v.at[idx(SUPER * 2 * K + r)]],
                         rows_v.at[0], gsem0)
        drain(1, gsem0)
        pltpu.async_copy(rows_v.at[0],
                         acc_sh.at[dst_v.at[idx(SUPER * 2 * K + r)]],
                         ssem0, add=True)
        drain(1, ssem0)
    plsc.subcore_barrier()
    pltpu.sync_copy(acc_sh.at[pl.ds(rstart, ROWS_PER_TILE)],
                    out_hbm.at[c].at[pl.ds(rstart, ROWS_PER_TILE)])


@functools.cache
def _sc_agg():
    return pl.kernel(
        _sc_agg_body,
        out_type=jax.ShapeDtypeStruct((NC, N_NODES, HID), jnp.float32),
        mesh=plsc.VectorSubcoreMesh(core_axis_name="c", subcore_axis_name="s",
                                    num_cores=NC, num_subcores=NS),
        scratch_types=[
            pltpu.VMEM_SHARED((N_NODES, HID), jnp.float32),
            pltpu.VMEM((EDGES_PER_W,), jnp.int32),
            pltpu.VMEM((EDGES_PER_W,), jnp.int32),
            pltpu.VMEM((2 * K, CHUNK, HID), jnp.float32),
            pltpu.SemaphoreType.DMA,
            pltpu.SemaphoreType.DMA,
            pltpu.SemaphoreType.DMA,
            pltpu.SemaphoreType.DMA,
        ],
        compiler_params=pltpu.CompilerParams(use_tc_tiling_on_sc=False),
    )


def _mm_body(x_ref, w_ref, o_ref):
    o_ref[...] = jnp.dot(x_ref[...], w_ref[...],
                         preferred_element_type=jnp.float32)


def _combine_body(p_ref, parts_ref, b_ref, w_ref, o_ref):
    h = p_ref[...] + parts_ref[0] + parts_ref[1] + b_ref[...]
    h = jnp.maximum(h, 0.0)
    o_ref[...] = jnp.dot(h, w_ref[...], preferred_element_type=jnp.float32)


def _final_body(p_ref, parts_ref, b_ref, batch_ref,
                wf_ref, bf_ref, wp_ref, bp_ref, o_ref):
    h = p_ref[...] + parts_ref[0] + parts_ref[1] + b_ref[...]
    gids = lax.broadcasted_iota(jnp.int32, (N_GRAPHS, N_NODES), 0)
    onehot = (gids == batch_ref[...]).astype(jnp.float32)
    sums = jnp.dot(onehot, h, preferred_element_type=jnp.float32)
    counts = jnp.sum(onehot, axis=1, keepdims=True)
    mean = sums / jnp.maximum(counts, 1.0)
    g = jnp.dot(mean, wf_ref[...], preferred_element_type=jnp.float32)
    g = g + bf_ref[...]
    g = jnp.dot(g, wp_ref[...], preferred_element_type=jnp.float32)
    g = g + bp_ref[...]
    o_ref[...] = jax.nn.sigmoid(g)


def _tc(body, out_shape):
    return pl.pallas_call(body, out_shape=out_shape)


def kernel(x, edge_index, batch, W1, b1, W2, b2, W3, b3, Wf, bf, Wp, bp):
    f32 = jnp.float32
    ei = edge_index.astype(jnp.int32)
    zeros = jnp.zeros((N_NODES, HID), f32)
    batch2d = batch.astype(jnp.int32).reshape(1, N_NODES)
    b1r, b2r, b3r = b1.reshape(1, HID), b2.reshape(1, HID), b3.reshape(1, HID)
    bfr, bpr = bf.reshape(1, 32), bp.reshape(1, 1)

    p1 = _tc(_mm_body, jax.ShapeDtypeStruct((N_NODES, HID), f32))(x, W1)
    a1 = _sc_agg()(p1, ei, zeros)
    p2 = _tc(_combine_body,
             jax.ShapeDtypeStruct((N_NODES, HID), f32))(p1, a1, b1r, W2)
    a2 = _sc_agg()(p2, ei, zeros)
    p3 = _tc(_combine_body,
             jax.ShapeDtypeStruct((N_NODES, HID), f32))(p2, a2, b2r, W3)
    a3 = _sc_agg()(p3, ei, zeros)
    out = _tc(_final_body, jax.ShapeDtypeStruct((N_GRAPHS, 1), f32))(
        p3, a3, b3r, batch2d, Wf, bfr, Wp, bpr)
    return out

# --- scband reference (transcript-rebuilt; emitter-appended) ---
"""Pipeline reference for scband-histo-gin-31937376813167 (READ-ONLY COPY).

The authoritative reference and input builder live on the scoring server;
editing this copy changes nothing except your own understanding.
"""

import jax, jax.numpy as jnp
import numpy as np

N_NODES = 10000
N_EDGES = 320000
D_IN = 128
HID = 64
N_GRAPHS = 100


def setup_inputs(seed: int = 0) -> dict:
    key = jax.random.key(seed)
    ks = jax.random.split(key, 16)
    x = jax.random.normal(ks[0], (N_NODES, D_IN), dtype=jnp.float32)
    edge_index = jax.random.randint(ks[1], (2, N_EDGES), 0, N_NODES)
    batch = jnp.sort(jax.random.randint(ks[2], (N_NODES,), 0, N_GRAPHS))
    # GINConv 1: Linear(D_IN -> HID)
    W1 = jax.random.normal(ks[3], (D_IN, HID), dtype=jnp.float32) * (1.0 / np.sqrt(D_IN))
    b1 = jnp.zeros((HID,), dtype=jnp.float32)
    # GINConv 2: Linear(HID -> HID)
    W2 = jax.random.normal(ks[4], (HID, HID), dtype=jnp.float32) * (1.0 / np.sqrt(HID))
    b2 = jnp.zeros((HID,), dtype=jnp.float32)
    # GINConv 3 (referenced in forward; instantiated as GINConv(HID, HID))
    W3 = jax.random.normal(ks[5], (HID, HID), dtype=jnp.float32) * (1.0 / np.sqrt(HID))
    b3 = jnp.zeros((HID,), dtype=jnp.float32)
    # fc1: Linear(HID -> 32)
    Wf = jax.random.normal(ks[6], (HID, 32), dtype=jnp.float32) * (1.0 / np.sqrt(HID))
    bf = jnp.zeros((32,), dtype=jnp.float32)
    # predict: Linear(32 -> 1)
    Wp = jax.random.normal(ks[7], (32, 1), dtype=jnp.float32) * (1.0 / np.sqrt(32))
    bp = jnp.zeros((1,), dtype=jnp.float32)
    return {"x": x, "edge_index": edge_index, "batch": batch,
            "W1": W1, "b1": b1, "W2": W2, "b2": b2, "W3": W3, "b3": b3,
            "Wf": Wf, "bf": bf, "Wp": Wp, "bp": bp}


def _gin_conv(h, src, dst, W, b):
    # GIN aggregation: (1+eps)*h_i + sum_{j in N(i)} h_j, eps=0, then Linear
    msgs = jnp.take(h, src, axis=0)                       # gather (SparseCore)
    agg = jax.ops.segment_sum(msgs, dst, num_segments=N_NODES)  # scatter-add
    return (h + agg) @ W + b


def _global_mean_pool(h, batch):
    sums = jax.ops.segment_sum(h, batch, num_segments=N_GRAPHS)
    counts = jax.ops.segment_sum(jnp.ones((h.shape[0], 1), dtype=h.dtype), batch,
                                 num_segments=N_GRAPHS)
    return sums / jnp.maximum(counts, 1.0)


def reference(x, edge_index, batch, W1, b1, W2, b2, W3, b3, Wf, bf, Wp, bp):
    src = edge_index[0]
    dst = edge_index[1]
    h = _gin_conv(x, src, dst, W1, b1)
    h = jax.nn.relu(h)
    h = _gin_conv(h, src, dst, W2, b2)
    h = jax.nn.relu(h)
    h = _gin_conv(h, src, dst, W3, b3)
    g = _global_mean_pool(h, batch)
    # F.dropout(p=0.5) treated as identity (eval / deterministic reference)
    g = g @ Wf + bf
    g = g @ Wp + bp
    return jax.nn.sigmoid(g)

if __name__ == "__main__":
    import jax
    _d = setup_inputs()
    print(jax.jit(kernel)(*tuple(_d.values())))

</pallas_src>

<mosaic_0001>
#map = affine_map<(d0, d1) -> (0, 0)>
#map1 = affine_map<(d0, d1) -> (0, 0, 0)>
module attributes {stable_mosaic.version = 14 : i64} {
  func.func @_sc_agg_body(%arg0: i32, %arg1: i32, %arg2: memref<10000x64xf32, #tpu.memory_space<hbm>>, %arg3: memref<2x320000xi32, #tpu.memory_space<hbm>>, %arg4: memref<10000x64xf32, #tpu.memory_space<hbm>>, %arg5: memref<2x10000x64xf32, #tpu.memory_space<hbm>>, %arg6: memref<10000x64xf32, #tpu.memory_space<vmem_shared>>, %arg7: memref<10000xi32, #tpu.memory_space<vmem>>, %arg8: memref<10000xi32, #tpu.memory_space<vmem>>, %arg9: memref<10x40x64xf32, #tpu.memory_space<vmem>>, %arg10: memref<!tpu.dma_semaphore, #tpu.memory_space<semaphore_mem>>, %arg11: memref<!tpu.dma_semaphore, #tpu.memory_space<semaphore_mem>>, %arg12: memref<!tpu.dma_semaphore, #tpu.memory_space<semaphore_mem>>, %arg13: memref<!tpu.dma_semaphore, #tpu.memory_space<semaphore_mem>>) attributes {dimension_semantics = [#tpu.dimension_semantics<core_parallel>, #tpu.dimension_semantics<subcore_parallel>], iteration_bounds = array<i64: 2, 16>, scalar_prefetch = 0 : i64, scratch_operands = 8 : i64, tpu.core_type = #tpu.core_type<sc_vector_subcore>, window_params = [{transform_indices = #map}, {transform_indices = #map}, {transform_indices = #map}, {transform_indices = #map1}]} {
    %mul3A = arith.constant 16 : i32
    %mul3A_0 = arith.muli %arg0, %mul3A : i32
    %add3A = arith.addi %mul3A_0, %arg1 : i32
    %mul3A_1 = arith.constant 625 : i32
    %mul3A_2 = arith.muli %arg1, %mul3A_1 : i32
    "tpu.region"() ({
      %run_scoped3A_141 = tpu.sem_alloc : memref<!tpu.dma_semaphore, #tpu.memory_space<semaphore_mem>>
      %dma_start3A_142 = arith.constant 0 : i32
      %dma_start3A_143 = tpu.memref_slice %arg6[%mul3A_2, %dma_start3A_142] : memref<10000x64xf32, #tpu.memory_space<vmem_shared>> -> memref<625x64xf32, #tpu.memory_space<vmem_shared>>
      %dma_start3A_144 = arith.constant 0 : i32
      %dma_start3A_145 = tpu.memref_slice %arg4[%mul3A_2, %dma_start3A_144] : memref<10000x64xf32, #tpu.memory_space<hbm>> -> memref<625x64xf32, #tpu.memory_space<hbm>>
      tpu.enqueue_dma source(%dma_start3A_145 : memref<625x64xf32, #tpu.memory_space<hbm>>) target(%dma_start3A_143 : memref<625x64xf32, #tpu.memory_space<vmem_shared>>) target_semaphore(%run_scoped3A_141 : memref<!tpu.dma_semaphore, #tpu.memory_space<semaphore_mem>>)
      %dma_wait3A_146 = arith.constant 0 : i32
      %dma_wait3A_147 = tpu.memref_slice %arg6[%mul3A_2, %dma_wait3A_146] : memref<10000x64xf32, #tpu.memory_space<vmem_shared>> -> memref<625x64xf32, #tpu.memory_space<vmem_shared>>
      %dma_wait3A_148 = arith.constant 0 : i32
      %dma_wait3A_149 = tpu.memref_slice %arg4[%mul3A_2, %dma_wait3A_148] : memref<10000x64xf32, #tpu.memory_space<hbm>> -> memref<625x64xf32, #tpu.memory_space<hbm>>
      tpu.wait_dma2 semaphore(%run_scoped3A_141 : memref<!tpu.dma_semaphore, #tpu.memory_space<semaphore_mem>>) src(%dma_wait3A_149 : memref<625x64xf32, #tpu.memory_space<hbm>>) dst(%dma_wait3A_147 : memref<625x64xf32, #tpu.memory_space<vmem_shared>>)
      tpu.yield
    }) : () -> ()
    %mul3A_3 = arith.constant 10000 : i32
    %mul3A_4 = arith.muli %add3A, %mul3A_3 : i32
    %run_scoped3A = arith.constant 0 : i32
    "tpu.region"() ({
      %run_scoped3A_141 = tpu.sem_alloc : memref<!tpu.dma_semaphore, #tpu.memory_space<semaphore_mem>>
      %dma_start3A_142 = arith.constant 0 : i32
      %dma_start3A_143 = tpu.memref_slice %arg3[%run_scoped3A, %dma_start3A_142] : memref<2x320000xi32, #tpu.memory_space<hbm>> -> memref<1x320000xi32, #tpu.memory_space<hbm>>
      %dma_start3A_144 = tpu.memref_squeeze %dma_start3A_143 : memref<1x320000xi32, #tpu.memory_space<hbm>> -> memref<320000xi32, #tpu.memory_space<hbm>>
      %dma_start3A_145 = tpu.memref_slice %dma_start3A_144[%mul3A_4] : memref<320000xi32, #tpu.memory_space<hbm>> -> memref<10000xi32, #tpu.memory_space<hbm>>
      %dma_start3A_146 = arith.constant 0 : i32
      %dma_start3A_147 = tpu.memref_slice %arg3[%run_scoped3A, %dma_start3A_146] : memref<2x320000xi32, #tpu.memory_space<hbm>> -> memref<1x320000xi32, #tpu.memory_space<hbm>>
      %dma_start3A_148 = tpu.memref_squeeze %dma_start3A_147 : memref<1x320000xi32, #tpu.memory_space<hbm>> -> memref<320000xi32, #tpu.memory_space<hbm>>
      %dma_start3A_149 = tpu.memref_slice %dma_start3A_148[%mul3A_4] : memref<320000xi32, #tpu.memory_space<hbm>> -> memref<10000xi32, #tpu.memory_space<hbm>>
      tpu.enqueue_dma source(%dma_start3A_149 : memref<10000xi32, #tpu.memory_space<hbm>>) target(%arg7 : memref<10000xi32, #tpu.memory_space<vmem>>) target_semaphore(%run_scoped3A_141 : memref<!tpu.dma_semaphore, #tpu.memory_space<semaphore_mem>>)
      %dma_wait3A_150 = arith.constant 0 : i32
      %dma_wait3A_151 = tpu.memref_slice %arg3[%run_scoped3A, %dma_wait3A_150] : memref<2x320000xi32, #tpu.memory_space<hbm>> -> memref<1x320000xi32, #tpu.memory_space<hbm>>
      %dma_wait3A_152 = tpu.memref_squeeze %dma_wait3A_151 : memref<1x320000xi32, #tpu.memory_space<hbm>> -> memref<320000xi32, #tpu.memory_space<hbm>>
      %dma_wait3A_153 = tpu.memref_slice %dma_wait3A_152[%mul3A_4] : memref<320000xi32, #tpu.memory_space<hbm>> -> memref<10000xi32, #tpu.memory_space<hbm>>
      %dma_wait3A_154 = arith.constant 0 : i32
      %dma_wait3A_155 = tpu.memref_slice %arg3[%run_scoped3A, %dma_wait3A_154] : memref<2x320000xi32, #tpu.memory_space<hbm>> -> memref<1x320000xi32, #tpu.memory_space<hbm>>
      %dma_wait3A_156 = tpu.memref_squeeze %dma_wait3A_155 : memref<1x320000xi32, #tpu.memory_space<hbm>> -> memref<320000xi32, #tpu.memory_space<hbm>>
      %dma_wait3A_157 = tpu.memref_slice %dma_wait3A_156[%mul3A_4] : memref<320000xi32, #tpu.memory_space<hbm>> -> memref<10000xi32, #tpu.memory_space<hbm>>
      tpu.wait_dma2 semaphore(%run_scoped3A_141 : memref<!tpu.dma_semaphore, #tpu.memory_space<semaphore_mem>>) src(%dma_wait3A_157 : memref<10000xi32, #tpu.memory_space<hbm>>) dst(%arg7 : memref<10000xi32, #tpu.memory_space<vmem>>)
      tpu.yield
    }) : () -> ()
    %mul3A_5 = arith.constant 10000 : i32
    %mul3A_6 = arith.muli %add3A, %mul3A_5 : i32
    %run_scoped3A_7 = arith.constant 1 : i32
    "tpu.region"() ({
      %run_scoped3A_141 = tpu.sem_alloc : memref<!tpu.dma_semaphore, #tpu.memory_space<semaphore_mem>>
      %dma_start3A_142 = arith.constant 0 : i32
      %dma_start3A_143 = tpu.memref_slice %arg3[%run_scoped3A_7, %dma_start3A_142] : memref<2x320000xi32, #tpu.memory_space<hbm>> -> memref<1x320000xi32, #tpu.memory_space<hbm>>
      %dma_start3A_144 = tpu.memref_squeeze %dma_start3A_143 : memref<1x320000xi32, #tpu.memory_space<hbm>> -> memref<320000xi32, #tpu.memory_space<hbm>>
      %dma_start3A_145 = tpu.memref_slice %dma_start3A_144[%mul3A_6] : memref<320000xi32, #tpu.memory_space<hbm>> -> memref<10000xi32, #tpu.memory_space<hbm>>
      %dma_start3A_146 = arith.constant 0 : i32
      %dma_start3A_147 = tpu.memref_slice %arg3[%run_scoped3A_7, %dma_start3A_146] : memref<2x320000xi32, #tpu.memory_space<hbm>> -> memref<1x320000xi32, #tpu.memory_space<hbm>>
      %dma_start3A_148 = tpu.memref_squeeze %dma_start3A_147 : memref<1x320000xi32, #tpu.memory_space<hbm>> -> memref<320000xi32, #tpu.memory_space<hbm>>
      %dma_start3A_149 = tpu.memref_slice %dma_start3A_148[%mul3A_6] : memref<320000xi32, #tpu.memory_space<hbm>> -> memref<10000xi32, #tpu.memory_space<hbm>>
      tpu.enqueue_dma source(%dma_start3A_149 : memref<10000xi32, #tpu.memory_space<hbm>>) target(%arg8 : memref<10000xi32, #tpu.memory_space<vmem>>) target_semaphore(%run_scoped3A_141 : memref<!tpu.dma_semaphore, #tpu.memory_space<semaphore_mem>>)
      %dma_wait3A_150 = arith.constant 0 : i32
      %dma_wait3A_151 = tpu.memref_slice %arg3[%run_scoped3A_7, %dma_wait3A_150] : memref<2x320000xi32, #tpu.memory_space<hbm>> -> memref<1x320000xi32, #tpu.memory_space<hbm>>
      %dma_wait3A_152 = tpu.memref_squeeze %dma_wait3A_151 : memref<1x320000xi32, #tpu.memory_space<hbm>> -> memref<320000xi32, #tpu.memory_space<hbm>>
      %dma_wait3A_153 = tpu.memref_slice %dma_wait3A_152[%mul3A_6] : memref<320000xi32, #tpu.memory_space<hbm>> -> memref<10000xi32, #tpu.memory_space<hbm>>
      %dma_wait3A_154 = arith.constant 0 : i32
      %dma_wait3A_155 = tpu.memref_slice %arg3[%run_scoped3A_7, %dma_wait3A_154] : memref<2x320000xi32, #tpu.memory_space<hbm>> -> memref<1x320000xi32, #tpu.memory_space<hbm>>
      %dma_wait3A_156 = tpu.memref_squeeze %dma_wait3A_155 : memref<1x320000xi32, #tpu.memory_space<hbm>> -> memref<320000xi32, #tpu.memory_space<hbm>>
      %dma_wait3A_157 = tpu.memref_slice %dma_wait3A_156[%mul3A_6] : memref<320000xi32, #tpu.memory_space<hbm>> -> memref<10000xi32, #tpu.memory_space<hbm>>
      tpu.wait_dma2 semaphore(%run_scoped3A_141 : memref<!tpu.dma_semaphore, #tpu.memory_space<semaphore_mem>>) src(%dma_wait3A_157 : memref<10000xi32, #tpu.memory_space<hbm>>) dst(%arg8 : memref<10000xi32, #tpu.memory_space<vmem>>)
      tpu.yield
    }) : () -> ()
    %barrier3A = arith.constant 0 : index
    tpu.barrier barrier_id(%barrier3A)
    %multiple_of3A = arith.constant 0 : i32
    %multiple_of3A_8 = tpu.assume_multiple %multiple_of3A, 8 : i32
    %dma_start3A = arith.constant 0 : i32
    %dma_start3A_9 = arith.constant 0 : i32
    %dma_start3A_10 = arith.constant 0 : i32
    %dma_start3A_11 = tpu.memref_slice %arg9[%dma_start3A, %dma_start3A_9, %dma_start3A_10] : memref<10x40x64xf32, #tpu.memory_space<vmem>> -> memref<1x40x64xf32, #tpu.memory_space<vmem>>
    %dma_start3A_12 = tpu.memref_squeeze %dma_start3A_11 : memref<1x40x64xf32, #tpu.memory_space<vmem>> -> memref<40x64xf32, #tpu.memory_space<vmem>>
    %dma_start3A_13 = tpu.memref_slice %arg7[%multiple_of3A_8] : memref<10000xi32, #tpu.memory_space<vmem>> -> memref<40xi32, #tpu.memory_space<vmem>>
    %dma_start3A_14 = arith.constant 0 : i32
    %dma_start3A_15 = arith.constant 0 : i32
    %dma_start3A_16 = tpu.memref_slice %arg2[%dma_start3A_14, %dma_start3A_15] : memref<10000x64xf32, #tpu.memory_space<hbm>> -> memref<10000x64xf32, #tpu.memory_space<hbm>>
    tpu.enqueue_indirect_dma source(%dma_start3A_16 : memref<10000x64xf32, #tpu.memory_space<hbm>>) target(%dma_start3A_12 : memref<40x64xf32, #tpu.memory_space<vmem>>) offsets(%dma_start3A_13 : memref<40xi32, #tpu.memory_space<vmem>>) semaphore(%arg10 : memref<!tpu.dma_semaphore, #tpu.memory_space<semaphore_mem>>)
    %multiple_of3A_17 = arith.constant 40 : i32
    %multiple_of3A_18 = tpu.assume_multiple %multiple_of3A_17, 8 : i32
    %dma_start3A_19 = arith.constant 1 : i32
    %dma_start3A_20 = arith.constant 0 : i32
    %dma_start3A_21 = arith.constant 0 : i32
    %dma_start3A_22 = tpu.memref_slice %arg9[%dma_start3A_19, %dma_start3A_20, %dma_start3A_21] : memref<10x40x64xf32, #tpu.memory_space<vmem>> -> memref<1x40x64xf32, #tpu.memory_space<vmem>>
    %dma_start3A_23 = tpu.memref_squeeze %dma_start3A_22 : memref<1x40x64xf32, #tpu.memory_space<vmem>> -> memref<40x64xf32, #tpu.memory_space<vmem>>
    %dma_start3A_24 = tpu.memref_slice %arg7[%multiple_of3A_18] : memref<10000xi32, #tpu.memory_space<vmem>> -> memref<40xi32, #tpu.memory_space<vmem>>
    %dma_start3A_25 = arith.constant 0 : i32
    %dma_start3A_26 = arith.constant 0 : i32
    %dma_start3A_27 = tpu.memref_slice %arg2[%dma_start3A_25, %dma_start3A_26] : memref<10000x64xf32, #tpu.memory_space<hbm>> -> memref<10000x64xf32, #tpu.memory_space<hbm>>
    tpu.enqueue_indirect_dma source(%dma_start3A_27 : memref<10000x64xf32, #tpu.memory_space<hbm>>) target(%dma_start3A_23 : memref<40x64xf32, #tpu.memory_space<vmem>>) offsets(%dma_start3A_24 : memref<40xi32, #tpu.memory_space<vmem>>) semaphore(%arg10 : memref<!tpu.dma_semaphore, #tpu.memory_space<semaphore_mem>>)
    %multiple_of3A_28 = arith.constant 80 : i32
    %multiple_of3A_29 = tpu.assume_multiple %multiple_of3A_28, 8 : i32
    %dma_start3A_30 = arith.constant 2 : i32
    %dma_start3A_31 = arith.constant 0 : i32
    %dma_start3A_32 = arith.constant 0 : i32
    %dma_start3A_33 = tpu.memref_slice %arg9[%dma_start3A_30, %dma_start3A_31, %dma_start3A_32] : memref<10x40x64xf32, #tpu.memory_space<vmem>> -> memref<1x40x64xf32, #tpu.memory_space<vmem>>
    %dma_start3A_34 = tpu.memref_squeeze %dma_start3A_33 : memref<1x40x64xf32, #tpu.memory_space<vmem>> -> memref<40x64xf32, #tpu.memory_space<vmem>>
    %dma_start3A_35 = tpu.memref_slice %arg7[%multiple_of3A_29] : memref<10000xi32, #tpu.memory_space<vmem>> -> memref<40xi32, #tpu.memory_space<vmem>>
    %dma_start3A_36 = arith.constant 0 : i32
    %dma_start3A_37 = arith.constant 0 : i32
    %dma_start3A_38 = tpu.memref_slice %arg2[%dma_start3A_36, %dma_start3A_37] : memref<10000x64xf32, #tpu.memory_space<hbm>> -> memref<10000x64xf32, #tpu.memory_space<hbm>>
    tpu.enqueue_indirect_dma source(%dma_start3A_38 : memref<10000x64xf32, #tpu.memory_space<hbm>>) target(%dma_start3A_34 : memref<40x64xf32, #tpu.memory_space<vmem>>) offsets(%dma_start3A_35 : memref<40xi32, #tpu.memory_space<vmem>>) semaphore(%arg10 : memref<!tpu.dma_semaphore, #tpu.memory_space<semaphore_mem>>)
    %multiple_of3A_39 = arith.constant 120 : i32
    %multiple_of3A_40 = tpu.assume_multiple %multiple_of3A_39, 8 : i32
    %dma_start3A_41 = arith.constant 3 : i32
    %dma_start3A_42 = arith.constant 0 : i32
    %dma_start3A_43 = arith.constant 0 : i32
    %dma_start3A_44 = tpu.memref_slice %arg9[%dma_start3A_41, %dma_start3A_42, %dma_start3A_43] : memref<10x40x64xf32, #tpu.memory_space<vmem>> -> memref<1x40x64xf32, #tpu.memory_space<vmem>>
    %dma_start3A_45 = tpu.memref_squeeze %dma_start3A_44 : memref<1x40x64xf32, #tpu.memory_space<vmem>> -> memref<40x64xf32, #tpu.memory_space<vmem>>
    %dma_start3A_46 = tpu.memref_slice %arg7[%multiple_of3A_40] : memref<10000xi32, #tpu.memory_space<vmem>> -> memref<40xi32, #tpu.memory_space<vmem>>
    %dma_start3A_47 = arith.constant 0 : i32
    %dma_start3A_48 = arith.constant 0 : i32
    %dma_start3A_49 = tpu.memref_slice %arg2[%dma_start3A_47, %dma_start3A_48] : memref<10000x64xf32, #tpu.memory_space<hbm>> -> memref<10000x64xf32, #tpu.memory_space<hbm>>
    tpu.enqueue_indirect_dma source(%dma_start3A_49 : memref<10000x64xf32, #tpu.memory_space<hbm>>) target(%dma_start3A_45 : memref<40x64xf32, #tpu.memory_space<vmem>>) offsets(%dma_start3A_46 : memref<40xi32, #tpu.memory_space<vmem>>) semaphore(%arg10 : memref<!tpu.dma_semaphore, #tpu.memory_space<semaphore_mem>>)
    %multiple_of3A_50 = arith.constant 160 : i32
    %multiple_of3A_51 = tpu.assume_multiple %multiple_of3A_50, 8 : i32
    %dma_start3A_52 = arith.constant 4 : i32
    %dma_start3A_53 = arith.constant 0 : i32
    %dma_start3A_54 = arith.constant 0 : i32
    %dma_start3A_55 = tpu.memref_slice %arg9[%dma_start3A_52, %dma_start3A_53, %dma_start3A_54] : memref<10x40x64xf32, #tpu.memory_space<vmem>> -> memref<1x40x64xf32, #tpu.memory_space<vmem>>
    %dma_start3A_56 = tpu.memref_squeeze %dma_start3A_55 : memref<1x40x64xf32, #tpu.memory_space<vmem>> -> memref<40x64xf32, #tpu.memory_space<vmem>>
    %dma_start3A_57 = tpu.memref_slice %arg7[%multiple_of3A_51] : memref<10000xi32, #tpu.memory_space<vmem>> -> memref<40xi32, #tpu.memory_space<vmem>>
    %dma_start3A_58 = arith.constant 0 : i32
    %dma_start3A_59 = arith.constant 0 : i32
    %dma_start3A_60 = tpu.memref_slice %arg2[%dma_start3A_58, %dma_start3A_59] : memref<10000x64xf32, #tpu.memory_space<hbm>> -> memref<10000x64xf32, #tpu.memory_space<hbm>>
    tpu.enqueue_indirect_dma source(%dma_start3A_60 : memref<10000x64xf32, #tpu.memory_space<hbm>>) target(%dma_start3A_56 : memref<40x64xf32, #tpu.memory_space<vmem>>) offsets(%dma_start3A_57 : memref<40xi32, #tpu.memory_space<vmem>>) semaphore(%arg10 : memref<!tpu.dma_semaphore, #tpu.memory_space<semaphore_mem>>)
    %scan3A = arith.constant 0 : i32
    %scan3A_61 = arith.constant 0 : i32
    %scan3A_62 = arith.constant 25 : i32
    %scan3A_63 = arith.addi %scan3A_61, %scan3A_62 : i32
    %scan3A_64 = arith.constant 1 : i32
    scf.for %scan3A_141 = %scan3A_61 to %scan3A_63 step %scan3A_64  : i32 {
      %mul3A_142 = arith.constant 2 : i32
      %mul3A_143 = arith.muli %scan3A_141, %mul3A_142 : i32
      %mul3A_144 = arith.constant 5 : i32
      %mul3A_145 = arith.muli %mul3A_143, %mul3A_144 : i32
      %gt3A = arith.constant 0 : i32
      %gt3A_146 = arith.cmpi sgt, %scan3A_141, %gt3A : i32
      %convert_element_type3A = arith.extui %gt3A_146 : i1 to i32
      %cond3A = arith.constant 0 : i32
      %cond3A_147 = arith.cmpi ne, %convert_element_type3A, %cond3A : i32
      scf.if %cond3A_147 {
        %dma_wait3A_591 = arith.constant 0 : i32
        %dma_wait3A_592 = arith.constant 0 : i32
        %dma_wait3A_593 = arith.constant 0 : i32
        %dma_wait3A_594 = tpu.memref_slice %arg9[%dma_wait3A_591, %dma_wait3A_592, %dma_wait3A_593] : memref<10x40x64xf32, #tpu.memory_space<vmem>> -> memref<1x40x64xf32, #tpu.memory_space<vmem>>
        %dma_wait3A_595 = tpu.memref_squeeze %dma_wait3A_594 : memref<1x40x64xf32, #tpu.memory_space<vmem>> -> memref<40x64xf32, #tpu.memory_space<vmem>>
        %dma_wait3A_596 = arith.constant 0 : i32
        %dma_wait3A_597 = arith.constant 0 : i32
        %dma_wait3A_598 = tpu.memref_slice %arg2[%dma_wait3A_596, %dma_wait3A_597] : memref<10000x64xf32, #tpu.memory_space<hbm>> -> memref<40x64xf32, #tpu.memory_space<hbm>>
        %dma_wait3A_599 = arith.constant 0 : i32
        %dma_wait3A_600 = arith.constant 0 : i32
        %dma_wait3A_601 = tpu.memref_slice %arg9[%dma_wait3A_591, %dma_wait3A_599, %dma_wait3A_600] : memref<10x40x64xf32, #tpu.memory_space<vmem>> -> memref<1x40x64xf32, #tpu.memory_space<vmem>>
        %dma_wait3A_602 = tpu.memref_squeeze %dma_wait3A_601 : memref<1x40x64xf32, #tpu.memory_space<vmem>> -> memref<40x64xf32, #tpu.memory_space<vmem>>
        %dma_wait3A_603 = arith.constant 0 : i32
        %dma_wait3A_604 = arith.constant 0 : i32
        %dma_wait3A_605 = tpu.memref_slice %arg2[%dma_wait3A_603, %dma_wait3A_604] : memref<10000x64xf32, #tpu.memory_space<hbm>> -> memref<40x64xf32, #tpu.memory_space<hbm>>
        tpu.wait_dma2 semaphore(%arg13 : memref<!tpu.dma_semaphore, #tpu.memory_space<semaphore_mem>>) src(%dma_wait3A_605 : memref<40x64xf32, #tpu.memory_space<hbm>>) dst(%dma_wait3A_602 : memref<40x64xf32, #tpu.memory_space<vmem>>)
        %dma_wait3A_606 = arith.constant 0 : i32
        %dma_wait3A_607 = arith.constant 0 : i32
        %dma_wait3A_608 = arith.constant 0 : i32
        %dma_wait3A_609 = tpu.memref_slice %arg9[%dma_wait3A_606, %dma_wait3A_607, %dma_wait3A_608] : memref<10x40x64xf32, #tpu.memory_space<vmem>> -> memref<1x40x64xf32, #tpu.memory_space<vmem>>
        %dma_wait3A_610 = tpu.memref_squeeze %dma_wait3A_609 : memref<1x40x64xf32, #tpu.memory_space<vmem>> -> memref<40x64xf32, #tpu.memory_space<vmem>>
        %dma_wait3A_611 = arith.constant 0 : i32
        %dma_wait3A_612 = arith.constant 0 : i32
        %dma_wait3A_613 = tpu.memref_slice %arg2[%dma_wait3A_611, %dma_wait3A_612] : memref<10000x64xf32, #tpu.memory_space<hbm>> -> memref<40x64xf32, #tpu.memory_space<hbm>>
        %dma_wait3A_614 = arith.constant 0 : i32
        %dma_wait3A_615 = arith.constant 0 : i32
        %dma_wait3A_616 = tpu.memref_slice %arg9[%dma_wait3A_606, %dma_wait3A_614, %dma_wait3A_615] : memref<10x40x64xf32, #tpu.memory_space<vmem>> -> memref<1x40x64xf32, #tpu.memory_space<vmem>>
        %dma_wait3A_617 = tpu.memref_squeeze %dma_wait3A_616 : memref<1x40x64xf32, #tpu.memory_space<vmem>> -> memref<40x64xf32, #tpu.memory_space<vmem>>
        %dma_wait3A_618 = arith.constant 0 : i32
        %dma_wait3A_619 = arith.constant 0 : i32
        %dma_wait3A_620 = tpu.memref_slice %arg2[%dma_wait3A_618, %dma_wait3A_619] : memref<10000x64xf32, #tpu.memory_space<hbm>> -> memref<40x64xf32, #tpu.memory_space<hbm>>
        tpu.wait_dma2 semaphore(%arg13 : memref<!tpu.dma_semaphore, #tpu.memory_space<semaphore_mem>>) src(%dma_wait3A_620 : memref<40x64xf32, #tpu.memory_space<hbm>>) dst(%dma_wait3A_617 : memref<40x64xf32, #tpu.memory_space<vmem>>)
        %dma_wait3A_621 = arith.constant 0 : i32
        %dma_wait3A_622 = arith.constant 0 : i32
        %dma_wait3A_623 = arith.constant 0 : i32
        %dma_wait3A_624 = tpu.memref_slice %arg9[%dma_wait3A_621, %dma_wait3A_622, %dma_wait3A_623] : memref<10x40x64xf32, #tpu.memory_space<vmem>> -> memref<1x40x64xf32, #tpu.memory_space<vmem>>
        %dma_wait3A_625 = tpu.memref_squeeze %dma_wait3A_624 : memref<1x40x64xf32, #tpu.memory_space<vmem>> -> memref<40x64xf32, #tpu.memory_space<vmem>>
        %dma_wait3A_626 = arith.constant 0 : i32
        %dma_wait3A_627 = arith.constant 0 : i32
        %dma_wait3A_628 = tpu.memref_slice %arg2[%dma_wait3A_626, %dma_wait3A_627] : memref<10000x64xf32, #tpu.memory_space<hbm>> -> memref<40x64xf32, #tpu.memory_space<hbm>>
        %dma_wait3A_629 = arith.constant 0 : i32
        %dma_wait3A_630 = arith.constant 0 : i32
        %dma_wait3A_631 = tpu.memref_slice %arg9[%dma_wait3A_621, %dma_wait3A_629, %dma_wait3A_630] : memref<10x40x64xf32, #tpu.memory_space<vmem>> -> memref<1x40x64xf32, #tpu.memory_space<vmem>>
        %dma_wait3A_632 = tpu.memref_squeeze %dma_wait3A_631 : memref<1x40x64xf32, #tpu.memory_space<vmem>> -> memref<40x64xf32, #tpu.memory_space<vmem>>
        %dma_wait3A_633 = arith.constant 0 : i32
        %dma_wait3A_634 = arith.constant 0 : i32
        %dma_wait3A_635 = tpu.memref_slice %arg2[%dma_wait3A_633, %dma_wait3A_634] : memref<10000x64xf32, #tpu.memory_space<hbm>> -> memref<40x64xf32, #tpu.memory_space<hbm>>
        tpu.wait_dma2 semaphore(%arg13 : memref<!tpu.dma_semaphore, #tpu.memory_space<semaphore_mem>>) src(%dma_wait3A_635 : memref<40x64xf32, #tpu.memory_space<hbm>>) dst(%dma_wait3A_632 : memref<40x64xf32, #tpu.memory_space<vmem>>)
        %dma_wait3A_636 = arith.constant 0 : i32
        %dma_wait3A_637 = arith.constant 0 : i32
        %dma_wait3A_638 = arith.constant 0 : i32
        %dma_wait3A_639 = tpu.memref_slice %arg9[%dma_wait3A_636, %dma_wait3A_637, %dma_wait3A_638] : memref<10x40x64xf32, #tpu.memory_space<vmem>> -> memref<1x40x64xf32, #tpu.memory_space<vmem>>
        %dma_wait3A_640 = tpu.memref_squeeze %dma_wait3A_639 : memref<1x40x64xf32, #tpu.memory_space<vmem>> -> memref<40x64xf32, #tpu.memory_space<vmem>>
        %dma_wait3A_641 = arith.constant 0 : i32
        %dma_wait3A_642 = arith.constant 0 : i32
        %dma_wait3A_643 = tpu.memref_slice %arg2[%dma_wait3A_641, %dma_wait3A_642] : memref<10000x64xf32, #tpu.memory_space<hbm>> -> memref<40x64xf32, #tpu.memory_space<hbm>>
        %dma_wait3A_644 = arith.constant 0 : i32
        %dma_wait3A_645 = arith.constant 0 : i32
        %dma_wait3A_646 = tpu.memref_slice %arg9[%dma_wait3A_636, %dma_wait3A_644, %dma_wait3A_645] : memref<10x40x64xf32, #tpu.memory_space<vmem>> -> memref<1x40x64xf32, #tpu.memory_space<vmem>>
        %dma_wait3A_647 = tpu.memref_squeeze %dma_wait3A_646 : memref<1x40x64xf32, #tpu.memory_space<vmem>> -> memref<40x64xf32, #tpu.memory_space<vmem>>
        %dma_wait3A_648 = arith.constant 0 : i32
        %dma_wait3A_649 = arith.constant 0 : i32
        %dma_wait3A_650 = tpu.memref_slice %arg2[%dma_wait3A_648, %dma_wait3A_649] : memref<10000x64xf32, #tpu.memory_space<hbm>> -> memref<40x64xf32, #tpu.memory_space<hbm>>
        tpu.wait_dma2 semaphore(%arg13 : memref<!tpu.dma_semaphore, #tpu.memory_space<semaphore_mem>>) src(%dma_wait3A_650 : memref<40x64xf32, #tpu.memory_space<hbm>>) dst(%dma_wait3A_647 : memref<40x64xf32, #tpu.memory_space<vmem>>)
        %dma_wait3A_651 = arith.constant 0 : i32
        %dma_wait3A_652 = arith.constant 0 : i32
        %dma_wait3A_653 = arith.constant 0 : i32
        %dma_wait3A_654 = tpu.memref_slice %arg9[%dma_wait3A_651, %dma_wait3A_652, %dma_wait3A_653] : memref<10x40x64xf32, #tpu.memory_space<vmem>> -> memref<1x40x64xf32, #tpu.memory_space<vmem>>
        %dma_wait3A_655 = tpu.memref_squeeze %dma_wait3A_654 : memref<1x40x64xf32, #tpu.memory_space<vmem>> -> memref<40x64xf32, #tpu.memory_space<vmem>>
        %dma_wait3A_656 = arith.constant 0 : i32
        %dma_wait3A_657 = arith.constant 0 : i32
        %dma_wait3A_658 = tpu.memref_slice %arg2[%dma_wait3A_656, %dma_wait3A_657] : memref<10000x64xf32, #tpu.memory_space<hbm>> -> memref<40x64xf32, #tpu.memory_space<hbm>>
        %dma_wait3A_659 = arith.constant 0 : i32
        %dma_wait3A_660 = arith.constant 0 : i32
        %dma_wait3A_661 = tpu.memref_slice %arg9[%dma_wait3A_651, %dma_wait3A_659, %dma_wait3A_660] : memref<10x40x64xf32, #tpu.memory_space<vmem>> -> memref<1x40x64xf32, #tpu.memory_space<vmem>>
        %dma_wait3A_662 = tpu.memref_squeeze %dma_wait3A_661 : memref<1x40x64xf32, #tpu.memory_space<vmem>> -> memref<40x64xf32, #tpu.memory_space<vmem>>
        %dma_wait3A_663 = arith.constant 0 : i32
        %dma_wait3A_664 = arith.constant 0 : i32
        %dma_wait3A_665 = tpu.memref_slice %arg2[%dma_wait3A_663, %dma_wait3A_664] : memref<10000x64xf32, #tpu.memory_space<hbm>> -> memref<40x64xf32, #tpu.memory_space<hbm>>
        tpu.wait_dma2 semaphore(%arg13 : memref<!tpu.dma_semaphore, #tpu.memory_space<semaphore_mem>>) src(%dma_wait3A_665 : memref<40x64xf32, #tpu.memory_space<hbm>>) dst(%dma_wait3A_662 : memref<40x64xf32, #tpu.memory_space<vmem>>)
      } else {
      }
      %add3A_148 = arith.constant 5 : i32
      %add3A_149 = arith.addi %mul3A_145, %add3A_148 : i32
      %add3A_150 = arith.constant 0 : i32
      %add3A_151 = arith.addi %add3A_149, %add3A_150 : i32
      %mul3A_152 = arith.constant 40 : i32
      %mul3A_153 = arith.muli %add3A_151, %mul3A_152 : i32
      %multiple_of3A_154 = tpu.assume_multiple %mul3A_153, 8 : i32
      %dma_start3A_155 = arith.constant 5 : i32
      %dma_start3A_156 = arith.constant 0 : i32
      %dma_start3A_157 = arith.constant 0 : i32
      %dma_start3A_158 = tpu.memref_slice %arg9[%dma_start3A_155, %dma_start3A_156, %dma_start3A_157] : memref<10x40x64xf32, #tpu.memory_space<vmem>> -> memref<1x40x64xf32, #tpu.memory_space<vmem>>
      %dma_start3A_159 = tpu.memref_squeeze %dma_start3A_158 : memref<1x40x64xf32, #tpu.memory_space<vmem>> -> memref<40x64xf32, #tpu.memory_space<vmem>>
      %dma_start3A_160 = tpu.memref_slice %arg7[%multiple_of3A_154] : memref<10000xi32, #tpu.memory_space<vmem>> -> memref<40xi32, #tpu.memory_space<vmem>>
      %dma_start3A_161 = arith.constant 0 : i32
      %dma_start3A_162 = arith.constant 0 : i32
      %dma_start3A_163 = tpu.memref_slice %arg2[%dma_start3A_161, %dma_start3A_162] : memref<10000x64xf32, #tpu.memory_space<hbm>> -> memref<10000x64xf32, #tpu.memory_space<hbm>>
      tpu.enqueue_indirect_dma source(%dma_start3A_163 : memref<10000x64xf32, #tpu.memory_space<hbm>>) target(%dma_start3A_159 : memref<40x64xf32, #tpu.memory_space<vmem>>) offsets(%dma_start3A_160 : memref<40xi32, #tpu.memory_space<vmem>>) semaphore(%arg11 : memref<!tpu.dma_semaphore, #tpu.memory_space<semaphore_mem>>)
      %add3A_164 = arith.constant 1 : i32
      %add3A_165 = arith.addi %add3A_149, %add3A_164 : i32
      %mul3A_166 = arith.constant 40 : i32
      %mul3A_167 = arith.muli %add3A_165, %mul3A_166 : i32
      %multiple_of3A_168 = tpu.assume_multiple %mul3A_167, 8 : i32
      %dma_start3A_169 = arith.constant 6 : i32
      %dma_start3A_170 = arith.constant 0 : i32
      %dma_start3A_171 = arith.constant 0 : i32
      %dma_start3A_172 = tpu.memref_slice %arg9[%dma_start3A_169, %dma_start3A_170, %dma_start3A_171] : memref<10x40x64xf32, #tpu.memory_space<vmem>> -> memref<1x40x64xf32, #tpu.memory_space<vmem>>
      %dma_start3A_173 = tpu.memref_squeeze %dma_start3A_172 : memref<1x40x64xf32, #tpu.memory_space<vmem>> -> memref<40x64xf32, #tpu.memory_space<vmem>>
      %dma_start3A_174 = tpu.memref_slice %arg7[%multiple_of3A_168] : memref<10000xi32, #tpu.memory_space<vmem>> -> memref<40xi32, #tpu.memory_space<vmem>>
      %dma_start3A_175 = arith.constant 0 : i32
      %dma_start3A_176 = arith.constant 0 : i32
      %dma_start3A_177 = tpu.memref_slice %arg2[%dma_start3A_175, %dma_start3A_176] : memref<10000x64xf32, #tpu.memory_space<hbm>> -> memref<10000x64xf32, #tpu.memory_space<hbm>>
      tpu.enqueue_indirect_dma source(%dma_start3A_177 : memref<10000x64xf32, #tpu.memory_space<hbm>>) target(%dma_start3A_173 : memref<40x64xf32, #tpu.memory_space<vmem>>) offsets(%dma_start3A_174 : memref<40xi32, #tpu.memory_space<vmem>>) semaphore(%arg11 : memref<!tpu.dma_semaphore, #tpu.memory_space<semaphore_mem>>)
      %add3A_178 = arith.constant 2 : i32
      %add3A_179 = arith.addi %add3A_149, %add3A_178 : i32
      %mul3A_180 = arith.constant 40 : i32
      %mul3A_181 = arith.muli %add3A_179, %mul3A_180 : i32
      %multiple_of3A_182 = tpu.assume_multiple %mul3A_181, 8 : i32
      %dma_start3A_183 = arith.constant 7 : i32
      %dma_start3A_184 = arith.constant 0 : i32
      %dma_start3A_185 = arith.constant 0 : i32
      %dma_start3A_186 = tpu.memref_slice %arg9[%dma_start3A_183, %dma_start3A_184, %dma_start3A_185] : memref<10x40x64xf32, #tpu.memory_space<vmem>> -> memref<1x40x64xf32, #tpu.memory_space<vmem>>
      %dma_start3A_187 = tpu.memref_squeeze %dma_start3A_186 : memref<1x40x64xf32, #tpu.memory_space<vmem>> -> memref<40x64xf32, #tpu.memory_space<vmem>>
      %dma_start3A_188 = tpu.memref_slice %arg7[%multiple_of3A_182] : memref<10000xi32, #tpu.memory_space<vmem>> -> memref<40xi32, #tpu.memory_space<vmem>>
      %dma_start3A_189 = arith.constant 0 : i32
      %dma_start3A_190 = arith.constant 0 : i32
      %dma_start3A_191 = tpu.memref_slice %arg2[%dma_start3A_189, %dma_start3A_190] : memref<10000x64xf32, #tpu.memory_space<hbm>> -> memref<10000x64xf32, #tpu.memory_space<hbm>>
      tpu.enqueue_indirect_dma source(%dma_start3A_191 : memref<10000x64xf32, #tpu.memory_space<hbm>>) target(%dma_start3A_187 : memref<40x64xf32, #tpu.memory_space<vmem>>) offsets(%dma_start3A_188 : memref<40xi32, #tpu.memory_space<vmem>>) semaphore(%arg11 : memref<!tpu.dma_semaphore, #tpu.memory_space<semaphore_mem>>)
      %add3A_192 = arith.constant 3 : i32
      %add3A_193 = arith.addi %add3A_149, %add3A_192 : i32
      %mul3A_194 = arith.constant 40 : i32
      %mul3A_195 = arith.muli %add3A_193, %mul3A_194 : i32
      %multiple_of3A_196 = tpu.assume_multiple %mul3A_195, 8 : i32
      %dma_start3A_197 = arith.constant 8 : i32
      %dma_start3A_198 = arith.constant 0 : i32
      %dma_start3A_199 = arith.constant 0 : i32
      %dma_start3A_200 = tpu.memref_slice %arg9[%dma_start3A_197, %dma_start3A_198, %dma_start3A_199] : memref<10x40x64xf32, #tpu.memory_space<vmem>> -> memref<1x40x64xf32, #tpu.memory_space<vmem>>
      %dma_start3A_201 = tpu.memref_squeeze %dma_start3A_200 : memref<1x40x64xf32, #tpu.memory_space<vmem>> -> memref<40x64xf32, #tpu.memory_space<vmem>>
      %dma_start3A_202 = tpu.memref_slice %arg7[%multiple_of3A_196] : memref<10000xi32, #tpu.memory_space<vmem>> -> memref<40xi32, #tpu.memory_space<vmem>>
      %dma_start3A_203 = arith.constant 0 : i32
      %dma_start3A_204 = arith.constant 0 : i32
      %dma_start3A_205 = tpu.memref_slice %arg2[%dma_start3A_203, %dma_start3A_204] : memref<10000x64xf32, #tpu.memory_space<hbm>> -> memref<10000x64xf32, #tpu.memory_space<hbm>>
      tpu.enqueue_indirect_dma source(%dma_start3A_205 : memref<10000x64xf32, #tpu.memory_space<hbm>>) target(%dma_start3A_201 : memref<40x64xf32, #tpu.memory_space<vmem>>) offsets(%dma_start3A_202 : memref<40xi32, #tpu.memory_space<vmem>>) semaphore(%arg11 : memref<!tpu.dma_semaphore, #tpu.memory_space<semaphore_mem>>)
      %add3A_206 = arith.constant 4 : i32
      %add3A_207 = arith.addi %add3A_149, %add3A_206 : i32
      %mul3A_208 = arith.constant 40 : i32
      %mul3A_209 = arith.muli %add3A_207, %mul3A_208 : i32
      %multiple_of3A_210 = tpu.assume_multiple %mul3A_209, 8 : i32
      %dma_start3A_211 = arith.constant 9 : i32
      %dma_start3A_212 = arith.constant 0 : i32
      %dma_start3A_213 = arith.constant 0 : i32
      %dma_start3A_214 = tpu.memref_slice %arg9[%dma_start3A_211, %dma_start3A_212, %dma_start3A_213] : memref<10x40x64xf32, #tpu.memory_space<vmem>> -> memref<1x40x64xf32, #tpu.memory_space<vmem>>
      %dma_start3A_215 = tpu.memref_squeeze %dma_start3A_214 : memref<1x40x64xf32, #tpu.memory_space<vmem>> -> memref<40x64xf32, #tpu.memory_space<vmem>>
      %dma_start3A_216 = tpu.memref_slice %arg7[%multiple_of3A_210] : memref<10000xi32, #tpu.memory_space<vmem>> -> memref<40xi32, #tpu.memory_space<vmem>>
      %dma_start3A_217 = arith.constant 0 : i32
      %dma_start3A_218 = arith.constant 0 : i32
      %dma_start3A_219 = tpu.memref_slice %arg2[%dma_start3A_217, %dma_start3A_218] : memref<10000x64xf32, #tpu.memory_space<hbm>> -> memref<10000x64xf32, #tpu.memory_space<hbm>>
      tpu.enqueue_indirect_dma source(%dma_start3A_219 : memref<10000x64xf32, #tpu.memory_space<hbm>>) target(%dma_start3A_215 : memref<40x64xf32, #tpu.memory_space<vmem>>) offsets(%dma_start3A_216 : memref<40xi32, #tpu.memory_space<vmem>>) semaphore(%arg11 : memref<!tpu.dma_semaphore, #tpu.memory_space<semaphore_mem>>)
      %dma_wait3A_220 = arith.constant 0 : i32
      %dma_wait3A_221 = arith.constant 0 : i32
      %dma_wait3A_222 = arith.constant 0 : i32
      %dma_wait3A_223 = tpu.memref_slice %arg9[%dma_wait3A_220, %dma_wait3A_221, %dma_wait3A_222] : memref<10x40x64xf32, #tpu.memory_space<vmem>> -> memref<1x40x64xf32, #tpu.memory_space<vmem>>
      %dma_wait3A_224 = tpu.memref_squeeze %dma_wait3A_223 : memref<1x40x64xf32, #tpu.memory_space<vmem>> -> memref<40x64xf32, #tpu.memory_space<vmem>>
      %dma_wait3A_225 = arith.constant 0 : i32
      %dma_wait3A_226 = arith.constant 0 : i32
      %dma_wait3A_227 = tpu.memref_slice %arg2[%dma_wait3A_225, %dma_wait3A_226] : memref<10000x64xf32, #tpu.memory_space<hbm>> -> memref<40x64xf32, #tpu.memory_space<hbm>>
      %dma_wait3A_228 = arith.constant 0 : i32
      %dma_wait3A_229 = arith.constant 0 : i32
      %dma_wait3A_230 = tpu.memref_slice %arg9[%dma_wait3A_220, %dma_wait3A_228, %dma_wait3A_229] : memref<10x40x64xf32, #tpu.memory_space<vmem>> -> memref<1x40x64xf32, #tpu.memory_space<vmem>>
      %dma_wait3A_231 = tpu.memref_squeeze %dma_wait3A_230 : memref<1x40x64xf32, #tpu.memory_space<vmem>> -> memref<40x64xf32, #tpu.memory_space<vmem>>
      %dma_wait3A_232 = arith.constant 0 : i32
      %dma_wait3A_233 = arith.constant 0 : i32
      %dma_wait3A_234 = tpu.memref_slice %arg2[%dma_wait3A_232, %dma_wait3A_233] : memref<10000x64xf32, #tpu.memory_space<hbm>> -> memref<40x64xf32, #tpu.memory_space<hbm>>
      tpu.wait_dma2 semaphore(%arg10 : memref<!tpu.dma_semaphore, #tpu.memory_space<semaphore_mem>>) src(%dma_wait3A_234 : memref<40x64xf32, #tpu.memory_space<hbm>>) dst(%dma_wait3A_231 : memref<40x64xf32, #tpu.memory_space<vmem>>)
      %dma_wait3A_235 = arith.constant 0 : i32
      %dma_wait3A_236 = arith.constant 0 : i32
      %dma_wait3A_237 = arith.constant 0 : i32
      %dma_wait3A_238 = tpu.memref_slice %arg9[%dma_wait3A_235, %dma_wait3A_236, %dma_wait3A_237] : memref<10x40x64xf32, #tpu.memory_space<vmem>> -> memref<1x40x64xf32, #tpu.memory_space<vmem>>
      %dma_wait3A_239 = tpu.memref_squeeze %dma_wait3A_238 : memref<1x40x64xf32, #tpu.memory_space<vmem>> -> memref<40x64xf32, #tpu.memory_space<vmem>>
      %dma_wait3A_240 = arith.constant 0 : i32
      %dma_wait3A_241 = arith.constant 0 : i32
      %dma_wait3A_242 = tpu.memref_slice %arg2[%dma_wait3A_240, %dma_wait3A_241] : memref<10000x64xf32, #tpu.memory_space<hbm>> -> memref<40x64xf32, #tpu.memory_space<hbm>>
      %dma_wait3A_243 = arith.constant 0 : i32
      %dma_wait3A_244 = arith.constant 0 : i32
      %dma_wait3A_245 = tpu.memref_slice %arg9[%dma_wait3A_235, %dma_wait3A_243, %dma_wait3A_244] : memref<10x40x64xf32, #tpu.memory_space<vmem>> -> memref<1x40x64xf32, #tpu.memory_space<vmem>>
      %dma_wait3A_246 = tpu.memref_squeeze %dma_wait3A_245 : memref<1x40x64xf32, #tpu.memory_space<vmem>> -> memref<40x64xf32, #tpu.memory_space<vmem>>
      %dma_wait3A_247 = arith.constant 0 : i32
      %dma_wait3A_248 = arith.constant 0 : i32
      %dma_wait3A_249 = tpu.memref_slice %arg2[%dma_wait3A_247, %dma_wait3A_248] : memref<10000x64xf32, #tpu.memory_space<hbm>> -> memref<40x64xf32, #tpu.memory_space<hbm>>
      tpu.wait_dma2 semaphore(%arg10 : memref<!tpu.dma_semaphore, #tpu.memory_space<semaphore_mem>>) src(%dma_wait3A_249 : memref<40x64xf32, #tpu.memory_space<hbm>>) dst(%dma_wait3A_246 : memref<40x64xf32, #tpu.memory_space<vmem>>)
      %dma_wait3A_250 = arith.constant 0 : i32
      %dma_wait3A_251 = arith.constant 0 : i32
      %dma_wait3A_252 = arith.constant 0 : i32
      %dma_wait3A_253 = tpu.memref_slice %arg9[%dma_wait3A_250, %dma_wait3A_251, %dma_wait3A_252] : memref<10x40x64xf32, #tpu.memory_space<vmem>> -> memref<1x40x64xf32, #tpu.memory_space<vmem>>
      %dma_wait3A_254 = tpu.memref_squeeze %dma_wait3A_253 : memref<1x40x64xf32, #tpu.memory_space<vmem>> -> memref<40x64xf32, #tpu.memory_space<vmem>>
      %dma_wait3A_255 = arith.constant 0 : i32
      %dma_wait3A_256 = arith.constant 0 : i32
      %dma_wait3A_257 = tpu.memref_slice %arg2[%dma_wait3A_255, %dma_wait3A_256] : memref<10000x64xf32, #tpu.memory_space<hbm>> -> memref<40x64xf32, #tpu.memory_space<hbm>>
      %dma_wait3A_258 = arith.constant 0 : i32
      %dma_wait3A_259 = arith.constant 0 : i32
      %dma_wait3A_260 = tpu.memref_slice %arg9[%dma_wait3A_250, %dma_wait3A_258, %dma_wait3A_259] : memref<10x40x64xf32, #tpu.memory_space<vmem>> -> memref<1x40x64xf32, #tpu.memory_space<vmem>>
      %dma_wait3A_261 = tpu.memref_squeeze %dma_wait3A_260 : memref<1x40x64xf32, #tpu.memory_space<vmem>> -> memref<40x64xf32, #tpu.memory_space<vmem>>
      %dma_wait3A_262 = arith.constant 0 : i32
      %dma_wait3A_263 = arith.constant 0 : i32
      %dma_wait3A_264 = tpu.memref_slice %arg2[%dma_wait3A_262, %dma_wait3A_263] : memref<10000x64xf32, #tpu.memory_space<hbm>> -> memref<40x64xf32, #tpu.memory_space<hbm>>
      tpu.wait_dma2 semaphore(%arg10 : memref<!tpu.dma_semaphore, #tpu.memory_space<semaphore_mem>>) src(%dma_wait3A_264 : memref<40x64xf32, #tpu.memory_space<hbm>>) dst(%dma_wait3A_261 : memref<40x64xf32, #tpu.memory_space<vmem>>)
      %dma_wait3A_265 = arith.constant 0 : i32
      %dma_wait3A_266 = arith.constant 0 : i32
      %dma_wait3A_267 = arith.constant 0 : i32
      %dma_wait3A_268 = tpu.memref_slice %arg9[%dma_wait3A_265, %dma_wait3A_266, %dma_wait3A_267] : memref<10x40x64xf32, #tpu.memory_space<vmem>> -> memref<1x40x64xf32, #tpu.memory_space<vmem>>
      %dma_wait3A_269 = tpu.memref_squeeze %dma_wait3A_268 : memref<1x40x64xf32, #tpu.memory_space<vmem>> -> memref<40x64xf32, #tpu.memory_space<vmem>>
      %dma_wait3A_270 = arith.constant 0 : i32
      %dma_wait3A_271 = arith.constant 0 : i32
      %dma_wait3A_272 = tpu.memref_slice %arg2[%dma_wait3A_270, %dma_wait3A_271] : memref<10000x64xf32, #tpu.memory_space<hbm>> -> memref<40x64xf32, #tpu.memory_space<hbm>>
      %dma_wait3A_273 = arith.constant 0 : i32
      %dma_wait3A_274 = arith.constant 0 : i32
      %dma_wait3A_275 = tpu.memref_slice %arg9[%dma_wait3A_265, %dma_wait3A_273, %dma_wait3A_274] : memref<10x40x64xf32, #tpu.memory_space<vmem>> -> memref<1x40x64xf32, #tpu.memory_space<vmem>>
      %dma_wait3A_276 = tpu.memref_squeeze %dma_wait3A_275 : memref<1x40x64xf32, #tpu.memory_space<vmem>> -> memref<40x64xf32, #tpu.memory_space<vmem>>
      %dma_wait3A_277 = arith.constant 0 : i32
      %dma_wait3A_278 = arith.constant 0 : i32
      %dma_wait3A_279 = tpu.memref_slice %arg2[%dma_wait3A_277, %dma_wait3A_278] : memref<10000x64xf32, #tpu.memory_space<hbm>> -> memref<40x64xf32, #tpu.memory_space<hbm>>
      tpu.wait_dma2 semaphore(%arg10 : memref<!tpu.dma_semaphore, #tpu.memory_space<semaphore_mem>>) src(%dma_wait3A_279 : memref<40x64xf32, #tpu.memory_space<hbm>>) dst(%dma_wait3A_276 : memref<40x64xf32, #tpu.memory_space<vmem>>)
      %dma_wait3A_280 = arith.constant 0 : i32
      %dma_wait3A_281 = arith.constant 0 : i32
      %dma_wait3A_282 = arith.constant 0 : i32
      %dma_wait3A_283 = tpu.memref_slice %arg9[%dma_wait3A_280, %dma_wait3A_281, %dma_wait3A_282] : memref<10x40x64xf32, #tpu.memory_space<vmem>> -> memref<1x40x64xf32, #tpu.memory_space<vmem>>
      %dma_wait3A_284 = tpu.memref_squeeze %dma_wait3A_283 : memref<1x40x64xf32, #tpu.memory_space<vmem>> -> memref<40x64xf32, #tpu.memory_space<vmem>>
      %dma_wait3A_285 = arith.constant 0 : i32
      %dma_wait3A_286 = arith.constant 0 : i32
      %dma_wait3A_287 = tpu.memref_slice %arg2[%dma_wait3A_285, %dma_wait3A_286] : memref<10000x64xf32, #tpu.memory_space<hbm>> -> memref<40x64xf32, #tpu.memory_space<hbm>>
      %dma_wait3A_288 = arith.constant 0 : i32
      %dma_wait3A_289 = arith.constant 0 : i32
      %dma_wait3A_290 = tpu.memref_slice %arg9[%dma_wait3A_280, %dma_wait3A_288, %dma_wait3A_289] : memref<10x40x64xf32, #tpu.memory_space<vmem>> -> memref<1x40x64xf32, #tpu.memory_space<vmem>>
      %dma_wait3A_291 = tpu.memref_squeeze %dma_wait3A_290 : memref<1x40x64xf32, #tpu.memory_space<vmem>> -> memref<40x64xf32, #tpu.memory_space<vmem>>
      %dma_wait3A_292 = arith.constant 0 : i32
      %dma_wait3A_293 = arith.constant 0 : i32
      %dma_wait3A_294 = tpu.memref_slice %arg2[%dma_wait3A_292, %dma_wait3A_293] : memref<10000x64xf32, #tpu.memory_space<hbm>> -> memref<40x64xf32, #tpu.memory_space<hbm>>
      tpu.wait_dma2 semaphore(%arg10 : memref<!tpu.dma_semaphore, #tpu.memory_space<semaphore_mem>>) src(%dma_wait3A_294 : memref<40x64xf32, #tpu.memory_space<hbm>>) dst(%dma_wait3A_291 : memref<40x64xf32, #tpu.memory_space<vmem>>)
      %add3A_295 = arith.constant 0 : i32
      %add3A_296 = arith.addi %mul3A_145, %add3A_295 : i32
      %mul3A_297 = arith.constant 40 : i32
      %mul3A_298 = arith.muli %add3A_296, %mul3A_297 : i32
      %multiple_of3A_299 = tpu.assume_multiple %mul3A_298, 8 : i32
      %dma_start3A_300 = arith.constant 0 : i32
      %dma_start3A_301 = arith.constant 0 : i32
      %dma_start3A_302 = arith.constant 0 : i32
      %dma_start3A_303 = tpu.memref_slice %arg9[%dma_start3A_300, %dma_start3A_301, %dma_start3A_302] : memref<10x40x64xf32, #tpu.memory_space<vmem>> -> memref<1x40x64xf32, #tpu.memory_space<vmem>>
      %dma_start3A_304 = tpu.memref_squeeze %dma_start3A_303 : memref<1x40x64xf32, #tpu.memory_space<vmem>> -> memref<40x64xf32, #tpu.memory_space<vmem>>
      %dma_start3A_305 = tpu.memref_slice %arg8[%multiple_of3A_299] : memref<10000xi32, #tpu.memory_space<vmem>> -> memref<40xi32, #tpu.memory_space<vmem>>
      %dma_start3A_306 = arith.constant 0 : i32
      %dma_start3A_307 = arith.constant 0 : i32
      %dma_start3A_308 = tpu.memref_slice %arg6[%dma_start3A_306, %dma_start3A_307] : memref<10000x64xf32, #tpu.memory_space<vmem_shared>> -> memref<10000x64xf32, #tpu.memory_space<vmem_shared>>
      tpu.enqueue_indirect_dma source(%dma_start3A_304 : memref<40x64xf32, #tpu.memory_space<vmem>>) target(%dma_start3A_308 : memref<10000x64xf32, #tpu.memory_space<vmem_shared>>) offsets(%dma_start3A_305 : memref<40xi32, #tpu.memory_space<vmem>>) semaphore(%arg12 : memref<!tpu.dma_semaphore, #tpu.memory_space<semaphore_mem>>) {add = true}
      %add3A_309 = arith.constant 1 : i32
      %add3A_310 = arith.addi %mul3A_145, %add3A_309 : i32
      %mul3A_311 = arith.constant 40 : i32
      %mul3A_312 = arith.muli %add3A_310, %mul3A_311 : i32
      %multiple_of3A_313 = tpu.assume_multiple %mul3A_312, 8 : i32
      %dma_start3A_314 = arith.constant 1 : i32
      %dma_start3A_315 = arith.constant 0 : i32
      %dma_start3A_316 = arith.constant 0 : i32
      %dma_start3A_317 = tpu.memref_slice %arg9[%dma_start3A_314, %dma_start3A_315, %dma_start3A_316] : memref<10x40x64xf32, #tpu.memory_space<vmem>> -> memref<1x40x64xf32, #tpu.memory_space<vmem>>
      %dma_start3A_318 = tpu.memref_squeeze %dma_start3A_317 : memref<1x40x64xf32, #tpu.memory_space<vmem>> -> memref<40x64xf32, #tpu.memory_space<vmem>>
      %dma_start3A_319 = tpu.memref_slice %arg8[%multiple_of3A_313] : memref<10000xi32, #tpu.memory_space<vmem>> -> memref<40xi32, #tpu.memory_space<vmem>>
      %dma_start3A_320 = arith.constant 0 : i32
      %dma_start3A_321 = arith.constant 0 : i32
      %dma_start3A_322 = tpu.memref_slice %arg6[%dma_start3A_320, %dma_start3A_321] : memref<10000x64xf32, #tpu.memory_space<vmem_shared>> -> memref<10000x64xf32, #tpu.memory_space<vmem_shared>>
      tpu.enqueue_indirect_dma source(%dma_start3A_318 : memref<40x64xf32, #tpu.memory_space<vmem>>) target(%dma_start3A_322 : memref<10000x64xf32, #tpu.memory_space<vmem_shared>>) offsets(%dma_start3A_319 : memref<40xi32, #tpu.memory_space<vmem>>) semaphore(%arg12 : memref<!tpu.dma_semaphore, #tpu.memory_space<semaphore_mem>>) {add = true}
      %add3A_323 = arith.constant 2 : i32
      %add3A_324 = arith.addi %mul3A_145, %add3A_323 : i32
      %mul3A_325 = arith.constant 40 : i32
      %mul3A_326 = arith.muli %add3A_324, %mul3A_325 : i32
      %multiple_of3A_327 = tpu.assume_multiple %mul3A_326, 8 : i32
      %dma_start3A_328 = arith.constant 2 : i32
      %dma_start3A_329 = arith.constant 0 : i32
      %dma_start3A_330 = arith.constant 0 : i32
      %dma_start3A_331 = tpu.memref_slice %arg9[%dma_start3A_328, %dma_start3A_329, %dma_start3A_330] : memref<10x40x64xf32, #tpu.memory_space<vmem>> -> memref<1x40x64xf32, #tpu.memory_space<vmem>>
      %dma_start3A_332 = tpu.memref_squeeze %dma_start3A_331 : memref<1x40x64xf32, #tpu.memory_space<vmem>> -> memref<40x64xf32, #tpu.memory_space<vmem>>
      %dma_start3A_333 = tpu.memref_slice %arg8[%multiple_of3A_327] : memref<10000xi32, #tpu.memory_space<vmem>> -> memref<40xi32, #tpu.memory_space<vmem>>
      %dma_start3A_334 = arith.constant 0 : i32
      %dma_start3A_335 = arith.constant 0 : i32
      %dma_start3A_336 = tpu.memref_slice %arg6[%dma_start3A_334, %dma_start3A_335] : memref<10000x64xf32, #tpu.memory_space<vmem_shared>> -> memref<10000x64xf32, #tpu.memory_space<vmem_shared>>
      tpu.enqueue_indirect_dma source(%dma_start3A_332 : memref<40x64xf32, #tpu.memory_space<vmem>>) target(%dma_start3A_336 : memref<10000x64xf32, #tpu.memory_space<vmem_shared>>) offsets(%dma_start3A_333 : memref<40xi32, #tpu.memory_space<vmem>>) semaphore(%arg12 : memref<!tpu.dma_semaphore, #tpu.memory_space<semaphore_mem>>) {add = true}
      %add3A_337 = arith.constant 3 : i32
      %add3A_338 = arith.addi %mul3A_145, %add3A_337 : i32
      %mul3A_339 = arith.constant 40 : i32
      %mul3A_340 = arith.muli %add3A_338, %mul3A_339 : i32
      %multiple_of3A_341 = tpu.assume_multiple %mul3A_340, 8 : i32
      %dma_start3A_342 = arith.constant 3 : i32
      %dma_start3A_343 = arith.constant 0 : i32
      %dma_start3A_344 = arith.constant 0 : i32
      %dma_start3A_345 = tpu.memref_slice %arg9[%dma_start3A_342, %dma_start3A_343, %dma_start3A_344] : memref<10x40x64xf32, #tpu.memory_space<vmem>> -> memref<1x40x64xf32, #tpu.memory_space<vmem>>
      %dma_start3A_346 = tpu.memref_squeeze %dma_start3A_345 : memref<1x40x64xf32, #tpu.memory_space<vmem>> -> memref<40x64xf32, #tpu.memory_space<vmem>>
      %dma_start3A_347 = tpu.memref_slice %arg8[%multiple_of3A_341] : memref<10000xi32, #tpu.memory_space<vmem>> -> memref<40xi32, #tpu.memory_space<vmem>>
      %dma_start3A_348 = arith.constant 0 : i32
      %dma_start3A_349 = arith.constant 0 : i32
      %dma_start3A_350 = tpu.memref_slice %arg6[%dma_start3A_348, %dma_start3A_349] : memref<10000x64xf32, #tpu.memory_space<vmem_shared>> -> memref<10000x64xf32, #tpu.memory_space<vmem_shared>>
      tpu.enqueue_indirect_dma source(%dma_start3A_346 : memref<40x64xf32, #tpu.memory_space<vmem>>) target(%dma_start3A_350 : memref<10000x64xf32, #tpu.memory_space<vmem_shared>>) offsets(%dma_start3A_347 : memref<40xi32, #tpu.memory_space<vmem>>) semaphore(%arg12 : memref<!tpu.dma_semaphore, #tpu.memory_space<semaphore_mem>>) {add = true}
      %add3A_351 = arith.constant 4 : i32
      %add3A_352 = arith.addi %mul3A_145, %add3A_351 : i32
      %mul3A_353 = arith.constant 40 : i32
      %mul3A_354 = arith.muli %add3A_352, %mul3A_353 : i32
      %multiple_of3A_355 = tpu.assume_multiple %mul3A_354, 8 : i32
      %dma_start3A_356 = arith.constant 4 : i32
      %dma_start3A_357 = arith.constant 0 : i32
      %dma_start3A_358 = arith.constant 0 : i32
      %dma_start3A_359 = tpu.memref_slice %arg9[%dma_start3A_356, %dma_start3A_357, %dma_start3A_358] : memref<10x40x64xf32, #tpu.memory_space<vmem>> -> memref<1x40x64xf32, #tpu.memory_space<vmem>>
      %dma_start3A_360 = tpu.memref_squeeze %dma_start3A_359 : memref<1x40x64xf32, #tpu.memory_space<vmem>> -> memref<40x64xf32, #tpu.memory_space<vmem>>
      %dma_start3A_361 = tpu.memref_slice %arg8[%multiple_of3A_355] : memref<10000xi32, #tpu.memory_space<vmem>> -> memref<40xi32, #tpu.memory_space<vmem>>
      %dma_start3A_362 = arith.constant 0 : i32
      %dma_start3A_363 = arith.constant 0 : i32
      %dma_start3A_364 = tpu.memref_slice %arg6[%dma_start3A_362, %dma_start3A_363] : memref<10000x64xf32, #tpu.memory_space<vmem_shared>> -> memref<10000x64xf32, #tpu.memory_space<vmem_shared>>
      tpu.enqueue_indirect_dma source(%dma_start3A_360 : memref<40x64xf32, #tpu.memory_space<vmem>>) target(%dma_start3A_364 : memref<10000x64xf32, #tpu.memory_space<vmem_shared>>) offsets(%dma_start3A_361 : memref<40xi32, #tpu.memory_space<vmem>>) semaphore(%arg12 : memref<!tpu.dma_semaphore, #tpu.memory_space<semaphore_mem>>) {add = true}
      %dma_wait3A_365 = arith.constant 0 : i32
      %dma_wait3A_366 = arith.constant 0 : i32
      %dma_wait3A_367 = arith.constant 0 : i32
      %dma_wait3A_368 = tpu.memref_slice %arg9[%dma_wait3A_365, %dma_wait3A_366, %dma_wait3A_367] : memref<10x40x64xf32, #tpu.memory_space<vmem>> -> memref<1x40x64xf32, #tpu.memory_space<vmem>>
      %dma_wait3A_369 = tpu.memref_squeeze %dma_wait3A_368 : memref<1x40x64xf32, #tpu.memory_space<vmem>> -> memref<40x64xf32, #tpu.memory_space<vmem>>
      %dma_wait3A_370 = arith.constant 0 : i32
      %dma_wait3A_371 = arith.constant 0 : i32
      %dma_wait3A_372 = tpu.memref_slice %arg2[%dma_wait3A_370, %dma_wait3A_371] : memref<10000x64xf32, #tpu.memory_space<hbm>> -> memref<40x64xf32, #tpu.memory_space<hbm>>
      %dma_wait3A_373 = arith.constant 0 : i32
      %dma_wait3A_374 = arith.constant 0 : i32
      %dma_wait3A_375 = tpu.memref_slice %arg9[%dma_wait3A_365, %dma_wait3A_373, %dma_wait3A_374] : memref<10x40x64xf32, #tpu.memory_space<vmem>> -> memref<1x40x64xf32, #tpu.memory_space<vmem>>
      %dma_wait3A_376 = tpu.memref_squeeze %dma_wait3A_375 : memref<1x40x64xf32, #tpu.memory_space<vmem>> -> memref<40x64xf32, #tpu.memory_space<vmem>>
      %dma_wait3A_377 = arith.constant 0 : i32
      %dma_wait3A_378 = arith.constant 0 : i32
      %dma_wait3A_379 = tpu.memref_slice %arg2[%dma_wait3A_377, %dma_wait3A_378] : memref<10000x64xf32, #tpu.memory_space<hbm>> -> memref<40x64xf32, #tpu.memory_space<hbm>>
      tpu.wait_dma2 semaphore(%arg12 : memref<!tpu.dma_semaphore, #tpu.memory_space<semaphore_mem>>) src(%dma_wait3A_379 : memref<40x64xf32, #tpu.memory_space<hbm>>) dst(%dma_wait3A_376 : memref<40x64xf32, #tpu.memory_space<vmem>>)
      %dma_wait3A_380 = arith.constant 0 : i32
      %dma_wait3A_381 = arith.constant 0 : i32
      %dma_wait3A_382 = arith.constant 0 : i32
      %dma_wait3A_383 = tpu.memref_slice %arg9[%dma_wait3A_380, %dma_wait3A_381, %dma_wait3A_382] : memref<10x40x64xf32, #tpu.memory_space<vmem>> -> memref<1x40x64xf32, #tpu.memory_space<vmem>>
      %dma_wait3A_384 = tpu.memref_squeeze %dma_wait3A_383 : memref<1x40x64xf32, #tpu.memory_space<vmem>> -> memref<40x64xf32, #tpu.memory_space<vmem>>
      %dma_wait3A_385 = arith.constant 0 : i32
      %dma_wait3A_386 = arith.constant 0 : i32
      %dma_wait3A_387 = tpu.memref_slice %arg2[%dma_wait3A_385, %dma_wait3A_386] : memref<10000x64xf32, #tpu.memory_space<hbm>> -> memref<40x64xf32, #tpu.memory_space<hbm>>
      %dma_wait3A_388 = arith.constant 0 : i32
      %dma_wait3A_389 = arith.constant 0 : i32
      %dma_wait3A_390 = tpu.memref_slice %arg9[%dma_wait3A_380, %dma_wait3A_388, %dma_wait3A_389] : memref<10x40x64xf32, #tpu.memory_space<vmem>> -> memref<1x40x64xf32, #tpu.memory_space<vmem>>
      %dma_wait3A_391 = tpu.memref_squeeze %dma_wait3A_390 : memref<1x40x64xf32, #tpu.memory_space<vmem>> -> memref<40x64xf32, #tpu.memory_space<vmem>>
      %dma_wait3A_392 = arith.constant 0 : i32
      %dma_wait3A_393 = arith.constant 0 : i32
      %dma_wait3A_394 = tpu.memref_slice %arg2[%dma_wait3A_392, %dma_wait3A_393] : memref<10000x64xf32, #tpu.memory_space<hbm>> -> memref<40x64xf32, #tpu.memory_space<hbm>>
      tpu.wait_dma2 semaphore(%arg12 : memref<!tpu.dma_semaphore, #tpu.memory_space<semaphore_mem>>) src(%dma_wait3A_394 : memref<40x64xf32, #tpu.memory_space<hbm>>) dst(%dma_wait3A_391 : memref<40x64xf32, #tpu.memory_space<vmem>>)
      %dma_wait3A_395 = arith.constant 0 : i32
      %dma_wait3A_396 = arith.constant 0 : i32
      %dma_wait3A_397 = arith.constant 0 : i32
      %dma_wait3A_398 = tpu.memref_slice %arg9[%dma_wait3A_395, %dma_wait3A_396, %dma_wait3A_397] : memref<10x40x64xf32, #tpu.memory_space<vmem>> -> memref<1x40x64xf32, #tpu.memory_space<vmem>>
      %dma_wait3A_399 = tpu.memref_squeeze %dma_wait3A_398 : memref<1x40x64xf32, #tpu.memory_space<vmem>> -> memref<40x64xf32, #tpu.memory_space<vmem>>
      %dma_wait3A_400 = arith.constant 0 : i32
      %dma_wait3A_401 = arith.constant 0 : i32
      %dma_wait3A_402 = tpu.memref_slice %arg2[%dma_wait3A_400, %dma_wait3A_401] : memref<10000x64xf32, #tpu.memory_space<hbm>> -> memref<40x64xf32, #tpu.memory_space<hbm>>
      %dma_wait3A_403 = arith.constant 0 : i32
      %dma_wait3A_404 = arith.constant 0 : i32
      %dma_wait3A_405 = tpu.memref_slice %arg9[%dma_wait3A_395, %dma_wait3A_403, %dma_wait3A_404] : memref<10x40x64xf32, #tpu.memory_space<vmem>> -> memref<1x40x64xf32, #tpu.memory_space<vmem>>
      %dma_wait3A_406 = tpu.memref_squeeze %dma_wait3A_405 : memref<1x40x64xf32, #tpu.memory_space<vmem>> -> memref<40x64xf32, #tpu.memory_space<vmem>>
      %dma_wait3A_407 = arith.constant 0 : i32
      %dma_wait3A_408 = arith.constant 0 : i32
      %dma_wait3A_409 = tpu.memref_slice %arg2[%dma_wait3A_407, %dma_wait3A_408] : memref<10000x64xf32, #tpu.memory_space<hbm>> -> memref<40x64xf32, #tpu.memory_space<hbm>>
      tpu.wait_dma2 semaphore(%arg12 : memref<!tpu.dma_semaphore, #tpu.memory_space<semaphore_mem>>) src(%dma_wait3A_409 : memref<40x64xf32, #tpu.memory_space<hbm>>) dst(%dma_wait3A_406 : memref<40x64xf32, #tpu.memory_space<vmem>>)
      %dma_wait3A_410 = arith.constant 0 : i32
      %dma_wait3A_411 = arith.constant 0 : i32
      %dma_wait3A_412 = arith.constant 0 : i32
      %dma_wait3A_413 = tpu.memref_slice %arg9[%dma_wait3A_410, %dma_wait3A_411, %dma_wait3A_412] : memref<10x40x64xf32, #tpu.memory_space<vmem>> -> memref<1x40x64xf32, #tpu.memory_space<vmem>>
      %dma_wait3A_414 = tpu.memref_squeeze %dma_wait3A_413 : memref<1x40x64xf32, #tpu.memory_space<vmem>> -> memref<40x64xf32, #tpu.memory_space<vmem>>
      %dma_wait3A_415 = arith.constant 0 : i32
      %dma_wait3A_416 = arith.constant 0 : i32
      %dma_wait3A_417 = tpu.memref_slice %arg2[%dma_wait3A_415, %dma_wait3A_416] : memref<10000x64xf32, #tpu.memory_space<hbm>> -> memref<40x64xf32, #tpu.memory_space<hbm>>
      %dma_wait3A_418 = arith.constant 0 : i32
      %dma_wait3A_419 = arith.constant 0 : i32
      %dma_wait3A_420 = tpu.memref_slice %arg9[%dma_wait3A_410, %dma_wait3A_418, %dma_wait3A_419] : memref<10x40x64xf32, #tpu.memory_space<vmem>> -> memref<1x40x64xf32, #tpu.memory_space<vmem>>
      %dma_wait3A_421 = tpu.memref_squeeze %dma_wait3A_420 : memref<1x40x64xf32, #tpu.memory_space<vmem>> -> memref<40x64xf32, #tpu.memory_space<vmem>>
      %dma_wait3A_422 = arith.constant 0 : i32
      %dma_wait3A_423 = arith.constant 0 : i32
      %dma_wait3A_424 = tpu.memref_slice %arg2[%dma_wait3A_422, %dma_wait3A_423] : memref<10000x64xf32, #tpu.memory_space<hbm>> -> memref<40x64xf32, #tpu.memory_space<hbm>>
      tpu.wait_dma2 semaphore(%arg12 : memref<!tpu.dma_semaphore, #tpu.memory_space<semaphore_mem>>) src(%dma_wait3A_424 : memref<40x64xf32, #tpu.memory_space<hbm>>) dst(%dma_wait3A_421 : memref<40x64xf32, #tpu.memory_space<vmem>>)
      %dma_wait3A_425 = arith.constant 0 : i32
      %dma_wait3A_426 = arith.constant 0 : i32
      %dma_wait3A_427 = arith.constant 0 : i32
      %dma_wait3A_428 = tpu.memref_slice %arg9[%dma_wait3A_425, %dma_wait3A_426, %dma_wait3A_427] : memref<10x40x64xf32, #tpu.memory_space<vmem>> -> memref<1x40x64xf32, #tpu.memory_space<vmem>>
      %dma_wait3A_429 = tpu.memref_squeeze %dma_wait3A_428 : memref<1x40x64xf32, #tpu.memory_space<vmem>> -> memref<40x64xf32, #tpu.memory_space<vmem>>
      %dma_wait3A_430 = arith.constant 0 : i32
      %dma_wait3A_431 = arith.constant 0 : i32
      %dma_wait3A_432 = tpu.memref_slice %arg2[%dma_wait3A_430, %dma_wait3A_431] : memref<10000x64xf32, #tpu.memory_space<hbm>> -> memref<40x64xf32, #tpu.memory_space<hbm>>
      %dma_wait3A_433 = arith.constant 0 : i32
      %dma_wait3A_434 = arith.constant 0 : i32
      %dma_wait3A_435 = tpu.memref_slice %arg9[%dma_wait3A_425, %dma_wait3A_433, %dma_wait3A_434] : memref<10x40x64xf32, #tpu.memory_space<vmem>> -> memref<1x40x64xf32, #tpu.memory_space<vmem>>
      %dma_wait3A_436 = tpu.memref_squeeze %dma_wait3A_435 : memref<1x40x64xf32, #tpu.memory_space<vmem>> -> memref<40x64xf32, #tpu.memory_space<vmem>>
      %dma_wait3A_437 = arith.constant 0 : i32
      %dma_wait3A_438 = arith.constant 0 : i32
      %dma_wait3A_439 = tpu.memref_slice %arg2[%dma_wait3A_437, %dma_wait3A_438] : memref<10000x64xf32, #tpu.memory_space<hbm>> -> memref<40x64xf32, #tpu.memory_space<hbm>>
      tpu.wait_dma2 semaphore(%arg12 : memref<!tpu.dma_semaphore, #tpu.memory_space<semaphore_mem>>) src(%dma_wait3A_439 : memref<40x64xf32, #tpu.memory_space<hbm>>) dst(%dma_wait3A_436 : memref<40x64xf32, #tpu.memory_space<vmem>>)
      %lt3A = arith.constant 24 : i32
      %lt3A_440 = arith.cmpi slt, %scan3A_141, %lt3A : i32
      %convert_element_type3A_441 = arith.extui %lt3A_440 : i1 to i32
      %cond3A_442 = arith.constant 0 : i32
      %cond3A_443 = arith.cmpi ne, %convert_element_type3A_441, %cond3A_442 : i32
      scf.if %cond3A_443 {
        %add3A_591 = arith.constant 10 : i32
        %add3A_592 = arith.addi %mul3A_145, %add3A_591 : i32
        %add3A_593 = arith.constant 0 : i32
        %add3A_594 = arith.addi %add3A_592, %add3A_593 : i32
        %mul3A_595 = arith.constant 40 : i32
        %mul3A_596 = arith.muli %add3A_594, %mul3A_595 : i32
        %multiple_of3A_597 = tpu.assume_multiple %mul3A_596, 8 : i32
        %dma_start3A_598 = arith.constant 0 : i32
        %dma_start3A_599 = arith.constant 0 : i32
        %dma_start3A_600 = arith.constant 0 : i32
        %dma_start3A_601 = tpu.memref_slice %arg9[%dma_start3A_598, %dma_start3A_599, %dma_start3A_600] : memref<10x40x64xf32, #tpu.memory_space<vmem>> -> memref<1x40x64xf32, #tpu.memory_space<vmem>>
        %dma_start3A_602 = tpu.memref_squeeze %dma_start3A_601 : memref<1x40x64xf32, #tpu.memory_space<vmem>> -> memref<40x64xf32, #tpu.memory_space<vmem>>
        %dma_start3A_603 = tpu.memref_slice %arg7[%multiple_of3A_597] : memref<10000xi32, #tpu.memory_space<vmem>> -> memref<40xi32, #tpu.memory_space<vmem>>
        %dma_start3A_604 = arith.constant 0 : i32
        %dma_start3A_605 = arith.constant 0 : i32
        %dma_start3A_606 = tpu.memref_slice %arg2[%dma_start3A_604, %dma_start3A_605] : memref<10000x64xf32, #tpu.memory_space<hbm>> -> memref<10000x64xf32, #tpu.memory_space<hbm>>
        tpu.enqueue_indirect_dma source(%dma_start3A_606 : memref<10000x64xf32, #tpu.memory_space<hbm>>) target(%dma_start3A_602 : memref<40x64xf32, #tpu.memory_space<vmem>>) offsets(%dma_start3A_603 : memref<40xi32, #tpu.memory_space<vmem>>) semaphore(%arg10 : memref<!tpu.dma_semaphore, #tpu.memory_space<semaphore_mem>>)
        %add3A_607 = arith.constant 1 : i32
        %add3A_608 = arith.addi %add3A_592, %add3A_607 : i32
        %mul3A_609 = arith.constant 40 : i32
        %mul3A_610 = arith.muli %add3A_608, %mul3A_609 : i32
        %multiple_of3A_611 = tpu.assume_multiple %mul3A_610, 8 : i32
        %dma_start3A_612 = arith.constant 1 : i32
        %dma_start3A_613 = arith.constant 0 : i32
        %dma_start3A_614 = arith.constant 0 : i32
        %dma_start3A_615 = tpu.memref_slice %arg9[%dma_start3A_612, %dma_start3A_613, %dma_start3A_614] : memref<10x40x64xf32, #tpu.memory_space<vmem>> -> memref<1x40x64xf32, #tpu.memory_space<vmem>>
        %dma_start3A_616 = tpu.memref_squeeze %dma_start3A_615 : memref<1x40x64xf32, #tpu.memory_space<vmem>> -> memref<40x64xf32, #tpu.memory_space<vmem>>
        %dma_start3A_617 = tpu.memref_slice %arg7[%multiple_of3A_611] : memref<10000xi32, #tpu.memory_space<vmem>> -> memref<40xi32, #tpu.memory_space<vmem>>
        %dma_start3A_618 = arith.constant 0 : i32
        %dma_start3A_619 = arith.constant 0 : i32
        %dma_start3A_620 = tpu.memref_slice %arg2[%dma_start3A_618, %dma_start3A_619] : memref<10000x64xf32, #tpu.memory_space<hbm>> -> memref<10000x64xf32, #tpu.memory_space<hbm>>
        tpu.enqueue_indirect_dma source(%dma_start3A_620 : memref<10000x64xf32, #tpu.memory_space<hbm>>) target(%dma_start3A_616 : memref<40x64xf32, #tpu.memory_space<vmem>>) offsets(%dma_start3A_617 : memref<40xi32, #tpu.memory_space<vmem>>) semaphore(%arg10 : memref<!tpu.dma_semaphore, #tpu.memory_space<semaphore_mem>>)
        %add3A_621 = arith.constant 2 : i32
        %add3A_622 = arith.addi %add3A_592, %add3A_621 : i32
        %mul3A_623 = arith.constant 40 : i32
        %mul3A_624 = arith.muli %add3A_622, %mul3A_623 : i32
        %multiple_of3A_625 = tpu.assume_multiple %mul3A_624, 8 : i32
        %dma_start3A_626 = arith.constant 2 : i32
        %dma_start3A_627 = arith.constant 0 : i32
        %dma_start3A_628 = arith.constant 0 : i32
        %dma_start3A_629 = tpu.memref_slice %arg9[%dma_start3A_626, %dma_start3A_627, %dma_start3A_628] : memref<10x40x64xf32, #tpu.memory_space<vmem>> -> memref<1x40x64xf32, #tpu.memory_space<vmem>>
        %dma_start3A_630 = tpu.memref_squeeze %dma_start3A_629 : memref<1x40x64xf32, #tpu.memory_space<vmem>> -> memref<40x64xf32, #tpu.memory_space<vmem>>
        %dma_start3A_631 = tpu.memref_slice %arg7[%multiple_of3A_625] : memref<10000xi32, #tpu.memory_space<vmem>> -> memref<40xi32, #tpu.memory_space<vmem>>
        %dma_start3A_632 = arith.constant 0 : i32
        %dma_start3A_633 = arith.constant 0 : i32
        %dma_start3A_634 = tpu.memref_slice %arg2[%dma_start3A_632, %dma_start3A_633] : memref<10000x64xf32, #tpu.memory_space<hbm>> -> memref<10000x64xf32, #tpu.memory_space<hbm>>
        tpu.enqueue_indirect_dma source(%dma_start3A_634 : memref<10000x64xf32, #tpu.memory_space<hbm>>) target(%dma_start3A_630 : memref<40x64xf32, #tpu.memory_space<vmem>>) offsets(%dma_start3A_631 : memref<40xi32, #tpu.memory_space<vmem>>) semaphore(%arg10 : memref<!tpu.dma_semaphore, #tpu.memory_space<semaphore_mem>>)
        %add3A_635 = arith.constant 3 : i32
        %add3A_636 = arith.addi %add3A_592, %add3A_635 : i32
        %mul3A_637 = arith.constant 40 : i32
        %mul3A_638 = arith.muli %add3A_636, %mul3A_637 : i32
        %multiple_of3A_639 = tpu.assume_multiple %mul3A_638, 8 : i32
        %dma_start3A_640 = arith.constant 3 : i32
        %dma_start3A_641 = arith.constant 0 : i32
        %dma_start3A_642 = arith.constant 0 : i32
        %dma_start3A_643 = tpu.memref_slice %arg9[%dma_start3A_640, %dma_start3A_641, %dma_start3A_642] : memref<10x40x64xf32, #tpu.memory_space<vmem>> -> memref<1x40x64xf32, #tpu.memory_space<vmem>>
        %dma_start3A_644 = tpu.memref_squeeze %dma_start3A_643 : memref<1x40x64xf32, #tpu.memory_space<vmem>> -> memref<40x64xf32, #tpu.memory_space<vmem>>
        %dma_start3A_645 = tpu.memref_slice %arg7[%multiple_of3A_639] : memref<10000xi32, #tpu.memory_space<vmem>> -> memref<40xi32, #tpu.memory_space<vmem>>
        %dma_start3A_646 = arith.constant 0 : i32
        %dma_start3A_647 = arith.constant 0 : i32
        %dma_start3A_648 = tpu.memref_slice %arg2[%dma_start3A_646, %dma_start3A_647] : memref<10000x64xf32, #tpu.memory_space<hbm>> -> memref<10000x64xf32, #tpu.memory_space<hbm>>
        tpu.enqueue_indirect_dma source(%dma_start3A_648 : memref<10000x64xf32, #tpu.memory_space<hbm>>) target(%dma_start3A_644 : memref<40x64xf32, #tpu.memory_space<vmem>>) offsets(%dma_start3A_645 : memref<40xi32, #tpu.memory_space<vmem>>) semaphore(%arg10 : memref<!tpu.dma_semaphore, #tpu.memory_space<semaphore_mem>>)
        %add3A_649 = arith.constant 4 : i32
        %add3A_650 = arith.addi %add3A_592, %add3A_649 : i32
        %mul3A_651 = arith.constant 40 : i32
        %mul3A_652 = arith.muli %add3A_650, %mul3A_651 : i32
        %multiple_of3A_653 = tpu.assume_multiple %mul3A_652, 8 : i32
        %dma_start3A_654 = arith.constant 4 : i32
        %dma_start3A_655 = arith.constant 0 : i32
        %dma_start3A_656 = arith.constant 0 : i32
        %dma_start3A_657 = tpu.memref_slice %arg9[%dma_start3A_654, %dma_start3A_655, %dma_start3A_656] : memref<10x40x64xf32, #tpu.memory_space<vmem>> -> memref<1x40x64xf32, #tpu.memory_space<vmem>>
        %dma_start3A_658 = tpu.memref_squeeze %dma_start3A_657 : memref<1x40x64xf32, #tpu.memory_space<vmem>> -> memref<40x64xf32, #tpu.memory_space<vmem>>
        %dma_start3A_659 = tpu.memref_slice %arg7[%multiple_of3A_653] : memref<10000xi32, #tpu.memory_space<vmem>> -> memref<40xi32, #tpu.memory_space<vmem>>
        %dma_start3A_660 = arith.constant 0 : i32
        %dma_start3A_661 = arith.constant 0 : i32
        %dma_start3A_662 = tpu.memref_slice %arg2[%dma_start3A_660, %dma_start3A_661] : memref<10000x64xf32, #tpu.memory_space<hbm>> -> memref<10000x64xf32, #tpu.memory_space<hbm>>
        tpu.enqueue_indirect_dma source(%dma_start3A_662 : memref<10000x64xf32, #tpu.memory_space<hbm>>) target(%dma_start3A_658 : memref<40x64xf32, #tpu.memory_space<vmem>>) offsets(%dma_start3A_659 : memref<40xi32, #tpu.memory_space<vmem>>) semaphore(%arg10 : memref<!tpu.dma_semaphore, #tpu.memory_space<semaphore_mem>>)
      } else {
      }
      %dma_wait3A_444 = arith.constant 0 : i32
      %dma_wait3A_445 = arith.constant 0 : i32
      %dma_wait3A_446 = arith.constant 0 : i32
      %dma_wait3A_447 = tpu.memref_slice %arg9[%dma_wait3A_444, %dma_wait3A_445, %dma_wait3A_446] : memref<10x40x64xf32, #tpu.memory_space<vmem>> -> memref<1x40x64xf32, #tpu.memory_space<vmem>>
      %dma_wait3A_448 = tpu.memref_squeeze %dma_wait3A_447 : memref<1x40x64xf32, #tpu.memory_space<vmem>> -> memref<40x64xf32, #tpu.memory_space<vmem>>
      %dma_wait3A_449 = arith.constant 0 : i32
      %dma_wait3A_450 = arith.constant 0 : i32
      %dma_wait3A_451 = tpu.memref_slice %arg2[%dma_wait3A_449, %dma_wait3A_450] : memref<10000x64xf32, #tpu.memory_space<hbm>> -> memref<40x64xf32, #tpu.memory_space<hbm>>
      %dma_wait3A_452 = arith.constant 0 : i32
      %dma_wait3A_453 = arith.constant 0 : i32
      %dma_wait3A_454 = tpu.memref_slice %arg9[%dma_wait3A_444, %dma_wait3A_452, %dma_wait3A_453] : memref<10x40x64xf32, #tpu.memory_space<vmem>> -> memref<1x40x64xf32, #tpu.memory_space<vmem>>
      %dma_wait3A_455 = tpu.memref_squeeze %dma_wait3A_454 : memref<1x40x64xf32, #tpu.memory_space<vmem>> -> memref<40x64xf32, #tpu.memory_space<vmem>>
      %dma_wait3A_456 = arith.constant 0 : i32
      %dma_wait3A_457 = arith.constant 0 : i32
      %dma_wait3A_458 = tpu.memref_slice %arg2[%dma_wait3A_456, %dma_wait3A_457] : memref<10000x64xf32, #tpu.memory_space<hbm>> -> memref<40x64xf32, #tpu.memory_space<hbm>>
      tpu.wait_dma2 semaphore(%arg11 : memref<!tpu.dma_semaphore, #tpu.memory_space<semaphore_mem>>) src(%dma_wait3A_458 : memref<40x64xf32, #tpu.memory_space<hbm>>) dst(%dma_wait3A_455 : memref<40x64xf32, #tpu.memory_space<vmem>>)
      %dma_wait3A_459 = arith.constant 0 : i32
      %dma_wait3A_460 = arith.constant 0 : i32
      %dma_wait3A_461 = arith.constant 0 : i32
      %dma_wait3A_462 = tpu.memref_slice %arg9[%dma_wait3A_459, %dma_wait3A_460, %dma_wait3A_461] : memref<10x40x64xf32, #tpu.memory_space<vmem>> -> memref<1x40x64xf32, #tpu.memory_space<vmem>>
      %dma_wait3A_463 = tpu.memref_squeeze %dma_wait3A_462 : memref<1x40x64xf32, #tpu.memory_space<vmem>> -> memref<40x64xf32, #tpu.memory_space<vmem>>
      %dma_wait3A_464 = arith.constant 0 : i32
      %dma_wait3A_465 = arith.constant 0 : i32
      %dma_wait3A_466 = tpu.memref_slice %arg2[%dma_wait3A_464, %dma_wait3A_465] : memref<10000x64xf32, #tpu.memory_space<hbm>> -> memref<40x64xf32, #tpu.memory_space<hbm>>
      %dma_wait3A_467 = arith.constant 0 : i32
      %dma_wait3A_468 = arith.constant 0 : i32
      %dma_wait3A_469 = tpu.memref_slice %arg9[%dma_wait3A_459, %dma_wait3A_467, %dma_wait3A_468] : memref<10x40x64xf32, #tpu.memory_space<vmem>> -> memref<1x40x64xf32, #tpu.memory_space<vmem>>
      %dma_wait3A_470 = tpu.memref_squeeze %dma_wait3A_469 : memref<1x40x64xf32, #tpu.memory_space<vmem>> -> memref<40x64xf32, #tpu.memory_space<vmem>>
      %dma_wait3A_471 = arith.constant 0 : i32
      %dma_wait3A_472 = arith.constant 0 : i32
      %dma_wait3A_473 = tpu.memref_slice %arg2[%dma_wait3A_471, %dma_wait3A_472] : memref<10000x64xf32, #tpu.memory_space<hbm>> -> memref<40x64xf32, #tpu.memory_space<hbm>>
      tpu.wait_dma2 semaphore(%arg11 : memref<!tpu.dma_semaphore, #tpu.memory_space<semaphore_mem>>) src(%dma_wait3A_473 : memref<40x64xf32, #tpu.memory_space<hbm>>) dst(%dma_wait3A_470 : memref<40x64xf32, #tpu.memory_space<vmem>>)
      %dma_wait3A_474 = arith.constant 0 : i32
      %dma_wait3A_475 = arith.constant 0 : i32
      %dma_wait3A_476 = arith.constant 0 : i32
      %dma_wait3A_477 = tpu.memref_slice %arg9[%dma_wait3A_474, %dma_wait3A_475, %dma_wait3A_476] : memref<10x40x64xf32, #tpu.memory_space<vmem>> -> memref<1x40x64xf32, #tpu.memory_space<vmem>>
      %dma_wait3A_478 = tpu.memref_squeeze %dma_wait3A_477 : memref<1x40x64xf32, #tpu.memory_space<vmem>> -> memref<40x64xf32, #tpu.memory_space<vmem>>
      %dma_wait3A_479 = arith.constant 0 : i32
      %dma_wait3A_480 = arith.constant 0 : i32
      %dma_wait3A_481 = tpu.memref_slice %arg2[%dma_wait3A_479, %dma_wait3A_480] : memref<10000x64xf32, #tpu.memory_space<hbm>> -> memref<40x64xf32, #tpu.memory_space<hbm>>
      %dma_wait3A_482 = arith.constant 0 : i32
      %dma_wait3A_483 = arith.constant 0 : i32
      %dma_wait3A_484 = tpu.memref_slice %arg9[%dma_wait3A_474, %dma_wait3A_482, %dma_wait3A_483] : memref<10x40x64xf32, #tpu.memory_space<vmem>> -> memref<1x40x64xf32, #tpu.memory_space<vmem>>
      %dma_wait3A_485 = tpu.memref_squeeze %dma_wait3A_484 : memref<1x40x64xf32, #tpu.memory_space<vmem>> -> memref<40x64xf32, #tpu.memory_space<vmem>>
      %dma_wait3A_486 = arith.constant 0 : i32
      %dma_wait3A_487 = arith.constant 0 : i32
      %dma_wait3A_488 = tpu.memref_slice %arg2[%dma_wait3A_486, %dma_wait3A_487] : memref<10000x64xf32, #tpu.memory_space<hbm>> -> memref<40x64xf32, #tpu.memory_space<hbm>>
      tpu.wait_dma2 semaphore(%arg11 : memref<!tpu.dma_semaphore, #tpu.memory_space<semaphore_mem>>) src(%dma_wait3A_488 : memref<40x64xf32, #tpu.memory_space<hbm>>) dst(%dma_wait3A_485 : memref<40x64xf32, #tpu.memory_space<vmem>>)
      %dma_wait3A_489 = arith.constant 0 : i32
      %dma_wait3A_490 = arith.constant 0 : i32
      %dma_wait3A_491 = arith.constant 0 : i32
      %dma_wait3A_492 = tpu.memref_slice %arg9[%dma_wait3A_489, %dma_wait3A_490, %dma_wait3A_491] : memref<10x40x64xf32, #tpu.memory_space<vmem>> -> memref<1x40x64xf32, #tpu.memory_space<vmem>>
      %dma_wait3A_493 = tpu.memref_squeeze %dma_wait3A_492 : memref<1x40x64xf32, #tpu.memory_space<vmem>> -> memref<40x64xf32, #tpu.memory_space<vmem>>
      %dma_wait3A_494 = arith.constant 0 : i32
      %dma_wait3A_495 = arith.constant 0 : i32
      %dma_wait3A_496 = tpu.memref_slice %arg2[%dma_wait3A_494, %dma_wait3A_495] : memref<10000x64xf32, #tpu.memory_space<hbm>> -> memref<40x64xf32, #tpu.memory_space<hbm>>
      %dma_wait3A_497 = arith.constant 0 : i32
      %dma_wait3A_498 = arith.constant 0 : i32
      %dma_wait3A_499 = tpu.memref_slice %arg9[%dma_wait3A_489, %dma_wait3A_497, %dma_wait3A_498] : memref<10x40x64xf32, #tpu.memory_space<vmem>> -> memref<1x40x64xf32, #tpu.memory_space<vmem>>
      %dma_wait3A_500 = tpu.memref_squeeze %dma_wait3A_499 : memref<1x40x64xf32, #tpu.memory_space<vmem>> -> memref<40x64xf32, #tpu.memory_space<vmem>>
      %dma_wait3A_501 = arith.constant 0 : i32
      %dma_wait3A_502 = arith.constant 0 : i32
      %dma_wait3A_503 = tpu.memref_slice %arg2[%dma_wait3A_501, %dma_wait3A_502] : memref<10000x64xf32, #tpu.memory_space<hbm>> -> memref<40x64xf32, #tpu.memory_space<hbm>>
      tpu.wait_dma2 semaphore(%arg11 : memref<!tpu.dma_semaphore, #tpu.memory_space<semaphore_mem>>) src(%dma_wait3A_503 : memref<40x64xf32, #tpu.memory_space<hbm>>) dst(%dma_wait3A_500 : memref<40x64xf32, #tpu.memory_space<vmem>>)
      %dma_wait3A_504 = arith.constant 0 : i32
      %dma_wait3A_505 = arith.constant 0 : i32
      %dma_wait3A_506 = arith.constant 0 : i32
      %dma_wait3A_507 = tpu.memref_slice %arg9[%dma_wait3A_504, %dma_wait3A_505, %dma_wait3A_506] : memref<10x40x64xf32, #tpu.memory_space<vmem>> -> memref<1x40x64xf32, #tpu.memory_space<vmem>>
      %dma_wait3A_508 = tpu.memref_squeeze %dma_wait3A_507 : memref<1x40x64xf32, #tpu.memory_space<vmem>> -> memref<40x64xf32, #tpu.memory_space<vmem>>
      %dma_wait3A_509 = arith.constant 0 : i32
      %dma_wait3A_510 = arith.constant 0 : i32
      %dma_wait3A_511 = tpu.memref_slice %arg2[%dma_wait3A_509, %dma_wait3A_510] : memref<10000x64xf32, #tpu.memory_space<hbm>> -> memref<40x64xf32, #tpu.memory_space<hbm>>
      %dma_wait3A_512 = arith.constant 0 : i32
      %dma_wait3A_513 = arith.constant 0 : i32
      %dma_wait3A_514 = tpu.memref_slice %arg9[%dma_wait3A_504, %dma_wait3A_512, %dma_wait3A_513] : memref<10x40x64xf32, #tpu.memory_space<vmem>> -> memref<1x40x64xf32, #tpu.memory_space<vmem>>
      %dma_wait3A_515 = tpu.memref_squeeze %dma_wait3A_514 : memref<1x40x64xf32, #tpu.memory_space<vmem>> -> memref<40x64xf32, #tpu.memory_space<vmem>>
      %dma_wait3A_516 = arith.constant 0 : i32
      %dma_wait3A_517 = arith.constant 0 : i32
      %dma_wait3A_518 = tpu.memref_slice %arg2[%dma_wait3A_516, %dma_wait3A_517] : memref<10000x64xf32, #tpu.memory_space<hbm>> -> memref<40x64xf32, #tpu.memory_space<hbm>>
      tpu.wait_dma2 semaphore(%arg11 : memref<!tpu.dma_semaphore, #tpu.memory_space<semaphore_mem>>) src(%dma_wait3A_518 : memref<40x64xf32, #tpu.memory_space<hbm>>) dst(%dma_wait3A_515 : memref<40x64xf32, #tpu.memory_space<vmem>>)
      %add3A_519 = arith.constant 5 : i32
      %add3A_520 = arith.addi %mul3A_145, %add3A_519 : i32
      %add3A_521 = arith.constant 0 : i32
      %add3A_522 = arith.addi %add3A_520, %add3A_521 : i32
      %mul3A_523 = arith.constant 40 : i32
      %mul3A_524 = arith.muli %add3A_522, %mul3A_523 : i32
      %multiple_of3A_525 = tpu.assume_multiple %mul3A_524, 8 : i32
      %dma_start3A_526 = arith.constant 5 : i32
      %dma_start3A_527 = arith.constant 0 : i32
      %dma_start3A_528 = arith.constant 0 : i32
      %dma_start3A_529 = tpu.memref_slice %arg9[%dma_start3A_526, %dma_start3A_527, %dma_start3A_528] : memref<10x40x64xf32, #tpu.memory_space<vmem>> -> memref<1x40x64xf32, #tpu.memory_space<vmem>>
      %dma_start3A_530 = tpu.memref_squeeze %dma_start3A_529 : memref<1x40x64xf32, #tpu.memory_space<vmem>> -> memref<40x64xf32, #tpu.memory_space<vmem>>
      %dma_start3A_531 = tpu.memref_slice %arg8[%multiple_of3A_525] : memref<10000xi32, #tpu.memory_space<vmem>> -> memref<40xi32, #tpu.memory_space<vmem>>
      %dma_start3A_532 = arith.constant 0 : i32
      %dma_start3A_533 = arith.constant 0 : i32
      %dma_start3A_534 = tpu.memref_slice %arg6[%dma_start3A_532, %dma_start3A_533] : memref<10000x64xf32, #tpu.memory_space<vmem_shared>> -> memref<10000x64xf32, #tpu.memory_space<vmem_shared>>
      tpu.enqueue_indirect_dma source(%dma_start3A_530 : memref<40x64xf32, #tpu.memory_space<vmem>>) target(%dma_start3A_534 : memref<10000x64xf32, #tpu.memory_space<vmem_shared>>) offsets(%dma_start3A_531 : memref<40xi32, #tpu.memory_space<vmem>>) semaphore(%arg13 : memref<!tpu.dma_semaphore, #tpu.memory_space<semaphore_mem>>) {add = true}
      %add3A_535 = arith.constant 1 : i32
      %add3A_536 = arith.addi %add3A_520, %add3A_535 : i32
      %mul3A_537 = arith.constant 40 : i32
      %mul3A_538 = arith.muli %add3A_536, %mul3A_537 : i32
      %multiple_of3A_539 = tpu.assume_multiple %mul3A_538, 8 : i32
      %dma_start3A_540 = arith.constant 6 : i32
      %dma_start3A_541 = arith.constant 0 : i32
      %dma_start3A_542 = arith.constant 0 : i32
      %dma_start3A_543 = tpu.memref_slice %arg9[%dma_start3A_540, %dma_start3A_541, %dma_start3A_542] : memref<10x40x64xf32, #tpu.memory_space<vmem>> -> memref<1x40x64xf32, #tpu.memory_space<vmem>>
      %dma_start3A_544 = tpu.memref_squeeze %dma_start3A_543 : memref<1x40x64xf32, #tpu.memory_space<vmem>> -> memref<40x64xf32, #tpu.memory_space<vmem>>
      %dma_start3A_545 = tpu.memref_slice %arg8[%multiple_of3A_539] : memref<10000xi32, #tpu.memory_space<vmem>> -> memref<40xi32, #tpu.memory_space<vmem>>
      %dma_start3A_546 = arith.constant 0 : i32
      %dma_start3A_547 = arith.constant 0 : i32
      %dma_start3A_548 = tpu.memref_slice %arg6[%dma_start3A_546, %dma_start3A_547] : memref<10000x64xf32, #tpu.memory_space<vmem_shared>> -> memref<10000x64xf32, #tpu.memory_space<vmem_shared>>
      tpu.enqueue_indirect_dma source(%dma_start3A_544 : memref<40x64xf32, #tpu.memory_space<vmem>>) target(%dma_start3A_548 : memref<10000x64xf32, #tpu.memory_space<vmem_shared>>) offsets(%dma_start3A_545 : memref<40xi32, #tpu.memory_space<vmem>>) semaphore(%arg13 : memref<!tpu.dma_semaphore, #tpu.memory_space<semaphore_mem>>) {add = true}
      %add3A_549 = arith.constant 2 : i32
      %add3A_550 = arith.addi %add3A_520, %add3A_549 : i32
      %mul3A_551 = arith.constant 40 : i32
      %mul3A_552 = arith.muli %add3A_550, %mul3A_551 : i32
      %multiple_of3A_553 = tpu.assume_multiple %mul3A_552, 8 : i32
      %dma_start3A_554 = arith.constant 7 : i32
      %dma_start3A_555 = arith.constant 0 : i32
      %dma_start3A_556 = arith.constant 0 : i32
      %dma_start3A_557 = tpu.memref_slice %arg9[%dma_start3A_554, %dma_start3A_555, %dma_start3A_556] : memref<10x40x64xf32, #tpu.memory_space<vmem>> -> memref<1x40x64xf32, #tpu.memory_space<vmem>>
      %dma_start3A_558 = tpu.memref_squeeze %dma_start3A_557 : memref<1x40x64xf32, #tpu.memory_space<vmem>> -> memref<40x64xf32, #tpu.memory_space<vmem>>
      %dma_start3A_559 = tpu.memref_slice %arg8[%multiple_of3A_553] : memref<10000xi32, #tpu.memory_space<vmem>> -> memref<40xi32, #tpu.memory_space<vmem>>
      %dma_start3A_560 = arith.constant 0 : i32
      %dma_start3A_561 = arith.constant 0 : i32
      %dma_start3A_562 = tpu.memref_slice %arg6[%dma_start3A_560, %dma_start3A_561] : memref<10000x64xf32, #tpu.memory_space<vmem_shared>> -> memref<10000x64xf32, #tpu.memory_space<vmem_shared>>
      tpu.enqueue_indirect_dma source(%dma_start3A_558 : memref<40x64xf32, #tpu.memory_space<vmem>>) target(%dma_start3A_562 : memref<10000x64xf32, #tpu.memory_space<vmem_shared>>) offsets(%dma_start3A_559 : memref<40xi32, #tpu.memory_space<vmem>>) semaphore(%arg13 : memref<!tpu.dma_semaphore, #tpu.memory_space<semaphore_mem>>) {add = true}
      %add3A_563 = arith.constant 3 : i32
      %add3A_564 = arith.addi %add3A_520, %add3A_563 : i32
      %mul3A_565 = arith.constant 40 : i32
      %mul3A_566 = arith.muli %add3A_564, %mul3A_565 : i32
      %multiple_of3A_567 = tpu.assume_multiple %mul3A_566, 8 : i32
      %dma_start3A_568 = arith.constant 8 : i32
      %dma_start3A_569 = arith.constant 0 : i32
      %dma_start3A_570 = arith.constant 0 : i32
      %dma_start3A_571 = tpu.memref_slice %arg9[%dma_start3A_568, %dma_start3A_569, %dma_start3A_570] : memref<10x40x64xf32, #tpu.memory_space<vmem>> -> memref<1x40x64xf32, #tpu.memory_space<vmem>>
      %dma_start3A_572 = tpu.memref_squeeze %dma_start3A_571 : memref<1x40x64xf32, #tpu.memory_space<vmem>> -> memref<40x64xf32, #tpu.memory_space<vmem>>
      %dma_start3A_573 = tpu.memref_slice %arg8[%multiple_of3A_567] : memref<10000xi32, #tpu.memory_space<vmem>> -> memref<40xi32, #tpu.memory_space<vmem>>
      %dma_start3A_574 = arith.constant 0 : i32
      %dma_start3A_575 = arith.constant 0 : i32
      %dma_start3A_576 = tpu.memref_slice %arg6[%dma_start3A_574, %dma_start3A_575] : memref<10000x64xf32, #tpu.memory_space<vmem_shared>> -> memref<10000x64xf32, #tpu.memory_space<vmem_shared>>
      tpu.enqueue_indirect_dma source(%dma_start3A_572 : memref<40x64xf32, #tpu.memory_space<vmem>>) target(%dma_start3A_576 : memref<10000x64xf32, #tpu.memory_space<vmem_shared>>) offsets(%dma_start3A_573 : memref<40xi32, #tpu.memory_space<vmem>>) semaphore(%arg13 : memref<!tpu.dma_semaphore, #tpu.memory_space<semaphore_mem>>) {add = true}
      %add3A_577 = arith.constant 4 : i32
      %add3A_578 = arith.addi %add3A_520, %add3A_577 : i32
      %mul3A_579 = arith.constant 40 : i32
      %mul3A_580 = arith.muli %add3A_578, %mul3A_579 : i32
      %multiple_of3A_581 = tpu.assume_multiple %mul3A_580, 8 : i32
      %dma_start3A_582 = arith.constant 9 : i32
      %dma_start3A_583 = arith.constant 0 : i32
      %dma_start3A_584 = arith.constant 0 : i32
      %dma_start3A_585 = tpu.memref_slice %arg9[%dma_start3A_582, %dma_start3A_583, %dma_start3A_584] : memref<10x40x64xf32, #tpu.memory_space<vmem>> -> memref<1x40x64xf32, #tpu.memory_space<vmem>>
      %dma_start3A_586 = tpu.memref_squeeze %dma_start3A_585 : memref<1x40x64xf32, #tpu.memory_space<vmem>> -> memref<40x64xf32, #tpu.memory_space<vmem>>
      %dma_start3A_587 = tpu.memref_slice %arg8[%multiple_of3A_581] : memref<10000xi32, #tpu.memory_space<vmem>> -> memref<40xi32, #tpu.memory_space<vmem>>
      %dma_start3A_588 = arith.constant 0 : i32
      %dma_start3A_589 = arith.constant 0 : i32
      %dma_start3A_590 = tpu.memref_slice %arg6[%dma_start3A_588, %dma_start3A_589] : memref<10000x64xf32, #tpu.memory_space<vmem_shared>> -> memref<10000x64xf32, #tpu.memory_space<vmem_shared>>
      tpu.enqueue_indirect_dma source(%dma_start3A_586 : memref<40x64xf32, #tpu.memory_space<vmem>>) target(%dma_start3A_590 : memref<10000x64xf32, #tpu.memory_space<vmem_shared>>) offsets(%dma_start3A_587 : memref<40xi32, #tpu.memory_space<vmem>>) semaphore(%arg13 : memref<!tpu.dma_semaphore, #tpu.memory_space<semaphore_mem>>) {add = true}
    }
    %scan3A_65 = arith.constant 25 : i32
    %dma_wait3A = arith.constant 0 : i32
    %dma_wait3A_66 = arith.constant 0 : i32
    %dma_wait3A_67 = arith.constant 0 : i32
    %dma_wait3A_68 = tpu.memref_slice %arg9[%dma_wait3A, %dma_wait3A_66, %dma_wait3A_67] : memref<10x40x64xf32, #tpu.memory_space<vmem>> -> memref<1x40x64xf32, #tpu.memory_space<vmem>>
    %dma_wait3A_69 = tpu.memref_squeeze %dma_wait3A_68 : memref<1x40x64xf32, #tpu.memory_space<vmem>> -> memref<40x64xf32, #tpu.memory_space<vmem>>
    %dma_wait3A_70 = arith.constant 0 : i32
    %dma_wait3A_71 = arith.constant 0 : i32
    %dma_wait3A_72 = tpu.memref_slice %arg2[%dma_wait3A_70, %dma_wait3A_71] : memref<10000x64xf32, #tpu.memory_space<hbm>> -> memref<40x64xf32, #tpu.memory_space<hbm>>
    %dma_wait3A_73 = arith.constant 0 : i32
    %dma_wait3A_74 = arith.constant 0 : i32
    %dma_wait3A_75 = tpu.memref_slice %arg9[%dma_wait3A, %dma_wait3A_73, %dma_wait3A_74] : memref<10x40x64xf32, #tpu.memory_space<vmem>> -> memref<1x40x64xf32, #tpu.memory_space<vmem>>
    %dma_wait3A_76 = tpu.memref_squeeze %dma_wait3A_75 : memref<1x40x64xf32, #tpu.memory_space<vmem>> -> memref<40x64xf32, #tpu.memory_space<vmem>>
    %dma_wait3A_77 = arith.constant 0 : i32
    %dma_wait3A_78 = arith.constant 0 : i32
    %dma_wait3A_79 = tpu.memref_slice %arg2[%dma_wait3A_77, %dma_wait3A_78] : memref<10000x64xf32, #tpu.memory_space<hbm>> -> memref<40x64xf32, #tpu.memory_space<hbm>>
    tpu.wait_dma2 semaphore(%arg13 : memref<!tpu.dma_semaphore, #tpu.memory_space<semaphore_mem>>) src(%dma_wait3A_79 : memref<40x64xf32, #tpu.memory_space<hbm>>) dst(%dma_wait3A_76 : memref<40x64xf32, #tpu.memory_space<vmem>>)
    %dma_wait3A_80 = arith.constant 0 : i32
    %dma_wait3A_81 = arith.constant 0 : i32
    %dma_wait3A_82 = arith.constant 0 : i32
    %dma_wait3A_83 = tpu.memref_slice %arg9[%dma_wait3A_80, %dma_wait3A_81, %dma_wait3A_82] : memref<10x40x64xf32, #tpu.memory_space<vmem>> -> memref<1x40x64xf32, #tpu.memory_space<vmem>>
    %dma_wait3A_84 = tpu.memref_squeeze %dma_wait3A_83 : memref<1x40x64xf32, #tpu.memory_space<vmem>> -> memref<40x64xf32, #tpu.memory_space<vmem>>
    %dma_wait3A_85 = arith.constant 0 : i32
    %dma_wait3A_86 = arith.constant 0 : i32
    %dma_wait3A_87 = tpu.memref_slice %arg2[%dma_wait3A_85, %dma_wait3A_86] : memref<10000x64xf32, #tpu.memory_space<hbm>> -> memref<40x64xf32, #tpu.memory_space<hbm>>
    %dma_wait3A_88 = arith.constant 0 : i32
    %dma_wait3A_89 = arith.constant 0 : i32
    %dma_wait3A_90 = tpu.memref_slice %arg9[%dma_wait3A_80, %dma_wait3A_88, %dma_wait3A_89] : memref<10x40x64xf32, #tpu.memory_space<vmem>> -> memref<1x40x64xf32, #tpu.memory_space<vmem>>
    %dma_wait3A_91 = tpu.memref_squeeze %dma_wait3A_90 : memref<1x40x64xf32, #tpu.memory_space<vmem>> -> memref<40x64xf32, #tpu.memory_space<vmem>>
    %dma_wait3A_92 = arith.constant 0 : i32
    %dma_wait3A_93 = arith.constant 0 : i32
    %dma_wait3A_94 = tpu.memref_slice %arg2[%dma_wait3A_92, %dma_wait3A_93] : memref<10000x64xf32, #tpu.memory_space<hbm>> -> memref<40x64xf32, #tpu.memory_space<hbm>>
    tpu.wait_dma2 semaphore(%arg13 : memref<!tpu.dma_semaphore, #tpu.memory_space<semaphore_mem>>) src(%dma_wait3A_94 : memref<40x64xf32, #tpu.memory_space<hbm>>) dst(%dma_wait3A_91 : memref<40x64xf32, #tpu.memory_space<vmem>>)
    %dma_wait3A_95 = arith.constant 0 : i32
    %dma_wait3A_96 = arith.constant 0 : i32
    %dma_wait3A_97 = arith.constant 0 : i32
    %dma_wait3A_98 = tpu.memref_slice %arg9[%dma_wait3A_95, %dma_wait3A_96, %dma_wait3A_97] : memref<10x40x64xf32, #tpu.memory_space<vmem>> -> memref<1x40x64xf32, #tpu.memory_space<vmem>>
    %dma_wait3A_99 = tpu.memref_squeeze %dma_wait3A_98 : memref<1x40x64xf32, #tpu.memory_space<vmem>> -> memref<40x64xf32, #tpu.memory_space<vmem>>
    %dma_wait3A_100 = arith.constant 0 : i32
    %dma_wait3A_101 = arith.constant 0 : i32
    %dma_wait3A_102 = tpu.memref_slice %arg2[%dma_wait3A_100, %dma_wait3A_101] : memref<10000x64xf32, #tpu.memory_space<hbm>> -> memref<40x64xf32, #tpu.memory_space<hbm>>
    %dma_wait3A_103 = arith.constant 0 : i32
    %dma_wait3A_104 = arith.constant 0 : i32
    %dma_wait3A_105 = tpu.memref_slice %arg9[%dma_wait3A_95, %dma_wait3A_103, %dma_wait3A_104] : memref<10x40x64xf32, #tpu.memory_space<vmem>> -> memref<1x40x64xf32, #tpu.memory_space<vmem>>
    %dma_wait3A_106 = tpu.memref_squeeze %dma_wait3A_105 : memref<1x40x64xf32, #tpu.memory_space<vmem>> -> memref<40x64xf32, #tpu.memory_space<vmem>>
    %dma_wait3A_107 = arith.constant 0 : i32
    %dma_wait3A_108 = arith.constant 0 : i32
    %dma_wait3A_109 = tpu.memref_slice %arg2[%dma_wait3A_107, %dma_wait3A_108] : memref<10000x64xf32, #tpu.memory_space<hbm>> -> memref<40x64xf32, #tpu.memory_space<hbm>>
    tpu.wait_dma2 semaphore(%arg13 : memref<!tpu.dma_semaphore, #tpu.memory_space<semaphore_mem>>) src(%dma_wait3A_109 : memref<40x64xf32, #tpu.memory_space<hbm>>) dst(%dma_wait3A_106 : memref<40x64xf32, #tpu.memory_space<vmem>>)
    %dma_wait3A_110 = arith.constant 0 : i32
    %dma_wait3A_111 = arith.constant 0 : i32
    %dma_wait3A_112 = arith.constant 0 : i32
    %dma_wait3A_113 = tpu.memref_slice %arg9[%dma_wait3A_110, %dma_wait3A_111, %dma_wait3A_112] : memref<10x40x64xf32, #tpu.memory_space<vmem>> -> memref<1x40x64xf32, #tpu.memory_space<vmem>>
    %dma_wait3A_114 = tpu.memref_squeeze %dma_wait3A_113 : memref<1x40x64xf32, #tpu.memory_space<vmem>> -> memref<40x64xf32, #tpu.memory_space<vmem>>
    %dma_wait3A_115 = arith.constant 0 : i32
    %dma_wait3A_116 = arith.constant 0 : i32
    %dma_wait3A_117 = tpu.memref_slice %arg2[%dma_wait3A_115, %dma_wait3A_116] : memref<10000x64xf32, #tpu.memory_space<hbm>> -> memref<40x64xf32, #tpu.memory_space<hbm>>
    %dma_wait3A_118 = arith.constant 0 : i32
    %dma_wait3A_119 = arith.constant 0 : i32
    %dma_wait3A_120 = tpu.memref_slice %arg9[%dma_wait3A_110, %dma_wait3A_118, %dma_wait3A_119] : memref<10x40x64xf32, #tpu.memory_space<vmem>> -> memref<1x40x64xf32, #tpu.memory_space<vmem>>
    %dma_wait3A_121 = tpu.memref_squeeze %dma_wait3A_120 : memref<1x40x64xf32, #tpu.memory_space<vmem>> -> memref<40x64xf32, #tpu.memory_space<vmem>>
    %dma_wait3A_122 = arith.constant 0 : i32
    %dma_wait3A_123 = arith.constant 0 : i32
    %dma_wait3A_124 = tpu.memref_slice %arg2[%dma_wait3A_122, %dma_wait3A_123] : memref<10000x64xf32, #tpu.memory_space<hbm>> -> memref<40x64xf32, #tpu.memory_space<hbm>>
    tpu.wait_dma2 semaphore(%arg13 : memref<!tpu.dma_semaphore, #tpu.memory_space<semaphore_mem>>) src(%dma_wait3A_124 : memref<40x64xf32, #tpu.memory_space<hbm>>) dst(%dma_wait3A_121 : memref<40x64xf32, #tpu.memory_space<vmem>>)
    %dma_wait3A_125 = arith.constant 0 : i32
    %dma_wait3A_126 = arith.constant 0 : i32
    %dma_wait3A_127 = arith.constant 0 : i32
    %dma_wait3A_128 = tpu.memref_slice %arg9[%dma_wait3A_125, %dma_wait3A_126, %dma_wait3A_127] : memref<10x40x64xf32, #tpu.memory_space<vmem>> -> memref<1x40x64xf32, #tpu.memory_space<vmem>>
    %dma_wait3A_129 = tpu.memref_squeeze %dma_wait3A_128 : memref<1x40x64xf32, #tpu.memory_space<vmem>> -> memref<40x64xf32, #tpu.memory_space<vmem>>
    %dma_wait3A_130 = arith.constant 0 : i32
    %dma_wait3A_131 = arith.constant 0 : i32
    %dma_wait3A_132 = tpu.memref_slice %arg2[%dma_wait3A_130, %dma_wait3A_131] : memref<10000x64xf32, #tpu.memory_space<hbm>> -> memref<40x64xf32, #tpu.memory_space<hbm>>
    %dma_wait3A_133 = arith.constant 0 : i32
    %dma_wait3A_134 = arith.constant 0 : i32
    %dma_wait3A_135 = tpu.memref_slice %arg9[%dma_wait3A_125, %dma_wait3A_133, %dma_wait3A_134] : memref<10x40x64xf32, #tpu.memory_space<vmem>> -> memref<1x40x64xf32, #tpu.memory_space<vmem>>
    %dma_wait3A_136 = tpu.memref_squeeze %dma_wait3A_135 : memref<1x40x64xf32, #tpu.memory_space<vmem>> -> memref<40x64xf32, #tpu.memory_space<vmem>>
    %dma_wait3A_137 = arith.constant 0 : i32
    %dma_wait3A_138 = arith.constant 0 : i32
    %dma_wait3A_139 = tpu.memref_slice %arg2[%dma_wait3A_137, %dma_wait3A_138] : memref<10000x64xf32, #tpu.memory_space<hbm>> -> memref<40x64xf32, #tpu.memory_space<hbm>>
    tpu.wait_dma2 semaphore(%arg13 : memref<!tpu.dma_semaphore, #tpu.memory_space<semaphore_mem>>) src(%dma_wait3A_139 : memref<40x64xf32, #tpu.memory_space<hbm>>) dst(%dma_wait3A_136 : memref<40x64xf32, #tpu.memory_space<vmem>>)
    %barrier3A_140 = arith.constant 0 : index
    tpu.barrier barrier_id(%barrier3A_140)
    "tpu.region"() ({
      %run_scoped3A_141 = tpu.sem_alloc : memref<!tpu.dma_semaphore, #tpu.memory_space<semaphore_mem>>
      %dma_start3A_142 = arith.constant 0 : i32
      %dma_start3A_143 = arith.constant 0 : i32
      %dma_start3A_144 = tpu.memref_slice %arg5[%arg0, %dma_start3A_142, %dma_start3A_143] : memref<2x10000x64xf32, #tpu.memory_space<hbm>> -> memref<1x10000x64xf32, #tpu.memory_space<hbm>>
      %dma_start3A_145 = tpu.memref_squeeze %dma_start3A_144 : memref<1x10000x64xf32, #tpu.memory_space<hbm>> -> memref<10000x64xf32, #tpu.memory_space<hbm>>
      %dma_start3A_146 = arith.constant 0 : i32
      %dma_start3A_147 = tpu.memref_slice %dma_start3A_145[%mul3A_2, %dma_start3A_146] : memref<10000x64xf32, #tpu.memory_space<hbm>> -> memref<625x64xf32, #tpu.memory_space<hbm>>
      %dma_start3A_148 = arith.constant 0 : i32
      %dma_start3A_149 = tpu.memref_slice %arg6[%mul3A_2, %dma_start3A_148] : memref<10000x64xf32, #tpu.memory_space<vmem_shared>> -> memref<625x64xf32, #tpu.memory_space<vmem_shared>>
      tpu.enqueue_dma source(%dma_start3A_149 : memref<625x64xf32, #tpu.memory_space<vmem_shared>>) target(%dma_start3A_147 : memref<625x64xf32, #tpu.memory_space<hbm>>) target_semaphore(%run_scoped3A_141 : memref<!tpu.dma_semaphore, #tpu.memory_space<semaphore_mem>>)
      %dma_wait3A_150 = arith.constant 0 : i32
      %dma_wait3A_151 = arith.constant 0 : i32
      %dma_wait3A_152 = tpu.memref_slice %arg5[%arg0, %dma_wait3A_150, %dma_wait3A_151] : memref<2x10000x64xf32, #tpu.memory_space<hbm>> -> memref<1x10000x64xf32, #tpu.memory_space<hbm>>
      %dma_wait3A_153 = tpu.memref_squeeze %dma_wait3A_152 : memref<1x10000x64xf32, #tpu.memory_space<hbm>> -> memref<10000x64xf32, #tpu.memory_space<hbm>>
      %dma_wait3A_154 = arith.constant 0 : i32
      %dma_wait3A_155 = tpu.memref_slice %dma_wait3A_153[%mul3A_2, %dma_wait3A_154] : memref<10000x64xf32, #tpu.memory_space<hbm>> -> memref<625x64xf32, #tpu.memory_space<hbm>>
      %dma_wait3A_156 = arith.constant 0 : i32
      %dma_wait3A_157 = tpu.memref_slice %arg6[%mul3A_2, %dma_wait3A_156] : memref<10000x64xf32, #tpu.memory_space<vmem_shared>> -> memref<625x64xf32, #tpu.memory_space<vmem_shared>>
      tpu.wait_dma2 semaphore(%run_scoped3A_141 : memref<!tpu.dma_semaphore, #tpu.memory_space<semaphore_mem>>) src(%dma_wait3A_157 : memref<625x64xf32, #tpu.memory_space<vmem_shared>>) dst(%dma_wait3A_155 : memref<625x64xf32, #tpu.memory_space<hbm>>)
      tpu.yield
    }) : () -> ()
    return
  }
}

#map = affine_map<(d0, d1) -> (0, 0)>
#map1 = affine_map<(d0, d1) -> (0, 0, 0)>
module attributes {stable_mosaic.version = 14 : i64} {
  func.func @_sc_agg_body(%arg0: i32, %arg1: i32, %arg2: memref<10000x64xf32, #tpu.memory_space<hbm>>, %arg3: memref<2x320000xi32, #tpu.memory_space<hbm>>, %arg4: memref<10000x64xf32, #tpu.memory_space<hbm>>, %arg5: memref<2x10000x64xf32, #tpu.memory_space<hbm>>, %arg6: memref<10000x64xf32, #tpu.memory_space<vmem_shared>>, %arg7: memref<10000xi32, #tpu.memory_space<vmem>>, %arg8: memref<10000xi32, #tpu.memory_space<vmem>>, %arg9: memref<10x40x64xf32, #tpu.memory_space<vmem>>, %arg10: memref<!tpu.dma_semaphore, #tpu.memory_space<semaphore_mem>>, %arg11: memref<!tpu.dma_semaphore, #tpu.memory_space<semaphore_mem>>, %arg12: memref<!tpu.dma_semaphore, #tpu.memory_space<semaphore_mem>>, %arg13: memref<!tpu.dma_semaphore, #tpu.memory_space<semaphore_mem>>) attributes {dimension_semantics = [#tpu.dimension_semantics<core_parallel>, #tpu.dimension_semantics<subcore_parallel>], iteration_bounds = array<i64: 2, 16>, scalar_prefetch = 0 : i64, scratch_operands = 8 : i64, tpu.core_type = #tpu.core_type<sc_vector_subcore>, window_params = [{transform_indices = #map}, {transform_indices = #map}, {transform_indices = #map}, {transform_indices = #map1}]} {
    %mul3A = arith.constant 16 : i32
    %mul3A_0 = arith.muli %arg0, %mul3A : i32
    %add3A = arith.addi %mul3A_0, %arg1 : i32
    %mul3A_1 = arith.constant 625 : i32
    %mul3A_2 = arith.muli %arg1, %mul3A_1 : i32
    "tpu.region"() ({
      %run_scoped3A_141 = tpu.sem_alloc : memref<!tpu.dma_semaphore, #tpu.memory_space<semaphore_mem>>
      %dma_start3A_142 = arith.constant 0 : i32
      %dma_start3A_143 = tpu.memref_slice %arg6[%mul3A_2, %dma_start3A_142] : memref<10000x64xf32, #tpu.memory_space<vmem_shared>> -> memref<625x64xf32, #tpu.memory_space<vmem_shared>>
      %dma_start3A_144 = arith.constant 0 : i32
      %dma_start3A_145 = tpu.memref_slice %arg4[%mul3A_2, %dma_start3A_144] : memref<10000x64xf32, #tpu.memory_space<hbm>> -> memref<625x64xf32, #tpu.memory_space<hbm>>
      tpu.enqueue_dma source(%dma_start3A_145 : memref<625x64xf32, #tpu.memory_space<hbm>>) target(%dma_start3A_143 : memref<625x64xf32, #tpu.memory_space<vmem_shared>>) target_semaphore(%run_scoped3A_141 : memref<!tpu.dma_semaphore, #tpu.memory_space<semaphore_mem>>)
      %dma_wait3A_146 = arith.constant 0 : i32
      %dma_wait3A_147 = tpu.memref_slice %arg6[%mul3A_2, %dma_wait3A_146] : memref<10000x64xf32, #tpu.memory_space<vmem_shared>> -> memref<625x64xf32, #tpu.memory_space<vmem_shared>>
      %dma_wait3A_148 = arith.constant 0 : i32
      %dma_wait3A_149 = tpu.memref_slice %arg4[%mul3A_2, %dma_wait3A_148] : memref<10000x64xf32, #tpu.memory_space<hbm>> -> memref<625x64xf32, #tpu.memory_space<hbm>>
      tpu.wait_dma2 semaphore(%run_scoped3A_141 : memref<!tpu.dma_semaphore, #tpu.memory_space<semaphore_mem>>) src(%dma_wait3A_149 : memref<625x64xf32, #tpu.memory_space<hbm>>) dst(%dma_wait3A_147 : memref<625x64xf32, #tpu.memory_space<vmem_shared>>)
      tpu.yield
    }) : () -> ()
    %mul3A_3 = arith.constant 10000 : i32
    %mul3A_4 = arith.muli %add3A, %mul3A_3 : i32
    %run_scoped3A = arith.constant 0 : i32
    "tpu.region"() ({
      %run_scoped3A_141 = tpu.sem_alloc : memref<!tpu.dma_semaphore, #tpu.memory_space<semaphore_mem>>
      %dma_start3A_142 = arith.constant 0 : i32
      %dma_start3A_143 = tpu.memref_slice %arg3[%run_scoped3A, %dma_start3A_142] : memref<2x320000xi32, #tpu.memory_space<hbm>> -> memref<1x320000xi32, #tpu.memory_space<hbm>>
      %dma_start3A_144 = tpu.memref_squeeze %dma_start3A_143 : memref<1x320000xi32, #tpu.memory_space<hbm>> -> memref<320000xi32, #tpu.memory_space<hbm>>
      %dma_start3A_145 = tpu.memref_slice %dma_start3A_144[%mul3A_4] : memref<320000xi32, #tpu.memory_space<hbm>> -> memref<10000xi32, #tpu.memory_space<hbm>>
      %dma_start3A_146 = arith.constant 0 : i32
      %dma_start3A_147 = tpu.memref_slice %arg3[%run_scoped3A, %dma_start3A_146] : memref<2x320000xi32, #tpu.memory_space<hbm>> -> memref<1x320000xi32, #tpu.memory_space<hbm>>
      %dma_start3A_148 = tpu.memref_squeeze %dma_start3A_147 : memref<1x320000xi32, #tpu.memory_space<hbm>> -> memref<320000xi32, #tpu.memory_space<hbm>>
      %dma_start3A_149 = tpu.memref_slice %dma_start3A_148[%mul3A_4] : memref<320000xi32, #tpu.memory_space<hbm>> -> memref<10000xi32, #tpu.memory_space<hbm>>
      tpu.enqueue_dma source(%dma_start3A_149 : memref<10000xi32, #tpu.memory_space<hbm>>) target(%arg7 : memref<10000xi32, #tpu.memory_space<vmem>>) target_semaphore(%run_scoped3A_141 : memref<!tpu.dma_semaphore, #tpu.memory_space<semaphore_mem>>)
      %dma_wait3A_150 = arith.constant 0 : i32
      %dma_wait3A_151 = tpu.memref_slice %arg3[%run_scoped3A, %dma_wait3A_150] : memref<2x320000xi32, #tpu.memory_space<hbm>> -> memref<1x320000xi32, #tpu.memory_space<hbm>>
      %dma_wait3A_152 = tpu.memref_squeeze %dma_wait3A_151 : memref<1x320000xi32, #tpu.memory_space<hbm>> -> memref<320000xi32, #tpu.memory_space<hbm>>
      %dma_wait3A_153 = tpu.memref_slice %dma_wait3A_152[%mul3A_4] : memref<320000xi32, #tpu.memory_space<hbm>> -> memref<10000xi32, #tpu.memory_space<hbm>>
      %dma_wait3A_154 = arith.constant 0 : i32
      %dma_wait3A_155 = tpu.memref_slice %arg3[%run_scoped3A, %dma_wait3A_154] : memref<2x320000xi32, #tpu.memory_space<hbm>> -> memref<1x320000xi32, #tpu.memory_space<hbm>>
      %dma_wait3A_156 = tpu.memref_squeeze %dma_wait3A_155 : memref<1x320000xi32, #tpu.memory_space<hbm>> -> memref<320000xi32, #tpu.memory_space<hbm>>
      %dma_wait3A_157 = tpu.memref_slice %dma_wait3A_156[%mul3A_4] : memref<320000xi32, #tpu.memory_space<hbm>> -> memref<10000xi32, #tpu.memory_space<hbm>>
      tpu.wait_dma2 semaphore(%run_scoped3A_141 : memref<!tpu.dma_semaphore, #tpu.memory_space<semaphore_mem>>) src(%dma_wait3A_157 : memref<10000xi32, #tpu.memory_space<hbm>>) dst(%arg7 : memref<10000xi32, #tpu.memory_space<vmem>>)
      tpu.yield
    }) : () -> ()
    %mul3A_5 = arith.constant 10000 : i32
    %mul3A_6 = arith.muli %add3A, %mul3A_5 : i32
    %run_scoped3A_7 = arith.constant 1 : i32
    "tpu.region"() ({
      %run_scoped3A_141 = tpu.sem_alloc : memref<!tpu.dma_semaphore, #tpu.memory_space<semaphore_mem>>
      %dma_start3A_142 = arith.constant 0 : i32
      %dma_start3A_143 = tpu.memref_slice %arg3[%run_scoped3A_7, %dma_start3A_142] : memref<2x320000xi32, #tpu.memory_space<hbm>> -> memref<1x320000xi32, #tpu.memory_space<hbm>>
      %dma_start3A_144 = tpu.memref_squeeze %dma_start3A_143 : memref<1x320000xi32, #tpu.memory_space<hbm>> -> memref<320000xi32, #tpu.memory_space<hbm>>
      %dma_start3A_145 = tpu.memref_slice %dma_start3A_144[%mul3A_6] : memref<320000xi32, #tpu.memory_space<hbm>> -> memref<10000xi32, #tpu.memory_space<hbm>>
      %dma_start3A_146 = arith.constant 0 : i32
      %dma_start3A_147 = tpu.memref_slice %arg3[%run_scoped3A_7, %dma_start3A_146] : memref<2x320000xi32, #tpu.memory_space<hbm>> -> memref<1x320000xi32, #tpu.memory_space<hbm>>
      %dma_start3A_148 = tpu.memref_squeeze %dma_start3A_147 : memref<1x320000xi32, #tpu.memory_space<hbm>> -> memref<320000xi32, #tpu.memory_space<hbm>>
      %dma_start3A_149 = tpu.memref_slice %dma_start3A_148[%mul3A_6] : memref<320000xi32, #tpu.memory_space<hbm>> -> memref<10000xi32, #tpu.memory_space<hbm>>
      tpu.enqueue_dma source(%dma_start3A_149 : memref<10000xi32, #tpu.memory_space<hbm>>) target(%arg8 : memref<10000xi32, #tpu.memory_space<vmem>>) target_semaphore(%run_scoped3A_141 : memref<!tpu.dma_semaphore, #tpu.memory_space<semaphore_mem>>)
      %dma_wait3A_150 = arith.constant 0 : i32
      %dma_wait3A_151 = tpu.memref_slice %arg3[%run_scoped3A_7, %dma_wait3A_150] : memref<2x320000xi32, #tpu.memory_space<hbm>> -> memref<1x320000xi32, #tpu.memory_space<hbm>>
      %dma_wait3A_152 = tpu.memref_squeeze %dma_wait3A_151 : memref<1x320000xi32, #tpu.memory_space<hbm>> -> memref<320000xi32, #tpu.memory_space<hbm>>
      %dma_wait3A_153 = tpu.memref_slice %dma_wait3A_152[%mul3A_6] : memref<320000xi32, #tpu.memory_space<hbm>> -> memref<10000xi32, #tpu.memory_space<hbm>>
      %dma_wait3A_154 = arith.constant 0 : i32
      %dma_wait3A_155 = tpu.memref_slice %arg3[%run_scoped3A_7, %dma_wait3A_154] : memref<2x320000xi32, #tpu.memory_space<hbm>> -> memref<1x320000xi32, #tpu.memory_space<hbm>>
      %dma_wait3A_156 = tpu.memref_squeeze %dma_wait3A_155 : memref<1x320000xi32, #tpu.memory_space<hbm>> -> memref<320000xi32, #tpu.memory_space<hbm>>
      %dma_wait3A_157 = tpu.memref_slice %dma_wait3A_156[%mul3A_6] : memref<320000xi32, #tpu.memory_space<hbm>> -> memref<10000xi32, #tpu.memory_space<hbm>>
      tpu.wait_dma2 semaphore(%run_scoped3A_141 : memref<!tpu.dma_semaphore, #tpu.memory_space<semaphore_mem>>) src(%dma_wait3A_157 : memref<10000xi32, #tpu.memory_space<hbm>>) dst(%arg8 : memref<10000xi32, #tpu.memory_space<vmem>>)
      tpu.yield
    }) : () -> ()
    %barrier3A = arith.constant 0 : index
    tpu.barrier barrier_id(%barrier3A)
    %multiple_of3A = arith.constant 0 : i32
    %multiple_of3A_8 = tpu.assume_multiple %multiple_of3A, 8 : i32
    %dma_start3A = arith.constant 0 : i32
    %dma_start3A_9 = arith.constant 0 : i32
    %dma_start3A_10 = arith.constant 0 : i32
    %dma_start3A_11 = tpu.memref_slice %arg9[%dma_start3A, %dma_start3A_9, %dma_start3A_10] : memref<10x40x64xf32, #tpu.memory_space<vmem>> -> memref<1x40x64xf32, #tpu.memory_space<vmem>>
    %dma_start3A_12 = tpu.memref_squeeze %dma_start3A_11 : memref<1x40x64xf32, #tpu.memory_space<vmem>> -> memref<40x64xf32, #tpu.memory_space<vmem>>
    %dma_start3A_13 = tpu.memref_slice %arg7[%multiple_of3A_8] : memref<10000xi32, #tpu.memory_space<vmem>> -> memref<40xi32, #tpu.memory_space<vmem>>
    %dma_start3A_14 = arith.constant 0 : i32
    %dma_start3A_15 = arith.constant 0 : i32
    %dma_start3A_16 = tpu.memref_slice %arg2[%dma_start3A_14, %dma_start3A_15] : memref<10000x64xf32, #tpu.memory_space<hbm>> -> memref<10000x64xf32, #tpu.memory_space<hbm>>
    tpu.enqueue_indirect_dma source(%dma_start3A_16 : memref<10000x64xf32, #tpu.memory_space<hbm>>) target(%dma_start3A_12 : memref<40x64xf32, #tpu.memory_space<vmem>>) offsets(%dma_start3A_13 : memref<40xi32, #tpu.memory_space<vmem>>) semaphore(%arg10 : memref<!tpu.dma_semaphore, #tpu.memory_space<semaphore_mem>>)
    %multiple_of3A_17 = arith.constant 40 : i32
    %multiple_of3A_18 = tpu.assume_multiple %multiple_of3A_17, 8 : i32
    %dma_start3A_19 = arith.constant 1 : i32
    %dma_start3A_20 = arith.constant 0 : i32
    %dma_start3A_21 = arith.constant 0 : i32
    %dma_start3A_22 = tpu.memref_slice %arg9[%dma_start3A_19, %dma_start3A_20, %dma_start3A_21] : memref<10x40x64xf32, #tpu.memory_space<vmem>> -> memref<1x40x64xf32, #tpu.memory_space<vmem>>
    %dma_start3A_23 = tpu.memref_squeeze %dma_start3A_22 : memref<1x40x64xf32, #tpu.memory_space<vmem>> -> memref<40x64xf32, #tpu.memory_space<vmem>>
    %dma_start3A_24 = tpu.memref_slice %arg7[%multiple_of3A_18] : memref<10000xi32, #tpu.memory_space<vmem>> -> memref<40xi32, #tpu.memory_space<vmem>>
    %dma_start3A_25 = arith.constant 0 : i32
    %dma_start3A_26 = arith.constant 0 : i32
    %dma_start3A_27 = tpu.memref_slice %arg2[%dma_start3A_25, %dma_start3A_26] : memref<10000x64xf32, #tpu.memory_space<hbm>> -> memref<10000x64xf32, #tpu.memory_space<hbm>>
    tpu.enqueue_indirect_dma source(%dma_start3A_27 : memref<10000x64xf32, #tpu.memory_space<hbm>>) target(%dma_start3A_23 : memref<40x64xf32, #tpu.memory_space<vmem>>) offsets(%dma_start3A_24 : memref<40xi32, #tpu.memory_space<vmem>>) semaphore(%arg10 : memref<!tpu.dma_semaphore, #tpu.memory_space<semaphore_mem>>)
    %multiple_of3A_28 = arith.constant 80 : i32
    %multiple_of3A_29 = tpu.assume_multiple %multiple_of3A_28, 8 : i32
    %dma_start3A_30 = arith.constant 2 : i32
    %dma_start3A_31 = arith.constant 0 : i32
    %dma_start3A_32 = arith.constant 0 : i32
    %dma_start3A_33 = tpu.memref_slice %arg9[%dma_start3A_30, %dma_start3A_31, %dma_start3A_32] : memref<10x40x64xf32, #tpu.memory_space<vmem>> -> memref<1x40x64xf32, #tpu.memory_space<vmem>>
    %dma_start3A_34 = tpu.memref_squeeze %dma_start3A_33 : memref<1x40x64xf32, #tpu.memory_space<vmem>> -> memref<40x64xf32, #tpu.memory_space<vmem>>
    %dma_start3A_35 = tpu.memref_slice %arg7[%multiple_of3A_29] : memref<10000xi32, #tpu.memory_space<vmem>> -> memref<40xi32, #tpu.memory_space<vmem>>
    %dma_start3A_36 = arith.constant 0 : i32
    %dma_start3A_37 = arith.constant 0 : i32
    %dma_start3A_38 = tpu.memref_slice %arg2[%dma_start3A_36, %dma_start3A_37] : memref<10000x64xf32, #tpu.memory_space<hbm>> -> memref<10000x64xf32, #tpu.memory_space<hbm>>
    tpu.enqueue_indirect_dma source(%dma_start3A_38 : memref<10000x64xf32, #tpu.memory_space<hbm>>) target(%dma_start3A_34 : memref<40x64xf32, #tpu.memory_space<vmem>>) offsets(%dma_start3A_35 : memref<40xi32, #tpu.memory_space<vmem>>) semaphore(%arg10 : memref<!tpu.dma_semaphore, #tpu.memory_space<semaphore_mem>>)
    %multiple_of3A_39 = arith.constant 120 : i32
    %multiple_of3A_40 = tpu.assume_multiple %multiple_of3A_39, 8 : i32
    %dma_start3A_41 = arith.constant 3 : i32
    %dma_start3A_42 = arith.constant 0 : i32
    %dma_start3A_43 = arith.constant 0 : i32
    %dma_start3A_44 = tpu.memref_slice %arg9[%dma_start3A_41, %dma_start3A_42, %dma_start3A_43] : memref<10x40x64xf32, #tpu.memory_space<vmem>> -> memref<1x40x64xf32, #tpu.memory_space<vmem>>
    %dma_start3A_45 = tpu.memref_squeeze %dma_start3A_44 : memref<1x40x64xf32, #tpu.memory_space<vmem>> -> memref<40x64xf32, #tpu.memory_space<vmem>>
    %dma_start3A_46 = tpu.memref_slice %arg7[%multiple_of3A_40] : memref<10000xi32, #tpu.memory_space<vmem>> -> memref<40xi32, #tpu.memory_space<vmem>>
    %dma_start3A_47 = arith.constant 0 : i32
    %dma_start3A_48 = arith.constant 0 : i32
    %dma_start3A_49 = tpu.memref_slice %arg2[%dma_start3A_47, %dma_start3A_48] : memref<10000x64xf32, #tpu.memory_space<hbm>> -> memref<10000x64xf32, #tpu.memory_space<hbm>>
    tpu.enqueue_indirect_dma source(%dma_start3A_49 : memref<10000x64xf32, #tpu.memory_space<hbm>>) target(%dma_start3A_45 : memref<40x64xf32, #tpu.memory_space<vmem>>) offsets(%dma_start3A_46 : memref<40xi32, #tpu.memory_space<vmem>>) semaphore(%arg10 : memref<!tpu.dma_semaphore, #tpu.memory_space<semaphore_mem>>)
    %multiple_of3A_50 = arith.constant 160 : i32
    %multiple_of3A_51 = tpu.assume_multiple %multiple_of3A_50, 8 : i32
    %dma_start3A_52 = arith.constant 4 : i32
    %dma_start3A_53 = arith.constant 0 : i32
    %dma_start3A_54 = arith.constant 0 : i32
    %dma_start3A_55 = tpu.memref_slice %arg9[%dma_start3A_52, %dma_start3A_53, %dma_start3A_54] : memref<10x40x64xf32, #tpu.memory_space<vmem>> -> memref<1x40x64xf32, #tpu.memory_space<vmem>>
    %dma_start3A_56 = tpu.memref_squeeze %dma_start3A_55 : memref<1x40x64xf32, #tpu.memory_space<vmem>> -> memref<40x64xf32, #tpu.memory_space<vmem>>
    %dma_start3A_57 = tpu.memref_slice %arg7[%multiple_of3A_51] : memref<10000xi32, #tpu.memory_space<vmem>> -> memref<40xi32, #tpu.memory_space<vmem>>
    %dma_start3A_58 = arith.constant 0 : i32
    %dma_start3A_59 = arith.constant 0 : i32
    %dma_start3A_60 = tpu.memref_slice %arg2[%dma_start3A_58, %dma_start3A_59] : memref<10000x64xf32, #tpu.memory_space<hbm>> -> memref<10000x64xf32, #tpu.memory_space<hbm>>
    tpu.enqueue_indirect_dma source(%dma_start3A_60 : memref<10000x64xf32, #tpu.memory_space<hbm>>) target(%dma_start3A_56 : memref<40x64xf32, #tpu.memory_space<vmem>>) offsets(%dma_start3A_57 : memref<40xi32, #tpu.memory_space<vmem>>) semaphore(%arg10 : memref<!tpu.dma_semaphore, #tpu.memory_space<semaphore_mem>>)
    %scan3A = arith.constant 0 : i32
    %scan3A_61 = arith.constant 0 : i32
    %scan3A_62 = arith.constant 25 : i32
    %scan3A_63 = arith.addi %scan3A_61, %scan3A_62 : i32
    %scan3A_64 = arith.constant 1 : i32
    scf.for %scan3A_141 = %scan3A_61 to %scan3A_63 step %scan3A_64  : i32 {
      %mul3A_142 = arith.constant 2 : i32
      %mul3A_143 = arith.muli %scan3A_141, %mul3A_142 : i32
      %mul3A_144 = arith.constant 5 : i32
      %mul3A_145 = arith.muli %mul3A_143, %mul3A_144 : i32
      %gt3A = arith.constant 0 : i32
      %gt3A_146 = arith.cmpi sgt, %scan3A_141, %gt3A : i32
      %convert_element_type3A = arith.extui %gt3A_146 : i1 to i32
      %cond3A = arith.constant 0 : i32
      %cond3A_147 = arith.cmpi ne, %convert_element_type3A, %cond3A : i32
      scf.if %cond3A_147 {
        %dma_wait3A_591 = arith.constant 0 : i32
        %dma_wait3A_592 = arith.constant 0 : i32
        %dma_wait3A_593 = arith.constant 0 : i32
        %dma_wait3A_594 = tpu.memref_slice %arg9[%dma_wait3A_591, %dma_wait3A_592, %dma_wait3A_593] : memref<10x40x64xf32, #tpu.memory_space<vmem>> -> memref<1x40x64xf32, #tpu.memory_space<vmem>>
        %dma_wait3A_595 = tpu.memref_squeeze %dma_wait3A_594 : memref<1x40x64xf32, #tpu.memory_space<vmem>> -> memref<40x64xf32, #tpu.memory_space<vmem>>
        %dma_wait3A_596 = arith.constant 0 : i32
        %dma_wait3A_597 = arith.constant 0 : i32
        %dma_wait3A_598 = tpu.memref_slice %arg2[%dma_wait3A_596, %dma_wait3A_597] : memref<10000x64xf32, #tpu.memory_space<hbm>> -> memref<40x64xf32, #tpu.memory_space<hbm>>
        %dma_wait3A_599 = arith.constant 0 : i32
        %dma_wait3A_600 = arith.constant 0 : i32
        %dma_wait3A_601 = tpu.memref_slice %arg9[%dma_wait3A_591, %dma_wait3A_599, %dma_wait3A_600] : memref<10x40x64xf32, #tpu.memory_space<vmem>> -> memref<1x40x64xf32, #tpu.memory_space<vmem>>
        %dma_wait3A_602 = tpu.memref_squeeze %dma_wait3A_601 : memref<1x40x64xf32, #tpu.memory_space<vmem>> -> memref<40x64xf32, #tpu.memory_space<vmem>>
        %dma_wait3A_603 = arith.constant 0 : i32
        %dma_wait3A_604 = arith.constant 0 : i32
        %dma_wait3A_605 = tpu.memref_slice %arg2[%dma_wait3A_603, %dma_wait3A_604] : memref<10000x64xf32, #tpu.memory_space<hbm>> -> memref<40x64xf32, #tpu.memory_space<hbm>>
        tpu.wait_dma2 semaphore(%arg13 : memref<!tpu.dma_semaphore, #tpu.memory_space<semaphore_mem>>) src(%dma_wait3A_605 : memref<40x64xf32, #tpu.memory_space<hbm>>) dst(%dma_wait3A_602 : memref<40x64xf32, #tpu.memory_space<vmem>>)
        %dma_wait3A_606 = arith.constant 0 : i32
        %dma_wait3A_607 = arith.constant 0 : i32
        %dma_wait3A_608 = arith.constant 0 : i32
        %dma_wait3A_609 = tpu.memref_slice %arg9[%dma_wait3A_606, %dma_wait3A_607, %dma_wait3A_608] : memref<10x40x64xf32, #tpu.memory_space<vmem>> -> memref<1x40x64xf32, #tpu.memory_space<vmem>>
        %dma_wait3A_610 = tpu.memref_squeeze %dma_wait3A_609 : memref<1x40x64xf32, #tpu.memory_space<vmem>> -> memref<40x64xf32, #tpu.memory_space<vmem>>
        %dma_wait3A_611 = arith.constant 0 : i32
        %dma_wait3A_612 = arith.constant 0 : i32
        %dma_wait3A_613 = tpu.memref_slice %arg2[%dma_wait3A_611, %dma_wait3A_612] : memref<10000x64xf32, #tpu.memory_space<hbm>> -> memref<40x64xf32, #tpu.memory_space<hbm>>
        %dma_wait3A_614 = arith.constant 0 : i32
        %dma_wait3A_615 = arith.constant 0 : i32
        %dma_wait3A_616 = tpu.memref_slice %arg9[%dma_wait3A_606, %dma_wait3A_614, %dma_wait3A_615] : memref<10x40x64xf32, #tpu.memory_space<vmem>> -> memref<1x40x64xf32, #tpu.memory_space<vmem>>
        %dma_wait3A_617 = tpu.memref_squeeze %dma_wait3A_616 : memref<1x40x64xf32, #tpu.memory_space<vmem>> -> memref<40x64xf32, #tpu.memory_space<vmem>>
        %dma_wait3A_618 = arith.constant 0 : i32
        %dma_wait3A_619 = arith.constant 0 : i32
        %dma_wait3A_620 = tpu.memref_slice %arg2[%dma_wait3A_618, %dma_wait3A_619] : memref<10000x64xf32, #tpu.memory_space<hbm>> -> memref<40x64xf32, #tpu.memory_space<hbm>>
        tpu.wait_dma2 semaphore(%arg13 : memref<!tpu.dma_semaphore, #tpu.memory_space<semaphore_mem>>) src(%dma_wait3A_620 : memref<40x64xf32, #tpu.memory_space<hbm>>) dst(%dma_wait3A_617 : memref<40x64xf32, #tpu.memory_space<vmem>>)
        %dma_wait3A_621 = arith.constant 0 : i32
        %dma_wait3A_622 = arith.constant 0 : i32
        %dma_wait3A_623 = arith.constant 0 : i32
        %dma_wait3A_624 = tpu.memref_slice %arg9[%dma_wait3A_621, %dma_wait3A_622, %dma_wait3A_623] : memref<10x40x64xf32, #tpu.memory_space<vmem>> -> memref<1x40x64xf32, #tpu.memory_space<vmem>>
        %dma_wait3A_625 = tpu.memref_squeeze %dma_wait3A_624 : memref<1x40x64xf32, #tpu.memory_space<vmem>> -> memref<40x64xf32, #tpu.memory_space<vmem>>
        %dma_wait3A_626 = arith.constant 0 : i32
        %dma_wait3A_627 = arith.constant 0 : i32
        %dma_wait3A_628 = tpu.memref_slice %arg2[%dma_wait3A_626, %dma_wait3A_627] : memref<10000x64xf32, #tpu.memory_space<hbm>> -> memref<40x64xf32, #tpu.memory_space<hbm>>
        %dma_wait3A_629 = arith.constant 0 : i32
        %dma_wait3A_630 = arith.constant 0 : i32
        %dma_wait3A_631 = tpu.memref_slice %arg9[%dma_wait3A_621, %dma_wait3A_629, %dma_wait3A_630] : memref<10x40x64xf32, #tpu.memory_space<vmem>> -> memref<1x40x64xf32, #tpu.memory_space<vmem>>
        %dma_wait3A_632 = tpu.memref_squeeze %dma_wait3A_631 : memref<1x40x64xf32, #tpu.memory_space<vmem>> -> memref<40x64xf32, #tpu.memory_space<vmem>>
        %dma_wait3A_633 = arith.constant 0 : i32
        %dma_wait3A_634 = arith.constant 0 : i32
        %dma_wait3A_635 = tpu.memref_slice %arg2[%dma_wait3A_633, %dma_wait3A_634] : memref<10000x64xf32, #tpu.memory_space<hbm>> -> memref<40x64xf32, #tpu.memory_space<hbm>>
        tpu.wait_dma2 semaphore(%arg13 : memref<!tpu.dma_semaphore, #tpu.memory_space<semaphore_mem>>) src(%dma_wait3A_635 : memref<40x64xf32, #tpu.memory_space<hbm>>) dst(%dma_wait3A_632 : memref<40x64xf32, #tpu.memory_space<vmem>>)
        %dma_wait3A_636 = arith.constant 0 : i32
        %dma_wait3A_637 = arith.constant 0 : i32
        %dma_wait3A_638 = arith.constant 0 : i32
        %dma_wait3A_639 = tpu.memref_slice %arg9[%dma_wait3A_636, %dma_wait3A_637, %dma_wait3A_638] : memref<10x40x64xf32, #tpu.memory_space<vmem>> -> memref<1x40x64xf32, #tpu.memory_space<vmem>>
        %dma_wait3A_640 = tpu.memref_squeeze %dma_wait3A_639 : memref<1x40x64xf32, #tpu.memory_space<vmem>> -> memref<40x64xf32, #tpu.memory_space<vmem>>
        %dma_wait3A_641 = arith.constant 0 : i32
        %dma_wait3A_642 = arith.constant 0 : i32
        %dma_wait3A_643 = tpu.memref_slice %arg2[%dma_wait3A_641, %dma_wait3A_642] : memref<10000x64xf32, #tpu.memory_space<hbm>> -> memref<40x64xf32, #tpu.memory_space<hbm>>
        %dma_wait3A_644 = arith.constant 0 : i32
        %dma_wait3A_645 = arith.constant 0 : i32
        %dma_wait3A_646 = tpu.memref_slice %arg9[%dma_wait3A_636, %dma_wait3A_644, %dma_wait3A_645] : memref<10x40x64xf32, #tpu.memory_space<vmem>> -> memref<1x40x64xf32, #tpu.memory_space<vmem>>
        %dma_wait3A_647 = tpu.memref_squeeze %dma_wait3A_646 : memref<1x40x64xf32, #tpu.memory_space<vmem>> -> memref<40x64xf32, #tpu.memory_space<vmem>>
        %dma_wait3A_648 = arith.constant 0 : i32
        %dma_wait3A_649 = arith.constant 0 : i32
        %dma_wait3A_650 = tpu.memref_slice %arg2[%dma_wait3A_648, %dma_wait3A_649] : memref<10000x64xf32, #tpu.memory_space<hbm>> -> memref<40x64xf32, #tpu.memory_space<hbm>>
        tpu.wait_dma2 semaphore(%arg13 : memref<!tpu.dma_semaphore, #tpu.memory_space<semaphore_mem>>) src(%dma_wait3A_650 : memref<40x64xf32, #tpu.memory_space<hbm>>) dst(%dma_wait3A_647 : memref<40x64xf32, #tpu.memory_space<vmem>>)
        %dma_wait3A_651 = arith.constant 0 : i32
        %dma_wait3A_652 = arith.constant 0 : i32
        %dma_wait3A_653 = arith.constant 0 : i32
        %dma_wait3A_654 = tpu.memref_slice %arg9[%dma_wait3A_651, %dma_wait3A_652, %dma_wait3A_653] : memref<10x40x64xf32, #tpu.memory_space<vmem>> -> memref<1x40x64xf32, #tpu.memory_space<vmem>>
        %dma_wait3A_655 = tpu.memref_squeeze %dma_wait3A_654 : memref<1x40x64xf32, #tpu.memory_space<vmem>> -> memref<40x64xf32, #tpu.memory_space<vmem>>
        %dma_wait3A_656 = arith.constant 0 : i32
        %dma_wait3A_657 = arith.constant 0 : i32
        %dma_wait3A_658 = tpu.memref_slice %arg2[%dma_wait3A_656, %dma_wait3A_657] : memref<10000x64xf32, #tpu.memory_space<hbm>> -> memref<40x64xf32, #tpu.memory_space<hbm>>
        %dma_wait3A_659 = arith.constant 0 : i32
        %dma_wait3A_660 = arith.constant 0 : i32
        %dma_wait3A_661 = tpu.memref_slice %arg9[%dma_wait3A_651, %dma_wait3A_659, %dma_wait3A_660] : memref<10x40x64xf32, #tpu.memory_space<vmem>> -> memref<1x40x64xf32, #tpu.memory_space<vmem>>
        %dma_wait3A_662 = tpu.memref_squeeze %dma_wait3A_661 : memref<1x40x64xf32, #tpu.memory_space<vmem>> -> memref<40x64xf32, #tpu.memory_space<vmem>>
        %dma_wait3A_663 = arith.constant 0 : i32
        %dma_wait3A_664 = arith.constant 0 : i32
        %dma_wait3A_665 = tpu.memref_slice %arg2[%dma_wait3A_663, %dma_wait3A_664] : memref<10000x64xf32, #tpu.memory_space<hbm>> -> memref<40x64xf32, #tpu.memory_space<hbm>>
        tpu.wait_dma2 semaphore(%arg13 : memref<!tpu.dma_semaphore, #tpu.memory_space<semaphore_mem>>) src(%dma_wait3A_665 : memref<40x64xf32, #tpu.memory_space<hbm>>) dst(%dma_wait3A_662 : memref<40x64xf32, #tpu.memory_space<vmem>>)
      } else {
      }
      %add3A_148 = arith.constant 5 : i32
      %add3A_149 = arith.addi %mul3A_145, %add3A_148 : i32
      %add3A_150 = arith.constant 0 : i32
      %add3A_151 = arith.addi %add3A_149, %add3A_150 : i32
      %mul3A_152 = arith.constant 40 : i32
      %mul3A_153 = arith.muli %add3A_151, %mul3A_152 : i32
      %multiple_of3A_154 = tpu.assume_multiple %mul3A_153, 8 : i32
      %dma_start3A_155 = arith.constant 5 : i32
      %dma_start3A_156 = arith.constant 0 : i32
      %dma_start3A_157 = arith.constant 0 : i32
      %dma_start3A_158 = tpu.memref_slice %arg9[%dma_start3A_155, %dma_start3A_156, %dma_start3A_157] : memref<10x40x64xf32, #tpu.memory_space<vmem>> -> memref<1x40x64xf32, #tpu.memory_space<vmem>>
      %dma_start3A_159 = tpu.memref_squeeze %dma_start3A_158 : memref<1x40x64xf32, #tpu.memory_space<vmem>> -> memref<40x64xf32, #tpu.memory_space<vmem>>
      %dma_start3A_160 = tpu.memref_slice %arg7[%multiple_of3A_154] : memref<10000xi32, #tpu.memory_space<vmem>> -> memref<40xi32, #tpu.memory_space<vmem>>
      %dma_start3A_161 = arith.constant 0 : i32
      %dma_start3A_162 = arith.constant 0 : i32
      %dma_start3A_163 = tpu.memref_slice %arg2[%dma_start3A_161, %dma_start3A_162] : memref<10000x64xf32, #tpu.memory_space<hbm>> -> memref<10000x64xf32, #tpu.memory_space<hbm>>
      tpu.enqueue_indirect_dma source(%dma_start3A_163 : memref<10000x64xf32, #tpu.memory_space<hbm>>) target(%dma_start3A_159 : memref<40x64xf32, #tpu.memory_space<vmem>>) offsets(%dma_start3A_160 : memref<40xi32, #tpu.memory_space<vmem>>) semaphore(%arg11 : memref<!tpu.dma_semaphore, #tpu.memory_space<semaphore_mem>>)
      %add3A_164 = arith.constant 1 : i32
      %add3A_165 = arith.addi %add3A_149, %add3A_164 : i32
      %mul3A_166 = arith.constant 40 : i32
      %mul3A_167 = arith.muli %add3A_165, %mul3A_166 : i32
      %multiple_of3A_168 = tpu.assume_multiple %mul3A_167, 8 : i32
      %dma_start3A_169 = arith.constant 6 : i32
      %dma_start3A_170 = arith.constant 0 : i32
      %dma_start3A_171 = arith.constant 0 : i32
      %dma_start3A_172 = tpu.memref_slice %arg9[%dma_start3A_169, %dma_start3A_170, %dma_start3A_171] : memref<10x40x64xf32, #tpu.memory_space<vmem>> -> memref<1x40x64xf32, #tpu.memory_space<vmem>>
      %dma_start3A_173 = tpu.memref_squeeze %dma_start3A_172 : memref<1x40x64xf32, #tpu.memory_space<vmem>> -> memref<40x64xf32, #tpu.memory_space<vmem>>
      %dma_start3A_174 = tpu.memref_slice %arg7[%multiple_of3A_168] : memref<10000xi32, #tpu.memory_space<vmem>> -> memref<40xi32, #tpu.memory_space<vmem>>
      %dma_start3A_175 = arith.constant 0 : i32
      %dma_start3A_176 = arith.constant 0 : i32
      %dma_start3A_177 = tpu.memref_slice %arg2[%dma_start3A_175, %dma_start3A_176] : memref<10000x64xf32, #tpu.memory_space<hbm>> -> memref<10000x64xf32, #tpu.memory_space<hbm>>
      tpu.enqueue_indirect_dma source(%dma_start3A_177 : memref<10000x64xf32, #tpu.memory_space<hbm>>) target(%dma_start3A_173 : memref<40x64xf32, #tpu.memory_space<vmem>>) offsets(%dma_start3A_174 : memref<40xi32, #tpu.memory_space<vmem>>) semaphore(%arg11 : memref<!tpu.dma_semaphore, #tpu.memory_space<semaphore_mem>>)
      %add3A_178 = arith.constant 2 : i32
      %add3A_179 = arith.addi %add3A_149, %add3A_178 : i32
      %mul3A_180 = arith.constant 40 : i32
      %mul3A_181 = arith.muli %add3A_179, %mul3A_180 : i32
      %multiple_of3A_182 = tpu.assume_multiple %mul3A_181, 8 : i32
      %dma_start3A_183 = arith.constant 7 : i32
      %dma_start3A_184 = arith.constant 0 : i32
      %dma_start3A_185 = arith.constant 0 : i32
      %dma_start3A_186 = tpu.memref_slice %arg9[%dma_start3A_183, %dma_start3A_184, %dma_start3A_185] : memref<10x40x64xf32, #tpu.memory_space<vmem>> -> memref<1x40x64xf32, #tpu.memory_space<vmem>>
      %dma_start3A_187 = tpu.memref_squeeze %dma_start3A_186 : memref<1x40x64xf32, #tpu.memory_space<vmem>> -> memref<40x64xf32, #tpu.memory_space<vmem>>
      %dma_start3A_188 = tpu.memref_slice %arg7[%multiple_of3A_182] : memref<10000xi32, #tpu.memory_space<vmem>> -> memref<40xi32, #tpu.memory_space<vmem>>
      %dma_start3A_189 = arith.constant 0 : i32
      %dma_start3A_190 = arith.constant 0 : i32
      %dma_start3A_191 = tpu.memref_slice %arg2[%dma_start3A_189, %dma_start3A_190] : memref<10000x64xf32, #tpu.memory_space<hbm>> -> memref<10000x64xf32, #tpu.memory_space<hbm>>
      tpu.enqueue_indirect_dma source(%dma_start3A_191 : memref<10000x64xf32, #tpu.memory_space<hbm>>) target(%dma_start3A_187 : memref<40x64xf32, #tpu.memory_space<vmem>>) offsets(%dma_start3A_188 : memref<40xi32, #tpu.memory_space<vmem>>) semaphore(%arg11 : memref<!tpu.dma_semaphore, #tpu.memory_space<semaphore_mem>>)
      %add3A_192 = arith.constant 3 : i32
      %add3A_193 = arith.addi %add3A_149, %add3A_192 : i32
      %mul3A_194 = arith.constant 40 : i32
      %mul3A_195 = arith.muli %add3A_193, %mul3A_194 : i32
      %multiple_of3A_196 = tpu.assume_multiple %mul3A_195, 8 : i32
      %dma_start3A_197 = arith.constant 8 : i32
      %dma_start3A_198 = arith.constant 0 : i32
      %dma_start3A_199 = arith.constant 0 : i32
      %dma_start3A_200 = tpu.memref_slice %arg9[%dma_start3A_197, %dma_start3A_198, %dma_start3A_199] : memref<10x40x64xf32, #tpu.memory_space<vmem>> -> memref<1x40x64xf32, #tpu.memory_space<vmem>>
      %dma_start3A_201 = tpu.memref_squeeze %dma_start3A_200 : memref<1x40x64xf32, #tpu.memory_space<vmem>> -> memref<40x64xf32, #tpu.memory_space<vmem>>
      %dma_start3A_202 = tpu.memref_slice %arg7[%multiple_of3A_196] : memref<10000xi32, #tpu.memory_space<vmem>> -> memref<40xi32, #tpu.memory_space<vmem>>
      %dma_start3A_203 = arith.constant 0 : i32
      %dma_start3A_204 = arith.constant 0 : i32
      %dma_start3A_205 = tpu.memref_slice %arg2[%dma_start3A_203, %dma_start3A_204] : memref<10000x64xf32, #tpu.memory_space<hbm>> -> memref<10000x64xf32, #tpu.memory_space<hbm>>
      tpu.enqueue_indirect_dma source(%dma_start3A_205 : memref<10000x64xf32, #tpu.memory_space<hbm>>) target(%dma_start3A_201 : memref<40x64xf32, #tpu.memory_space<vmem>>) offsets(%dma_start3A_202 : memref<40xi32, #tpu.memory_space<vmem>>) semaphore(%arg11 : memref<!tpu.dma_semaphore, #tpu.memory_space<semaphore_mem>>)
      %add3A_206 = arith.constant 4 : i32
      %add3A_207 = arith.addi %add3A_149, %add3A_206 : i32
      %mul3A_208 = arith.constant 40 : i32
      %mul3A_209 = arith.muli %add3A_207, %mul3A_208 : i32
      %multiple_of3A_210 = tpu.assume_multiple %mul3A_209, 8 : i32
      %dma_start3A_211 = arith.constant 9 : i32
      %dma_start3A_212 = arith.constant 0 : i32
      %dma_start3A_213 = arith.constant 0 : i32
      %dma_start3A_214 = tpu.memref_slice %arg9[%dma_start3A_211, %dma_start3A_212, %dma_start3A_213] : memref<10x40x64xf32, #tpu.memory_space<vmem>> -> memref<1x40x64xf32, #tpu.memory_space<vmem>>
      %dma_start3A_215 = tpu.memref_squeeze %dma_start3A_214 : memref<1x40x64xf32, #tpu.memory_space<vmem>> -> memref<40x64xf32, #tpu.memory_space<vmem>>
      %dma_start3A_216 = tpu.memref_slice %arg7[%multiple_of3A_210] : memref<10000xi32, #tpu.memory_space<vmem>> -> memref<40xi32, #tpu.memory_space<vmem>>
      %dma_start3A_217 = arith.constant 0 : i32
      %dma_start3A_218 = arith.constant 0 : i32
      %dma_start3A_219 = tpu.memref_slice %arg2[%dma_start3A_217, %dma_start3A_218] : memref<10000x64xf32, #tpu.memory_space<hbm>> -> memref<10000x64xf32, #tpu.memory_space<hbm>>
      tpu.enqueue_indirect_dma source(%dma_start3A_219 : memref<10000x64xf32, #tpu.memory_space<hbm>>) target(%dma_start3A_215 : memref<40x64xf32, #tpu.memory_space<vmem>>) offsets(%dma_start3A_216 : memref<40xi32, #tpu.memory_space<vmem>>) semaphore(%arg11 : memref<!tpu.dma_semaphore, #tpu.memory_space<semaphore_mem>>)
      %dma_wait3A_220 = arith.constant 0 : i32
      %dma_wait3A_221 = arith.constant 0 : i32
      %dma_wait3A_222 = arith.constant 0 : i32
      %dma_wait3A_223 = tpu.memref_slice %arg9[%dma_wait3A_220, %dma_wait3A_221, %dma_wait3A_222] : memref<10x40x64xf32, #tpu.memory_space<vmem>> -> memref<1x40x64xf32, #tpu.memory_space<vmem>>
      %dma_wait3A_224 = tpu.memref_squeeze %dma_wait3A_223 : memref<1x40x64xf32, #tpu.memory_space<vmem>> -> memref<40x64xf32, #tpu.memory_space<vmem>>
      %dma_wait3A_225 = arith.constant 0 : i32
      %dma_wait3A_226 = arith.constant 0 : i32
      %dma_wait3A_227 = tpu.memref_slice %arg2[%dma_wait3A_225, %dma_wait3A_226] : memref<10000x64xf32, #tpu.memory_space<hbm>> -> memref<40x64xf32, #tpu.memory_space<hbm>>
      %dma_wait3A_228 = arith.constant 0 : i32
      %dma_wait3A_229 = arith.constant 0 : i32
      %dma_wait3A_230 = tpu.memref_slice %arg9[%dma_wait3A_220, %dma_wait3A_228, %dma_wait3A_229] : memref<10x40x64xf32, #tpu.memory_space<vmem>> -> memref<1x40x64xf32, #tpu.memory_space<vmem>>
      %dma_wait3A_231 = tpu.memref_squeeze %dma_wait3A_230 : memref<1x40x64xf32, #tpu.memory_space<vmem>> -> memref<40x64xf32, #tpu.memory_space<vmem>>
      %dma_wait3A_232 = arith.constant 0 : i32
      %dma_wait3A_233 = arith.constant 0 : i32
      %dma_wait3A_234 = tpu.memref_slice %arg2[%dma_wait3A_232, %dma_wait3A_233] : memref<10000x64xf32, #tpu.memory_space<hbm>> -> memref<40x64xf32, #tpu.memory_space<hbm>>
      tpu.wait_dma2 semaphore(%arg10 : memref<!tpu.dma_semaphore, #tpu.memory_space<semaphore_mem>>) src(%dma_wait3A_234 : memref<40x64xf32, #tpu.memory_space<hbm>>) dst(%dma_wait3A_231 : memref<40x64xf32, #tpu.memory_space<vmem>>)
      %dma_wait3A_235 = arith.constant 0 : i32
      %dma_wait3A_236 = arith.constant 0 : i32
      %dma_wait3A_237 = arith.constant 0 : i32
      %dma_wait3A_238 = tpu.memref_slice %arg9[%dma_wait3A_235, %dma_wait3A_236, %dma_wait3A_237] : memref<10x40x64xf32, #tpu.memory_space<vmem>> -> memref<1x40x64xf32, #tpu.memory_space<vmem>>
      %dma_wait3A_239 = tpu.memref_squeeze %dma_wait3A_238 : memref<1x40x64xf32, #tpu.memory_space<vmem>> -> memref<40x64xf32, #tpu.memory_space<vmem>>
      %dma_wait3A_240 = arith.constant 0 : i32
      %dma_wait3A_241 = arith.constant 0 : i32
      %dma_wait3A_242 = tpu.memref_slice %arg2[%dma_wait3A_240, %dma_wait3A_241] : memref<10000x64xf32, #tpu.memory_space<hbm>> -> memref<40x64xf32, #tpu.memory_space<hbm>>
      %dma_wait3A_243 = arith.constant 0 : i32
      %dma_wait3A_244 = arith.constant 0 : i32
      %dma_wait3A_245 = tpu.memref_slice %arg9[%dma_wait3A_235, %dma_wait3A_243, %dma_wait3A_244] : memref<10x40x64xf32, #tpu.memory_space<vmem>> -> memref<1x40x64xf32, #tpu.memory_space<vmem>>
      %dma_wait3A_246 = tpu.memref_squeeze %dma_wait3A_245 : memref<1x40x64xf32, #tpu.memory_space<vmem>> -> memref<40x64xf32, #tpu.memory_space<vmem>>
      %dma_wait3A_247 = arith.constant 0 : i32
      %dma_wait3A_248 = arith.constant 0 : i32
      %dma_wait3A_249 = tpu.memref_slice %arg2[%dma_wait3A_247, %dma_wait3A_248] : memref<10000x64xf32, #tpu.memory_space<hbm>> -> memref<40x64xf32, #tpu.memory_space<hbm>>
      tpu.wait_dma2 semaphore(%arg10 : memref<!tpu.dma_semaphore, #tpu.memory_space<semaphore_mem>>) src(%dma_wait3A_249 : memref<40x64xf32, #tpu.memory_space<hbm>>) dst(%dma_wait3A_246 : memref<40x64xf32, #tpu.memory_space<vmem>>)
      %dma_wait3A_250 = arith.constant 0 : i32
      %dma_wait3A_251 = arith.constant 0 : i32
      %dma_wait3A_252 = arith.constant 0 : i32
      %dma_wait3A_253 = tpu.memref_slice %arg9[%dma_wait3A_250, %dma_wait3A_251, %dma_wait3A_252] : memref<10x40x64xf32, #tpu.memory_space<vmem>> -> memref<1x40x64xf32, #tpu.memory_space<vmem>>
      %dma_wait3A_254 = tpu.memref_squeeze %dma_wait3A_253 : memref<1x40x64xf32, #tpu.memory_space<vmem>> -> memref<40x64xf32, #tpu.memory_space<vmem>>
      %dma_wait3A_255 = arith.constant 0 : i32
      %dma_wait3A_256 = arith.constant 0 : i32
      %dma_wait3A_257 = tpu.memref_slice %arg2[%dma_wait3A_255, %dma_wait3A_256] : memref<10000x64xf32, #tpu.memory_space<hbm>> -> memref<40x64xf32, #tpu.memory_space<hbm>>
      %dma_wait3A_258 = arith.constant 0 : i32
      %dma_wait3A_259 = arith.constant 0 : i32
      %dma_wait3A_260 = tpu.memref_slice %arg9[%dma_wait3A_250, %dma_wait3A_258, %dma_wait3A_259] : memref<10x40x64xf32, #tpu.memory_space<vmem>> -> memref<1x40x64xf32, #tpu.memory_space<vmem>>
      %dma_wait3A_261 = tpu.memref_squeeze %dma_wait3A_260 : memref<1x40x64xf32, #tpu.memory_space<vmem>> -> memref<40x64xf32, #tpu.memory_space<vmem>>
      %dma_wait3A_262 = arith.constant 0 : i32
      %dma_wait3A_263 = arith.constant 0 : i32
      %dma_wait3A_264 = tpu.memref_slice %arg2[%dma_wait3A_262, %dma_wait3A_263] : memref<10000x64xf32, #tpu.memory_space<hbm>> -> memref<40x64xf32, #tpu.memory_space<hbm>>
      tpu.wait_dma2 semaphore(%arg10 : memref<!tpu.dma_semaphore, #tpu.memory_space<semaphore_mem>>) src(%dma_wait3A_264 : memref<40x64xf32, #tpu.memory_space<hbm>>) dst(%dma_wait3A_261 : memref<40x64xf32, #tpu.memory_space<vmem>>)
      %dma_wait3A_265 = arith.constant 0 : i32
      %dma_wait3A_266 = arith.constant 0 : i32
      %dma_wait3A_267 = arith.constant 0 : i32
      %dma_wait3A_268 = tpu.memref_slice %arg9[%dma_wait3A_265, %dma_wait3A_266, %dma_wait3A_267] : memref<10x40x64xf32, #tpu.memory_space<vmem>> -> memref<1x40x64xf32, #tpu.memory_space<vmem>>
      %dma_wait3A_269 = tpu.memref_squeeze %dma_wait3A_268 : memref<1x40x64xf32, #tpu.memory_space<vmem>> -> memref<40x64xf32, #tpu.memory_space<vmem>>
      %dma_wait3A_270 = arith.constant 0 : i32
      %dma_wait3A_271 = arith.constant 0 : i32
      %dma_wait3A_272 = tpu.memref_slice %arg2[%dma_wait3A_270, %dma_wait3A_271] : memref<10000x64xf32, #tpu.memory_space<hbm>> -> memref<40x64xf32, #tpu.memory_space<hbm>>
      %dma_wait3A_273 = arith.constant 0 : i32
      %dma_wait3A_274 = arith.constant 0 : i32
      %dma_wait3A_275 = tpu.memref_slice %arg9[%dma_wait3A_265, %dma_wait3A_273, %dma_wait3A_274] : memref<10x40x64xf32, #tpu.memory_space<vmem>> -> memref<1x40x64xf32, #tpu.memory_space<vmem>>
      %dma_wait3A_276 = tpu.memref_squeeze %dma_wait3A_275 : memref<1x40x64xf32, #tpu.memory_space<vmem>> -> memref<40x64xf32, #tpu.memory_space<vmem>>
      %dma_wait3A_277 = arith.constant 0 : i32
      %dma_wait3A_278 = arith.constant 0 : i32
      %dma_wait3A_279 = tpu.memref_slice %arg2[%dma_wait3A_277, %dma_wait3A_278] : memref<10000x64xf32, #tpu.memory_space<hbm>> -> memref<40x64xf32, #tpu.memory_space<hbm>>
      tpu.wait_dma2 semaphore(%arg10 : memref<!tpu.dma_semaphore, #tpu.memory_space<semaphore_mem>>) src(%dma_wait3A_279 : memref<40x64xf32, #tpu.memory_space<hbm>>) dst(%dma_wait3A_276 : memref<40x64xf32, #tpu.memory_space<vmem>>)
      %dma_wait3A_280 = arith.constant 0 : i32
      %dma_wait3A_281 = arith.constant 0 : i32
      %dma_wait3A_282 = arith.constant 0 : i32
      %dma_wait3A_283 = tpu.memref_slice %arg9[%dma_wait3A_280, %dma_wait3A_281, %dma_wait3A_282] : memref<10x40x64xf32, #tpu.memory_space<vmem>> -> memref<1x40x64xf32, #tpu.memory_space<vmem>>
      %dma_wait3A_284 = tpu.memref_squeeze %dma_wait3A_283 : memref<1x40x64xf32, #tpu.memory_space<vmem>> -> memref<40x64xf32, #tpu.memory_space<vmem>>
      %dma_wait3A_285 = arith.constant 0 : i32
      %dma_wait3A_286 = arith.constant 0 : i32
      %dma_wait3A_287 = tpu.memref_slice %arg2[%dma_wait3A_285, %dma_wait3A_286] : memref<10000x64xf32, #tpu.memory_space<hbm>> -> memref<40x64xf32, #tpu.memory_space<hbm>>
      %dma_wait3A_288 = arith.constant 0 : i32
      %dma_wait3A_289 = arith.constant 0 : i32
      %dma_wait3A_290 = tpu.memref_slice %arg9[%dma_wait3A_280, %dma_wait3A_288, %dma_wait3A_289] : memref<10x40x64xf32, #tpu.memory_space<vmem>> -> memref<1x40x64xf32, #tpu.memory_space<vmem>>
      %dma_wait3A_291 = tpu.memref_squeeze %dma_wait3A_290 : memref<1x40x64xf32, #tpu.memory_space<vmem>> -> memref<40x64xf32, #tpu.memory_space<vmem>>
      %dma_wait3A_292 = arith.constant 0 : i32
      %dma_wait3A_293 = arith.constant 0 : i32
      %dma_wait3A_294 = tpu.memref_slice %arg2[%dma_wait3A_292, %dma_wait3A_293] : memref<10000x64xf32, #tpu.memory_space<hbm>> -> memref<40x64xf32, #tpu.memory_space<hbm>>
      tpu.wait_dma2 semaphore(%arg10 : memref<!tpu.dma_semaphore, #tpu.memory_space<semaphore_mem>>) src(%dma_wait3A_294 : memref<40x64xf32, #tpu.memory_space<hbm>>) dst(%dma_wait3A_291 : memref<40x64xf32, #tpu.memory_space<vmem>>)
      %add3A_295 = arith.constant 0 : i32
      %add3A_296 = arith.addi %mul3A_145, %add3A_295 : i32
      %mul3A_297 = arith.constant 40 : i32
      %mul3A_298 = arith.muli %add3A_296, %mul3A_297 : i32
      %multiple_of3A_299 = tpu.assume_multiple %mul3A_298, 8 : i32
      %dma_start3A_300 = arith.constant 0 : i32
      %dma_start3A_301 = arith.constant 0 : i32
      %dma_start3A_302 = arith.constant 0 : i32
      %dma_start3A_303 = tpu.memref_slice %arg9[%dma_start3A_300, %dma_start3A_301, %dma_start3A_302] : memref<10x40x64xf32, #tpu.memory_space<vmem>> -> memref<1x40x64xf32, #tpu.memory_space<vmem>>
      %dma_start3A_304 = tpu.memref_squeeze %dma_start3A_303 : memref<1x40x64xf32, #tpu.memory_space<vmem>> -> memref<40x64xf32, #tpu.memory_space<vmem>>
      %dma_start3A_305 = tpu.memref_slice %arg8[%multiple_of3A_299] : memref<10000xi32, #tpu.memory_space<vmem>> -> memref<40xi32, #tpu.memory_space<vmem>>
      %dma_start3A_306 = arith.constant 0 : i32
      %dma_start3A_307 = arith.constant 0 : i32
      %dma_start3A_308 = tpu.memref_slice %arg6[%dma_start3A_306, %dma_start3A_307] : memref<10000x64xf32, #tpu.memory_space<vmem_shared>> -> memref<10000x64xf32, #tpu.memory_space<vmem_shared>>
      tpu.enqueue_indirect_dma source(%dma_start3A_304 : memref<40x64xf32, #tpu.memory_space<vmem>>) target(%dma_start3A_308 : memref<10000x64xf32, #tpu.memory_space<vmem_shared>>) offsets(%dma_start3A_305 : memref<40xi32, #tpu.memory_space<vmem>>) semaphore(%arg12 : memref<!tpu.dma_semaphore, #tpu.memory_space<semaphore_mem>>) {add = true}
      %add3A_309 = arith.constant 1 : i32
      %add3A_310 = arith.addi %mul3A_145, %add3A_309 : i32
      %mul3A_311 = arith.constant 40 : i32
      %mul3A_312 = arith.muli %add3A_310, %mul3A_311 : i32
      %multiple_of3A_313 = tpu.assume_multiple %mul3A_312, 8 : i32
      %dma_start3A_314 = arith.constant 1 : i32
      %dma_start3A_315 = arith.constant 0 : i32
      %dma_start3A_316 = arith.constant 0 : i32
      %dma_start3A_317 = tpu.memref_slice %arg9[%dma_start3A_314, %dma_start3A_315, %dma_start3A_316] : memref<10x40x64xf32, #tpu.memory_space<vmem>> -> memref<1x40x64xf32, #tpu.memory_space<vmem>>
      %dma_start3A_318 = tpu.memref_squeeze %dma_start3A_317 : memref<1x40x64xf32, #tpu.memory_space<vmem>> -> memref<40x64xf32, #tpu.memory_space<vmem>>
      %dma_start3A_319 = tpu.memref_slice %arg8[%multiple_of3A_313] : memref<10000xi32, #tpu.memory_space<vmem>> -> memref<40xi32, #tpu.memory_space<vmem>>
      %dma_start3A_320 = arith.constant 0 : i32
      %dma_start3A_321 = arith.constant 0 : i32
      %dma_start3A_322 = tpu.memref_slice %arg6[%dma_start3A_320, %dma_start3A_321] : memref<10000x64xf32, #tpu.memory_space<vmem_shared>> -> memref<10000x64xf32, #tpu.memory_space<vmem_shared>>
      tpu.enqueue_indirect_dma source(%dma_start3A_318 : memref<40x64xf32, #tpu.memory_space<vmem>>) target(%dma_start3A_322 : memref<10000x64xf32, #tpu.memory_space<vmem_shared>>) offsets(%dma_start3A_319 : memref<40xi32, #tpu.memory_space<vmem>>) semaphore(%arg12 : memref<!tpu.dma_semaphore, #tpu.memory_space<semaphore_mem>>) {add = true}
      %add3A_323 = arith.constant 2 : i32
      %add3A_324 = arith.addi %mul3A_145, %add3A_323 : i32
      %mul3A_325 = arith.constant 40 : i32
      %mul3A_326 = arith.muli %add3A_324, %mul3A_325 : i32
      %multiple_of3A_327 = tpu.assume_multiple %mul3A_326, 8 : i32
      %dma_start3A_328 = arith.constant 2 : i32
      %dma_start3A_329 = arith.constant 0 : i32
      %dma_start3A_330 = arith.constant 0 : i32
      %dma_start3A_331 = tpu.memref_slice %arg9[%dma_start3A_328, %dma_start3A_329, %dma_start3A_330] : memref<10x40x64xf32, #tpu.memory_space<vmem>> -> memref<1x40x64xf32, #tpu.memory_space<vmem>>
      %dma_start3A_332 = tpu.memref_squeeze %dma_start3A_331 : memref<1x40x64xf32, #tpu.memory_space<vmem>> -> memref<40x64xf32, #tpu.memory_space<vmem>>
      %dma_start3A_333 = tpu.memref_slice %arg8[%multiple_of3A_327] : memref<10000xi32, #tpu.memory_space<vmem>> -> memref<40xi32, #tpu.memory_space<vmem>>
      %dma_start3A_334 = arith.constant 0 : i32
      %dma_start3A_335 = arith.constant 0 : i32
      %dma_start3A_336 = tpu.memref_slice %arg6[%dma_start3A_334, %dma_start3A_335] : memref<10000x64xf32, #tpu.memory_space<vmem_shared>> -> memref<10000x64xf32, #tpu.memory_space<vmem_shared>>
      tpu.enqueue_indirect_dma source(%dma_start3A_332 : memref<40x64xf32, #tpu.memory_space<vmem>>) target(%dma_start3A_336 : memref<10000x64xf32, #tpu.memory_space<vmem_shared>>) offsets(%dma_start3A_333 : memref<40xi32, #tpu.memory_space<vmem>>) semaphore(%arg12 : memref<!tpu.dma_semaphore, #tpu.memory_space<semaphore_mem>>) {add = true}
      %add3A_337 = arith.constant 3 : i32
      %add3A_338 = arith.addi %mul3A_145, %add3A_337 : i32
      %mul3A_339 = arith.constant 40 : i32
      %mul3A_340 = arith.muli %add3A_338, %mul3A_339 : i32
      %multiple_of3A_341 = tpu.assume_multiple %mul3A_340, 8 : i32
      %dma_start3A_342 = arith.constant 3 : i32
      %dma_start3A_343 = arith.constant 0 : i32
      %dma_start3A_344 = arith.constant 0 : i32
      %dma_start3A_345 = tpu.memref_slice %arg9[%dma_start3A_342, %dma_start3A_343, %dma_start3A_344] : memref<10x40x64xf32, #tpu.memory_space<vmem>> -> memref<1x40x64xf32, #tpu.memory_space<vmem>>
      %dma_start3A_346 = tpu.memref_squeeze %dma_start3A_345 : memref<1x40x64xf32, #tpu.memory_space<vmem>> -> memref<40x64xf32, #tpu.memory_space<vmem>>
      %dma_start3A_347 = tpu.memref_slice %arg8[%multiple_of3A_341] : memref<10000xi32, #tpu.memory_space<vmem>> -> memref<40xi32, #tpu.memory_space<vmem>>
      %dma_start3A_348 = arith.constant 0 : i32
      %dma_start3A_349 = arith.constant 0 : i32
      %dma_start3A_350 = tpu.memref_slice %arg6[%dma_start3A_348, %dma_start3A_349] : memref<10000x64xf32, #tpu.memory_space<vmem_shared>> -> memref<10000x64xf32, #tpu.memory_space<vmem_shared>>
      tpu.enqueue_indirect_dma source(%dma_start3A_346 : memref<40x64xf32, #tpu.memory_space<vmem>>) target(%dma_start3A_350 : memref<10000x64xf32, #tpu.memory_space<vmem_shared>>) offsets(%dma_start3A_347 : memref<40xi32, #tpu.memory_space<vmem>>) semaphore(%arg12 : memref<!tpu.dma_semaphore, #tpu.memory_space<semaphore_mem>>) {add = true}
      %add3A_351 = arith.constant 4 : i32
      %add3A_352 = arith.addi %mul3A_145, %add3A_351 : i32
      %mul3A_353 = arith.constant 40 : i32
      %mul3A_354 = arith.muli %add3A_352, %mul3A_353 : i32
      %multiple_of3A_355 = tpu.assume_multiple %mul3A_354, 8 : i32
      %dma_start3A_356 = arith.constant 4 : i32
      %dma_start3A_357 = arith.constant 0 : i32
      %dma_start3A_358 = arith.constant 0 : i32
      %dma_start3A_359 = tpu.memref_slice %arg9[%dma_start3A_356, %dma_start3A_357, %dma_start3A_358] : memref<10x40x64xf32, #tpu.memory_space<vmem>> -> memref<1x40x64xf32, #tpu.memory_space<vmem>>
      %dma_start3A_360 = tpu.memref_squeeze %dma_start3A_359 : memref<1x40x64xf32, #tpu.memory_space<vmem>> -> memref<40x64xf32, #tpu.memory_space<vmem>>
      %dma_start3A_361 = tpu.memref_slice %arg8[%multiple_of3A_355] : memref<10000xi32, #tpu.memory_space<vmem>> -> memref<40xi32, #tpu.memory_space<vmem>>
      %dma_start3A_362 = arith.constant 0 : i32
      %dma_start3A_363 = arith.constant 0 : i32
      %dma_start3A_364 = tpu.memref_slice %arg6[%dma_start3A_362, %dma_start3A_363] : memref<10000x64xf32, #tpu.memory_space<vmem_shared>> -> memref<10000x64xf32, #tpu.memory_space<vmem_shared>>
      tpu.enqueue_indirect_dma source(%dma_start3A_360 : memref<40x64xf32, #tpu.memory_space<vmem>>) target(%dma_start3A_364 : memref<10000x64xf32, #tpu.memory_space<vmem_shared>>) offsets(%dma_start3A_361 : memref<40xi32, #tpu.memory_space<vmem>>) semaphore(%arg12 : memref<!tpu.dma_semaphore, #tpu.memory_space<semaphore_mem>>) {add = true}
      %dma_wait3A_365 = arith.constant 0 : i32
      %dma_wait3A_366 = arith.constant 0 : i32
      %dma_wait3A_367 = arith.constant 0 : i32
      %dma_wait3A_368 = tpu.memref_slice %arg9[%dma_wait3A_365, %dma_wait3A_366, %dma_wait3A_367] : memref<10x40x64xf32, #tpu.memory_space<vmem>> -> memref<1x40x64xf32, #tpu.memory_space<vmem>>
      %dma_wait3A_369 = tpu.memref_squeeze %dma_wait3A_368 : memref<1x40x64xf32, #tpu.memory_space<vmem>> -> memref<40x64xf32, #tpu.memory_space<vmem>>
      %dma_wait3A_370 = arith.constant 0 : i32
      %dma_wait3A_371 = arith.constant 0 : i32
      %dma_wait3A_372 = tpu.memref_slice %arg2[%dma_wait3A_370, %dma_wait3A_371] : memref<10000x64xf32, #tpu.memory_space<hbm>> -> memref<40x64xf32, #tpu.memory_space<hbm>>
      %dma_wait3A_373 = arith.constant 0 : i32
      %dma_wait3A_374 = arith.constant 0 : i32
      %dma_wait3A_375 = tpu.memref_slice %arg9[%dma_wait3A_365, %dma_wait3A_373, %dma_wait3A_374] : memref<10x40x64xf32, #tpu.memory_space<vmem>> -> memref<1x40x64xf32, #tpu.memory_space<vmem>>
      %dma_wait3A_376 = tpu.memref_squeeze %dma_wait3A_375 : memref<1x40x64xf32, #tpu.memory_space<vmem>> -> memref<40x64xf32, #tpu.memory_space<vmem>>
      %dma_wait3A_377 = arith.constant 0 : i32
      %dma_wait3A_378 = arith.constant 0 : i32
      %dma_wait3A_379 = tpu.memref_slice %arg2[%dma_wait3A_377, %dma_wait3A_378] : memref<10000x64xf32, #tpu.memory_space<hbm>> -> memref<40x64xf32, #tpu.memory_space<hbm>>
      tpu.wait_dma2 semaphore(%arg12 : memref<!tpu.dma_semaphore, #tpu.memory_space<semaphore_mem>>) src(%dma_wait3A_379 : memref<40x64xf32, #tpu.memory_space<hbm>>) dst(%dma_wait3A_376 : memref<40x64xf32, #tpu.memory_space<vmem>>)
      %dma_wait3A_380 = arith.constant 0 : i32
      %dma_wait3A_381 = arith.constant 0 : i32
      %dma_wait3A_382 = arith.constant 0 : i32
      %dma_wait3A_383 = tpu.memref_slice %arg9[%dma_wait3A_380, %dma_wait3A_381, %dma_wait3A_382] : memref<10x40x64xf32, #tpu.memory_space<vmem>> -> memref<1x40x64xf32, #tpu.memory_space<vmem>>
      %dma_wait3A_384 = tpu.memref_squeeze %dma_wait3A_383 : memref<1x40x64xf32, #tpu.memory_space<vmem>> -> memref<40x64xf32, #tpu.memory_space<vmem>>
      %dma_wait3A_385 = arith.constant 0 : i32
      %dma_wait3A_386 = arith.constant 0 : i32
      %dma_wait3A_387 = tpu.memref_slice %arg2[%dma_wait3A_385, %dma_wait3A_386] : memref<10000x64xf32, #tpu.memory_space<hbm>> -> memref<40x64xf32, #tpu.memory_space<hbm>>
      %dma_wait3A_388 = arith.constant 0 : i32
      %dma_wait3A_389 = arith.constant 0 : i32
      %dma_wait3A_390 = tpu.memref_slice %arg9[%dma_wait3A_380, %dma_wait3A_388, %dma_wait3A_389] : memref<10x40x64xf32, #tpu.memory_space<vmem>> -> memref<1x40x64xf32, #tpu.memory_space<vmem>>
      %dma_wait3A_391 = tpu.memref_squeeze %dma_wait3A_390 : memref<1x40x64xf32, #tpu.memory_space<vmem>> -> memref<40x64xf32, #tpu.memory_space<vmem>>
      %dma_wait3A_392 = arith.constant 0 : i32
      %dma_wait3A_393 = arith.constant 0 : i32
      %dma_wait3A_394 = tpu.memref_slice %arg2[%dma_wait3A_392, %dma_wait3A_393] : memref<10000x64xf32, #tpu.memory_space<hbm>> -> memref<40x64xf32, #tpu.memory_space<hbm>>
      tpu.wait_dma2 semaphore(%arg12 : memref<!tpu.dma_semaphore, #tpu.memory_space<semaphore_mem>>) src(%dma_wait3A_394 : memref<40x64xf32, #tpu.memory_space<hbm>>) dst(%dma_wait3A_391 : memref<40x64xf32, #tpu.memory_space<vmem>>)
      %dma_wait3A_395 = arith.constant 0 : i32
      %dma_wait3A_396 = arith.constant 0 : i32
      %dma_wait3A_397 = arith.constant 0 : i32
      %dma_wait3A_398 = tpu.memref_slice %arg9[%dma_wait3A_395, %dma_wait3A_396, %dma_wait3A_397] : memref<10x40x64xf32, #tpu.memory_space<vmem>> -> memref<1x40x64xf32, #tpu.memory_space<vmem>>
      %dma_wait3A_399 = tpu.memref_squeeze %dma_wait3A_398 : memref<1x40x64xf32, #tpu.memory_space<vmem>> -> memref<40x64xf32, #tpu.memory_space<vmem>>
      %dma_wait3A_400 = arith.constant 0 : i32
      %dma_wait3A_401 = arith.constant 0 : i32
      %dma_wait3A_402 = tpu.memref_slice %arg2[%dma_wait3A_400, %dma_wait3A_401] : memref<10000x64xf32, #tpu.memory_space<hbm>> -> memref<40x64xf32, #tpu.memory_space<hbm>>
      %dma_wait3A_403 = arith.constant 0 : i32
      %dma_wait3A_404 = arith.constant 0 : i32
      %dma_wait3A_405 = tpu.memref_slice %arg9[%dma_wait3A_395, %dma_wait3A_403, %dma_wait3A_404] : memref<10x40x64xf32, #tpu.memory_space<vmem>> -> memref<1x40x64xf32, #tpu.memory_space<vmem>>
      %dma_wait3A_406 = tpu.memref_squeeze %dma_wait3A_405 : memref<1x40x64xf32, #tpu.memory_space<vmem>> -> memref<40x64xf32, #tpu.memory_space<vmem>>
      %dma_wait3A_407 = arith.constant 0 : i32
      %dma_wait3A_408 = arith.constant 0 : i32
      %dma_wait3A_409 = tpu.memref_slice %arg2[%dma_wait3A_407, %dma_wait3A_408] : memref<10000x64xf32, #tpu.memory_space<hbm>> -> memref<40x64xf32, #tpu.memory_space<hbm>>
      tpu.wait_dma2 semaphore(%arg12 : memref<!tpu.dma_semaphore, #tpu.memory_space<semaphore_mem>>) src(%dma_wait3A_409 : memref<40x64xf32, #tpu.memory_space<hbm>>) dst(%dma_wait3A_406 : memref<40x64xf32, #tpu.memory_space<vmem>>)
      %dma_wait3A_410 = arith.constant 0 : i32
      %dma_wait3A_411 = arith.constant 0 : i32
      %dma_wait3A_412 = arith.constant 0 : i32
      %dma_wait3A_413 = tpu.memref_slice %arg9[%dma_wait3A_410, %dma_wait3A_411, %dma_wait3A_412] : memref<10x40x64xf32, #tpu.memory_space<vmem>> -> memref<1x40x64xf32, #tpu.memory_space<vmem>>
      %dma_wait3A_414 = tpu.memref_squeeze %dma_wait3A_413 : memref<1x40x64xf32, #tpu.memory_space<vmem>> -> memref<40x64xf32, #tpu.memory_space<vmem>>
      %dma_wait3A_415 = arith.constant 0 : i32
      %dma_wait3A_416 = arith.constant 0 : i32
      %dma_wait3A_417 = tpu.memref_slice %arg2[%dma_wait3A_415, %dma_wait3A_416] : memref<10000x64xf32, #tpu.memory_space<hbm>> -> memref<40x64xf32, #tpu.memory_space<hbm>>
      %dma_wait3A_418 = arith.constant 0 : i32
      %dma_wait3A_419 = arith.constant 0 : i32
      %dma_wait3A_420 = tpu.memref_slice %arg9[%dma_wait3A_410, %dma_wait3A_418, %dma_wait3A_419] : memref<10x40x64xf32, #tpu.memory_space<vmem>> -> memref<1x40x64xf32, #tpu.memory_space<vmem>>
      %dma_wait3A_421 = tpu.memref_squeeze %dma_wait3A_420 : memref<1x40x64xf32, #tpu.memory_space<vmem>> -> memref<40x64xf32, #tpu.memory_space<vmem>>
      %dma_wait3A_422 = arith.constant 0 : i32
      %dma_wait3A_423 = arith.constant 0 : i32
      %dma_wait3A_424 = tpu.memref_slice %arg2[%dma_wait3A_422, %dma_wait3A_423] : memref<10000x64xf32, #tpu.memory_space<hbm>> -> memref<40x64xf32, #tpu.memory_space<hbm>>
      tpu.wait_dma2 semaphore(%arg12 : memref<!tpu.dma_semaphore, #tpu.memory_space<semaphore_mem>>) src(%dma_wait3A_424 : memref<40x64xf32, #tpu.memory_space<hbm>>) dst(%dma_wait3A_421 : memref<40x64xf32, #tpu.memory_space<vmem>>)
      %dma_wait3A_425 = arith.constant 0 : i32
      %dma_wait3A_426 = arith.constant 0 : i32
      %dma_wait3A_427 = arith.constant 0 : i32
      %dma_wait3A_428 = tpu.memref_slice %arg9[%dma_wait3A_425, %dma_wait3A_426, %dma_wait3A_427] : memref<10x40x64xf32, #tpu.memory_space<vmem>> -> memref<1x40x64xf32, #tpu.memory_space<vmem>>
      %dma_wait3A_429 = tpu.memref_squeeze %dma_wait3A_428 : memref<1x40x64xf32, #tpu.memory_space<vmem>> -> memref<40x64xf32, #tpu.memory_space<vmem>>
      %dma_wait3A_430 = arith.constant 0 : i32
      %dma_wait3A_431 = arith.constant 0 : i32
      %dma_wait3A_432 = tpu.memref_slice %arg2[%dma_wait3A_430, %dma_wait3A_431] : memref<10000x64xf32, #tpu.memory_space<hbm>> -> memref<40x64xf32, #tpu.memory_space<hbm>>
      %dma_wait3A_433 = arith.constant 0 : i32
      %dma_wait3A_434 = arith.constant 0 : i32
      %dma_wait3A_435 = tpu.memref_slice %arg9[%dma_wait3A_425, %dma_wait3A_433, %dma_wait3A_434] : memref<10x40x64xf32, #tpu.memory_space<vmem>> -> memref<1x40x64xf32, #tpu.memory_space<vmem>>
      %dma_wait3A_436 = tpu.memref_squeeze %dma_wait3A_435 : memref<1x40x64xf32, #tpu.memory_space<vmem>> -> memref<40x64xf32, #tpu.memory_space<vmem>>
      %dma_wait3A_437 = arith.constant 0 : i32
      %dma_wait3A_438 = arith.constant 0 : i32
      %dma_wait3A_439 = tpu.memref_slice %arg2[%dma_wait3A_437, %dma_wait3A_438] : memref<10000x64xf32, #tpu.memory_space<hbm>> -> memref<40x64xf32, #tpu.memory_space<hbm>>
      tpu.wait_dma2 semaphore(%arg12 : memref<!tpu.dma_semaphore, #tpu.memory_space<semaphore_mem>>) src(%dma_wait3A_439 : memref<40x64xf32, #tpu.memory_space<hbm>>) dst(%dma_wait3A_436 : memref<40x64xf32, #tpu.memory_space<vmem>>)
      %lt3A = arith.constant 24 : i32
      %lt3A_440 = arith.cmpi slt, %scan3A_141, %lt3A : i32
      %convert_element_type3A_441 = arith.extui %lt3A_440 : i1 to i32
      %cond3A_442 = arith.constant 0 : i32
      %cond3A_443 = arith.cmpi ne, %convert_element_type3A_441, %cond3A_442 : i32
      scf.if %cond3A_443 {
        %add3A_591 = arith.constant 10 : i32
        %add3A_592 = arith.addi %mul3A_145, %add3A_591 : i32
        %add3A_593 = arith.constant 0 : i32
        %add3A_594 = arith.addi %add3A_592, %add3A_593 : i32
        %mul3A_595 = arith.constant 40 : i32
        %mul3A_596 = arith.muli %add3A_594, %mul3A_595 : i32
        %multiple_of3A_597 = tpu.assume_multiple %mul3A_596, 8 : i32
        %dma_start3A_598 = arith.constant 0 : i32
        %dma_start3A_599 = arith.constant 0 : i32
        %dma_start3A_600 = arith.constant 0 : i32
        %dma_start3A_601 = tpu.memref_slice %arg9[%dma_start3A_598, %dma_start3A_599, %dma_start3A_600] : memref<10x40x64xf32, #tpu.memory_space<vmem>> -> memref<1x40x64xf32, #tpu.memory_space<vmem>>
        %dma_start3A_602 = tpu.memref_squeeze %dma_start3A_601 : memref<1x40x64xf32, #tpu.memory_space<vmem>> -> memref<40x64xf32, #tpu.memory_space<vmem>>
        %dma_start3A_603 = tpu.memref_slice %arg7[%multiple_of3A_597] : memref<10000xi32, #tpu.memory_space<vmem>> -> memref<40xi32, #tpu.memory_space<vmem>>
        %dma_start3A_604 = arith.constant 0 : i32
        %dma_start3A_605 = arith.constant 0 : i32
        %dma_start3A_606 = tpu.memref_slice %arg2[%dma_start3A_604, %dma_start3A_605] : memref<10000x64xf32, #tpu.memory_space<hbm>> -> memref<10000x64xf32, #tpu.memory_space<hbm>>
        tpu.enqueue_indirect_dma source(%dma_start3A_606 : memref<10000x64xf32, #tpu.memory_space<hbm>>) target(%dma_start3A_602 : memref<40x64xf32, #tpu.memory_space<vmem>>) offsets(%dma_start3A_603 : memref<40xi32, #tpu.memory_space<vmem>>) semaphore(%arg10 : memref<!tpu.dma_semaphore, #tpu.memory_space<semaphore_mem>>)
        %add3A_607 = arith.constant 1 : i32
        %add3A_608 = arith.addi %add3A_592, %add3A_607 : i32
        %mul3A_609 = arith.constant 40 : i32
        %mul3A_610 = arith.muli %add3A_608, %mul3A_609 : i32
        %multiple_of3A_611 = tpu.assume_multiple %mul3A_610, 8 : i32
        %dma_start3A_612 = arith.constant 1 : i32
        %dma_start3A_613 = arith.constant 0 : i32
        %dma_start3A_614 = arith.constant 0 : i32
        %dma_start3A_615 = tpu.memref_slice %arg9[%dma_start3A_612, %dma_start3A_613, %dma_start3A_614] : memref<10x40x64xf32, #tpu.memory_space<vmem>> -> memref<1x40x64xf32, #tpu.memory_space<vmem>>
        %dma_start3A_616 = tpu.memref_squeeze %dma_start3A_615 : memref<1x40x64xf32, #tpu.memory_space<vmem>> -> memref<40x64xf32, #tpu.memory_space<vmem>>
        %dma_start3A_617 = tpu.memref_slice %arg7[%multiple_of3A_611] : memref<10000xi32, #tpu.memory_space<vmem>> -> memref<40xi32, #tpu.memory_space<vmem>>
        %dma_start3A_618 = arith.constant 0 : i32
        %dma_start3A_619 = arith.constant 0 : i32
        %dma_start3A_620 = tpu.memref_slice %arg2[%dma_start3A_618, %dma_start3A_619] : memref<10000x64xf32, #tpu.memory_space<hbm>> -> memref<10000x64xf32, #tpu.memory_space<hbm>>
        tpu.enqueue_indirect_dma source(%dma_start3A_620 : memref<10000x64xf32, #tpu.memory_space<hbm>>) target(%dma_start3A_616 : memref<40x64xf32, #tpu.memory_space<vmem>>) offsets(%dma_start3A_617 : memref<40xi32, #tpu.memory_space<vmem>>) semaphore(%arg10 : memref<!tpu.dma_semaphore, #tpu.memory_space<semaphore_mem>>)
        %add3A_621 = arith.constant 2 : i32
        %add3A_622 = arith.addi %add3A_592, %add3A_621 : i32
        %mul3A_623 = arith.constant 40 : i32
        %mul3A_624 = arith.muli %add3A_622, %mul3A_623 : i32
        %multiple_of3A_625 = tpu.assume_multiple %mul3A_624, 8 : i32
        %dma_start3A_626 = arith.constant 2 : i32
        %dma_start3A_627 = arith.constant 0 : i32
        %dma_start3A_628 = arith.constant 0 : i32
        %dma_start3A_629 = tpu.memref_slice %arg9[%dma_start3A_626, %dma_start3A_627, %dma_start3A_628] : memref<10x40x64xf32, #tpu.memory_space<vmem>> -> memref<1x40x64xf32, #tpu.memory_space<vmem>>
        %dma_start3A_630 = tpu.memref_squeeze %dma_start3A_629 : memref<1x40x64xf32, #tpu.memory_space<vmem>> -> memref<40x64xf32, #tpu.memory_space<vmem>>
        %dma_start3A_631 = tpu.memref_slice %arg7[%multiple_of3A_625] : memref<10000xi32, #tpu.memory_space<vmem>> -> memref<40xi32, #tpu.memory_space<vmem>>
        %dma_start3A_632 = arith.constant 0 : i32
        %dma_start3A_633 = arith.constant 0 : i32
        %dma_start3A_634 = tpu.memref_slice %arg2[%dma_start3A_632, %dma_start3A_633] : memref<10000x64xf32, #tpu.memory_space<hbm>> -> memref<10000x64xf32, #tpu.memory_space<hbm>>
        tpu.enqueue_indirect_dma source(%dma_start3A_634 : memref<10000x64xf32, #tpu.memory_space<hbm>>) target(%dma_start3A_630 : memref<40x64xf32, #tpu.memory_space<vmem>>) offsets(%dma_start3A_631 : memref<40xi32, #tpu.memory_space<vmem>>) semaphore(%arg10 : memref<!tpu.dma_semaphore, #tpu.memory_space<semaphore_mem>>)
        %add3A_635 = arith.constant 3 : i32
        %add3A_636 = arith.addi %add3A_592, %add3A_635 : i32
        %mul3A_637 = arith.constant 40 : i32
        %mul3A_638 = arith.muli %add3A_636, %mul3A_637 : i32
        %multiple_of3A_639 = tpu.assume_multiple %mul3A_638, 8 : i32
        %dma_start3A_640 = arith.constant 3 : i32
        %dma_start3A_641 = arith.constant 0 : i32
        %dma_start3A_642 = arith.constant 0 : i32
        %dma_start3A_643 = tpu.memref_slice %arg9[%dma_start3A_640, %dma_start3A_641, %dma_start3A_642] : memref<10x40x64xf32, #tpu.memory_space<vmem>> -> memref<1x40x64xf32, #tpu.memory_space<vmem>>
        %dma_start3A_644 = tpu.memref_squeeze %dma_start3A_643 : memref<1x40x64xf32, #tpu.memory_space<vmem>> -> memref<40x64xf32, #tpu.memory_space<vmem>>
        %dma_start3A_645 = tpu.memref_slice %arg7[%multiple_of3A_639] : memref<10000xi32, #tpu.memory_space<vmem>> -> memref<40xi32, #tpu.memory_space<vmem>>
        %dma_start3A_646 = arith.constant 0 : i32
        %dma_start3A_647 = arith.constant 0 : i32
        %dma_start3A_648 = tpu.memref_slice %arg2[%dma_start3A_646, %dma_start3A_647] : memref<10000x64xf32, #tpu.memory_space<hbm>> -> memref<10000x64xf32, #tpu.memory_space<hbm>>
        tpu.enqueue_indirect_dma source(%dma_start3A_648 : memref<10000x64xf32, #tpu.memory_space<hbm>>) target(%dma_start3A_644 : memref<40x64xf32, #tpu.memory_space<vmem>>) offsets(%dma_start3A_645 : memref<40xi32, #tpu.memory_space<vmem>>) semaphore(%arg10 : memref<!tpu.dma_semaphore, #tpu.memory_space<semaphore_mem>>)
        %add3A_649 = arith.constant 4 : i32
        %add3A_650 = arith.addi %add3A_592, %add3A_649 : i32
        %mul3A_651 = arith.constant 40 : i32
        %mul3A_652 = arith.muli %add3A_650, %mul3A_651 : i32
        %multiple_of3A_653 = tpu.assume_multiple %mul3A_652, 8 : i32
        %dma_start3A_654 = arith.constant 4 : i32
        %dma_start3A_655 = arith.constant 0 : i32
        %dma_start3A_656 = arith.constant 0 : i32
        %dma_start3A_657 = tpu.memref_slice %arg9[%dma_start3A_654, %dma_start3A_655, %dma_start3A_656] : memref<10x40x64xf32, #tpu.memory_space<vmem>> -> memref<1x40x64xf32, #tpu.memory_space<vmem>>
        %dma_start3A_658 = tpu.memref_squeeze %dma_start3A_657 : memref<1x40x64xf32, #tpu.memory_space<vmem>> -> memref<40x64xf32, #tpu.memory_space<vmem>>
        %dma_start3A_659 = tpu.memref_slice %arg7[%multiple_of3A_653] : memref<10000xi32, #tpu.memory_space<vmem>> -> memref<40xi32, #tpu.memory_space<vmem>>
        %dma_start3A_660 = arith.constant 0 : i32
        %dma_start3A_661 = arith.constant 0 : i32
        %dma_start3A_662 = tpu.memref_slice %arg2[%dma_start3A_660, %dma_start3A_661] : memref<10000x64xf32, #tpu.memory_space<hbm>> -> memref<10000x64xf32, #tpu.memory_space<hbm>>
        tpu.enqueue_indirect_dma source(%dma_start3A_662 : memref<10000x64xf32, #tpu.memory_space<hbm>>) target(%dma_start3A_658 : memref<40x64xf32, #tpu.memory_space<vmem>>) offsets(%dma_start3A_659 : memref<40xi32, #tpu.memory_space<vmem>>) semaphore(%arg10 : memref<!tpu.dma_semaphore, #tpu.memory_space<semaphore_mem>>)
      } else {
      }
      %dma_wait3A_444 = arith.constant 0 : i32
      %dma_wait3A_445 = arith.constant 0 : i32
      %dma_wait3A_446 = arith.constant 0 : i32
      %dma_wait3A_447 = tpu.memref_slice %arg9[%dma_wait3A_444, %dma_wait3A_445, %dma_wait3A_446] : memref<10x40x64xf32, #tpu.memory_space<vmem>> -> memref<1x40x64xf32, #tpu.memory_space<vmem>>
      %dma_wait3A_448 = tpu.memref_squeeze %dma_wait3A_447 : memref<1x40x64xf32, #tpu.memory_space<vmem>> -> memref<40x64xf32, #tpu.memory_space<vmem>>
      %dma_wait3A_449 = arith.constant 0 : i32
      %dma_wait3A_450 = arith.constant 0 : i32
      %dma_wait3A_451 = tpu.memref_slice %arg2[%dma_wait3A_449, %dma_wait3A_450] : memref<10000x64xf32, #tpu.memory_space<hbm>> -> memref<40x64xf32, #tpu.memory_space<hbm>>
      %dma_wait3A_452 = arith.constant 0 : i32
      %dma_wait3A_453 = arith.constant 0 : i32
      %dma_wait3A_454 = tpu.memref_slice %arg9[%dma_wait3A_444, %dma_wait3A_452, %dma_wait3A_453] : memref<10x40x64xf32, #tpu.memory_space<vmem>> -> memref<1x40x64xf32, #tpu.memory_space<vmem>>
      %dma_wait3A_455 = tpu.memref_squeeze %dma_wait3A_454 : memref<1x40x64xf32, #tpu.memory_space<vmem>> -> memref<40x64xf32, #tpu.memory_space<vmem>>
      %dma_wait3A_456 = arith.constant 0 : i32
      %dma_wait3A_457 = arith.constant 0 : i32
      %dma_wait3A_458 = tpu.memref_slice %arg2[%dma_wait3A_456, %dma_wait3A_457] : memref<10000x64xf32, #tpu.memory_space<hbm>> -> memref<40x64xf32, #tpu.memory_space<hbm>>
      tpu.wait_dma2 semaphore(%arg11 : memref<!tpu.dma_semaphore, #tpu.memory_space<semaphore_mem>>) src(%dma_wait3A_458 : memref<40x64xf32, #tpu.memory_space<hbm>>) dst(%dma_wait3A_455 : memref<40x64xf32, #tpu.memory_space<vmem>>)
      %dma_wait3A_459 = arith.constant 0 : i32
      %dma_wait3A_460 = arith.constant 0 : i32
      %dma_wait3A_461 = arith.constant 0 : i32
      %dma_wait3A_462 = tpu.memref_slice %arg9[%dma_wait3A_459, %dma_wait3A_460, %dma_wait3A_461] : memref<10x40x64xf32, #tpu.memory_space<vmem>> -> memref<1x40x64xf32, #tpu.memory_space<vmem>>
      %dma_wait3A_463 = tpu.memref_squeeze %dma_wait3A_462 : memref<1x40x64xf32, #tpu.memory_space<vmem>> -> memref<40x64xf32, #tpu.memory_space<vmem>>
      %dma_wait3A_464 = arith.constant 0 : i32
      %dma_wait3A_465 = arith.constant 0 : i32
      %dma_wait3A_466 = tpu.memref_slice %arg2[%dma_wait3A_464, %dma_wait3A_465] : memref<10000x64xf32, #tpu.memory_space<hbm>> -> memref<40x64xf32, #tpu.memory_space<hbm>>
      %dma_wait3A_467 = arith.constant 0 : i32
      %dma_wait3A_468 = arith.constant 0 : i32
      %dma_wait3A_469 = tpu.memref_slice %arg9[%dma_wait3A_459, %dma_wait3A_467, %dma_wait3A_468] : memref<10x40x64xf32, #tpu.memory_space<vmem>> -> memref<1x40x64xf32, #tpu.memory_space<vmem>>
      %dma_wait3A_470 = tpu.memref_squeeze %dma_wait3A_469 : memref<1x40x64xf32, #tpu.memory_space<vmem>> -> memref<40x64xf32, #tpu.memory_space<vmem>>
      %dma_wait3A_471 = arith.constant 0 : i32
      %dma_wait3A_472 = arith.constant 0 : i32
      %dma_wait3A_473 = tpu.memref_slice %arg2[%dma_wait3A_471, %dma_wait3A_472] : memref<10000x64xf32, #tpu.memory_space<hbm>> -> memref<40x64xf32, #tpu.memory_space<hbm>>
      tpu.wait_dma2 semaphore(%arg11 : memref<!tpu.dma_semaphore, #tpu.memory_space<semaphore_mem>>) src(%dma_wait3A_473 : memref<40x64xf32, #tpu.memory_space<hbm>>) dst(%dma_wait3A_470 : memref<40x64xf32, #tpu.memory_space<vmem>>)
      %dma_wait3A_474 = arith.constant 0 : i32
      %dma_wait3A_475 = arith.constant 0 : i32
      %dma_wait3A_476 = arith.constant 0 : i32
      %dma_wait3A_477 = tpu.memref_slice %arg9[%dma_wait3A_474, %dma_wait3A_475, %dma_wait3A_476] : memref<10x40x64xf32, #tpu.memory_space<vmem>> -> memref<1x40x64xf32, #tpu.memory_space<vmem>>
      %dma_wait3A_478 = tpu.memref_squeeze %dma_wait3A_477 : memref<1x40x64xf32, #tpu.memory_space<vmem>> -> memref<40x64xf32, #tpu.memory_space<vmem>>
      %dma_wait3A_479 = arith.constant 0 : i32
      %dma_wait3A_480 = arith.constant 0 : i32
      %dma_wait3A_481 = tpu.memref_slice %arg2[%dma_wait3A_479, %dma_wait3A_480] : memref<10000x64xf32, #tpu.memory_space<hbm>> -> memref<40x64xf32, #tpu.memory_space<hbm>>
      %dma_wait3A_482 = arith.constant 0 : i32
      %dma_wait3A_483 = arith.constant 0 : i32
      %dma_wait3A_484 = tpu.memref_slice %arg9[%dma_wait3A_474, %dma_wait3A_482, %dma_wait3A_483] : memref<10x40x64xf32, #tpu.memory_space<vmem>> -> memref<1x40x64xf32, #tpu.memory_space<vmem>>
      %dma_wait3A_485 = tpu.memref_squeeze %dma_wait3A_484 : memref<1x40x64xf32, #tpu.memory_space<vmem>> -> memref<40x64xf32, #tpu.memory_space<vmem>>
      %dma_wait3A_486 = arith.constant 0 : i32
      %dma_wait3A_487 = arith.constant 0 : i32
      %dma_wait3A_488 = tpu.memref_slice %arg2[%dma_wait3A_486, %dma_wait3A_487] : memref<10000x64xf32, #tpu.memory_space<hbm>> -> memref<40x64xf32, #tpu.memory_space<hbm>>
      tpu.wait_dma2 semaphore(%arg11 : memref<!tpu.dma_semaphore, #tpu.memory_space<semaphore_mem>>) src(%dma_wait3A_488 : memref<40x64xf32, #tpu.memory_space<hbm>>) dst(%dma_wait3A_485 : memref<40x64xf32, #tpu.memory_space<vmem>>)
      %dma_wait3A_489 = arith.constant 0 : i32
      %dma_wait3A_490 = arith.constant 0 : i32
      %dma_wait3A_491 = arith.constant 0 : i32
      %dma_wait3A_492 = tpu.memref_slice %arg9[%dma_wait3A_489, %dma_wait3A_490, %dma_wait3A_491] : memref<10x40x64xf32, #tpu.memory_space<vmem>> -> memref<1x40x64xf32, #tpu.memory_space<vmem>>
      %dma_wait3A_493 = tpu.memref_squeeze %dma_wait3A_492 : memref<1x40x64xf32, #tpu.memory_space<vmem>> -> memref<40x64xf32, #tpu.memory_space<vmem>>
      %dma_wait3A_494 = arith.constant 0 : i32
      %dma_wait3A_495 = arith.constant 0 : i32
      %dma_wait3A_496 = tpu.memref_slice %arg2[%dma_wait3A_494, %dma_wait3A_495] : memref<10000x64xf32, #tpu.memory_space<hbm>> -> memref<40x64xf32, #tpu.memory_space<hbm>>
      %dma_wait3A_497 = arith.constant 0 : i32
      %dma_wait3A_498 = arith.constant 0 : i32
      %dma_wait3A_499 = tpu.memref_slice %arg9[%dma_wait3A_489, %dma_wait3A_497, %dma_wait3A_498] : memref<10x40x64xf32, #tpu.memory_space<vmem>> -> memref<1x40x64xf32, #tpu.memory_space<vmem>>
      %dma_wait3A_500 = tpu.memref_squeeze %dma_wait3A_499 : memref<1x40x64xf32, #tpu.memory_space<vmem>> -> memref<40x64xf32, #tpu.memory_space<vmem>>
      %dma_wait3A_501 = arith.constant 0 : i32
      %dma_wait3A_502 = arith.constant 0 : i32
      %dma_wait3A_503 = tpu.memref_slice %arg2[%dma_wait3A_501, %dma_wait3A_502] : memref<10000x64xf32, #tpu.memory_space<hbm>> -> memref<40x64xf32, #tpu.memory_space<hbm>>
      tpu.wait_dma2 semaphore(%arg11 : memref<!tpu.dma_semaphore, #tpu.memory_space<semaphore_mem>>) src(%dma_wait3A_503 : memref<40x64xf32, #tpu.memory_space<hbm>>) dst(%dma_wait3A_500 : memref<40x64xf32, #tpu.memory_space<vmem>>)
      %dma_wait3A_504 = arith.constant 0 : i32
      %dma_wait3A_505 = arith.constant 0 : i32
      %dma_wait3A_506 = arith.constant 0 : i32
      %dma_wait3A_507 = tpu.memref_slice %arg9[%dma_wait3A_504, %dma_wait3A_505, %dma_wait3A_506] : memref<10x40x64xf32, #tpu.memory_space<vmem>> -> memref<1x40x64xf32, #tpu.memory_space<vmem>>
      %dma_wait3A_508 = tpu.memref_squeeze %dma_wait3A_507 : memref<1x40x64xf32, #tpu.memory_space<vmem>> -> memref<40x64xf32, #tpu.memory_space<vmem>>
      %dma_wait3A_509 = arith.constant 0 : i32
      %dma_wait3A_510 = arith.constant 0 : i32
      %dma_wait3A_511 = tpu.memref_slice %arg2[%dma_wait3A_509, %dma_wait3A_510] : memref<10000x64xf32, #tpu.memory_space<hbm>> -> memref<40x64xf32, #tpu.memory_space<hbm>>
      %dma_wait3A_512 = arith.constant 0 : i32
      %dma_wait3A_513 = arith.constant 0 : i32
      %dma_wait3A_514 = tpu.memref_slice %arg9[%dma_wait3A_504, %dma_wait3A_512, %dma_wait3A_513] : memref<10x40x64xf32, #tpu.memory_space<vmem>> -> memref<1x40x64xf32, #tpu.memory_space<vmem>>
      %dma_wait3A_515 = tpu.memref_squeeze %dma_wait3A_514 : memref<1x40x64xf32, #tpu.memory_space<vmem>> -> memref<40x64xf32, #tpu.memory_space<vmem>>
      %dma_wait3A_516 = arith.constant 0 : i32
      %dma_wait3A_517 = arith.constant 0 : i32
      %dma_wait3A_518 = tpu.memref_slice %arg2[%dma_wait3A_516, %dma_wait3A_517] : memref<10000x64xf32, #tpu.memory_space<hbm>> -> memref<40x64xf32, #tpu.memory_space<hbm>>
      tpu.wait_dma2 semaphore(%arg11 : memref<!tpu.dma_semaphore, #tpu.memory_space<semaphore_mem>>) src(%dma_wait3A_518 : memref<40x64xf32, #tpu.memory_space<hbm>>) dst(%dma_wait3A_515 : memref<40x64xf32, #tpu.memory_space<vmem>>)
      %add3A_519 = arith.constant 5 : i32
      %add3A_520 = arith.addi %mul3A_145, %add3A_519 : i32
      %add3A_521 = arith.constant 0 : i32
      %add3A_522 = arith.addi %add3A_520, %add3A_521 : i32
      %mul3A_523 = arith.constant 40 : i32
      %mul3A_524 = arith.muli %add3A_522, %mul3A_523 : i32
      %multiple_of3A_525 = tpu.assume_multiple %mul3A_524, 8 : i32
      %dma_start3A_526 = arith.constant 5 : i32
      %dma_start3A_527 = arith.constant 0 : i32
      %dma_start3A_528 = arith.constant 0 : i32
      %dma_start3A_529 = tpu.memref_slice %arg9[%dma_start3A_526, %dma_start3A_527, %dma_start3A_528] : memref<10x40x64xf32, #tpu.memory_space<vmem>> -> memref<1x40x64xf32, #tpu.memory_space<vmem>>
      %dma_start3A_530 = tpu.memref_squeeze %dma_start3A_529 : memref<1x40x64xf32, #tpu.memory_space<vmem>> -> memref<40x64xf32, #tpu.memory_space<vmem>>
      %dma_start3A_531 = tpu.memref_slice %arg8[%multiple_of3A_525] : memref<10000xi32, #tpu.memory_space<vmem>> -> memref<40xi32, #tpu.memory_space<vmem>>
      %dma_start3A_532 = arith.constant 0 : i32
      %dma_start3A_533 = arith.constant 0 : i32
      %dma_start3A_534 = tpu.memref_slice %arg6[%dma_start3A_532, %dma_start3A_533] : memref<10000x64xf32, #tpu.memory_space<vmem_shared>> -> memref<10000x64xf32, #tpu.memory_space<vmem_shared>>
      tpu.enqueue_indirect_dma source(%dma_start3A_530 : memref<40x64xf32, #tpu.memory_space<vmem>>) target(%dma_start3A_534 : memref<10000x64xf32, #tpu.memory_space<vmem_shared>>) offsets(%dma_start3A_531 : memref<40xi32, #tpu.memory_space<vmem>>) semaphore(%arg13 : memref<!tpu.dma_semaphore, #tpu.memory_space<semaphore_mem>>) {add = true}
      %add3A_535 = arith.constant 1 : i32
      %add3A_536 = arith.addi %add3A_520, %add3A_535 : i32
      %mul3A_537 = arith.constant 40 : i32
      %mul3A_538 = arith.muli %add3A_536, %mul3A_537 : i32
      %multiple_of3A_539 = tpu.assume_multiple %mul3A_538, 8 : i32
      %dma_start3A_540 = arith.constant 6 : i32
      %dma_start3A_541 = arith.constant 0 : i32
      %dma_start3A_542 = arith.constant 0 : i32
      %dma_start3A_543 = tpu.memref_slice %arg9[%dma_start3A_540, %dma_start3A_541, %dma_start3A_542] : memref<10x40x64xf32, #tpu.memory_space<vmem>> -> memref<1x40x64xf32, #tpu.memory_space<vmem>>
      %dma_start3A_544 = tpu.memref_squeeze %dma_start3A_543 : memref<1x40x64xf32, #tpu.memory_space<vmem>> -> memref<40x64xf32, #tpu.memory_space<vmem>>
      %dma_start3A_545 = tpu.memref_slice %arg8[%multiple_of3A_539] : memref<10000xi32, #tpu.memory_space<vmem>> -> memref<40xi32, #tpu.memory_space<vmem>>
      %dma_start3A_546 = arith.constant 0 : i32
      %dma_start3A_547 = arith.constant 0 : i32
      %dma_start3A_548 = tpu.memref_slice %arg6[%dma_start3A_546, %dma_start3A_547] : memref<10000x64xf32, #tpu.memory_space<vmem_shared>> -> memref<10000x64xf32, #tpu.memory_space<vmem_shared>>
      tpu.enqueue_indirect_dma source(%dma_start3A_544 : memref<40x64xf32, #tpu.memory_space<vmem>>) target(%dma_start3A_548 : memref<10000x64xf32, #tpu.memory_space<vmem_shared>>) offsets(%dma_start3A_545 : memref<40xi32, #tpu.memory_space<vmem>>) semaphore(%arg13 : memref<!tpu.dma_semaphore, #tpu.memory_space<semaphore_mem>>) {add = true}
      %add3A_549 = arith.constant 2 : i32
      %add3A_550 = arith.addi %add3A_520, %add3A_549 : i32
      %mul3A_551 = arith.constant 40 : i32
      %mul3A_552 = arith.muli %add3A_550, %mul3A_551 : i32
      %multiple_of3A_553 = tpu.assume_multiple %mul3A_552, 8 : i32
      %dma_start3A_554 = arith.constant 7 : i32
      %dma_start3A_555 = arith.constant 0 : i32
      %dma_start3A_556 = arith.constant 0 : i32
      %dma_start3A_557 = tpu.memref_slice %arg9[%dma_start3A_554, %dma_start3A_555, %dma_start3A_556] : memref<10x40x64xf32, #tpu.memory_space<vmem>> -> memref<1x40x64xf32, #tpu.memory_space<vmem>>
      %dma_start3A_558 = tpu.memref_squeeze %dma_start3A_557 : memref<1x40x64xf32, #tpu.memory_space<vmem>> -> memref<40x64xf32, #tpu.memory_space<vmem>>
      %dma_start3A_559 = tpu.memref_slice %arg8[%multiple_of3A_553] : memref<10000xi32, #tpu.memory_space<vmem>> -> memref<40xi32, #tpu.memory_space<vmem>>
      %dma_start3A_560 = arith.constant 0 : i32
      %dma_start3A_561 = arith.constant 0 : i32
      %dma_start3A_562 = tpu.memref_slice %arg6[%dma_start3A_560, %dma_start3A_561] : memref<10000x64xf32, #tpu.memory_space<vmem_shared>> -> memref<10000x64xf32, #tpu.memory_space<vmem_shared>>
      tpu.enqueue_indirect_dma source(%dma_start3A_558 : memref<40x64xf32, #tpu.memory_space<vmem>>) target(%dma_start3A_562 : memref<10000x64xf32, #tpu.memory_space<vmem_shared>>) offsets(%dma_start3A_559 : memref<40xi32, #tpu.memory_space<vmem>>) semaphore(%arg13 : memref<!tpu.dma_semaphore, #tpu.memory_space<semaphore_mem>>) {add = true}
      %add3A_563 = arith.constant 3 : i32
      %add3A_564 = arith.addi %add3A_520, %add3A_563 : i32
      %mul3A_565 = arith.constant 40 : i32
      %mul3A_566 = arith.muli %add3A_564, %mul3A_565 : i32
      %multiple_of3A_567 = tpu.assume_multiple %mul3A_566, 8 : i32
      %dma_start3A_568 = arith.constant 8 : i32
      %dma_start3A_569 = arith.constant 0 : i32
      %dma_start3A_570 = arith.constant 0 : i32
      %dma_start3A_571 = tpu.memref_slice %arg9[%dma_start3A_568, %dma_start3A_569, %dma_start3A_570] : memref<10x40x64xf32, #tpu.memory_space<vmem>> -> memref<1x40x64xf32, #tpu.memory_space<vmem>>
      %dma_start3A_572 = tpu.memref_squeeze %dma_start3A_571 : memref<1x40x64xf32, #tpu.memory_space<vmem>> -> memref<40x64xf32, #tpu.memory_space<vmem>>
      %dma_start3A_573 = tpu.memref_slice %arg8[%multiple_of3A_567] : memref<10000xi32, #tpu.memory_space<vmem>> -> memref<40xi32, #tpu.memory_space<vmem>>
      %dma_start3A_574 = arith.constant 0 : i32
      %dma_start3A_575 = arith.constant 0 : i32
      %dma_start3A_576 = tpu.memref_slice %arg6[%dma_start3A_574, %dma_start3A_575] : memref<10000x64xf32, #tpu.memory_space<vmem_shared>> -> memref<10000x64xf32, #tpu.memory_space<vmem_shared>>
      tpu.enqueue_indirect_dma source(%dma_start3A_572 : memref<40x64xf32, #tpu.memory_space<vmem>>) target(%dma_start3A_576 : memref<10000x64xf32, #tpu.memory_space<vmem_shared>>) offsets(%dma_start3A_573 : memref<40xi32, #tpu.memory_space<vmem>>) semaphore(%arg13 : memref<!tpu.dma_semaphore, #tpu.memory_space<semaphore_mem>>) {add = true}
      %add3A_577 = arith.constant 4 : i32
      %add3A_578 = arith.addi %add3A_520, %add3A_577 : i32
      %mul3A_579 = arith.constant 40 : i32
      %mul3A_580 = arith.muli %add3A_578, %mul3A_579 : i32
      %multiple_of3A_581 = tpu.assume_multiple %mul3A_580, 8 : i32
      %dma_start3A_582 = arith.constant 9 : i32
      %dma_start3A_583 = arith.constant 0 : i32
      %dma_start3A_584 = arith.constant 0 : i32
      %dma_start3A_585 = tpu.memref_slice %arg9[%dma_start3A_582, %dma_start3A_583, %dma_start3A_584] : memref<10x40x64xf32, #tpu.memory_space<vmem>> -> memref<1x40x64xf32, #tpu.memory_space<vmem>>
      %dma_start3A_586 = tpu.memref_squeeze %dma_start3A_585 : memref<1x40x64xf32, #tpu.memory_space<vmem>> -> memref<40x64xf32, #tpu.memory_space<vmem>>
      %dma_start3A_587 = tpu.memref_slice %arg8[%multiple_of3A_581] : memref<10000xi32, #tpu.memory_space<vmem>> -> memref<40xi32, #tpu.memory_space<vmem>>
      %dma_start3A_588 = arith.constant 0 : i32
      %dma_start3A_589 = arith.constant 0 : i32
      %dma_start3A_590 = tpu.memref_slice %arg6[%dma_start3A_588, %dma_start3A_589] : memref<10000x64xf32, #tpu.memory_space<vmem_shared>> -> memref<10000x64xf32, #tpu.memory_space<vmem_shared>>
      tpu.enqueue_indirect_dma source(%dma_start3A_586 : memref<40x64xf32, #tpu.memory_space<vmem>>) target(%dma_start3A_590 : memref<10000x64xf32, #tpu.memory_space<vmem_shared>>) offsets(%dma_start3A_587 : memref<40xi32, #tpu.memory_space<vmem>>) semaphore(%arg13 : memref<!tpu.dma_semaphore, #tpu.memory_space<semaphore_mem>>) {add = true}
    }
    %scan3A_65 = arith.constant 25 : i32
    %dma_wait3A = arith.constant 0 : i32
    %dma_wait3A_66 = arith.constant 0 : i32
    %dma_wait3A_67 = arith.constant 0 : i32
    %dma_wait3A_68 = tpu.memref_slice %arg9[%dma_wait3A, %dma_wait3A_66, %dma_wait3A_67] : memref<10x40x64xf32, #tpu.memory_space<vmem>> -> memref<1x40x64xf32, #tpu.memory_space<vmem>>
    %dma_wait3A_69 = tpu.memref_squeeze %dma_wait3A_68 : memref<1x40x64xf32, #tpu.memory_space<vmem>> -> memref<40x64xf32, #tpu.memory_space<vmem>>
    %dma_wait3A_70 = arith.constant 0 : i32
    %dma_wait3A_71 = arith.constant 0 : i32
    %dma_wait3A_72 = tpu.memref_slice %arg2[%dma_wait3A_70, %dma_wait3A_71] : memref<10000x64xf32, #tpu.memory_space<hbm>> -> memref<40x64xf32, #tpu.memory_space<hbm>>
    %dma_wait3A_73 = arith.constant 0 : i32
    %dma_wait3A_74 = arith.constant 0 : i32
    %dma_wait3A_75 = tpu.memref_slice %arg9[%dma_wait3A, %dma_wait3A_73, %dma_wait3A_74] : memref<10x40x64xf32, #tpu.memory_space<vmem>> -> memref<1x40x64xf32, #tpu.memory_space<vmem>>
    %dma_wait3A_76 = tpu.memref_squeeze %dma_wait3A_75 : memref<1x40x64xf32, #tpu.memory_space<vmem>> -> memref<40x64xf32, #tpu.memory_space<vmem>>
    %dma_wait3A_77 = arith.constant 0 : i32
    %dma_wait3A_78 = arith.constant 0 : i32
    %dma_wait3A_79 = tpu.memref_slice %arg2[%dma_wait3A_77, %dma_wait3A_78] : memref<10000x64xf32, #tpu.memory_space<hbm>> -> memref<40x64xf32, #tpu.memory_space<hbm>>
    tpu.wait_dma2 semaphore(%arg13 : memref<!tpu.dma_semaphore, #tpu.memory_space<semaphore_mem>>) src(%dma_wait3A_79 : memref<40x64xf32, #tpu.memory_space<hbm>>) dst(%dma_wait3A_76 : memref<40x64xf32, #tpu.memory_space<vmem>>)
    %dma_wait3A_80 = arith.constant 0 : i32
    %dma_wait3A_81 = arith.constant 0 : i32
    %dma_wait3A_82 = arith.constant 0 : i32
    %dma_wait3A_83 = tpu.memref_slice %arg9[%dma_wait3A_80, %dma_wait3A_81, %dma_wait3A_82] : memref<10x40x64xf32, #tpu.memory_space<vmem>> -> memref<1x40x64xf32, #tpu.memory_space<vmem>>
    %dma_wait3A_84 = tpu.memref_squeeze %dma_wait3A_83 : memref<1x40x64xf32, #tpu.memory_space<vmem>> -> memref<40x64xf32, #tpu.memory_space<vmem>>
    %dma_wait3A_85 = arith.constant 0 : i32
    %dma_wait3A_86 = arith.constant 0 : i32
    %dma_wait3A_87 = tpu.memref_slice %arg2[%dma_wait3A_85, %dma_wait3A_86] : memref<10000x64xf32, #tpu.memory_space<hbm>> -> memref<40x64xf32, #tpu.memory_space<hbm>>
    %dma_wait3A_88 = arith.constant 0 : i32
    %dma_wait3A_89 = arith.constant 0 : i32
    %dma_wait3A_90 = tpu.memref_slice %arg9[%dma_wait3A_80, %dma_wait3A_88, %dma_wait3A_89] : memref<10x40x64xf32, #tpu.memory_space<vmem>> -> memref<1x40x64xf32, #tpu.memory_space<vmem>>
    %dma_wait3A_91 = tpu.memref_squeeze %dma_wait3A_90 : memref<1x40x64xf32, #tpu.memory_space<vmem>> -> memref<40x64xf32, #tpu.memory_space<vmem>>
    %dma_wait3A_92 = arith.constant 0 : i32
    %dma_wait3A_93 = arith.constant 0 : i32
    %dma_wait3A_94 = tpu.memref_slice %arg2[%dma_wait3A_92, %dma_wait3A_93] : memref<10000x64xf32, #tpu.memory_space<hbm>> -> memref<40x64xf32, #tpu.memory_space<hbm>>
    tpu.wait_dma2 semaphore(%arg13 : memref<!tpu.dma_semaphore, #tpu.memory_space<semaphore_mem>>) src(%dma_wait3A_94 : memref<40x64xf32, #tpu.memory_space<hbm>>) dst(%dma_wait3A_91 : memref<40x64xf32, #tpu.memory_space<vmem>>)
    %dma_wait3A_95 = arith.constant 0 : i32
    %dma_wait3A_96 = arith.constant 0 : i32
    %dma_wait3A_97 = arith.constant 0 : i32
    %dma_wait3A_98 = tpu.memref_slice %arg9[%dma_wait3A_95, %dma_wait3A_96, %dma_wait3A_97] : memref<10x40x64xf32, #tpu.memory_space<vmem>> -> memref<1x40x64xf32, #tpu.memory_space<vmem>>
    %dma_wait3A_99 = tpu.memref_squeeze %dma_wait3A_98 : memref<1x40x64xf32, #tpu.memory_space<vmem>> -> memref<40x64xf32, #tpu.memory_space<vmem>>
    %dma_wait3A_100 = arith.constant 0 : i32
    %dma_wait3A_101 = arith.constant 0 : i32
    %dma_wait3A_102 = tpu.memref_slice %arg2[%dma_wait3A_100, %dma_wait3A_101] : memref<10000x64xf32, #tpu.memory_space<hbm>> -> memref<40x64xf32, #tpu.memory_space<hbm>>
    %dma_wait3A_103 = arith.constant 0 : i32
    %dma_wait3A_104 = arith.constant 0 : i32
    %dma_wait3A_105 = tpu.memref_slice %arg9[%dma_wait3A_95, %dma_wait3A_103, %dma_wait3A_104] : memref<10x40x64xf32, #tpu.memory_space<vmem>> -> memref<1x40x64xf32, #tpu.memory_space<vmem>>
    %dma_wait3A_106 = tpu.memref_squeeze %dma_wait3A_105 : memref<1x40x64xf32, #tpu.memory_space<vmem>> -> memref<40x64xf32, #tpu.memory_space<vmem>>
    %dma_wait3A_107 = arith.constant 0 : i32
    %dma_wait3A_108 = arith.constant 0 : i32
    %dma_wait3A_109 = tpu.memref_slice %arg2[%dma_wait3A_107, %dma_wait3A_108] : memref<10000x64xf32, #tpu.memory_space<hbm>> -> memref<40x64xf32, #tpu.memory_space<hbm>>
    tpu.wait_dma2 semaphore(%arg13 : memref<!tpu.dma_semaphore, #tpu.memory_space<semaphore_mem>>) src(%dma_wait3A_109 : memref<40x64xf32, #tpu.memory_space<hbm>>) dst(%dma_wait3A_106 : memref<40x64xf32, #tpu.memory_space<vmem>>)
    %dma_wait3A_110 = arith.constant 0 : i32
    %dma_wait3A_111 = arith.constant 0 : i32
    %dma_wait3A_112 = arith.constant 0 : i32
    %dma_wait3A_113 = tpu.memref_slice %arg9[%dma_wait3A_110, %dma_wait3A_111, %dma_wait3A_112] : memref<10x40x64xf32, #tpu.memory_space<vmem>> -> memref<1x40x64xf32, #tpu.memory_space<vmem>>
    %dma_wait3A_114 = tpu.memref_squeeze %dma_wait3A_113 : memref<1x40x64xf32, #tpu.memory_space<vmem>> -> memref<40x64xf32, #tpu.memory_space<vmem>>
    %dma_wait3A_115 = arith.constant 0 : i32
    %dma_wait3A_116 = arith.constant 0 : i32
    %dma_wait3A_117 = tpu.memref_slice %arg2[%dma_wait3A_115, %dma_wait3A_116] : memref<10000x64xf32, #tpu.memory_space<hbm>> -> memref<40x64xf32, #tpu.memory_space<hbm>>
    %dma_wait3A_118 = arith.constant 0 : i32
    %dma_wait3A_119 = arith.constant 0 : i32
    %dma_wait3A_120 = tpu.memref_slice %arg9[%dma_wait3A_110, %dma_wait3A_118, %dma_wait3A_119] : memref<10x40x64xf32, #tpu.memory_space<vmem>> -> memref<1x40x64xf32, #tpu.memory_space<vmem>>
    %dma_wait3A_121 = tpu.memref_squeeze %dma_wait3A_120 : memref<1x40x64xf32, #tpu.memory_space<vmem>> -> memref<40x64xf32, #tpu.memory_space<vmem>>
    %dma_wait3A_122 = arith.constant 0 : i32
    %dma_wait3A_123 = arith.constant 0 : i32
    %dma_wait3A_124 = tpu.memref_slice %arg2[%dma_wait3A_122, %dma_wait3A_123] : memref<10000x64xf32, #tpu.memory_space<hbm>> -> memref<40x64xf32, #tpu.memory_space<hbm>>
    tpu.wait_dma2 semaphore(%arg13 : memref<!tpu.dma_semaphore, #tpu.memory_space<semaphore_mem>>) src(%dma_wait3A_124 : memref<40x64xf32, #tpu.memory_space<hbm>>) dst(%dma_wait3A_121 : memref<40x64xf32, #tpu.memory_space<vmem>>)
    %dma_wait3A_125 = arith.constant 0 : i32
    %dma_wait3A_126 = arith.constant 0 : i32
    %dma_wait3A_127 = arith.constant 0 : i32
    %dma_wait3A_128 = tpu.memref_slice %arg9[%dma_wait3A_125, %dma_wait3A_126, %dma_wait3A_127] : memref<10x40x64xf32, #tpu.memory_space<vmem>> -> memref<1x40x64xf32, #tpu.memory_space<vmem>>
    %dma_wait3A_129 = tpu.memref_squeeze %dma_wait3A_128 : memref<1x40x64xf32, #tpu.memory_space<vmem>> -> memref<40x64xf32, #tpu.memory_space<vmem>>
    %dma_wait3A_130 = arith.constant 0 : i32
    %dma_wait3A_131 = arith.constant 0 : i32
    %dma_wait3A_132 = tpu.memref_slice %arg2[%dma_wait3A_130, %dma_wait3A_131] : memref<10000x64xf32, #tpu.memory_space<hbm>> -> memref<40x64xf32, #tpu.memory_space<hbm>>
    %dma_wait3A_133 = arith.constant 0 : i32
    %dma_wait3A_134 = arith.constant 0 : i32
    %dma_wait3A_135 = tpu.memref_slice %arg9[%dma_wait3A_125, %dma_wait3A_133, %dma_wait3A_134] : memref<10x40x64xf32, #tpu.memory_space<vmem>> -> memref<1x40x64xf32, #tpu.memory_space<vmem>>
    %dma_wait3A_136 = tpu.memref_squeeze %dma_wait3A_135 : memref<1x40x64xf32, #tpu.memory_space<vmem>> -> memref<40x64xf32, #tpu.memory_space<vmem>>
    %dma_wait3A_137 = arith.constant 0 : i32
    %dma_wait3A_138 = arith.constant 0 : i32
    %dma_wait3A_139 = tpu.memref_slice %arg2[%dma_wait3A_137, %dma_wait3A_138] : memref<10000x64xf32, #tpu.memory_space<hbm>> -> memref<40x64xf32, #tpu.memory_space<hbm>>
    tpu.wait_dma2 semaphore(%arg13 : memref<!tpu.dma_semaphore, #tpu.memory_space<semaphore_mem>>) src(%dma_wait3A_139 : memref<40x64xf32, #tpu.memory_space<hbm>>) dst(%dma_wait3A_136 : memref<40x64xf32, #tpu.memory_space<vmem>>)
    %barrier3A_140 = arith.constant 0 : index
    tpu.barrier barrier_id(%barrier3A_140)
    "tpu.region"() ({
      %run_scoped3A_141 = tpu.sem_alloc : memref<!tpu.dma_semaphore, #tpu.memory_space<semaphore_mem>>
      %dma_start3A_142 = arith.constant 0 : i32
      %dma_start3A_143 = arith.constant 0 : i32
      %dma_start3A_144 = tpu.memref_slice %arg5[%arg0, %dma_start3A_142, %dma_start3A_143] : memref<2x10000x64xf32, #tpu.memory_space<hbm>> -> memref<1x10000x64xf32, #tpu.memory_space<hbm>>
      %dma_start3A_145 = tpu.memref_squeeze %dma_start3A_144 : memref<1x10000x64xf32, #tpu.memory_space<hbm>> -> memref<10000x64xf32, #tpu.memory_space<hbm>>
      %dma_start3A_146 = arith.constant 0 : i32
      %dma_start3A_147 = tpu.memref_slice %dma_start3A_145[%mul3A_2, %dma_start3A_146] : memref<10000x64xf32, #tpu.memory_space<hbm>> -> memref<625x64xf32, #tpu.memory_space<hbm>>
      %dma_start3A_148 = arith.constant 0 : i32
      %dma_start3A_149 = tpu.memref_slice %arg6[%mul3A_2, %dma_start3A_148] : memref<10000x64xf32, #tpu.memory_space<vmem_shared>> -> memref<625x64xf32, #tpu.memory_space<vmem_shared>>
      tpu.enqueue_dma source(%dma_start3A_149 : memref<625x64xf32, #tpu.memory_space<vmem_shared>>) target(%dma_start3A_147 : memref<625x64xf32, #tpu.memory_space<hbm>>) target_semaphore(%run_scoped3A_141 : memref<!tpu.dma_semaphore, #tpu.memory_space<semaphore_mem>>)
      %dma_wait3A_150 = arith.constant 0 : i32
      %dma_wait3A_151 = arith.constant 0 : i32
      %dma_wait3A_152 = tpu.memref_slice %arg5[%arg0, %dma_wait3A_150, %dma_wait3A_151] : memref<2x10000x64xf32, #tpu.memory_space<hbm>> -> memref<1x10000x64xf32, #tpu.memory_space<hbm>>
      %dma_wait3A_153 = tpu.memref_squeeze %dma_wait3A_152 : memref<1x10000x64xf32, #tpu.memory_space<hbm>> -> memref<10000x64xf32, #tpu.memory_space<hbm>>
      %dma_wait3A_154 = arith.constant 0 : i32
      %dma_wait3A_155 = tpu.memref_slice %dma_wait3A_153[%mul3A_2, %dma_wait3A_154] : memref<10000x64xf32, #tpu.memory_space<hbm>> -> memref<625x64xf32, #tpu.memory_space<hbm>>
      %dma_wait3A_156 = arith.constant 0 : i32
      %dma_wait3A_157 = tpu.memref_slice %arg6[%mul3A_2, %dma_wait3A_156] : memref<10000x64xf32, #tpu.memory_space<vmem_shared>> -> memref<625x64xf32, #tpu.memory_space<vmem_shared>>
      tpu.wait_dma2 semaphore(%run_scoped3A_141 : memref<!tpu.dma_semaphore, #tpu.memory_space<semaphore_mem>>) src(%dma_wait3A_157 : memref<625x64xf32, #tpu.memory_space<vmem_shared>>) dst(%dma_wait3A_155 : memref<625x64xf32, #tpu.memory_space<hbm>>)
      tpu.yield
    }) : () -> ()
    return
  }
}

#map = affine_map<(d0, d1) -> (0, 0)>
#map1 = affine_map<(d0, d1) -> (0, 0, 0)>
module attributes {stable_mosaic.version = 14 : i64} {
  func.func @_sc_agg_body(%arg0: i32, %arg1: i32, %arg2: memref<10000x64xf32, #tpu.memory_space<hbm>>, %arg3: memref<2x320000xi32, #tpu.memory_space<hbm>>, %arg4: memref<10000x64xf32, #tpu.memory_space<hbm>>, %arg5: memref<2x10000x64xf32, #tpu.memory_space<hbm>>, %arg6: memref<10000x64xf32, #tpu.memory_space<vmem_shared>>, %arg7: memref<10000xi32, #tpu.memory_space<vmem>>, %arg8: memref<10000xi32, #tpu.memory_space<vmem>>, %arg9: memref<10x40x64xf32, #tpu.memory_space<vmem>>, %arg10: memref<!tpu.dma_semaphore, #tpu.memory_space<semaphore_mem>>, %arg11: memref<!tpu.dma_semaphore, #tpu.memory_space<semaphore_mem>>, %arg12: memref<!tpu.dma_semaphore, #tpu.memory_space<semaphore_mem>>, %arg13: memref<!tpu.dma_semaphore, #tpu.memory_space<semaphore_mem>>) attributes {dimension_semantics = [#tpu.dimension_semantics<core_parallel>, #tpu.dimension_semantics<subcore_parallel>], iteration_bounds = array<i64: 2, 16>, scalar_prefetch = 0 : i64, scratch_operands = 8 : i64, tpu.core_type = #tpu.core_type<sc_vector_subcore>, window_params = [{transform_indices = #map}, {transform_indices = #map}, {transform_indices = #map}, {transform_indices = #map1}]} {
    %mul3A = arith.constant 16 : i32
    %mul3A_0 = arith.muli %arg0, %mul3A : i32
    %add3A = arith.addi %mul3A_0, %arg1 : i32
    %mul3A_1 = arith.constant 625 : i32
    %mul3A_2 = arith.muli %arg1, %mul3A_1 : i32
    "tpu.region"() ({
      %run_scoped3A_141 = tpu.sem_alloc : memref<!tpu.dma_semaphore, #tpu.memory_space<semaphore_mem>>
      %dma_start3A_142 = arith.constant 0 : i32
      %dma_start3A_143 = tpu.memref_slice %arg6[%mul3A_2, %dma_start3A_142] : memref<10000x64xf32, #tpu.memory_space<vmem_shared>> -> memref<625x64xf32, #tpu.memory_space<vmem_shared>>
      %dma_start3A_144 = arith.constant 0 : i32
      %dma_start3A_145 = tpu.memref_slice %arg4[%mul3A_2, %dma_start3A_144] : memref<10000x64xf32, #tpu.memory_space<hbm>> -> memref<625x64xf32, #tpu.memory_space<hbm>>
      tpu.enqueue_dma source(%dma_start3A_145 : memref<625x64xf32, #tpu.memory_space<hbm>>) target(%dma_start3A_143 : memref<625x64xf32, #tpu.memory_space<vmem_shared>>) target_semaphore(%run_scoped3A_141 : memref<!tpu.dma_semaphore, #tpu.memory_space<semaphore_mem>>)
      %dma_wait3A_146 = arith.constant 0 : i32
      %dma_wait3A_147 = tpu.memref_slice %arg6[%mul3A_2, %dma_wait3A_146] : memref<10000x64xf32, #tpu.memory_space<vmem_shared>> -> memref<625x64xf32, #tpu.memory_space<vmem_shared>>
      %dma_wait3A_148 = arith.constant 0 : i32
      %dma_wait3A_149 = tpu.memref_slice %arg4[%mul3A_2, %dma_wait3A_148] : memref<10000x64xf32, #tpu.memory_space<hbm>> -> memref<625x64xf32, #tpu.memory_space<hbm>>
      tpu.wait_dma2 semaphore(%run_scoped3A_141 : memref<!tpu.dma_semaphore, #tpu.memory_space<semaphore_mem>>) src(%dma_wait3A_149 : memref<625x64xf32, #tpu.memory_space<hbm>>) dst(%dma_wait3A_147 : memref<625x64xf32, #tpu.memory_space<vmem_shared>>)
      tpu.yield
    }) : () -> ()
    %mul3A_3 = arith.constant 10000 : i32
    %mul3A_4 = arith.muli %add3A, %mul3A_3 : i32
    %run_scoped3A = arith.constant 0 : i32
    "tpu.region"() ({
      %run_scoped3A_141 = tpu.sem_alloc : memref<!tpu.dma_semaphore, #tpu.memory_space<semaphore_mem>>
      %dma_start3A_142 = arith.constant 0 : i32
      %dma_start3A_143 = tpu.memref_slice %arg3[%run_scoped3A, %dma_start3A_142] : memref<2x320000xi32, #tpu.memory_space<hbm>> -> memref<1x320000xi32, #tpu.memory_space<hbm>>
      %dma_start3A_144 = tpu.memref_squeeze %dma_start3A_143 : memref<1x320000xi32, #tpu.memory_space<hbm>> -> memref<320000xi32, #tpu.memory_space<hbm>>
      %dma_start3A_145 = tpu.memref_slice %dma_start3A_144[%mul3A_4] : memref<320000xi32, #tpu.memory_space<hbm>> -> memref<10000xi32, #tpu.memory_space<hbm>>
      %dma_start3A_146 = arith.constant 0 : i32
      %dma_start3A_147 = tpu.memref_slice %arg3[%run_scoped3A, %dma_start3A_146] : memref<2x320000xi32, #tpu.memory_space<hbm>> -> memref<1x320000xi32, #tpu.memory_space<hbm>>
      %dma_start3A_148 = tpu.memref_squeeze %dma_start3A_147 : memref<1x320000xi32, #tpu.memory_space<hbm>> -> memref<320000xi32, #tpu.memory_space<hbm>>
      %dma_start3A_149 = tpu.memref_slice %dma_start3A_148[%mul3A_4] : memref<320000xi32, #tpu.memory_space<hbm>> -> memref<10000xi32, #tpu.memory_space<hbm>>
      tpu.enqueue_dma source(%dma_start3A_149 : memref<10000xi32, #tpu.memory_space<hbm>>) target(%arg7 : memref<10000xi32, #tpu.memory_space<vmem>>) target_semaphore(%run_scoped3A_141 : memref<!tpu.dma_semaphore, #tpu.memory_space<semaphore_mem>>)
      %dma_wait3A_150 = arith.constant 0 : i32
      %dma_wait3A_151 = tpu.memref_slice %arg3[%run_scoped3A, %dma_wait3A_150] : memref<2x320000xi32, #tpu.memory_space<hbm>> -> memref<1x320000xi32, #tpu.memory_space<hbm>>
      %dma_wait3A_152 = tpu.memref_squeeze %dma_wait3A_151 : memref<1x320000xi32, #tpu.memory_space<hbm>> -> memref<320000xi32, #tpu.memory_space<hbm>>
      %dma_wait3A_153 = tpu.memref_slice %dma_wait3A_152[%mul3A_4] : memref<320000xi32, #tpu.memory_space<hbm>> -> memref<10000xi32, #tpu.memory_space<hbm>>
      %dma_wait3A_154 = arith.constant 0 : i32
      %dma_wait3A_155 = tpu.memref_slice %arg3[%run_scoped3A, %dma_wait3A_154] : memref<2x320000xi32, #tpu.memory_space<hbm>> -> memref<1x320000xi32, #tpu.memory_space<hbm>>
      %dma_wait3A_156 = tpu.memref_squeeze %dma_wait3A_155 : memref<1x320000xi32, #tpu.memory_space<hbm>> -> memref<320000xi32, #tpu.memory_space<hbm>>
      %dma_wait3A_157 = tpu.memref_slice %dma_wait3A_156[%mul3A_4] : memref<320000xi32, #tpu.memory_space<hbm>> -> memref<10000xi32, #tpu.memory_space<hbm>>
      tpu.wait_dma2 semaphore(%run_scoped3A_141 : memref<!tpu.dma_semaphore, #tpu.memory_space<semaphore_mem>>) src(%dma_wait3A_157 : memref<10000xi32, #tpu.memory_space<hbm>>) dst(%arg7 : memref<10000xi32, #tpu.memory_space<vmem>>)
      tpu.yield
    }) : () -> ()
    %mul3A_5 = arith.constant 10000 : i32
    %mul3A_6 = arith.muli %add3A, %mul3A_5 : i32
    %run_scoped3A_7 = arith.constant 1 : i32
    "tpu.region"() ({
      %run_scoped3A_141 = tpu.sem_alloc : memref<!tpu.dma_semaphore, #tpu.memory_space<semaphore_mem>>
      %dma_start3A_142 = arith.constant 0 : i32
      %dma_start3A_143 = tpu.memref_slice %arg3[%run_scoped3A_7, %dma_start3A_142] : memref<2x320000xi32, #tpu.memory_space<hbm>> -> memref<1x320000xi32, #tpu.memory_space<hbm>>
      %dma_start3A_144 = tpu.memref_squeeze %dma_start3A_143 : memref<1x320000xi32, #tpu.memory_space<hbm>> -> memref<320000xi32, #tpu.memory_space<hbm>>
      %dma_start3A_145 = tpu.memref_slice %dma_start3A_144[%mul3A_6] : memref<320000xi32, #tpu.memory_space<hbm>> -> memref<10000xi32, #tpu.memory_space<hbm>>
      %dma_start3A_146 = arith.constant 0 : i32
      %dma_start3A_147 = tpu.memref_slice %arg3[%run_scoped3A_7, %dma_start3A_146] : memref<2x320000xi32, #tpu.memory_space<hbm>> -> memref<1x320000xi32, #tpu.memory_space<hbm>>
      %dma_start3A_148 = tpu.memref_squeeze %dma_start3A_147 : memref<1x320000xi32, #tpu.memory_space<hbm>> -> memref<320000xi32, #tpu.memory_space<hbm>>
      %dma_start3A_149 = tpu.memref_slice %dma_start3A_148[%mul3A_6] : memref<320000xi32, #tpu.memory_space<hbm>> -> memref<10000xi32, #tpu.memory_space<hbm>>
      tpu.enqueue_dma source(%dma_start3A_149 : memref<10000xi32, #tpu.memory_space<hbm>>) target(%arg8 : memref<10000xi32, #tpu.memory_space<vmem>>) target_semaphore(%run_scoped3A_141 : memref<!tpu.dma_semaphore, #tpu.memory_space<semaphore_mem>>)
      %dma_wait3A_150 = arith.constant 0 : i32
      %dma_wait3A_151 = tpu.memref_slice %arg3[%run_scoped3A_7, %dma_wait3A_150] : memref<2x320000xi32, #tpu.memory_space<hbm>> -> memref<1x320000xi32, #tpu.memory_space<hbm>>
      %dma_wait3A_152 = tpu.memref_squeeze %dma_wait3A_151 : memref<1x320000xi32, #tpu.memory_space<hbm>> -> memref<320000xi32, #tpu.memory_space<hbm>>
      %dma_wait3A_153 = tpu.memref_slice %dma_wait3A_152[%mul3A_6] : memref<320000xi32, #tpu.memory_space<hbm>> -> memref<10000xi32, #tpu.memory_space<hbm>>
      %dma_wait3A_154 = arith.constant 0 : i32
      %dma_wait3A_155 = tpu.memref_slice %arg3[%run_scoped3A_7, %dma_wait3A_154] : memref<2x320000xi32, #tpu.memory_space<hbm>> -> memref<1x320000xi32, #tpu.memory_space<hbm>>
      %dma_wait3A_156 = tpu.memref_squeeze %dma_wait3A_155 : memref<1x320000xi32, #tpu.memory_space<hbm>> -> memref<320000xi32, #tpu.memory_space<hbm>>
      %dma_wait3A_157 = tpu.memref_slice %dma_wait3A_156[%mul3A_6] : memref<320000xi32, #tpu.memory_space<hbm>> -> memref<10000xi32, #tpu.memory_space<hbm>>
      tpu.wait_dma2 semaphore(%run_scoped3A_141 : memref<!tpu.dma_semaphore, #tpu.memory_space<semaphore_mem>>) src(%dma_wait3A_157 : memref<10000xi32, #tpu.memory_space<hbm>>) dst(%arg8 : memref<10000xi32, #tpu.memory_space<vmem>>)
      tpu.yield
    }) : () -> ()
    %barrier3A = arith.constant 0 : index
    tpu.barrier barrier_id(%barrier3A)
    %multiple_of3A = arith.constant 0 : i32
    %multiple_of3A_8 = tpu.assume_multiple %multiple_of3A, 8 : i32
    %dma_start3A = arith.constant 0 : i32
    %dma_start3A_9 = arith.constant 0 : i32
    %dma_start3A_10 = arith.constant 0 : i32
    %dma_start3A_11 = tpu.memref_slice %arg9[%dma_start3A, %dma_start3A_9, %dma_start3A_10] : memref<10x40x64xf32, #tpu.memory_space<vmem>> -> memref<1x40x64xf32, #tpu.memory_space<vmem>>
    %dma_start3A_12 = tpu.memref_squeeze %dma_start3A_11 : memref<1x40x64xf32, #tpu.memory_space<vmem>> -> memref<40x64xf32, #tpu.memory_space<vmem>>
    %dma_start3A_13 = tpu.memref_slice %arg7[%multiple_of3A_8] : memref<10000xi32, #tpu.memory_space<vmem>> -> memref<40xi32, #tpu.memory_space<vmem>>
    %dma_start3A_14 = arith.constant 0 : i32
    %dma_start3A_15 = arith.constant 0 : i32
    %dma_start3A_16 = tpu.memref_slice %arg2[%dma_start3A_14, %dma_start3A_15] : memref<10000x64xf32, #tpu.memory_space<hbm>> -> memref<10000x64xf32, #tpu.memory_space<hbm>>
    tpu.enqueue_indirect_dma source(%dma_start3A_16 : memref<10000x64xf32, #tpu.memory_space<hbm>>) target(%dma_start3A_12 : memref<40x64xf32, #tpu.memory_space<vmem>>) offsets(%dma_start3A_13 : memref<40xi32, #tpu.memory_space<vmem>>) semaphore(%arg10 : memref<!tpu.dma_semaphore, #tpu.memory_space<semaphore_mem>>)
    %multiple_of3A_17 = arith.constant 40 : i32
    %multiple_of3A_18 = tpu.assume_multiple %multiple_of3A_17, 8 : i32
    %dma_start3A_19 = arith.constant 1 : i32
    %dma_start3A_20 = arith.constant 0 : i32
    %dma_start3A_21 = arith.constant 0 : i32
    %dma_start3A_22 = tpu.memref_slice %arg9[%dma_start3A_19, %dma_start3A_20, %dma_start3A_21] : memref<10x40x64xf32, #tpu.memory_space<vmem>> -> memref<1x40x64xf32, #tpu.memory_space<vmem>>
    %dma_start3A_23 = tpu.memref_squeeze %dma_start3A_22 : memref<1x40x64xf32, #tpu.memory_space<vmem>> -> memref<40x64xf32, #tpu.memory_space<vmem>>
    %dma_start3A_24 = tpu.memref_slice %arg7[%multiple_of3A_18] : memref<10000xi32, #tpu.memory_space<vmem>> -> memref<40xi32, #tpu.memory_space<vmem>>
    %dma_start3A_25 = arith.constant 0 : i32
    %dma_start3A_26 = arith.constant 0 : i32
    %dma_start3A_27 = tpu.memref_slice %arg2[%dma_start3A_25, %dma_start3A_26] : memref<10000x64xf32, #tpu.memory_space<hbm>> -> memref<10000x64xf32, #tpu.memory_space<hbm>>
    tpu.enqueue_indirect_dma source(%dma_start3A_27 : memref<10000x64xf32, #tpu.memory_space<hbm>>) target(%dma_start3A_23 : memref<40x64xf32, #tpu.memory_space<vmem>>) offsets(%dma_start3A_24 : memref<40xi32, #tpu.memory_space<vmem>>) semaphore(%arg10 : memref<!tpu.dma_semaphore, #tpu.memory_space<semaphore_mem>>)
    %multiple_of3A_28 = arith.constant 80 : i32
    %multiple_of3A_29 = tpu.assume_multiple %multiple_of3A_28, 8 : i32
    %dma_start3A_30 = arith.constant 2 : i32
    %dma_start3A_31 = arith.constant 0 : i32
    %dma_start3A_32 = arith.constant 0 : i32
    %dma_start3A_33 = tpu.memref_slice %arg9[%dma_start3A_30, %dma_start3A_31, %dma_start3A_32] : memref<10x40x64xf32, #tpu.memory_space<vmem>> -> memref<1x40x64xf32, #tpu.memory_space<vmem>>
    %dma_start3A_34 = tpu.memref_squeeze %dma_start3A_33 : memref<1x40x64xf32, #tpu.memory_space<vmem>> -> memref<40x64xf32, #tpu.memory_space<vmem>>
    %dma_start3A_35 = tpu.memref_slice %arg7[%multiple_of3A_29] : memref<10000xi32, #tpu.memory_space<vmem>> -> memref<40xi32, #tpu.memory_space<vmem>>
    %dma_start3A_36 = arith.constant 0 : i32
    %dma_start3A_37 = arith.constant 0 : i32
    %dma_start3A_38 = tpu.memref_slice %arg2[%dma_start3A_36, %dma_start3A_37] : memref<10000x64xf32, #tpu.memory_space<hbm>> -> memref<10000x64xf32, #tpu.memory_space<hbm>>
    tpu.enqueue_indirect_dma source(%dma_start3A_38 : memref<10000x64xf32, #tpu.memory_space<hbm>>) target(%dma_start3A_34 : memref<40x64xf32, #tpu.memory_space<vmem>>) offsets(%dma_start3A_35 : memref<40xi32, #tpu.memory_space<vmem>>) semaphore(%arg10 : memref<!tpu.dma_semaphore, #tpu.memory_space<semaphore_mem>>)
    %multiple_of3A_39 = arith.constant 120 : i32
    %multiple_of3A_40 = tpu.assume_multiple %multiple_of3A_39, 8 : i32
    %dma_start3A_41 = arith.constant 3 : i32
    %dma_start3A_42 = arith.constant 0 : i32
    %dma_start3A_43 = arith.constant 0 : i32
    %dma_start3A_44 = tpu.memref_slice %arg9[%dma_start3A_41, %dma_start3A_42, %dma_start3A_43] : memref<10x40x64xf32, #tpu.memory_space<vmem>> -> memref<1x40x64xf32, #tpu.memory_space<vmem>>
    %dma_start3A_45 = tpu.memref_squeeze %dma_start3A_44 : memref<1x40x64xf32, #tpu.memory_space<vmem>> -> memref<40x64xf32, #tpu.memory_space<vmem>>
    %dma_start3A_46 = tpu.memref_slice %arg7[%multiple_of3A_40] : memref<10000xi32, #tpu.memory_space<vmem>> -> memref<40xi32, #tpu.memory_space<vmem>>
    %dma_start3A_47 = arith.constant 0 : i32
    %dma_start3A_48 = arith.constant 0 : i32
    %dma_start3A_49 = tpu.memref_slice %arg2[%dma_start3A_47, %dma_start3A_48] : memref<10000x64xf32, #tpu.memory_space<hbm>> -> memref<10000x64xf32, #tpu.memory_space<hbm>>
    tpu.enqueue_indirect_dma source(%dma_start3A_49 : memref<10000x64xf32, #tpu.memory_space<hbm>>) target(%dma_start3A_45 : memref<40x64xf32, #tpu.memory_space<vmem>>) offsets(%dma_start3A_46 : memref<40xi32, #tpu.memory_space<vmem>>) semaphore(%arg10 : memref<!tpu.dma_semaphore, #tpu.memory_space<semaphore_mem>>)
    %multiple_of3A_50 = arith.constant 160 : i32
    %multiple_of3A_51 = tpu.assume_multiple %multiple_of3A_50, 8 : i32
    %dma_start3A_52 = arith.constant 4 : i32
    %dma_start3A_53 = arith.constant 0 : i32
    %dma_start3A_54 = arith.constant 0 : i32
    %dma_start3A_55 = tpu.memref_slice %arg9[%dma_start3A_52, %dma_start3A_53, %dma_start3A_54] : memref<10x40x64xf32, #tpu.memory_space<vmem>> -> memref<1x40x64xf32, #tpu.memory_space<vmem>>
    %dma_start3A_56 = tpu.memref_squeeze %dma_start3A_55 : memref<1x40x64xf32, #tpu.memory_space<vmem>> -> memref<40x64xf32, #tpu.memory_space<vmem>>
    %dma_start3A_57 = tpu.memref_slice %arg7[%multiple_of3A_51] : memref<10000xi32, #tpu.memory_space<vmem>> -> memref<40xi32, #tpu.memory_space<vmem>>
    %dma_start3A_58 = arith.constant 0 : i32
    %dma_start3A_59 = arith.constant 0 : i32
    %dma_start3A_60 = tpu.memref_slice %arg2[%dma_start3A_58, %dma_start3A_59] : memref<10000x64xf32, #tpu.memory_space<hbm>> -> memref<10000x64xf32, #tpu.memory_space<hbm>>
    tpu.enqueue_indirect_dma source(%dma_start3A_60 : memref<10000x64xf32, #tpu.memory_space<hbm>>) target(%dma_start3A_56 : memref<40x64xf32, #tpu.memory_space<vmem>>) offsets(%dma_start3A_57 : memref<40xi32, #tpu.memory_space<vmem>>) semaphore(%arg10 : memref<!tpu.dma_semaphore, #tpu.memory_space<semaphore_mem>>)
    %scan3A = arith.constant 0 : i32
    %scan3A_61 = arith.constant 0 : i32
    %scan3A_62 = arith.constant 25 : i32
    %scan3A_63 = arith.addi %scan3A_61, %scan3A_62 : i32
    %scan3A_64 = arith.constant 1 : i32
    scf.for %scan3A_141 = %scan3A_61 to %scan3A_63 step %scan3A_64  : i32 {
      %mul3A_142 = arith.constant 2 : i32
      %mul3A_143 = arith.muli %scan3A_141, %mul3A_142 : i32
      %mul3A_144 = arith.constant 5 : i32
      %mul3A_145 = arith.muli %mul3A_143, %mul3A_144 : i32
      %gt3A = arith.constant 0 : i32
      %gt3A_146 = arith.cmpi sgt, %scan3A_141, %gt3A : i32
      %convert_element_type3A = arith.extui %gt3A_146 : i1 to i32
      %cond3A = arith.constant 0 : i32
      %cond3A_147 = arith.cmpi ne, %convert_element_type3A, %cond3A : i32
      scf.if %cond3A_147 {
        %dma_wait3A_591 = arith.constant 0 : i32
        %dma_wait3A_592 = arith.constant 0 : i32
        %dma_wait3A_593 = arith.constant 0 : i32
        %dma_wait3A_594 = tpu.memref_slice %arg9[%dma_wait3A_591, %dma_wait3A_592, %dma_wait3A_593] : memref<10x40x64xf32, #tpu.memory_space<vmem>> -> memref<1x40x64xf32, #tpu.memory_space<vmem>>
        %dma_wait3A_595 = tpu.memref_squeeze %dma_wait3A_594 : memref<1x40x64xf32, #tpu.memory_space<vmem>> -> memref<40x64xf32, #tpu.memory_space<vmem>>
        %dma_wait3A_596 = arith.constant 0 : i32
        %dma_wait3A_597 = arith.constant 0 : i32
        %dma_wait3A_598 = tpu.memref_slice %arg2[%dma_wait3A_596, %dma_wait3A_597] : memref<10000x64xf32, #tpu.memory_space<hbm>> -> memref<40x64xf32, #tpu.memory_space<hbm>>
        %dma_wait3A_599 = arith.constant 0 : i32
        %dma_wait3A_600 = arith.constant 0 : i32
        %dma_wait3A_601 = tpu.memref_slice %arg9[%dma_wait3A_591, %dma_wait3A_599, %dma_wait3A_600] : memref<10x40x64xf32, #tpu.memory_space<vmem>> -> memref<1x40x64xf32, #tpu.memory_space<vmem>>
        %dma_wait3A_602 = tpu.memref_squeeze %dma_wait3A_601 : memref<1x40x64xf32, #tpu.memory_space<vmem>> -> memref<40x64xf32, #tpu.memory_space<vmem>>
        %dma_wait3A_603 = arith.constant 0 : i32
        %dma_wait3A_604 = arith.constant 0 : i32
        %dma_wait3A_605 = tpu.memref_slice %arg2[%dma_wait3A_603, %dma_wait3A_604] : memref<10000x64xf32, #tpu.memory_space<hbm>> -> memref<40x64xf32, #tpu.memory_space<hbm>>
        tpu.wait_dma2 semaphore(%arg13 : memref<!tpu.dma_semaphore, #tpu.memory_space<semaphore_mem>>) src(%dma_wait3A_605 : memref<40x64xf32, #tpu.memory_space<hbm>>) dst(%dma_wait3A_602 : memref<40x64xf32, #tpu.memory_space<vmem>>)
        %dma_wait3A_606 = arith.constant 0 : i32
        %dma_wait3A_607 = arith.constant 0 : i32
        %dma_wait3A_608 = arith.constant 0 : i32
        %dma_wait3A_609 = tpu.memref_slice %arg9[%dma_wait3A_606, %dma_wait3A_607, %dma_wait3A_608] : memref<10x40x64xf32, #tpu.memory_space<vmem>> -> memref<1x40x64xf32, #tpu.memory_space<vmem>>
        %dma_wait3A_610 = tpu.memref_squeeze %dma_wait3A_609 : memref<1x40x64xf32, #tpu.memory_space<vmem>> -> memref<40x64xf32, #tpu.memory_space<vmem>>
        %dma_wait3A_611 = arith.constant 0 : i32
        %dma_wait3A_612 = arith.constant 0 : i32
        %dma_wait3A_613 = tpu.memref_slice %arg2[%dma_wait3A_611, %dma_wait3A_612] : memref<10000x64xf32, #tpu.memory_space<hbm>> -> memref<40x64xf32, #tpu.memory_space<hbm>>
        %dma_wait3A_614 = arith.constant 0 : i32
        %dma_wait3A_615 = arith.constant 0 : i32
        %dma_wait3A_616 = tpu.memref_slice %arg9[%dma_wait3A_606, %dma_wait3A_614, %dma_wait3A_615] : memref<10x40x64xf32, #tpu.memory_space<vmem>> -> memref<1x40x64xf32, #tpu.memory_space<vmem>>
        %dma_wait3A_617 = tpu.memref_squeeze %dma_wait3A_616 : memref<1x40x64xf32, #tpu.memory_space<vmem>> -> memref<40x64xf32, #tpu.memory_space<vmem>>
        %dma_wait3A_618 = arith.constant 0 : i32
        %dma_wait3A_619 = arith.constant 0 : i32
        %dma_wait3A_620 = tpu.memref_slice %arg2[%dma_wait3A_618, %dma_wait3A_619] : memref<10000x64xf32, #tpu.memory_space<hbm>> -> memref<40x64xf32, #tpu.memory_space<hbm>>
        tpu.wait_dma2 semaphore(%arg13 : memref<!tpu.dma_semaphore, #tpu.memory_space<semaphore_mem>>) src(%dma_wait3A_620 : memref<40x64xf32, #tpu.memory_space<hbm>>) dst(%dma_wait3A_617 : memref<40x64xf32, #tpu.memory_space<vmem>>)
        %dma_wait3A_621 = arith.constant 0 : i32
        %dma_wait3A_622 = arith.constant 0 : i32
        %dma_wait3A_623 = arith.constant 0 : i32
        %dma_wait3A_624 = tpu.memref_slice %arg9[%dma_wait3A_621, %dma_wait3A_622, %dma_wait3A_623] : memref<10x40x64xf32, #tpu.memory_space<vmem>> -> memref<1x40x64xf32, #tpu.memory_space<vmem>>
        %dma_wait3A_625 = tpu.memref_squeeze %dma_wait3A_624 : memref<1x40x64xf32, #tpu.memory_space<vmem>> -> memref<40x64xf32, #tpu.memory_space<vmem>>
        %dma_wait3A_626 = arith.constant 0 : i32
        %dma_wait3A_627 = arith.constant 0 : i32
        %dma_wait3A_628 = tpu.memref_slice %arg2[%dma_wait3A_626, %dma_wait3A_627] : memref<10000x64xf32, #tpu.memory_space<hbm>> -> memref<40x64xf32, #tpu.memory_space<hbm>>
        %dma_wait3A_629 = arith.constant 0 : i32
        %dma_wait3A_630 = arith.constant 0 : i32
        %dma_wait3A_631 = tpu.memref_slice %arg9[%dma_wait3A_621, %dma_wait3A_629, %dma_wait3A_630] : memref<10x40x64xf32, #tpu.memory_space<vmem>> -> memref<1x40x64xf32, #tpu.memory_space<vmem>>
        %dma_wait3A_632 = tpu.memref_squeeze %dma_wait3A_631 : memref<1x40x64xf32, #tpu.memory_space<vmem>> -> memref<40x64xf32, #tpu.memory_space<vmem>>
        %dma_wait3A_633 = arith.constant 0 : i32
        %dma_wait3A_634 = arith.constant 0 : i32
        %dma_wait3A_635 = tpu.memref_slice %arg2[%dma_wait3A_633, %dma_wait3A_634] : memref<10000x64xf32, #tpu.memory_space<hbm>> -> memref<40x64xf32, #tpu.memory_space<hbm>>
        tpu.wait_dma2 semaphore(%arg13 : memref<!tpu.dma_semaphore, #tpu.memory_space<semaphore_mem>>) src(%dma_wait3A_635 : memref<40x64xf32, #tpu.memory_space<hbm>>) dst(%dma_wait3A_632 : memref<40x64xf32, #tpu.memory_space<vmem>>)
        %dma_wait3A_636 = arith.constant 0 : i32
        %dma_wait3A_637 = arith.constant 0 : i32
        %dma_wait3A_638 = arith.constant 0 : i32
        %dma_wait3A_639 = tpu.memref_slice %arg9[%dma_wait3A_636, %dma_wait3A_637, %dma_wait3A_638] : memref<10x40x64xf32, #tpu.memory_space<vmem>> -> memref<1x40x64xf32, #tpu.memory_space<vmem>>
        %dma_wait3A_640 = tpu.memref_squeeze %dma_wait3A_639 : memref<1x40x64xf32, #tpu.memory_space<vmem>> -> memref<40x64xf32, #tpu.memory_space<vmem>>
        %dma_wait3A_641 = arith.constant 0 : i32
        %dma_wait3A_642 = arith.constant 0 : i32
        %dma_wait3A_643 = tpu.memref_slice %arg2[%dma_wait3A_641, %dma_wait3A_642] : memref<10000x64xf32, #tpu.memory_space<hbm>> -> memref<40x64xf32, #tpu.memory_space<hbm>>
        %dma_wait3A_644 = arith.constant 0 : i32
        %dma_wait3A_645 = arith.constant 0 : i32
        %dma_wait3A_646 = tpu.memref_slice %arg9[%dma_wait3A_636, %dma_wait3A_644, %dma_wait3A_645] : memref<10x40x64xf32, #tpu.memory_space<vmem>> -> memref<1x40x64xf32, #tpu.memory_space<vmem>>
        %dma_wait3A_647 = tpu.memref_squeeze %dma_wait3A_646 : memref<1x40x64xf32, #tpu.memory_space<vmem>> -> memref<40x64xf32, #tpu.memory_space<vmem>>
        %dma_wait3A_648 = arith.constant 0 : i32
        %dma_wait3A_649 = arith.constant 0 : i32
        %dma_wait3A_650 = tpu.memref_slice %arg2[%dma_wait3A_648, %dma_wait3A_649] : memref<10000x64xf32, #tpu.memory_space<hbm>> -> memref<40x64xf32, #tpu.memory_space<hbm>>
        tpu.wait_dma2 semaphore(%arg13 : memref<!tpu.dma_semaphore, #tpu.memory_space<semaphore_mem>>) src(%dma_wait3A_650 : memref<40x64xf32, #tpu.memory_space<hbm>>) dst(%dma_wait3A_647 : memref<40x64xf32, #tpu.memory_space<vmem>>)
        %dma_wait3A_651 = arith.constant 0 : i32
        %dma_wait3A_652 = arith.constant 0 : i32
        %dma_wait3A_653 = arith.constant 0 : i32
        %dma_wait3A_654 = tpu.memref_slice %arg9[%dma_wait3A_651, %dma_wait3A_652, %dma_wait3A_653] : memref<10x40x64xf32, #tpu.memory_space<vmem>> -> memref<1x40x64xf32, #tpu.memory_space<vmem>>
        %dma_wait3A_655 = tpu.memref_squeeze %dma_wait3A_654 : memref<1x40x64xf32, #tpu.memory_space<vmem>> -> memref<40x64xf32, #tpu.memory_space<vmem>>
        %dma_wait3A_656 = arith.constant 0 : i32
        %dma_wait3A_657 = arith.constant 0 : i32
        %dma_wait3A_658 = tpu.memref_slice %arg2[%dma_wait3A_656, %dma_wait3A_657] : memref<10000x64xf32, #tpu.memory_space<hbm>> -> memref<40x64xf32, #tpu.memory_space<hbm>>
        %dma_wait3A_659 = arith.constant 0 : i32
        %dma_wait3A_660 = arith.constant 0 : i32
        %dma_wait3A_661 = tpu.memref_slice %arg9[%dma_wait3A_651, %dma_wait3A_659, %dma_wait3A_660] : memref<10x40x64xf32, #tpu.memory_space<vmem>> -> memref<1x40x64xf32, #tpu.memory_space<vmem>>
        %dma_wait3A_662 = tpu.memref_squeeze %dma_wait3A_661 : memref<1x40x64xf32, #tpu.memory_space<vmem>> -> memref<40x64xf32, #tpu.memory_space<vmem>>
        %dma_wait3A_663 = arith.constant 0 : i32
        %dma_wait3A_664 = arith.constant 0 : i32
        %dma_wait3A_665 = tpu.memref_slice %arg2[%dma_wait3A_663, %dma_wait3A_664] : memref<10000x64xf32, #tpu.memory_space<hbm>> -> memref<40x64xf32, #tpu.memory_space<hbm>>
        tpu.wait_dma2 semaphore(%arg13 : memref<!tpu.dma_semaphore, #tpu.memory_space<semaphore_mem>>) src(%dma_wait3A_665 : memref<40x64xf32, #tpu.memory_space<hbm>>) dst(%dma_wait3A_662 : memref<40x64xf32, #tpu.memory_space<vmem>>)
      } else {
      }
      %add3A_148 = arith.constant 5 : i32
      %add3A_149 = arith.addi %mul3A_145, %add3A_148 : i32
      %add3A_150 = arith.constant 0 : i32
      %add3A_151 = arith.addi %add3A_149, %add3A_150 : i32
      %mul3A_152 = arith.constant 40 : i32
      %mul3A_153 = arith.muli %add3A_151, %mul3A_152 : i32
      %multiple_of3A_154 = tpu.assume_multiple %mul3A_153, 8 : i32
      %dma_start3A_155 = arith.constant 5 : i32
      %dma_start3A_156 = arith.constant 0 : i32
      %dma_start3A_157 = arith.constant 0 : i32
      %dma_start3A_158 = tpu.memref_slice %arg9[%dma_start3A_155, %dma_start3A_156, %dma_start3A_157] : memref<10x40x64xf32, #tpu.memory_space<vmem>> -> memref<1x40x64xf32, #tpu.memory_space<vmem>>
      %dma_start3A_159 = tpu.memref_squeeze %dma_start3A_158 : memref<1x40x64xf32, #tpu.memory_space<vmem>> -> memref<40x64xf32, #tpu.memory_space<vmem>>
      %dma_start3A_160 = tpu.memref_slice %arg7[%multiple_of3A_154] : memref<10000xi32, #tpu.memory_space<vmem>> -> memref<40xi32, #tpu.memory_space<vmem>>
      %dma_start3A_161 = arith.constant 0 : i32
      %dma_start3A_162 = arith.constant 0 : i32
      %dma_start3A_163 = tpu.memref_slice %arg2[%dma_start3A_161, %dma_start3A_162] : memref<10000x64xf32, #tpu.memory_space<hbm>> -> memref<10000x64xf32, #tpu.memory_space<hbm>>
      tpu.enqueue_indirect_dma source(%dma_start3A_163 : memref<10000x64xf32, #tpu.memory_space<hbm>>) target(%dma_start3A_159 : memref<40x64xf32, #tpu.memory_space<vmem>>) offsets(%dma_start3A_160 : memref<40xi32, #tpu.memory_space<vmem>>) semaphore(%arg11 : memref<!tpu.dma_semaphore, #tpu.memory_space<semaphore_mem>>)
      %add3A_164 = arith.constant 1 : i32
      %add3A_165 = arith.addi %add3A_149, %add3A_164 : i32
      %mul3A_166 = arith.constant 40 : i32
      %mul3A_167 = arith.muli %add3A_165, %mul3A_166 : i32
      %multiple_of3A_168 = tpu.assume_multiple %mul3A_167, 8 : i32
      %dma_start3A_169 = arith.constant 6 : i32
      %dma_start3A_170 = arith.constant 0 : i32
      %dma_start3A_171 = arith.constant 0 : i32
      %dma_start3A_172 = tpu.memref_slice %arg9[%dma_start3A_169, %dma_start3A_170, %dma_start3A_171] : memref<10x40x64xf32, #tpu.memory_space<vmem>> -> memref<1x40x64xf32, #tpu.memory_space<vmem>>
      %dma_start3A_173 = tpu.memref_squeeze %dma_start3A_172 : memref<1x40x64xf32, #tpu.memory_space<vmem>> -> memref<40x64xf32, #tpu.memory_space<vmem>>
      %dma_start3A_174 = tpu.memref_slice %arg7[%multiple_of3A_168] : memref<10000xi32, #tpu.memory_space<vmem>> -> memref<40xi32, #tpu.memory_space<vmem>>
      %dma_start3A_175 = arith.constant 0 : i32
      %dma_start3A_176 = arith.constant 0 : i32
      %dma_start3A_177 = tpu.memref_slice %arg2[%dma_start3A_175, %dma_start3A_176] : memref<10000x64xf32, #tpu.memory_space<hbm>> -> memref<10000x64xf32, #tpu.memory_space<hbm>>
      tpu.enqueue_indirect_dma source(%dma_start3A_177 : memref<10000x64xf32, #tpu.memory_space<hbm>>) target(%dma_start3A_173 : memref<40x64xf32, #tpu.memory_space<vmem>>) offsets(%dma_start3A_174 : memref<40xi32, #tpu.memory_space<vmem>>) semaphore(%arg11 : memref<!tpu.dma_semaphore, #tpu.memory_space<semaphore_mem>>)
      %add3A_178 = arith.constant 2 : i32
      %add3A_179 = arith.addi %add3A_149, %add3A_178 : i32
      %mul3A_180 = arith.constant 40 : i32
      %mul3A_181 = arith.muli %add3A_179, %mul3A_180 : i32
      %multiple_of3A_182 = tpu.assume_multiple %mul3A_181, 8 : i32
      %dma_start3A_183 = arith.constant 7 : i32
      %dma_start3A_184 = arith.constant 0 : i32
      %dma_start3A_185 = arith.constant 0 : i32
      %dma_start3A_186 = tpu.memref_slice %arg9[%dma_start3A_183, %dma_start3A_184, %dma_start3A_185] : memref<10x40x64xf32, #tpu.memory_space<vmem>> -> memref<1x40x64xf32, #tpu.memory_space<vmem>>
      %dma_start3A_187 = tpu.memref_squeeze %dma_start3A_186 : memref<1x40x64xf32, #tpu.memory_space<vmem>> -> memref<40x64xf32, #tpu.memory_space<vmem>>
      %dma_start3A_188 = tpu.memref_slice %arg7[%multiple_of3A_182] : memref<10000xi32, #tpu.memory_space<vmem>> -> memref<40xi32, #tpu.memory_space<vmem>>
      %dma_start3A_189 = arith.constant 0 : i32
      %dma_start3A_190 = arith.constant 0 : i32
      %dma_start3A_191 = tpu.memref_slice %arg2[%dma_start3A_189, %dma_start3A_190] : memref<10000x64xf32, #tpu.memory_space<hbm>> -> memref<10000x64xf32, #tpu.memory_space<hbm>>
      tpu.enqueue_indirect_dma source(%dma_start3A_191 : memref<10000x64xf32, #tpu.memory_space<hbm>>) target(%dma_start3A_187 : memref<40x64xf32, #tpu.memory_space<vmem>>) offsets(%dma_start3A_188 : memref<40xi32, #tpu.memory_space<vmem>>) semaphore(%arg11 : memref<!tpu.dma_semaphore, #tpu.memory_space<semaphore_mem>>)
      %add3A_192 = arith.constant 3 : i32
      %add3A_193 = arith.addi %add3A_149, %add3A_192 : i32
      %mul3A_194 = arith.constant 40 : i32
      %mul3A_195 = arith.muli %add3A_193, %mul3A_194 : i32
      %multiple_of3A_196 = tpu.assume_multiple %mul3A_195, 8 : i32
      %dma_start3A_197 = arith.constant 8 : i32
      %dma_start3A_198 = arith.constant 0 : i32
      %dma_start3A_199 = arith.constant 0 : i32
      %dma_start3A_200 = tpu.memref_slice %arg9[%dma_start3A_197, %dma_start3A_198, %dma_start3A_199] : memref<10x40x64xf32, #tpu.memory_space<vmem>> -> memref<1x40x64xf32, #tpu.memory_space<vmem>>
      %dma_start3A_201 = tpu.memref_squeeze %dma_start3A_200 : memref<1x40x64xf32, #tpu.memory_space<vmem>> -> memref<40x64xf32, #tpu.memory_space<vmem>>
      %dma_start3A_202 = tpu.memref_slice %arg7[%multiple_of3A_196] : memref<10000xi32, #tpu.memory_space<vmem>> -> memref<40xi32, #tpu.memory_space<vmem>>
      %dma_start3A_203 = arith.constant 0 : i32
      %dma_start3A_204 = arith.constant 0 : i32
      %dma_start3A_205 = tpu.memref_slice %arg2[%dma_start3A_203, %dma_start3A_204] : memref<10000x64xf32, #tpu.memory_space<hbm>> -> memref<10000x64xf32, #tpu.memory_space<hbm>>
      tpu.enqueue_indirect_dma source(%dma_start3A_205 : memref<10000x64xf32, #tpu.memory_space<hbm>>) target(%dma_start3A_201 : memref<40x64xf32, #tpu.memory_space<vmem>>) offsets(%dma_start3A_202 : memref<40xi32, #tpu.memory_space<vmem>>) semaphore(%arg11 : memref<!tpu.dma_semaphore, #tpu.memory_space<semaphore_mem>>)
      %add3A_206 = arith.constant 4 : i32
      %add3A_207 = arith.addi %add3A_149, %add3A_206 : i32
      %mul3A_208 = arith.constant 40 : i32
      %mul3A_209 = arith.muli %add3A_207, %mul3A_208 : i32
      %multiple_of3A_210 = tpu.assume_multiple %mul3A_209, 8 : i32
      %dma_start3A_211 = arith.constant 9 : i32
      %dma_start3A_212 = arith.constant 0 : i32
      %dma_start3A_213 = arith.constant 0 : i32
      %dma_start3A_214 = tpu.memref_slice %arg9[%dma_start3A_211, %dma_start3A_212, %dma_start3A_213] : memref<10x40x64xf32, #tpu.memory_space<vmem>> -> memref<1x40x64xf32, #tpu.memory_space<vmem>>
      %dma_start3A_215 = tpu.memref_squeeze %dma_start3A_214 : memref<1x40x64xf32, #tpu.memory_space<vmem>> -> memref<40x64xf32, #tpu.memory_space<vmem>>
      %dma_start3A_216 = tpu.memref_slice %arg7[%multiple_of3A_210] : memref<10000xi32, #tpu.memory_space<vmem>> -> memref<40xi32, #tpu.memory_space<vmem>>
      %dma_start3A_217 = arith.constant 0 : i32
      %dma_start3A_218 = arith.constant 0 : i32
      %dma_start3A_219 = tpu.memref_slice %arg2[%dma_start3A_217, %dma_start3A_218] : memref<10000x64xf32, #tpu.memory_space<hbm>> -> memref<10000x64xf32, #tpu.memory_space<hbm>>
      tpu.enqueue_indirect_dma source(%dma_start3A_219 : memref<10000x64xf32, #tpu.memory_space<hbm>>) target(%dma_start3A_215 : memref<40x64xf32, #tpu.memory_space<vmem>>) offsets(%dma_start3A_216 : memref<40xi32, #tpu.memory_space<vmem>>) semaphore(%arg11 : memref<!tpu.dma_semaphore, #tpu.memory_space<semaphore_mem>>)
      %dma_wait3A_220 = arith.constant 0 : i32
      %dma_wait3A_221 = arith.constant 0 : i32
      %dma_wait3A_222 = arith.constant 0 : i32
      %dma_wait3A_223 = tpu.memref_slice %arg9[%dma_wait3A_220, %dma_wait3A_221, %dma_wait3A_222] : memref<10x40x64xf32, #tpu.memory_space<vmem>> -> memref<1x40x64xf32, #tpu.memory_space<vmem>>
      %dma_wait3A_224 = tpu.memref_squeeze %dma_wait3A_223 : memref<1x40x64xf32, #tpu.memory_space<vmem>> -> memref<40x64xf32, #tpu.memory_space<vmem>>
      %dma_wait3A_225 = arith.constant 0 : i32
      %dma_wait3A_226 = arith.constant 0 : i32
      %dma_wait3A_227 = tpu.memref_slice %arg2[%dma_wait3A_225, %dma_wait3A_226] : memref<10000x64xf32, #tpu.memory_space<hbm>> -> memref<40x64xf32, #tpu.memory_space<hbm>>
      %dma_wait3A_228 = arith.constant 0 : i32
      %dma_wait3A_229 = arith.constant 0 : i32
      %dma_wait3A_230 = tpu.memref_slice %arg9[%dma_wait3A_220, %dma_wait3A_228, %dma_wait3A_229] : memref<10x40x64xf32, #tpu.memory_space<vmem>> -> memref<1x40x64xf32, #tpu.memory_space<vmem>>
      %dma_wait3A_231 = tpu.memref_squeeze %dma_wait3A_230 : memref<1x40x64xf32, #tpu.memory_space<vmem>> -> memref<40x64xf32, #tpu.memory_space<vmem>>
      %dma_wait3A_232 = arith.constant 0 : i32
      %dma_wait3A_233 = arith.constant 0 : i32
      %dma_wait3A_234 = tpu.memref_slice %arg2[%dma_wait3A_232, %dma_wait3A_233] : memref<10000x64xf32, #tpu.memory_space<hbm>> -> memref<40x64xf32, #tpu.memory_space<hbm>>
      tpu.wait_dma2 semaphore(%arg10 : memref<!tpu.dma_semaphore, #tpu.memory_space<semaphore_mem>>) src(%dma_wait3A_234 : memref<40x64xf32, #tpu.memory_space<hbm>>) dst(%dma_wait3A_231 : memref<40x64xf32, #tpu.memory_space<vmem>>)
      %dma_wait3A_235 = arith.constant 0 : i32
      %dma_wait3A_236 = arith.constant 0 : i32
      %dma_wait3A_237 = arith.constant 0 : i32
      %dma_wait3A_238 = tpu.memref_slice %arg9[%dma_wait3A_235, %dma_wait3A_236, %dma_wait3A_237] : memref<10x40x64xf32, #tpu.memory_space<vmem>> -> memref<1x40x64xf32, #tpu.memory_space<vmem>>
      %dma_wait3A_239 = tpu.memref_squeeze %dma_wait3A_238 : memref<1x40x64xf32, #tpu.memory_space<vmem>> -> memref<40x64xf32, #tpu.memory_space<vmem>>
      %dma_wait3A_240 = arith.constant 0 : i32
      %dma_wait3A_241 = arith.constant 0 : i32
      %dma_wait3A_242 = tpu.memref_slice %arg2[%dma_wait3A_240, %dma_wait3A_241] : memref<10000x64xf32, #tpu.memory_space<hbm>> -> memref<40x64xf32, #tpu.memory_space<hbm>>
      %dma_wait3A_243 = arith.constant 0 : i32
      %dma_wait3A_244 = arith.constant 0 : i32
      %dma_wait3A_245 = tpu.memref_slice %arg9[%dma_wait3A_235, %dma_wait3A_243, %dma_wait3A_244] : memref<10x40x64xf32, #tpu.memory_space<vmem>> -> memref<1x40x64xf32, #tpu.memory_space<vmem>>
      %dma_wait3A_246 = tpu.memref_squeeze %dma_wait3A_245 : memref<1x40x64xf32, #tpu.memory_space<vmem>> -> memref<40x64xf32, #tpu.memory_space<vmem>>
      %dma_wait3A_247 = arith.constant 0 : i32
      %dma_wait3A_248 = arith.constant 0 : i32
      %dma_wait3A_249 = tpu.memref_slice %arg2[%dma_wait3A_247, %dma_wait3A_248] : memref<10000x64xf32, #tpu.memory_space<hbm>> -> memref<40x64xf32, #tpu.memory_space<hbm>>
      tpu.wait_dma2 semaphore(%arg10 : memref<!tpu.dma_semaphore, #tpu.memory_space<semaphore_mem>>) src(%dma_wait3A_249 : memref<40x64xf32, #tpu.memory_space<hbm>>) dst(%dma_wait3A_246 : memref<40x64xf32, #tpu.memory_space<vmem>>)
      %dma_wait3A_250 = arith.constant 0 : i32
      %dma_wait3A_251 = arith.constant 0 : i32
      %dma_wait3A_252 = arith.constant 0 : i32
      %dma_wait3A_253 = tpu.memref_slice %arg9[%dma_wait3A_250, %dma_wait3A_251, %dma_wait3A_252] : memref<10x40x64xf32, #tpu.memory_space<vmem>> -> memref<1x40x64xf32, #tpu.memory_space<vmem>>
      %dma_wait3A_254 = tpu.memref_squeeze %dma_wait3A_253 : memref<1x40x64xf32, #tpu.memory_space<vmem>> -> memref<40x64xf32, #tpu.memory_space<vmem>>
      %dma_wait3A_255 = arith.constant 0 : i32
      %dma_wait3A_256 = arith.constant 0 : i32
      %dma_wait3A_257 = tpu.memref_slice %arg2[%dma_wait3A_255, %dma_wait3A_256] : memref<10000x64xf32, #tpu.memory_space<hbm>> -> memref<40x64xf32, #tpu.memory_space<hbm>>
      %dma_wait3A_258 = arith.constant 0 : i32
      %dma_wait3A_259 = arith.constant 0 : i32
      %dma_wait3A_260 = tpu.memref_slice %arg9[%dma_wait3A_250, %dma_wait3A_258, %dma_wait3A_259] : memref<10x40x64xf32, #tpu.memory_space<vmem>> -> memref<1x40x64xf32, #tpu.memory_space<vmem>>
      %dma_wait3A_261 = tpu.memref_squeeze %dma_wait3A_260 : memref<1x40x64xf32, #tpu.memory_space<vmem>> -> memref<40x64xf32, #tpu.memory_space<vmem>>
      %dma_wait3A_262 = arith.constant 0 : i32
      %dma_wait3A_263 = arith.constant 0 : i32
      %dma_wait3A_264 = tpu.memref_slice %arg2[%dma_wait3A_262, %dma_wait3A_263] : memref<10000x64xf32, #tpu.memory_space<hbm>> -> memref<40x64xf32, #tpu.memory_space<hbm>>
      tpu.wait_dma2 semaphore(%arg10 : memref<!tpu.dma_semaphore, #tpu.memory_space<semaphore_mem>>) src(%dma_wait3A_264 : memref<40x64xf32, #tpu.memory_space<hbm>>) dst(%dma_wait3A_261 : memref<40x64xf32, #tpu.memory_space<vmem>>)
      %dma_wait3A_265 = arith.constant 0 : i32
      %dma_wait3A_266 = arith.constant 0 : i32
      %dma_wait3A_267 = arith.constant 0 : i32
      %dma_wait3A_268 = tpu.memref_slice %arg9[%dma_wait3A_265, %dma_wait3A_266, %dma_wait3A_267] : memref<10x40x64xf32, #tpu.memory_space<vmem>> -> memref<1x40x64xf32, #tpu.memory_space<vmem>>
      %dma_wait3A_269 = tpu.memref_squeeze %dma_wait3A_268 : memref<1x40x64xf32, #tpu.memory_space<vmem>> -> memref<40x64xf32, #tpu.memory_space<vmem>>
      %dma_wait3A_270 = arith.constant 0 : i32
      %dma_wait3A_271 = arith.constant 0 : i32
      %dma_wait3A_272 = tpu.memref_slice %arg2[%dma_wait3A_270, %dma_wait3A_271] : memref<10000x64xf32, #tpu.memory_space<hbm>> -> memref<40x64xf32, #tpu.memory_space<hbm>>
      %dma_wait3A_273 = arith.constant 0 : i32
      %dma_wait3A_274 = arith.constant 0 : i32
      %dma_wait3A_275 = tpu.memref_slice %arg9[%dma_wait3A_265, %dma_wait3A_273, %dma_wait3A_274] : memref<10x40x64xf32, #tpu.memory_space<vmem>> -> memref<1x40x64xf32, #tpu.memory_space<vmem>>
      %dma_wait3A_276 = tpu.memref_squeeze %dma_wait3A_275 : memref<1x40x64xf32, #tpu.memory_space<vmem>> -> memref<40x64xf32, #tpu.memory_space<vmem>>
      %dma_wait3A_277 = arith.constant 0 : i32
      %dma_wait3A_278 = arith.constant 0 : i32
      %dma_wait3A_279 = tpu.memref_slice %arg2[%dma_wait3A_277, %dma_wait3A_278] : memref<10000x64xf32, #tpu.memory_space<hbm>> -> memref<40x64xf32, #tpu.memory_space<hbm>>
      tpu.wait_dma2 semaphore(%arg10 : memref<!tpu.dma_semaphore, #tpu.memory_space<semaphore_mem>>) src(%dma_wait3A_279 : memref<40x64xf32, #tpu.memory_space<hbm>>) dst(%dma_wait3A_276 : memref<40x64xf32, #tpu.memory_space<vmem>>)
      %dma_wait3A_280 = arith.constant 0 : i32
      %dma_wait3A_281 = arith.constant 0 : i32
      %dma_wait3A_282 = arith.constant 0 : i32
      %dma_wait3A_283 = tpu.memref_slice %arg9[%dma_wait3A_280, %dma_wait3A_281, %dma_wait3A_282] : memref<10x40x64xf32, #tpu.memory_space<vmem>> -> memref<1x40x64xf32, #tpu.memory_space<vmem>>
      %dma_wait3A_284 = tpu.memref_squeeze %dma_wait3A_283 : memref<1x40x64xf32, #tpu.memory_space<vmem>> -> memref<40x64xf32, #tpu.memory_space<vmem>>
      %dma_wait3A_285 = arith.constant 0 : i32
      %dma_wait3A_286 = arith.constant 0 : i32
      %dma_wait3A_287 = tpu.memref_slice %arg2[%dma_wait3A_285, %dma_wait3A_286] : memref<10000x64xf32, #tpu.memory_space<hbm>> -> memref<40x64xf32, #tpu.memory_space<hbm>>
      %dma_wait3A_288 = arith.constant 0 : i32
      %dma_wait3A_289 = arith.constant 0 : i32
      %dma_wait3A_290 = tpu.memref_slice %arg9[%dma_wait3A_280, %dma_wait3A_288, %dma_wait3A_289] : memref<10x40x64xf32, #tpu.memory_space<vmem>> -> memref<1x40x64xf32, #tpu.memory_space<vmem>>
      %dma_wait3A_291 = tpu.memref_squeeze %dma_wait3A_290 : memref<1x40x64xf32, #tpu.memory_space<vmem>> -> memref<40x64xf32, #tpu.memory_space<vmem>>
      %dma_wait3A_292 = arith.constant 0 : i32
      %dma_wait3A_293 = arith.constant 0 : i32
      %dma_wait3A_294 = tpu.memref_slice %arg2[%dma_wait3A_292, %dma_wait3A_293] : memref<10000x64xf32, #tpu.memory_space<hbm>> -> memref<40x64xf32, #tpu.memory_space<hbm>>
      tpu.wait_dma2 semaphore(%arg10 : memref<!tpu.dma_semaphore, #tpu.memory_space<semaphore_mem>>) src(%dma_wait3A_294 : memref<40x64xf32, #tpu.memory_space<hbm>>) dst(%dma_wait3A_291 : memref<40x64xf32, #tpu.memory_space<vmem>>)
      %add3A_295 = arith.constant 0 : i32
      %add3A_296 = arith.addi %mul3A_145, %add3A_295 : i32
      %mul3A_297 = arith.constant 40 : i32
      %mul3A_298 = arith.muli %add3A_296, %mul3A_297 : i32
      %multiple_of3A_299 = tpu.assume_multiple %mul3A_298, 8 : i32
      %dma_start3A_300 = arith.constant 0 : i32
      %dma_start3A_301 = arith.constant 0 : i32
      %dma_start3A_302 = arith.constant 0 : i32
      %dma_start3A_303 = tpu.memref_slice %arg9[%dma_start3A_300, %dma_start3A_301, %dma_start3A_302] : memref<10x40x64xf32, #tpu.memory_space<vmem>> -> memref<1x40x64xf32, #tpu.memory_space<vmem>>
      %dma_start3A_304 = tpu.memref_squeeze %dma_start3A_303 : memref<1x40x64xf32, #tpu.memory_space<vmem>> -> memref<40x64xf32, #tpu.memory_space<vmem>>
      %dma_start3A_305 = tpu.memref_slice %arg8[%multiple_of3A_299] : memref<10000xi32, #tpu.memory_space<vmem>> -> memref<40xi32, #tpu.memory_space<vmem>>
      %dma_start3A_306 = arith.constant 0 : i32
      %dma_start3A_307 = arith.constant 0 : i32
      %dma_start3A_308 = tpu.memref_slice %arg6[%dma_start3A_306, %dma_start3A_307] : memref<10000x64xf32, #tpu.memory_space<vmem_shared>> -> memref<10000x64xf32, #tpu.memory_space<vmem_shared>>
      tpu.enqueue_indirect_dma source(%dma_start3A_304 : memref<40x64xf32, #tpu.memory_space<vmem>>) target(%dma_start3A_308 : memref<10000x64xf32, #tpu.memory_space<vmem_shared>>) offsets(%dma_start3A_305 : memref<40xi32, #tpu.memory_space<vmem>>) semaphore(%arg12 : memref<!tpu.dma_semaphore, #tpu.memory_space<semaphore_mem>>) {add = true}
      %add3A_309 = arith.constant 1 : i32
      %add3A_310 = arith.addi %mul3A_145, %add3A_309 : i32
      %mul3A_311 = arith.constant 40 : i32
      %mul3A_312 = arith.muli %add3A_310, %mul3A_311 : i32
      %multiple_of3A_313 = tpu.assume_multiple %mul3A_312, 8 : i32
      %dma_start3A_314 = arith.constant 1 : i32
      %dma_start3A_315 = arith.constant 0 : i32
      %dma_start3A_316 = arith.constant 0 : i32
      %dma_start3A_317 = tpu.memref_slice %arg9[%dma_start3A_314, %dma_start3A_315, %dma_start3A_316] : memref<10x40x64xf32, #tpu.memory_space<vmem>> -> memref<1x40x64xf32, #tpu.memory_space<vmem>>
      %dma_start3A_318 = tpu.memref_squeeze %dma_start3A_317 : memref<1x40x64xf32, #tpu.memory_space<vmem>> -> memref<40x64xf32, #tpu.memory_space<vmem>>
      %dma_start3A_319 = tpu.memref_slice %arg8[%multiple_of3A_313] : memref<10000xi32, #tpu.memory_space<vmem>> -> memref<40xi32, #tpu.memory_space<vmem>>
      %dma_start3A_320 = arith.constant 0 : i32
      %dma_start3A_321 = arith.constant 0 : i32
      %dma_start3A_322 = tpu.memref_slice %arg6[%dma_start3A_320, %dma_start3A_321] : memref<10000x64xf32, #tpu.memory_space<vmem_shared>> -> memref<10000x64xf32, #tpu.memory_space<vmem_shared>>
      tpu.enqueue_indirect_dma source(%dma_start3A_318 : memref<40x64xf32, #tpu.memory_space<vmem>>) target(%dma_start3A_322 : memref<10000x64xf32, #tpu.memory_space<vmem_shared>>) offsets(%dma_start3A_319 : memref<40xi32, #tpu.memory_space<vmem>>) semaphore(%arg12 : memref<!tpu.dma_semaphore, #tpu.memory_space<semaphore_mem>>) {add = true}
      %add3A_323 = arith.constant 2 : i32
      %add3A_324 = arith.addi %mul3A_145, %add3A_323 : i32
      %mul3A_325 = arith.constant 40 : i32
      %mul3A_326 = arith.muli %add3A_324, %mul3A_325 : i32
      %multiple_of3A_327 = tpu.assume_multiple %mul3A_326, 8 : i32
      %dma_start3A_328 = arith.constant 2 : i32
      %dma_start3A_329 = arith.constant 0 : i32
      %dma_start3A_330 = arith.constant 0 : i32
      %dma_start3A_331 = tpu.memref_slice %arg9[%dma_start3A_328, %dma_start3A_329, %dma_start3A_330] : memref<10x40x64xf32, #tpu.memory_space<vmem>> -> memref<1x40x64xf32, #tpu.memory_space<vmem>>
      %dma_start3A_332 = tpu.memref_squeeze %dma_start3A_331 : memref<1x40x64xf32, #tpu.memory_space<vmem>> -> memref<40x64xf32, #tpu.memory_space<vmem>>
      %dma_start3A_333 = tpu.memref_slice %arg8[%multiple_of3A_327] : memref<10000xi32, #tpu.memory_space<vmem>> -> memref<40xi32, #tpu.memory_space<vmem>>
      %dma_start3A_334 = arith.constant 0 : i32
      %dma_start3A_335 = arith.constant 0 : i32
      %dma_start3A_336 = tpu.memref_slice %arg6[%dma_start3A_334, %dma_start3A_335] : memref<10000x64xf32, #tpu.memory_space<vmem_shared>> -> memref<10000x64xf32, #tpu.memory_space<vmem_shared>>
      tpu.enqueue_indirect_dma source(%dma_start3A_332 : memref<40x64xf32, #tpu.memory_space<vmem>>) target(%dma_start3A_336 : memref<10000x64xf32, #tpu.memory_space<vmem_shared>>) offsets(%dma_start3A_333 : memref<40xi32, #tpu.memory_space<vmem>>) semaphore(%arg12 : memref<!tpu.dma_semaphore, #tpu.memory_space<semaphore_mem>>) {add = true}
      %add3A_337 = arith.constant 3 : i32
      %add3A_338 = arith.addi %mul3A_145, %add3A_337 : i32
      %mul3A_339 = arith.constant 40 : i32
      %mul3A_340 = arith.muli %add3A_338, %mul3A_339 : i32
      %multiple_of3A_341 = tpu.assume_multiple %mul3A_340, 8 : i32
      %dma_start3A_342 = arith.constant 3 : i32
      %dma_start3A_343 = arith.constant 0 : i32
      %dma_start3A_344 = arith.constant 0 : i32
      %dma_start3A_345 = tpu.memref_slice %arg9[%dma_start3A_342, %dma_start3A_343, %dma_start3A_344] : memref<10x40x64xf32, #tpu.memory_space<vmem>> -> memref<1x40x64xf32, #tpu.memory_space<vmem>>
      %dma_start3A_346 = tpu.memref_squeeze %dma_start3A_345 : memref<1x40x64xf32, #tpu.memory_space<vmem>> -> memref<40x64xf32, #tpu.memory_space<vmem>>
      %dma_start3A_347 = tpu.memref_slice %arg8[%multiple_of3A_341] : memref<10000xi32, #tpu.memory_space<vmem>> -> memref<40xi32, #tpu.memory_space<vmem>>
      %dma_start3A_348 = arith.constant 0 : i32
      %dma_start3A_349 = arith.constant 0 : i32
      %dma_start3A_350 = tpu.memref_slice %arg6[%dma_start3A_348, %dma_start3A_349] : memref<10000x64xf32, #tpu.memory_space<vmem_shared>> -> memref<10000x64xf32, #tpu.memory_space<vmem_shared>>
      tpu.enqueue_indirect_dma source(%dma_start3A_346 : memref<40x64xf32, #tpu.memory_space<vmem>>) target(%dma_start3A_350 : memref<10000x64xf32, #tpu.memory_space<vmem_shared>>) offsets(%dma_start3A_347 : memref<40xi32, #tpu.memory_space<vmem>>) semaphore(%arg12 : memref<!tpu.dma_semaphore, #tpu.memory_space<semaphore_mem>>) {add = true}
      %add3A_351 = arith.constant 4 : i32
      %add3A_352 = arith.addi %mul3A_145, %add3A_351 : i32
      %mul3A_353 = arith.constant 40 : i32
      %mul3A_354 = arith.muli %add3A_352, %mul3A_353 : i32
      %multiple_of3A_355 = tpu.assume_multiple %mul3A_354, 8 : i32
      %dma_start3A_356 = arith.constant 4 : i32
      %dma_start3A_357 = arith.constant 0 : i32
      %dma_start3A_358 = arith.constant 0 : i32
      %dma_start3A_359 = tpu.memref_slice %arg9[%dma_start3A_356, %dma_start3A_357, %dma_start3A_358] : memref<10x40x64xf32, #tpu.memory_space<vmem>> -> memref<1x40x64xf32, #tpu.memory_space<vmem>>
      %dma_start3A_360 = tpu.memref_squeeze %dma_start3A_359 : memref<1x40x64xf32, #tpu.memory_space<vmem>> -> memref<40x64xf32, #tpu.memory_space<vmem>>
      %dma_start3A_361 = tpu.memref_slice %arg8[%multiple_of3A_355] : memref<10000xi32, #tpu.memory_space<vmem>> -> memref<40xi32, #tpu.memory_space<vmem>>
      %dma_start3A_362 = arith.constant 0 : i32
      %dma_start3A_363 = arith.constant 0 : i32
      %dma_start3A_364 = tpu.memref_slice %arg6[%dma_start3A_362, %dma_start3A_363] : memref<10000x64xf32, #tpu.memory_space<vmem_shared>> -> memref<10000x64xf32, #tpu.memory_space<vmem_shared>>
      tpu.enqueue_indirect_dma source(%dma_start3A_360 : memref<40x64xf32, #tpu.memory_space<vmem>>) target(%dma_start3A_364 : memref<10000x64xf32, #tpu.memory_space<vmem_shared>>) offsets(%dma_start3A_361 : memref<40xi32, #tpu.memory_space<vmem>>) semaphore(%arg12 : memref<!tpu.dma_semaphore, #tpu.memory_space<semaphore_mem>>) {add = true}
      %dma_wait3A_365 = arith.constant 0 : i32
      %dma_wait3A_366 = arith.constant 0 : i32
      %dma_wait3A_367 = arith.constant 0 : i32
      %dma_wait3A_368 = tpu.memref_slice %arg9[%dma_wait3A_365, %dma_wait3A_366, %dma_wait3A_367] : memref<10x40x64xf32, #tpu.memory_space<vmem>> -> memref<1x40x64xf32, #tpu.memory_space<vmem>>
      %dma_wait3A_369 = tpu.memref_squeeze %dma_wait3A_368 : memref<1x40x64xf32, #tpu.memory_space<vmem>> -> memref<40x64xf32, #tpu.memory_space<vmem>>
      %dma_wait3A_370 = arith.constant 0 : i32
      %dma_wait3A_371 = arith.constant 0 : i32
      %dma_wait3A_372 = tpu.memref_slice %arg2[%dma_wait3A_370, %dma_wait3A_371] : memref<10000x64xf32, #tpu.memory_space<hbm>> -> memref<40x64xf32, #tpu.memory_space<hbm>>
      %dma_wait3A_373 = arith.constant 0 : i32
      %dma_wait3A_374 = arith.constant 0 : i32
      %dma_wait3A_375 = tpu.memref_slice %arg9[%dma_wait3A_365, %dma_wait3A_373, %dma_wait3A_374] : memref<10x40x64xf32, #tpu.memory_space<vmem>> -> memref<1x40x64xf32, #tpu.memory_space<vmem>>
      %dma_wait3A_376 = tpu.memref_squeeze %dma_wait3A_375 : memref<1x40x64xf32, #tpu.memory_space<vmem>> -> memref<40x64xf32, #tpu.memory_space<vmem>>
      %dma_wait3A_377 = arith.constant 0 : i32
      %dma_wait3A_378 = arith.constant 0 : i32
      %dma_wait3A_379 = tpu.memref_slice %arg2[%dma_wait3A_377, %dma_wait3A_378] : memref<10000x64xf32, #tpu.memory_space<hbm>> -> memref<40x64xf32, #tpu.memory_space<hbm>>
      tpu.wait_dma2 semaphore(%arg12 : memref<!tpu.dma_semaphore, #tpu.memory_space<semaphore_mem>>) src(%dma_wait3A_379 : memref<40x64xf32, #tpu.memory_space<hbm>>) dst(%dma_wait3A_376 : memref<40x64xf32, #tpu.memory_space<vmem>>)
      %dma_wait3A_380 = arith.constant 0 : i32
      %dma_wait3A_381 = arith.constant 0 : i32
      %dma_wait3A_382 = arith.constant 0 : i32
      %dma_wait3A_383 = tpu.memref_slice %arg9[%dma_wait3A_380, %dma_wait3A_381, %dma_wait3A_382] : memref<10x40x64xf32, #tpu.memory_space<vmem>> -> memref<1x40x64xf32, #tpu.memory_space<vmem>>
      %dma_wait3A_384 = tpu.memref_squeeze %dma_wait3A_383 : memref<1x40x64xf32, #tpu.memory_space<vmem>> -> memref<40x64xf32, #tpu.memory_space<vmem>>
      %dma_wait3A_385 = arith.constant 0 : i32
      %dma_wait3A_386 = arith.constant 0 : i32
      %dma_wait3A_387 = tpu.memref_slice %arg2[%dma_wait3A_385, %dma_wait3A_386] : memref<10000x64xf32, #tpu.memory_space<hbm>> -> memref<40x64xf32, #tpu.memory_space<hbm>>
      %dma_wait3A_388 = arith.constant 0 : i32
      %dma_wait3A_389 = arith.constant 0 : i32
      %dma_wait3A_390 = tpu.memref_slice %arg9[%dma_wait3A_380, %dma_wait3A_388, %dma_wait3A_389] : memref<10x40x64xf32, #tpu.memory_space<vmem>> -> memref<1x40x64xf32, #tpu.memory_space<vmem>>
      %dma_wait3A_391 = tpu.memref_squeeze %dma_wait3A_390 : memref<1x40x64xf32, #tpu.memory_space<vmem>> -> memref<40x64xf32, #tpu.memory_space<vmem>>
      %dma_wait3A_392 = arith.constant 0 : i32
      %dma_wait3A_393 = arith.constant 0 : i32
      %dma_wait3A_394 = tpu.memref_slice %arg2[%dma_wait3A_392, %dma_wait3A_393] : memref<10000x64xf32, #tpu.memory_space<hbm>> -> memref<40x64xf32, #tpu.memory_space<hbm>>
      tpu.wait_dma2 semaphore(%arg12 : memref<!tpu.dma_semaphore, #tpu.memory_space<semaphore_mem>>) src(%dma_wait3A_394 : memref<40x64xf32, #tpu.memory_space<hbm>>) dst(%dma_wait3A_391 : memref<40x64xf32, #tpu.memory_space<vmem>>)
      %dma_wait3A_395 = arith.constant 0 : i32
      %dma_wait3A_396 = arith.constant 0 : i32
      %dma_wait3A_397 = arith.constant 0 : i32
      %dma_wait3A_398 = tpu.memref_slice %arg9[%dma_wait3A_395, %dma_wait3A_396, %dma_wait3A_397] : memref<10x40x64xf32, #tpu.memory_space<vmem>> -> memref<1x40x64xf32, #tpu.memory_space<vmem>>
      %dma_wait3A_399 = tpu.memref_squeeze %dma_wait3A_398 : memref<1x40x64xf32, #tpu.memory_space<vmem>> -> memref<40x64xf32, #tpu.memory_space<vmem>>
      %dma_wait3A_400 = arith.constant 0 : i32
      %dma_wait3A_401 = arith.constant 0 : i32
      %dma_wait3A_402 = tpu.memref_slice %arg2[%dma_wait3A_400, %dma_wait3A_401] : memref<10000x64xf32, #tpu.memory_space<hbm>> -> memref<40x64xf32, #tpu.memory_space<hbm>>
      %dma_wait3A_403 = arith.constant 0 : i32
      %dma_wait3A_404 = arith.constant 0 : i32
      %dma_wait3A_405 = tpu.memref_slice %arg9[%dma_wait3A_395, %dma_wait3A_403, %dma_wait3A_404] : memref<10x40x64xf32, #tpu.memory_space<vmem>> -> memref<1x40x64xf32, #tpu.memory_space<vmem>>
      %dma_wait3A_406 = tpu.memref_squeeze %dma_wait3A_405 : memref<1x40x64xf32, #tpu.memory_space<vmem>> -> memref<40x64xf32, #tpu.memory_space<vmem>>
      %dma_wait3A_407 = arith.constant 0 : i32
      %dma_wait3A_408 = arith.constant 0 : i32
      %dma_wait3A_409 = tpu.memref_slice %arg2[%dma_wait3A_407, %dma_wait3A_408] : memref<10000x64xf32, #tpu.memory_space<hbm>> -> memref<40x64xf32, #tpu.memory_space<hbm>>
      tpu.wait_dma2 semaphore(%arg12 : memref<!tpu.dma_semaphore, #tpu.memory_space<semaphore_mem>>) src(%dma_wait3A_409 : memref<40x64xf32, #tpu.memory_space<hbm>>) dst(%dma_wait3A_406 : memref<40x64xf32, #tpu.memory_space<vmem>>)
      %dma_wait3A_410 = arith.constant 0 : i32
      %dma_wait3A_411 = arith.constant 0 : i32
      %dma_wait3A_412 = arith.constant 0 : i32
      %dma_wait3A_413 = tpu.memref_slice %arg9[%dma_wait3A_410, %dma_wait3A_411, %dma_wait3A_412] : memref<10x40x64xf32, #tpu.memory_space<vmem>> -> memref<1x40x64xf32, #tpu.memory_space<vmem>>
      %dma_wait3A_414 = tpu.memref_squeeze %dma_wait3A_413 : memref<1x40x64xf32, #tpu.memory_space<vmem>> -> memref<40x64xf32, #tpu.memory_space<vmem>>
      %dma_wait3A_415 = arith.constant 0 : i32
      %dma_wait3A_416 = arith.constant 0 : i32
      %dma_wait3A_417 = tpu.memref_slice %arg2[%dma_wait3A_415, %dma_wait3A_416] : memref<10000x64xf32, #tpu.memory_space<hbm>> -> memref<40x64xf32, #tpu.memory_space<hbm>>
      %dma_wait3A_418 = arith.constant 0 : i32
      %dma_wait3A_419 = arith.constant 0 : i32
      %dma_wait3A_420 = tpu.memref_slice %arg9[%dma_wait3A_410, %dma_wait3A_418, %dma_wait3A_419] : memref<10x40x64xf32, #tpu.memory_space<vmem>> -> memref<1x40x64xf32, #tpu.memory_space<vmem>>
      %dma_wait3A_421 = tpu.memref_squeeze %dma_wait3A_420 : memref<1x40x64xf32, #tpu.memory_space<vmem>> -> memref<40x64xf32, #tpu.memory_space<vmem>>
      %dma_wait3A_422 = arith.constant 0 : i32
      %dma_wait3A_423 = arith.constant 0 : i32
      %dma_wait3A_424 = tpu.memref_slice %arg2[%dma_wait3A_422, %dma_wait3A_423] : memref<10000x64xf32, #tpu.memory_space<hbm>> -> memref<40x64xf32, #tpu.memory_space<hbm>>
      tpu.wait_dma2 semaphore(%arg12 : memref<!tpu.dma_semaphore, #tpu.memory_space<semaphore_mem>>) src(%dma_wait3A_424 : memref<40x64xf32, #tpu.memory_space<hbm>>) dst(%dma_wait3A_421 : memref<40x64xf32, #tpu.memory_space<vmem>>)
      %dma_wait3A_425 = arith.constant 0 : i32
      %dma_wait3A_426 = arith.constant 0 : i32
      %dma_wait3A_427 = arith.constant 0 : i32
      %dma_wait3A_428 = tpu.memref_slice %arg9[%dma_wait3A_425, %dma_wait3A_426, %dma_wait3A_427] : memref<10x40x64xf32, #tpu.memory_space<vmem>> -> memref<1x40x64xf32, #tpu.memory_space<vmem>>
      %dma_wait3A_429 = tpu.memref_squeeze %dma_wait3A_428 : memref<1x40x64xf32, #tpu.memory_space<vmem>> -> memref<40x64xf32, #tpu.memory_space<vmem>>
      %dma_wait3A_430 = arith.constant 0 : i32
      %dma_wait3A_431 = arith.constant 0 : i32
      %dma_wait3A_432 = tpu.memref_slice %arg2[%dma_wait3A_430, %dma_wait3A_431] : memref<10000x64xf32, #tpu.memory_space<hbm>> -> memref<40x64xf32, #tpu.memory_space<hbm>>
      %dma_wait3A_433 = arith.constant 0 : i32
      %dma_wait3A_434 = arith.constant 0 : i32
      %dma_wait3A_435 = tpu.memref_slice %arg9[%dma_wait3A_425, %dma_wait3A_433, %dma_wait3A_434] : memref<10x40x64xf32, #tpu.memory_space<vmem>> -> memref<1x40x64xf32, #tpu.memory_space<vmem>>
      %dma_wait3A_436 = tpu.memref_squeeze %dma_wait3A_435 : memref<1x40x64xf32, #tpu.memory_space<vmem>> -> memref<40x64xf32, #tpu.memory_space<vmem>>
      %dma_wait3A_437 = arith.constant 0 : i32
      %dma_wait3A_438 = arith.constant 0 : i32
      %dma_wait3A_439 = tpu.memref_slice %arg2[%dma_wait3A_437, %dma_wait3A_438] : memref<10000x64xf32, #tpu.memory_space<hbm>> -> memref<40x64xf32, #tpu.memory_space<hbm>>
      tpu.wait_dma2 semaphore(%arg12 : memref<!tpu.dma_semaphore, #tpu.memory_space<semaphore_mem>>) src(%dma_wait3A_439 : memref<40x64xf32, #tpu.memory_space<hbm>>) dst(%dma_wait3A_436 : memref<40x64xf32, #tpu.memory_space<vmem>>)
      %lt3A = arith.constant 24 : i32
      %lt3A_440 = arith.cmpi slt, %scan3A_141, %lt3A : i32
      %convert_element_type3A_441 = arith.extui %lt3A_440 : i1 to i32
      %cond3A_442 = arith.constant 0 : i32
      %cond3A_443 = arith.cmpi ne, %convert_element_type3A_441, %cond3A_442 : i32
      scf.if %cond3A_443 {
        %add3A_591 = arith.constant 10 : i32
        %add3A_592 = arith.addi %mul3A_145, %add3A_591 : i32
        %add3A_593 = arith.constant 0 : i32
        %add3A_594 = arith.addi %add3A_592, %add3A_593 : i32
        %mul3A_595 = arith.constant 40 : i32
        %mul3A_596 = arith.muli %add3A_594, %mul3A_595 : i32
        %multiple_of3A_597 = tpu.assume_multiple %mul3A_596, 8 : i32
        %dma_start3A_598 = arith.constant 0 : i32
        %dma_start3A_599 = arith.constant 0 : i32
        %dma_start3A_600 = arith.constant 0 : i32
        %dma_start3A_601 = tpu.memref_slice %arg9[%dma_start3A_598, %dma_start3A_599, %dma_start3A_600] : memref<10x40x64xf32, #tpu.memory_space<vmem>> -> memref<1x40x64xf32, #tpu.memory_space<vmem>>
        %dma_start3A_602 = tpu.memref_squeeze %dma_start3A_601 : memref<1x40x64xf32, #tpu.memory_space<vmem>> -> memref<40x64xf32, #tpu.memory_space<vmem>>
        %dma_start3A_603 = tpu.memref_slice %arg7[%multiple_of3A_597] : memref<10000xi32, #tpu.memory_space<vmem>> -> memref<40xi32, #tpu.memory_space<vmem>>
        %dma_start3A_604 = arith.constant 0 : i32
        %dma_start3A_605 = arith.constant 0 : i32
        %dma_start3A_606 = tpu.memref_slice %arg2[%dma_start3A_604, %dma_start3A_605] : memref<10000x64xf32, #tpu.memory_space<hbm>> -> memref<10000x64xf32, #tpu.memory_space<hbm>>
        tpu.enqueue_indirect_dma source(%dma_start3A_606 : memref<10000x64xf32, #tpu.memory_space<hbm>>) target(%dma_start3A_602 : memref<40x64xf32, #tpu.memory_space<vmem>>) offsets(%dma_start3A_603 : memref<40xi32, #tpu.memory_space<vmem>>) semaphore(%arg10 : memref<!tpu.dma_semaphore, #tpu.memory_space<semaphore_mem>>)
        %add3A_607 = arith.constant 1 : i32
        %add3A_608 = arith.addi %add3A_592, %add3A_607 : i32
        %mul3A_609 = arith.constant 40 : i32
        %mul3A_610 = arith.muli %add3A_608, %mul3A_609 : i32
        %multiple_of3A_611 = tpu.assume_multiple %mul3A_610, 8 : i32
        %dma_start3A_612 = arith.constant 1 : i32
        %dma_start3A_613 = arith.constant 0 : i32
        %dma_start3A_614 = arith.constant 0 : i32
        %dma_start3A_615 = tpu.memref_slice %arg9[%dma_start3A_612, %dma_start3A_613, %dma_start3A_614] : memref<10x40x64xf32, #tpu.memory_space<vmem>> -> memref<1x40x64xf32, #tpu.memory_space<vmem>>
        %dma_start3A_616 = tpu.memref_squeeze %dma_start3A_615 : memref<1x40x64xf32, #tpu.memory_space<vmem>> -> memref<40x64xf32, #tpu.memory_space<vmem>>
        %dma_start3A_617 = tpu.memref_slice %arg7[%multiple_of3A_611] : memref<10000xi32, #tpu.memory_space<vmem>> -> memref<40xi32, #tpu.memory_space<vmem>>
        %dma_start3A_618 = arith.constant 0 : i32
        %dma_start3A_619 = arith.constant 0 : i32
        %dma_start3A_620 = tpu.memref_slice %arg2[%dma_start3A_618, %dma_start3A_619] : memref<10000x64xf32, #tpu.memory_space<hbm>> -> memref<10000x64xf32, #tpu.memory_space<hbm>>
        tpu.enqueue_indirect_dma source(%dma_start3A_620 : memref<10000x64xf32, #tpu.memory_space<hbm>>) target(%dma_start3A_616 : memref<40x64xf32, #tpu.memory_space<vmem>>) offsets(%dma_start3A_617 : memref<40xi32, #tpu.memory_space<vmem>>) semaphore(%arg10 : memref<!tpu.dma_semaphore, #tpu.memory_space<semaphore_mem>>)
        %add3A_621 = arith.constant 2 : i32
        %add3A_622 = arith.addi %add3A_592, %add3A_621 : i32
        %mul3A_623 = arith.constant 40 : i32
        %mul3A_624 = arith.muli %add3A_622, %mul3A_623 : i32
        %multiple_of3A_625 = tpu.assume_multiple %mul3A_624, 8 : i32
        %dma_start3A_626 = arith.constant 2 : i32
        %dma_start3A_627 = arith.constant 0 : i32
        %dma_start3A_628 = arith.constant 0 : i32
        %dma_start3A_629 = tpu.memref_slice %arg9[%dma_start3A_626, %dma_start3A_627, %dma_start3A_628] : memref<10x40x64xf32, #tpu.memory_space<vmem>> -> memref<1x40x64xf32, #tpu.memory_space<vmem>>
        %dma_start3A_630 = tpu.memref_squeeze %dma_start3A_629 : memref<1x40x64xf32, #tpu.memory_space<vmem>> -> memref<40x64xf32, #tpu.memory_space<vmem>>
        %dma_start3A_631 = tpu.memref_slice %arg7[%multiple_of3A_625] : memref<10000xi32, #tpu.memory_space<vmem>> -> memref<40xi32, #tpu.memory_space<vmem>>
        %dma_start3A_632 = arith.constant 0 : i32
        %dma_start3A_633 = arith.constant 0 : i32
        %dma_start3A_634 = tpu.memref_slice %arg2[%dma_start3A_632, %dma_start3A_633] : memref<10000x64xf32, #tpu.memory_space<hbm>> -> memref<10000x64xf32, #tpu.memory_space<hbm>>
        tpu.enqueue_indirect_dma source(%dma_start3A_634 : memref<10000x64xf32, #tpu.memory_space<hbm>>) target(%dma_start3A_630 : memref<40x64xf32, #tpu.memory_space<vmem>>) offsets(%dma_start3A_631 : memref<40xi32, #tpu.memory_space<vmem>>) semaphore(%arg10 : memref<!tpu.dma_semaphore, #tpu.memory_space<semaphore_mem>>)
        %add3A_635 = arith.constant 3 : i32
        %add3A_636 = arith.addi %add3A_592, %add3A_635 : i32
        %mul3A_637 = arith.constant 40 : i32
        %mul3A_638 = arith.muli %add3A_636, %mul3A_637 : i32
        %multiple_of3A_639 = tpu.assume_multiple %mul3A_638, 8 : i32
        %dma_start3A_640 = arith.constant 3 : i32
        %dma_start3A_641 = arith.constant 0 : i32
        %dma_start3A_642 = arith.constant 0 : i32
        %dma_start3A_643 = tpu.memref_slice %arg9[%dma_start3A_640, %dma_start3A_641, %dma_start3A_642] : memref<10x40x64xf32, #tpu.memory_space<vmem>> -> memref<1x40x64xf32, #tpu.memory_space<vmem>>
        %dma_start3A_644 = tpu.memref_squeeze %dma_start3A_643 : memref<1x40x64xf32, #tpu.memory_space<vmem>> -> memref<40x64xf32, #tpu.memory_space<vmem>>
        %dma_start3A_645 = tpu.memref_slice %arg7[%multiple_of3A_639] : memref<10000xi32, #tpu.memory_space<vmem>> -> memref<40xi32, #tpu.memory_space<vmem>>
        %dma_start3A_646 = arith.constant 0 : i32
        %dma_start3A_647 = arith.constant 0 : i32
        %dma_start3A_648 = tpu.memref_slice %arg2[%dma_start3A_646, %dma_start3A_647] : memref<10000x64xf32, #tpu.memory_space<hbm>> -> memref<10000x64xf32, #tpu.memory_space<hbm>>
        tpu.enqueue_indirect_dma source(%dma_start3A_648 : memref<10000x64xf32, #tpu.memory_space<hbm>>) target(%dma_start3A_644 : memref<40x64xf32, #tpu.memory_space<vmem>>) offsets(%dma_start3A_645 : memref<40xi32, #tpu.memory_space<vmem>>) semaphore(%arg10 : memref<!tpu.dma_semaphore, #tpu.memory_space<semaphore_mem>>)
        %add3A_649 = arith.constant 4 : i32
        %add3A_650 = arith.addi %add3A_592, %add3A_649 : i32
        %mul3A_651 = arith.constant 40 : i32
        %mul3A_652 = arith.muli %add3A_650, %mul3A_651 : i32
        %multiple_of3A_653 = tpu.assume_multiple %mul3A_652, 8 : i32
        %dma_start3A_654 = arith.constant 4 : i32
        %dma_start3A_655 = arith.constant 0 : i32
        %dma_start3A_656 = arith.constant 0 : i32
        %dma_start3A_657 = tpu.memref_slice %arg9[%dma_start3A_654, %dma_start3A_655, %dma_start3A_656] : memref<10x40x64xf32, #tpu.memory_space<vmem>> -> memref<1x40x64xf32, #tpu.memory_space<vmem>>
        %dma_start3A_658 = tpu.memref_squeeze %dma_start3A_657 : memref<1x40x64xf32, #tpu.memory_space<vmem>> -> memref<40x64xf32, #tpu.memory_space<vmem>>
        %dma_start3A_659 = tpu.memref_slice %arg7[%multiple_of3A_653] : memref<10000xi32, #tpu.memory_space<vmem>> -> memref<40xi32, #tpu.memory_space<vmem>>
        %dma_start3A_660 = arith.constant 0 : i32
        %dma_start3A_661 = arith.constant 0 : i32
        %dma_start3A_662 = tpu.memref_slice %arg2[%dma_start3A_660, %dma_start3A_661] : memref<10000x64xf32, #tpu.memory_space<hbm>> -> memref<10000x64xf32, #tpu.memory_space<hbm>>
        tpu.enqueue_indirect_dma source(%dma_start3A_662 : memref<10000x64xf32, #tpu.memory_space<hbm>>) target(%dma_start3A_658 : memref<40x64xf32, #tpu.memory_space<vmem>>) offsets(%dma_start3A_659 : memref<40xi32, #tpu.memory_space<vmem>>) semaphore(%arg10 : memref<!tpu.dma_semaphore, #tpu.memory_space<semaphore_mem>>)
      } else {
      }
      %dma_wait3A_444 = arith.constant 0 : i32
      %dma_wait3A_445 = arith.constant 0 : i32
      %dma_wait3A_446 = arith.constant 0 : i32
      %dma_wait3A_447 = tpu.memref_slice %arg9[%dma_wait3A_444, %dma_wait3A_445, %dma_wait3A_446] : memref<10x40x64xf32, #tpu.memory_space<vmem>> -> memref<1x40x64xf32, #tpu.memory_space<vmem>>
      %dma_wait3A_448 = tpu.memref_squeeze %dma_wait3A_447 : memref<1x40x64xf32, #tpu.memory_space<vmem>> -> memref<40x64xf32, #tpu.memory_space<vmem>>
      %dma_wait3A_449 = arith.constant 0 : i32
      %dma_wait3A_450 = arith.constant 0 : i32
      %dma_wait3A_451 = tpu.memref_slice %arg2[%dma_wait3A_449, %dma_wait3A_450] : memref<10000x64xf32, #tpu.memory_space<hbm>> -> memref<40x64xf32, #tpu.memory_space<hbm>>
      %dma_wait3A_452 = arith.constant 0 : i32
      %dma_wait3A_453 = arith.constant 0 : i32
      %dma_wait3A_454 = tpu.memref_slice %arg9[%dma_wait3A_444, %dma_wait3A_452, %dma_wait3A_453] : memref<10x40x64xf32, #tpu.memory_space<vmem>> -> memref<1x40x64xf32, #tpu.memory_space<vmem>>
      %dma_wait3A_455 = tpu.memref_squeeze %dma_wait3A_454 : memref<1x40x64xf32, #tpu.memory_space<vmem>> -> memref<40x64xf32, #tpu.memory_space<vmem>>
      %dma_wait3A_456 = arith.constant 0 : i32
      %dma_wait3A_457 = arith.constant 0 : i32
      %dma_wait3A_458 = tpu.memref_slice %arg2[%dma_wait3A_456, %dma_wait3A_457] : memref<10000x64xf32, #tpu.memory_space<hbm>> -> memref<40x64xf32, #tpu.memory_space<hbm>>
      tpu.wait_dma2 semaphore(%arg11 : memref<!tpu.dma_semaphore, #tpu.memory_space<semaphore_mem>>) src(%dma_wait3A_458 : memref<40x64xf32, #tpu.memory_space<hbm>>) dst(%dma_wait3A_455 : memref<40x64xf32, #tpu.memory_space<vmem>>)
      %dma_wait3A_459 = arith.constant 0 : i32
      %dma_wait3A_460 = arith.constant 0 : i32
      %dma_wait3A_461 = arith.constant 0 : i32
      %dma_wait3A_462 = tpu.memref_slice %arg9[%dma_wait3A_459, %dma_wait3A_460, %dma_wait3A_461] : memref<10x40x64xf32, #tpu.memory_space<vmem>> -> memref<1x40x64xf32, #tpu.memory_space<vmem>>
      %dma_wait3A_463 = tpu.memref_squeeze %dma_wait3A_462 : memref<1x40x64xf32, #tpu.memory_space<vmem>> -> memref<40x64xf32, #tpu.memory_space<vmem>>
      %dma_wait3A_464 = arith.constant 0 : i32
      %dma_wait3A_465 = arith.constant 0 : i32
      %dma_wait3A_466 = tpu.memref_slice %arg2[%dma_wait3A_464, %dma_wait3A_465] : memref<10000x64xf32, #tpu.memory_space<hbm>> -> memref<40x64xf32, #tpu.memory_space<hbm>>
      %dma_wait3A_467 = arith.constant 0 : i32
      %dma_wait3A_468 = arith.constant 0 : i32
      %dma_wait3A_469 = tpu.memref_slice %arg9[%dma_wait3A_459, %dma_wait3A_467, %dma_wait3A_468] : memref<10x40x64xf32, #tpu.memory_space<vmem>> -> memref<1x40x64xf32, #tpu.memory_space<vmem>>
      %dma_wait3A_470 = tpu.memref_squeeze %dma_wait3A_469 : memref<1x40x64xf32, #tpu.memory_space<vmem>> -> memref<40x64xf32, #tpu.memory_space<vmem>>
      %dma_wait3A_471 = arith.constant 0 : i32
      %dma_wait3A_472 = arith.constant 0 : i32
      %dma_wait3A_473 = tpu.memref_slice %arg2[%dma_wait3A_471, %dma_wait3A_472] : memref<10000x64xf32, #tpu.memory_space<hbm>> -> memref<40x64xf32, #tpu.memory_space<hbm>>
      tpu.wait_dma2 semaphore(%arg11 : memref<!tpu.dma_semaphore, #tpu.memory_space<semaphore_mem>>) src(%dma_wait3A_473 : memref<40x64xf32, #tpu.memory_space<hbm>>) dst(%dma_wait3A_470 : memref<40x64xf32, #tpu.memory_space<vmem>>)
      %dma_wait3A_474 = arith.constant 0 : i32
      %dma_wait3A_475 = arith.constant 0 : i32
      %dma_wait3A_476 = arith.constant 0 : i32
      %dma_wait3A_477 = tpu.memref_slice %arg9[%dma_wait3A_474, %dma_wait3A_475, %dma_wait3A_476] : memref<10x40x64xf32, #tpu.memory_space<vmem>> -> memref<1x40x64xf32, #tpu.memory_space<vmem>>
      %dma_wait3A_478 = tpu.memref_squeeze %dma_wait3A_477 : memref<1x40x64xf32, #tpu.memory_space<vmem>> -> memref<40x64xf32, #tpu.memory_space<vmem>>
      %dma_wait3A_479 = arith.constant 0 : i32
      %dma_wait3A_480 = arith.constant 0 : i32
      %dma_wait3A_481 = tpu.memref_slice %arg2[%dma_wait3A_479, %dma_wait3A_480] : memref<10000x64xf32, #tpu.memory_space<hbm>> -> memref<40x64xf32, #tpu.memory_space<hbm>>
      %dma_wait3A_482 = arith.constant 0 : i32
      %dma_wait3A_483 = arith.constant 0 : i32
      %dma_wait3A_484 = tpu.memref_slice %arg9[%dma_wait3A_474, %dma_wait3A_482, %dma_wait3A_483] : memref<10x40x64xf32, #tpu.memory_space<vmem>> -> memref<1x40x64xf32, #tpu.memory_space<vmem>>
      %dma_wait3A_485 = tpu.memref_squeeze %dma_wait3A_484 : memref<1x40x64xf32, #tpu.memory_space<vmem>> -> memref<40x64xf32, #tpu.memory_space<vmem>>
      %dma_wait3A_486 = arith.constant 0 : i32
      %dma_wait3A_487 = arith.constant 0 : i32
      %dma_wait3A_488 = tpu.memref_slice %arg2[%dma_wait3A_486, %dma_wait3A_487] : memref<10000x64xf32, #tpu.memory_space<hbm>> -> memref<40x64xf32, #tpu.memory_space<hbm>>
      tpu.wait_dma2 semaphore(%arg11 : memref<!tpu.dma_semaphore, #tpu.memory_space<semaphore_mem>>) src(%dma_wait3A_488 : memref<40x64xf32, #tpu.memory_space<hbm>>) dst(%dma_wait3A_485 : memref<40x64xf32, #tpu.memory_space<vmem>>)
      %dma_wait3A_489 = arith.constant 0 : i32
      %dma_wait3A_490 = arith.constant 0 : i32
      %dma_wait3A_491 = arith.constant 0 : i32
      %dma_wait3A_492 = tpu.memref_slice %arg9[%dma_wait3A_489, %dma_wait3A_490, %dma_wait3A_491] : memref<10x40x64xf32, #tpu.memory_space<vmem>> -> memref<1x40x64xf32, #tpu.memory_space<vmem>>
      %dma_wait3A_493 = tpu.memref_squeeze %dma_wait3A_492 : memref<1x40x64xf32, #tpu.memory_space<vmem>> -> memref<40x64xf32, #tpu.memory_space<vmem>>
      %dma_wait3A_494 = arith.constant 0 : i32
      %dma_wait3A_495 = arith.constant 0 : i32
      %dma_wait3A_496 = tpu.memref_slice %arg2[%dma_wait3A_494, %dma_wait3A_495] : memref<10000x64xf32, #tpu.memory_space<hbm>> -> memref<40x64xf32, #tpu.memory_space<hbm>>
      %dma_wait3A_497 = arith.constant 0 : i32
      %dma_wait3A_498 = arith.constant 0 : i32
      %dma_wait3A_499 = tpu.memref_slice %arg9[%dma_wait3A_489, %dma_wait3A_497, %dma_wait3A_498] : memref<10x40x64xf32, #tpu.memory_space<vmem>> -> memref<1x40x64xf32, #tpu.memory_space<vmem>>
      %dma_wait3A_500 = tpu.memref_squeeze %dma_wait3A_499 : memref<1x40x64xf32, #tpu.memory_space<vmem>> -> memref<40x64xf32, #tpu.memory_space<vmem>>
      %dma_wait3A_501 = arith.constant 0 : i32
      %dma_wait3A_502 = arith.constant 0 : i32
      %dma_wait3A_503 = tpu.memref_slice %arg2[%dma_wait3A_501, %dma_wait3A_502] : memref<10000x64xf32, #tpu.memory_space<hbm>> -> memref<40x64xf32, #tpu.memory_space<hbm>>
      tpu.wait_dma2 semaphore(%arg11 : memref<!tpu.dma_semaphore, #tpu.memory_space<semaphore_mem>>) src(%dma_wait3A_503 : memref<40x64xf32, #tpu.memory_space<hbm>>) dst(%dma_wait3A_500 : memref<40x64xf32, #tpu.memory_space<vmem>>)
      %dma_wait3A_504 = arith.constant 0 : i32
      %dma_wait3A_505 = arith.constant 0 : i32
      %dma_wait3A_506 = arith.constant 0 : i32
      %dma_wait3A_507 = tpu.memref_slice %arg9[%dma_wait3A_504, %dma_wait3A_505, %dma_wait3A_506] : memref<10x40x64xf32, #tpu.memory_space<vmem>> -> memref<1x40x64xf32, #tpu.memory_space<vmem>>
      %dma_wait3A_508 = tpu.memref_squeeze %dma_wait3A_507 : memref<1x40x64xf32, #tpu.memory_space<vmem>> -> memref<40x64xf32, #tpu.memory_space<vmem>>
      %dma_wait3A_509 = arith.constant 0 : i32
      %dma_wait3A_510 = arith.constant 0 : i32
      %dma_wait3A_511 = tpu.memref_slice %arg2[%dma_wait3A_509, %dma_wait3A_510] : memref<10000x64xf32, #tpu.memory_space<hbm>> -> memref<40x64xf32, #tpu.memory_space<hbm>>
      %dma_wait3A_512 = arith.constant 0 : i32
      %dma_wait3A_513 = arith.constant 0 : i32
      %dma_wait3A_514 = tpu.memref_slice %arg9[%dma_wait3A_504, %dma_wait3A_512, %dma_wait3A_513] : memref<10x40x64xf32, #tpu.memory_space<vmem>> -> memref<1x40x64xf32, #tpu.memory_space<vmem>>
      %dma_wait3A_515 = tpu.memref_squeeze %dma_wait3A_514 : memref<1x40x64xf32, #tpu.memory_space<vmem>> -> memref<40x64xf32, #tpu.memory_space<vmem>>
      %dma_wait3A_516 = arith.constant 0 : i32
      %dma_wait3A_517 = arith.constant 0 : i32
      %dma_wait3A_518 = tpu.memref_slice %arg2[%dma_wait3A_516, %dma_wait3A_517] : memref<10000x64xf32, #tpu.memory_space<hbm>> -> memref<40x64xf32, #tpu.memory_space<hbm>>
      tpu.wait_dma2 semaphore(%arg11 : memref<!tpu.dma_semaphore, #tpu.memory_space<semaphore_mem>>) src(%dma_wait3A_518 : memref<40x64xf32, #tpu.memory_space<hbm>>) dst(%dma_wait3A_515 : memref<40x64xf32, #tpu.memory_space<vmem>>)
      %add3A_519 = arith.constant 5 : i32
      %add3A_520 = arith.addi %mul3A_145, %add3A_519 : i32
      %add3A_521 = arith.constant 0 : i32
      %add3A_522 = arith.addi %add3A_520, %add3A_521 : i32
      %mul3A_523 = arith.constant 40 : i32
      %mul3A_524 = arith.muli %add3A_522, %mul3A_523 : i32
      %multiple_of3A_525 = tpu.assume_multiple %mul3A_524, 8 : i32
      %dma_start3A_526 = arith.constant 5 : i32
      %dma_start3A_527 = arith.constant 0 : i32
      %dma_start3A_528 = arith.constant 0 : i32
      %dma_start3A_529 = tpu.memref_slice %arg9[%dma_start3A_526, %dma_start3A_527, %dma_start3A_528] : memref<10x40x64xf32, #tpu.memory_space<vmem>> -> memref<1x40x64xf32, #tpu.memory_space<vmem>>
      %dma_start3A_530 = tpu.memref_squeeze %dma_start3A_529 : memref<1x40x64xf32, #tpu.memory_space<vmem>> -> memref<40x64xf32, #tpu.memory_space<vmem>>
      %dma_start3A_531 = tpu.memref_slice %arg8[%multiple_of3A_525] : memref<10000xi32, #tpu.memory_space<vmem>> -> memref<40xi32, #tpu.memory_space<vmem>>
      %dma_start3A_532 = arith.constant 0 : i32
      %dma_start3A_533 = arith.constant 0 : i32
      %dma_start3A_534 = tpu.memref_slice %arg6[%dma_start3A_532, %dma_start3A_533] : memref<10000x64xf32, #tpu.memory_space<vmem_shared>> -> memref<10000x64xf32, #tpu.memory_space<vmem_shared>>
      tpu.enqueue_indirect_dma source(%dma_start3A_530 : memref<40x64xf32, #tpu.memory_space<vmem>>) target(%dma_start3A_534 : memref<10000x64xf32, #tpu.memory_space<vmem_shared>>) offsets(%dma_start3A_531 : memref<40xi32, #tpu.memory_space<vmem>>) semaphore(%arg13 : memref<!tpu.dma_semaphore, #tpu.memory_space<semaphore_mem>>) {add = true}
      %add3A_535 = arith.constant 1 : i32
      %add3A_536 = arith.addi %add3A_520, %add3A_535 : i32
      %mul3A_537 = arith.constant 40 : i32
      %mul3A_538 = arith.muli %add3A_536, %mul3A_537 : i32
      %multiple_of3A_539 = tpu.assume_multiple %mul3A_538, 8 : i32
      %dma_start3A_540 = arith.constant 6 : i32
      %dma_start3A_541 = arith.constant 0 : i32
      %dma_start3A_542 = arith.constant 0 : i32
      %dma_start3A_543 = tpu.memref_slice %arg9[%dma_start3A_540, %dma_start3A_541, %dma_start3A_542] : memref<10x40x64xf32, #tpu.memory_space<vmem>> -> memref<1x40x64xf32, #tpu.memory_space<vmem>>
      %dma_start3A_544 = tpu.memref_squeeze %dma_start3A_543 : memref<1x40x64xf32, #tpu.memory_space<vmem>> -> memref<40x64xf32, #tpu.memory_space<vmem>>
      %dma_start3A_545 = tpu.memref_slice %arg8[%multiple_of3A_539] : memref<10000xi32, #tpu.memory_space<vmem>> -> memref<40xi32, #tpu.memory_space<vmem>>
      %dma_start3A_546 = arith.constant 0 : i32
      %dma_start3A_547 = arith.constant 0 : i32
      %dma_start3A_548 = tpu.memref_slice %arg6[%dma_start3A_546, %dma_start3A_547] : memref<10000x64xf32, #tpu.memory_space<vmem_shared>> -> memref<10000x64xf32, #tpu.memory_space<vmem_shared>>
      tpu.enqueue_indirect_dma source(%dma_start3A_544 : memref<40x64xf32, #tpu.memory_space<vmem>>) target(%dma_start3A_548 : memref<10000x64xf32, #tpu.memory_space<vmem_shared>>) offsets(%dma_start3A_545 : memref<40xi32, #tpu.memory_space<vmem>>) semaphore(%arg13 : memref<!tpu.dma_semaphore, #tpu.memory_space<semaphore_mem>>) {add = true}
      %add3A_549 = arith.constant 2 : i32
      %add3A_550 = arith.addi %add3A_520, %add3A_549 : i32
      %mul3A_551 = arith.constant 40 : i32
      %mul3A_552 = arith.muli %add3A_550, %mul3A_551 : i32
      %multiple_of3A_553 = tpu.assume_multiple %mul3A_552, 8 : i32
      %dma_start3A_554 = arith.constant 7 : i32
      %dma_start3A_555 = arith.constant 0 : i32
      %dma_start3A_556 = arith.constant 0 : i32
      %dma_start3A_557 = tpu.memref_slice %arg9[%dma_start3A_554, %dma_start3A_555, %dma_start3A_556] : memref<10x40x64xf32, #tpu.memory_space<vmem>> -> memref<1x40x64xf32, #tpu.memory_space<vmem>>
      %dma_start3A_558 = tpu.memref_squeeze %dma_start3A_557 : memref<1x40x64xf32, #tpu.memory_space<vmem>> -> memref<40x64xf32, #tpu.memory_space<vmem>>
      %dma_start3A_559 = tpu.memref_slice %arg8[%multiple_of3A_553] : memref<10000xi32, #tpu.memory_space<vmem>> -> memref<40xi32, #tpu.memory_space<vmem>>
      %dma_start3A_560 = arith.constant 0 : i32
      %dma_start3A_561 = arith.constant 0 : i32
      %dma_start3A_562 = tpu.memref_slice %arg6[%dma_start3A_560, %dma_start3A_561] : memref<10000x64xf32, #tpu.memory_space<vmem_shared>> -> memref<10000x64xf32, #tpu.memory_space<vmem_shared>>
      tpu.enqueue_indirect_dma source(%dma_start3A_558 : memref<40x64xf32, #tpu.memory_space<vmem>>) target(%dma_start3A_562 : memref<10000x64xf32, #tpu.memory_space<vmem_shared>>) offsets(%dma_start3A_559 : memref<40xi32, #tpu.memory_space<vmem>>) semaphore(%arg13 : memref<!tpu.dma_semaphore, #tpu.memory_space<semaphore_mem>>) {add = true}
      %add3A_563 = arith.constant 3 : i32
      %add3A_564 = arith.addi %add3A_520, %add3A_563 : i32
      %mul3A_565 = arith.constant 40 : i32
      %mul3A_566 = arith.muli %add3A_564, %mul3A_565 : i32
      %multiple_of3A_567 = tpu.assume_multiple %mul3A_566, 8 : i32
      %dma_start3A_568 = arith.constant 8 : i32
      %dma_start3A_569 = arith.constant 0 : i32
      %dma_start3A_570 = arith.constant 0 : i32
      %dma_start3A_571 = tpu.memref_slice %arg9[%dma_start3A_568, %dma_start3A_569, %dma_start3A_570] : memref<10x40x64xf32, #tpu.memory_space<vmem>> -> memref<1x40x64xf32, #tpu.memory_space<vmem>>
      %dma_start3A_572 = tpu.memref_squeeze %dma_start3A_571 : memref<1x40x64xf32, #tpu.memory_space<vmem>> -> memref<40x64xf32, #tpu.memory_space<vmem>>
      %dma_start3A_573 = tpu.memref_slice %arg8[%multiple_of3A_567] : memref<10000xi32, #tpu.memory_space<vmem>> -> memref<40xi32, #tpu.memory_space<vmem>>
      %dma_start3A_574 = arith.constant 0 : i32
      %dma_start3A_575 = arith.constant 0 : i32
      %dma_start3A_576 = tpu.memref_slice %arg6[%dma_start3A_574, %dma_start3A_575] : memref<10000x64xf32, #tpu.memory_space<vmem_shared>> -> memref<10000x64xf32, #tpu.memory_space<vmem_shared>>
      tpu.enqueue_indirect_dma source(%dma_start3A_572 : memref<40x64xf32, #tpu.memory_space<vmem>>) target(%dma_start3A_576 : memref<10000x64xf32, #tpu.memory_space<vmem_shared>>) offsets(%dma_start3A_573 : memref<40xi32, #tpu.memory_space<vmem>>) semaphore(%arg13 : memref<!tpu.dma_semaphore, #tpu.memory_space<semaphore_mem>>) {add = true}
      %add3A_577 = arith.constant 4 : i32
      %add3A_578 = arith.addi %add3A_520, %add3A_577 : i32
      %mul3A_579 = arith.constant 40 : i32
      %mul3A_580 = arith.muli %add3A_578, %mul3A_579 : i32
      %multiple_of3A_581 = tpu.assume_multiple %mul3A_580, 8 : i32
      %dma_start3A_582 = arith.constant 9 : i32
      %dma_start3A_583 = arith.constant 0 : i32
      %dma_start3A_584 = arith.constant 0 : i32
      %dma_start3A_585 = tpu.memref_slice %arg9[%dma_start3A_582, %dma_start3A_583, %dma_start3A_584] : memref<10x40x64xf32, #tpu.memory_space<vmem>> -> memref<1x40x64xf32, #tpu.memory_space<vmem>>
      %dma_start3A_586 = tpu.memref_squeeze %dma_start3A_585 : memref<1x40x64xf32, #tpu.memory_space<vmem>> -> memref<40x64xf32, #tpu.memory_space<vmem>>
      %dma_start3A_587 = tpu.memref_slice %arg8[%multiple_of3A_581] : memref<10000xi32, #tpu.memory_space<vmem>> -> memref<40xi32, #tpu.memory_space<vmem>>
      %dma_start3A_588 = arith.constant 0 : i32
      %dma_start3A_589 = arith.constant 0 : i32
      %dma_start3A_590 = tpu.memref_slice %arg6[%dma_start3A_588, %dma_start3A_589] : memref<10000x64xf32, #tpu.memory_space<vmem_shared>> -> memref<10000x64xf32, #tpu.memory_space<vmem_shared>>
      tpu.enqueue_indirect_dma source(%dma_start3A_586 : memref<40x64xf32, #tpu.memory_space<vmem>>) target(%dma_start3A_590 : memref<10000x64xf32, #tpu.memory_space<vmem_shared>>) offsets(%dma_start3A_587 : memref<40xi32, #tpu.memory_space<vmem>>) semaphore(%arg13 : memref<!tpu.dma_semaphore, #tpu.memory_space<semaphore_mem>>) {add = true}
    }
    %scan3A_65 = arith.constant 25 : i32
    %dma_wait3A = arith.constant 0 : i32
    %dma_wait3A_66 = arith.constant 0 : i32
    %dma_wait3A_67 = arith.constant 0 : i32
    %dma_wait3A_68 = tpu.memref_slice %arg9[%dma_wait3A, %dma_wait3A_66, %dma_wait3A_67] : memref<10x40x64xf32, #tpu.memory_space<vmem>> -> memref<1x40x64xf32, #tpu.memory_space<vmem>>
    %dma_wait3A_69 = tpu.memref_squeeze %dma_wait3A_68 : memref<1x40x64xf32, #tpu.memory_space<vmem>> -> memref<40x64xf32, #tpu.memory_space<vmem>>
    %dma_wait3A_70 = arith.constant 0 : i32
    %dma_wait3A_71 = arith.constant 0 : i32
    %dma_wait3A_72 = tpu.memref_slice %arg2[%dma_wait3A_70, %dma_wait3A_71] : memref<10000x64xf32, #tpu.memory_space<hbm>> -> memref<40x64xf32, #tpu.memory_space<hbm>>
    %dma_wait3A_73 = arith.constant 0 : i32
    %dma_wait3A_74 = arith.constant 0 : i32
    %dma_wait3A_75 = tpu.memref_slice %arg9[%dma_wait3A, %dma_wait3A_73, %dma_wait3A_74] : memref<10x40x64xf32, #tpu.memory_space<vmem>> -> memref<1x40x64xf32, #tpu.memory_space<vmem>>
    %dma_wait3A_76 = tpu.memref_squeeze %dma_wait3A_75 : memref<1x40x64xf32, #tpu.memory_space<vmem>> -> memref<40x64xf32, #tpu.memory_space<vmem>>
    %dma_wait3A_77 = arith.constant 0 : i32
    %dma_wait3A_78 = arith.constant 0 : i32
    %dma_wait3A_79 = tpu.memref_slice %arg2[%dma_wait3A_77, %dma_wait3A_78] : memref<10000x64xf32, #tpu.memory_space<hbm>> -> memref<40x64xf32, #tpu.memory_space<hbm>>
    tpu.wait_dma2 semaphore(%arg13 : memref<!tpu.dma_semaphore, #tpu.memory_space<semaphore_mem>>) src(%dma_wait3A_79 : memref<40x64xf32, #tpu.memory_space<hbm>>) dst(%dma_wait3A_76 : memref<40x64xf32, #tpu.memory_space<vmem>>)
    %dma_wait3A_80 = arith.constant 0 : i32
    %dma_wait3A_81 = arith.constant 0 : i32
    %dma_wait3A_82 = arith.constant 0 : i32
    %dma_wait3A_83 = tpu.memref_slice %arg9[%dma_wait3A_80, %dma_wait3A_81, %dma_wait3A_82] : memref<10x40x64xf32, #tpu.memory_space<vmem>> -> memref<1x40x64xf32, #tpu.memory_space<vmem>>
    %dma_wait3A_84 = tpu.memref_squeeze %dma_wait3A_83 : memref<1x40x64xf32, #tpu.memory_space<vmem>> -> memref<40x64xf32, #tpu.memory_space<vmem>>
    %dma_wait3A_85 = arith.constant 0 : i32
    %dma_wait3A_86 = arith.constant 0 : i32
    %dma_wait3A_87 = tpu.memref_slice %arg2[%dma_wait3A_85, %dma_wait3A_86] : memref<10000x64xf32, #tpu.memory_space<hbm>> -> memref<40x64xf32, #tpu.memory_space<hbm>>
    %dma_wait3A_88 = arith.constant 0 : i32
    %dma_wait3A_89 = arith.constant 0 : i32
    %dma_wait3A_90 = tpu.memref_slice %arg9[%dma_wait3A_80, %dma_wait3A_88, %dma_wait3A_89] : memref<10x40x64xf32, #tpu.memory_space<vmem>> -> memref<1x40x64xf32, #tpu.memory_space<vmem>>
    %dma_wait3A_91 = tpu.memref_squeeze %dma_wait3A_90 : memref<1x40x64xf32, #tpu.memory_space<vmem>> -> memref<40x64xf32, #tpu.memory_space<vmem>>
    %dma_wait3A_92 = arith.constant 0 : i32
    %dma_wait3A_93 = arith.constant 0 : i32
    %dma_wait3A_94 = tpu.memref_slice %arg2[%dma_wait3A_92, %dma_wait3A_93] : memref<10000x64xf32, #tpu.memory_space<hbm>> -> memref<40x64xf32, #tpu.memory_space<hbm>>
    tpu.wait_dma2 semaphore(%arg13 : memref<!tpu.dma_semaphore, #tpu.memory_space<semaphore_mem>>) src(%dma_wait3A_94 : memref<40x64xf32, #tpu.memory_space<hbm>>) dst(%dma_wait3A_91 : memref<40x64xf32, #tpu.memory_space<vmem>>)
    %dma_wait3A_95 = arith.constant 0 : i32
    %dma_wait3A_96 = arith.constant 0 : i32
    %dma_wait3A_97 = arith.constant 0 : i32
    %dma_wait3A_98 = tpu.memref_slice %arg9[%dma_wait3A_95, %dma_wait3A_96, %dma_wait3A_97] : memref<10x40x64xf32, #tpu.memory_space<vmem>> -> memref<1x40x64xf32, #tpu.memory_space<vmem>>
    %dma_wait3A_99 = tpu.memref_squeeze %dma_wait3A_98 : memref<1x40x64xf32, #tpu.memory_space<vmem>> -> memref<40x64xf32, #tpu.memory_space<vmem>>
    %dma_wait3A_100 = arith.constant 0 : i32
    %dma_wait3A_101 = arith.constant 0 : i32
    %dma_wait3A_102 = tpu.memref_slice %arg2[%dma_wait3A_100, %dma_wait3A_101] : memref<10000x64xf32, #tpu.memory_space<hbm>> -> memref<40x64xf32, #tpu.memory_space<hbm>>
    %dma_wait3A_103 = arith.constant 0 : i32
    %dma_wait3A_104 = arith.constant 0 : i32
    %dma_wait3A_105 = tpu.memref_slice %arg9[%dma_wait3A_95, %dma_wait3A_103, %dma_wait3A_104] : memref<10x40x64xf32, #tpu.memory_space<vmem>> -> memref<1x40x64xf32, #tpu.memory_space<vmem>>
    %dma_wait3A_106 = tpu.memref_squeeze %dma_wait3A_105 : memref<1x40x64xf32, #tpu.memory_space<vmem>> -> memref<40x64xf32, #tpu.memory_space<vmem>>
    %dma_wait3A_107 = arith.constant 0 : i32
    %dma_wait3A_108 = arith.constant 0 : i32
    %dma_wait3A_109 = tpu.memref_slice %arg2[%dma_wait3A_107, %dma_wait3A_108] : memref<10000x64xf32, #tpu.memory_space<hbm>> -> memref<40x64xf32, #tpu.memory_space<hbm>>
    tpu.wait_dma2 semaphore(%arg13 : memref<!tpu.dma_semaphore, #tpu.memory_space<semaphore_mem>>) src(%dma_wait3A_109 : memref<40x64xf32, #tpu.memory_space<hbm>>) dst(%dma_wait3A_106 : memref<40x64xf32, #tpu.memory_space<vmem>>)
    %dma_wait3A_110 = arith.constant 0 : i32
    %dma_wait3A_111 = arith.constant 0 : i32
    %dma_wait3A_112 = arith.constant 0 : i32
    %dma_wait3A_113 = tpu.memref_slice %arg9[%dma_wait3A_110, %dma_wait3A_111, %dma_wait3A_112] : memref<10x40x64xf32, #tpu.memory_space<vmem>> -> memref<1x40x64xf32, #tpu.memory_space<vmem>>
    %dma_wait3A_114 = tpu.memref_squeeze %dma_wait3A_113 : memref<1x40x64xf32, #tpu.memory_space<vmem>> -> memref<40x64xf32, #tpu.memory_space<vmem>>
    %dma_wait3A_115 = arith.constant 0 : i32
    %dma_wait3A_116 = arith.constant 0 : i32
    %dma_wait3A_117 = tpu.memref_slice %arg2[%dma_wait3A_115, %dma_wait3A_116] : memref<10000x64xf32, #tpu.memory_space<hbm>> -> memref<40x64xf32, #tpu.memory_space<hbm>>
    %dma_wait3A_118 = arith.constant 0 : i32
    %dma_wait3A_119 = arith.constant 0 : i32
    %dma_wait3A_120 = tpu.memref_slice %arg9[%dma_wait3A_110, %dma_wait3A_118, %dma_wait3A_119] : memref<10x40x64xf32, #tpu.memory_space<vmem>> -> memref<1x40x64xf32, #tpu.memory_space<vmem>>
    %dma_wait3A_121 = tpu.memref_squeeze %dma_wait3A_120 : memref<1x40x64xf32, #tpu.memory_space<vmem>> -> memref<40x64xf32, #tpu.memory_space<vmem>>
    %dma_wait3A_122 = arith.constant 0 : i32
    %dma_wait3A_123 = arith.constant 0 : i32
    %dma_wait3A_124 = tpu.memref_slice %arg2[%dma_wait3A_122, %dma_wait3A_123] : memref<10000x64xf32, #tpu.memory_space<hbm>> -> memref<40x64xf32, #tpu.memory_space<hbm>>
    tpu.wait_dma2 semaphore(%arg13 : memref<!tpu.dma_semaphore, #tpu.memory_space<semaphore_mem>>) src(%dma_wait3A_124 : memref<40x64xf32, #tpu.memory_space<hbm>>) dst(%dma_wait3A_121 : memref<40x64xf32, #tpu.memory_space<vmem>>)
    %dma_wait3A_125 = arith.constant 0 : i32
    %dma_wait3A_126 = arith.constant 0 : i32
    %dma_wait3A_127 = arith.constant 0 : i32
    %dma_wait3A_128 = tpu.memref_slice %arg9[%dma_wait3A_125, %dma_wait3A_126, %dma_wait3A_127] : memref<10x40x64xf32, #tpu.memory_space<vmem>> -> memref<1x40x64xf32, #tpu.memory_space<vmem>>
    %dma_wait3A_129 = tpu.memref_squeeze %dma_wait3A_128 : memref<1x40x64xf32, #tpu.memory_space<vmem>> -> memref<40x64xf32, #tpu.memory_space<vmem>>
    %dma_wait3A_130 = arith.constant 0 : i32
    %dma_wait3A_131 = arith.constant 0 : i32
    %dma_wait3A_132 = tpu.memref_slice %arg2[%dma_wait3A_130, %dma_wait3A_131] : memref<10000x64xf32, #tpu.memory_space<hbm>> -> memref<40x64xf32, #tpu.memory_space<hbm>>
    %dma_wait3A_133 = arith.constant 0 : i32
    %dma_wait3A_134 = arith.constant 0 : i32
    %dma_wait3A_135 = tpu.memref_slice %arg9[%dma_wait3A_125, %dma_wait3A_133, %dma_wait3A_134] : memref<10x40x64xf32, #tpu.memory_space<vmem>> -> memref<1x40x64xf32, #tpu.memory_space<vmem>>
    %dma_wait3A_136 = tpu.memref_squeeze %dma_wait3A_135 : memref<1x40x64xf32, #tpu.memory_space<vmem>> -> memref<40x64xf32, #tpu.memory_space<vmem>>
    %dma_wait3A_137 = arith.constant 0 : i32
    %dma_wait3A_138 = arith.constant 0 : i32
    %dma_wait3A_139 = tpu.memref_slice %arg2[%dma_wait3A_137, %dma_wait3A_138] : memref<10000x64xf32, #tpu.memory_space<hbm>> -> memref<40x64xf32, #tpu.memory_space<hbm>>
    tpu.wait_dma2 semaphore(%arg13 : memref<!tpu.dma_semaphore, #tpu.memory_space<semaphore_mem>>) src(%dma_wait3A_139 : memref<40x64xf32, #tpu.memory_space<hbm>>) dst(%dma_wait3A_136 : memref<40x64xf32, #tpu.memory_space<vmem>>)
    %barrier3A_140 = arith.constant 0 : index
    tpu.barrier barrier_id(%barrier3A_140)
    "tpu.region"() ({
      %run_scoped3A_141 = tpu.sem_alloc : memref<!tpu.dma_semaphore, #tpu.memory_space<semaphore_mem>>
      %dma_start3A_142 = arith.constant 0 : i32
      %dma_start3A_143 = arith.constant 0 : i32
      %dma_start3A_144 = tpu.memref_slice %arg5[%arg0, %dma_start3A_142, %dma_start3A_143] : memref<2x10000x64xf32, #tpu.memory_space<hbm>> -> memref<1x10000x64xf32, #tpu.memory_space<hbm>>
      %dma_start3A_145 = tpu.memref_squeeze %dma_start3A_144 : memref<1x10000x64xf32, #tpu.memory_space<hbm>> -> memref<10000x64xf32, #tpu.memory_space<hbm>>
      %dma_start3A_146 = arith.constant 0 : i32
      %dma_start3A_147 = tpu.memref_slice %dma_start3A_145[%mul3A_2, %dma_start3A_146] : memref<10000x64xf32, #tpu.memory_space<hbm>> -> memref<625x64xf32, #tpu.memory_space<hbm>>
      %dma_start3A_148 = arith.constant 0 : i32
      %dma_start3A_149 = tpu.memref_slice %arg6[%mul3A_2, %dma_start3A_148] : memref<10000x64xf32, #tpu.memory_space<vmem_shared>> -> memref<625x64xf32, #tpu.memory_space<vmem_shared>>
      tpu.enqueue_dma source(%dma_start3A_149 : memref<625x64xf32, #tpu.memory_space<vmem_shared>>) target(%dma_start3A_147 : memref<625x64xf32, #tpu.memory_space<hbm>>) target_semaphore(%run_scoped3A_141 : memref<!tpu.dma_semaphore, #tpu.memory_space<semaphore_mem>>)
      %dma_wait3A_150 = arith.constant 0 : i32
      %dma_wait3A_151 = arith.constant 0 : i32
      %dma_wait3A_152 = tpu.memref_slice %arg5[%arg0, %dma_wait3A_150, %dma_wait3A_151] : memref<2x10000x64xf32, #tpu.memory_space<hbm>> -> memref<1x10000x64xf32, #tpu.memory_space<hbm>>
      %dma_wait3A_153 = tpu.memref_squeeze %dma_wait3A_152 : memref<1x10000x64xf32, #tpu.memory_space<hbm>> -> memref<10000x64xf32, #tpu.memory_space<hbm>>
      %dma_wait3A_154 = arith.constant 0 : i32
      %dma_wait3A_155 = tpu.memref_slice %dma_wait3A_153[%mul3A_2, %dma_wait3A_154] : memref<10000x64xf32, #tpu.memory_space<hbm>> -> memref<625x64xf32, #tpu.memory_space<hbm>>
      %dma_wait3A_156 = arith.constant 0 : i32
      %dma_wait3A_157 = tpu.memref_slice %arg6[%mul3A_2, %dma_wait3A_156] : memref<10000x64xf32, #tpu.memory_space<vmem_shared>> -> memref<625x64xf32, #tpu.memory_space<vmem_shared>>
      tpu.wait_dma2 semaphore(%run_scoped3A_141 : memref<!tpu.dma_semaphore, #tpu.memory_space<semaphore_mem>>) src(%dma_wait3A_157 : memref<625x64xf32, #tpu.memory_space<vmem_shared>>) dst(%dma_wait3A_155 : memref<625x64xf32, #tpu.memory_space<hbm>>)
      tpu.yield
    }) : () -> ()
    return
  }
}

module attributes {stable_mosaic.version = 14 : i64} {
  func.func @_mm_body(%arg0: memref<10000x128xf32, #tpu.memory_space<vmem>>, %arg1: memref<128x64xf32, #tpu.memory_space<vmem>>, %arg2: memref<10000x64xf32, #tpu.memory_space<vmem>>) attributes {dimension_semantics = [], scalar_prefetch = 0 : i64, scratch_operands = 0 : i64, tpu.core_type = #tpu.core_type<tc>} {
    %get3A = arith.constant 0 : index
    %get3A_0 = arith.constant 0 : index
    %get3A_1 = vector.load %arg0[%get3A, %get3A_0] : memref<10000x128xf32, #tpu.memory_space<vmem>>, vector<10000x128xf32>
    %get3A_2 = arith.constant 0 : index
    %get3A_3 = arith.constant 0 : index
    %get3A_4 = vector.load %arg1[%get3A_2, %get3A_3] : memref<128x64xf32, #tpu.memory_space<vmem>>, vector<128x64xf32>
    %dot_general3A = arith.constant dense<0.000000e+00> : vector<10000x64xf32>
    %dot_general3A_5 = tpu.matmul %get3A_1, %get3A_4, %dot_general3A {dimension_numbers = #tpu.dot_dimension_numbers<[1], [0], [0], [1], [0, 0, 1, 1], [], []>, transpose_lhs_hint = false} : vector<10000x128xf32>, vector<128x64xf32>, vector<10000x64xf32> -> vector<10000x64xf32>
    %swap3A = arith.constant 0 : index
    %swap3A_6 = arith.constant 0 : index
    %swap3A_7 = vector.load %arg2[%swap3A, %swap3A_6] : memref<10000x64xf32, #tpu.memory_space<vmem>>, vector<10000x64xf32>
    tpu.vector_store %arg2[%swap3A, %swap3A_6], %dot_general3A_5 {strides = array<i32>} : memref<10000x64xf32, #tpu.memory_space<vmem>>, vector<10000x64xf32>,
    return
  }
}

module attributes {stable_mosaic.version = 14 : i64} {
  func.func @_combine_body(%arg0: memref<10000x64xf32, #tpu.memory_space<vmem>>, %arg1: memref<2x10000x64xf32, #tpu.memory_space<vmem>>, %arg2: memref<1x64xf32, #tpu.memory_space<vmem>>, %arg3: memref<64x64xf32, #tpu.memory_space<vmem>>, %arg4: memref<10000x64xf32, #tpu.memory_space<vmem>>) attributes {dimension_semantics = [], scalar_prefetch = 0 : i64, scratch_operands = 0 : i64, tpu.core_type = #tpu.core_type<tc>} {
    %get3A = arith.constant 0 : index
    %get3A_0 = arith.constant 0 : index
    %get3A_1 = vector.load %arg0[%get3A, %get3A_0] : memref<10000x64xf32, #tpu.memory_space<vmem>>, vector<10000x64xf32>
    %get3A_2 = arith.constant 0 : index
    %get3A_3 = arith.constant 0 : index
    %get3A_4 = arith.constant 0 : index
    %get3A_5 = vector.load %arg1[%get3A_2, %get3A_3, %get3A_4] : memref<2x10000x64xf32, #tpu.memory_space<vmem>>, vector<1x10000x64xf32>
    %get3A_6 = vector.shape_cast %get3A_5 : vector<1x10000x64xf32> to vector<10000x64xf32>
    %add3A = arith.addf %get3A_1, %get3A_6 : vector<10000x64xf32>
    %get3A_7 = arith.constant 1 : index
    %get3A_8 = arith.constant 0 : index
    %get3A_9 = arith.constant 0 : index
    %get3A_10 = vector.load %arg1[%get3A_7, %get3A_8, %get3A_9] : memref<2x10000x64xf32, #tpu.memory_space<vmem>>, vector<1x10000x64xf32>
    %get3A_11 = vector.shape_cast %get3A_10 : vector<1x10000x64xf32> to vector<10000x64xf32>
    %add3A_12 = arith.addf %add3A, %get3A_11 : vector<10000x64xf32>
    %get3A_13 = arith.constant 0 : index
    %get3A_14 = arith.constant 0 : index
    %get3A_15 = vector.load %arg2[%get3A_13, %get3A_14] : memref<1x64xf32, #tpu.memory_space<vmem>>, vector<1x64xf32>
    %add3A_16 = vector.broadcast %get3A_15 : vector<1x64xf32> to vector<10000x64xf32>
    %add3A_17 = arith.addf %add3A_12, %add3A_16 : vector<10000x64xf32>
    %max3A = arith.constant 0.000000e+00 : f32
    %max3A_18 = vector.broadcast %max3A : f32 to vector<10000x64xf32>
    %max3A_19 = arith.maximumf %add3A_17, %max3A_18 : vector<10000x64xf32>
    %get3A_20 = arith.constant 0 : index
    %get3A_21 = arith.constant 0 : index
    %get3A_22 = vector.load %arg3[%get3A_20, %get3A_21] : memref<64x64xf32, #tpu.memory_space<vmem>>, vector<64x64xf32>
    %dot_general3A = arith.constant dense<0.000000e+00> : vector<10000x64xf32>
    %dot_general3A_23 = tpu.matmul %max3A_19, %get3A_22, %dot_general3A {dimension_numbers = #tpu.dot_dimension_numbers<[1], [0], [0], [1], [0, 0, 1, 1], [], []>, transpose_lhs_hint = false} : vector<10000x64xf32>, vector<64x64xf32>, vector<10000x64xf32> -> vector<10000x64xf32>
    %swap3A = arith.constant 0 : index
    %swap3A_24 = arith.constant 0 : index
    %swap3A_25 = vector.load %arg4[%swap3A, %swap3A_24] : memref<10000x64xf32, #tpu.memory_space<vmem>>, vector<10000x64xf32>
    tpu.vector_store %arg4[%swap3A, %swap3A_24], %dot_general3A_23 {strides = array<i32>} : memref<10000x64xf32, #tpu.memory_space<vmem>>, vector<10000x64xf32>,
    return
  }
}

module attributes {stable_mosaic.version = 14 : i64} {
  func.func @_final_body(%arg0: memref<10000x64xf32, #tpu.memory_space<vmem>>, %arg1: memref<2x10000x64xf32, #tpu.memory_space<vmem>>, %arg2: memref<1x64xf32, #tpu.memory_space<vmem>>, %arg3: memref<1x10000xi32, #tpu.memory_space<vmem>>, %arg4: memref<64x32xf32, #tpu.memory_space<vmem>>, %arg5: memref<1x32xf32, #tpu.memory_space<vmem>>, %arg6: memref<32x1xf32, #tpu.memory_space<vmem>>, %arg7: memref<1x1xf32, #tpu.memory_space<vmem>>, %arg8: memref<100x1xf32, #tpu.memory_space<vmem>>) attributes {dimension_semantics = [], scalar_prefetch = 0 : i64, scratch_operands = 0 : i64, tpu.core_type = #tpu.core_type<tc>} {
    %get3A = arith.constant 0 : index
    %get3A_0 = arith.constant 0 : index
    %get3A_1 = vector.load %arg0[%get3A, %get3A_0] : memref<10000x64xf32, #tpu.memory_space<vmem>>, vector<10000x64xf32>
    %get3A_2 = arith.constant 0 : index
    %get3A_3 = arith.constant 0 : index
    %get3A_4 = arith.constant 0 : index
    %get3A_5 = vector.load %arg1[%get3A_2, %get3A_3, %get3A_4] : memref<2x10000x64xf32, #tpu.memory_space<vmem>>, vector<1x10000x64xf32>
    %get3A_6 = vector.shape_cast %get3A_5 : vector<1x10000x64xf32> to vector<10000x64xf32>
    %add3A = arith.addf %get3A_1, %get3A_6 : vector<10000x64xf32>
    %get3A_7 = arith.constant 1 : index
    %get3A_8 = arith.constant 0 : index
    %get3A_9 = arith.constant 0 : index
    %get3A_10 = vector.load %arg1[%get3A_7, %get3A_8, %get3A_9] : memref<2x10000x64xf32, #tpu.memory_space<vmem>>, vector<1x10000x64xf32>
    %get3A_11 = vector.shape_cast %get3A_10 : vector<1x10000x64xf32> to vector<10000x64xf32>
    %add3A_12 = arith.addf %add3A, %get3A_11 : vector<10000x64xf32>
    %get3A_13 = arith.constant 0 : index
    %get3A_14 = arith.constant 0 : index
    %get3A_15 = vector.load %arg2[%get3A_13, %get3A_14] : memref<1x64xf32, #tpu.memory_space<vmem>>, vector<1x64xf32>
    %add3A_16 = vector.broadcast %get3A_15 : vector<1x64xf32> to vector<10000x64xf32>
    %add3A_17 = arith.addf %add3A_12, %add3A_16 : vector<10000x64xf32>
    %iota3A = tpu.iota {dimensions = array<i32: 0>} : vector<100x10000xi32>
    %get3A_18 = arith.constant 0 : index
    %get3A_19 = arith.constant 0 : index
    %get3A_20 = vector.load %arg3[%get3A_18, %get3A_19] : memref<1x10000xi32, #tpu.memory_space<vmem>>, vector<1x10000xi32>
    %eq3A = vector.broadcast %get3A_20 : vector<1x10000xi32> to vector<100x10000xi32>
    %eq3A_21 = arith.cmpi eq, %iota3A, %eq3A : vector<100x10000xi32>
    %convert_element_type3A = arith.extui %eq3A_21 : vector<100x10000xi1> to vector<100x10000xi32>
    %convert_element_type3A_22 = arith.sitofp %convert_element_type3A : vector<100x10000xi32> to vector<100x10000xf32>
    %dot_general3A = arith.constant dense<0.000000e+00> : vector<100x64xf32>
    %dot_general3A_23 = tpu.matmul %convert_element_type3A_22, %add3A_17, %dot_general3A {dimension_numbers = #tpu.dot_dimension_numbers<[1], [0], [0], [1], [0, 0, 1, 1], [], []>, transpose_lhs_hint = false} : vector<100x10000xf32>, vector<10000x64xf32>, vector<100x64xf32> -> vector<100x64xf32>
    %reduce_sum3A = arith.constant dense<0.000000e+00> : vector<100xf32>
    %reduce_sum3A_24 = vector.multi_reduction <add>, %convert_element_type3A_22, %reduce_sum3A [1] : vector<100x10000xf32> to vector<100xf32>
    %broadcast_in_dim3A = vector.shape_cast %reduce_sum3A_24 : vector<100xf32> to vector<100x1xf32>
    %max3A = arith.constant 1.000000e+00 : f32
    %max3A_25 = vector.broadcast %max3A : f32 to vector<100x1xf32>
    %max3A_26 = arith.maximumf %broadcast_in_dim3A, %max3A_25 : vector<100x1xf32>
    %div3A = vector.broadcast %max3A_26 : vector<100x1xf32> to vector<100x64xf32>
    %div3A_27 = arith.divf %dot_general3A_23, %div3A : vector<100x64xf32>
    %get3A_28 = arith.constant 0 : index
    %get3A_29 = arith.constant 0 : index
    %get3A_30 = vector.load %arg4[%get3A_28, %get3A_29] : memref<64x32xf32, #tpu.memory_space<vmem>>, vector<64x32xf32>
    %dot_general3A_31 = arith.constant dense<0.000000e+00> : vector<100x32xf32>
    %dot_general3A_32 = tpu.matmul %div3A_27, %get3A_30, %dot_general3A_31 {dimension_numbers = #tpu.dot_dimension_numbers<[1], [0], [0], [1], [0, 0, 1, 1], [], []>, transpose_lhs_hint = false} : vector<100x64xf32>, vector<64x32xf32>, vector<100x32xf32> -> vector<100x32xf32>
    %get3A_33 = arith.constant 0 : index
    %get3A_34 = arith.constant 0 : index
    %get3A_35 = vector.load %arg5[%get3A_33, %get3A_34] : memref<1x32xf32, #tpu.memory_space<vmem>>, vector<1x32xf32>
    %add3A_36 = vector.broadcast %get3A_35 : vector<1x32xf32> to vector<100x32xf32>
    %add3A_37 = arith.addf %dot_general3A_32, %add3A_36 : vector<100x32xf32>
    %get3A_38 = arith.constant 0 : index
    %get3A_39 = arith.constant 0 : index
    %get3A_40 = vector.load %arg6[%get3A_38, %get3A_39] : memref<32x1xf32, #tpu.memory_space<vmem>>, vector<32x1xf32>
    %dot_general3A_41 = arith.constant dense<0.000000e+00> : vector<100x1xf32>
    %dot_general3A_42 = tpu.matmul %add3A_37, %get3A_40, %dot_general3A_41 {dimension_numbers = #tpu.dot_dimension_numbers<[1], [0], [0], [1], [0, 0, 1, 1], [], []>, transpose_lhs_hint = false} : vector<100x32xf32>, vector<32x1xf32>, vector<100x1xf32> -> vector<100x1xf32>
    %get3A_43 = arith.constant 0 : index
    %get3A_44 = arith.constant 0 : index
    %get3A_45 = vector.load %arg7[%get3A_43, %get3A_44] : memref<1x1xf32, #tpu.memory_space<vmem>>, vector<1x1xf32>
    %add3A_46 = vector.broadcast %get3A_45 : vector<1x1xf32> to vector<100x1xf32>
    %add3A_47 = arith.addf %dot_general3A_42, %add3A_46 : vector<100x1xf32>
    %logistic3A = arith.negf %add3A_47 : vector<100x1xf32>
    %logistic3A_48 = math.exp %logistic3A : vector<100x1xf32>
    %logistic3A_49 = arith.constant 1.000000e+00 : f32
    %logistic3A_50 = vector.broadcast %logistic3A_49 : f32 to vector<100x1xf32>
    %logistic3A_51 = arith.addf %logistic3A_50, %logistic3A_48 : vector<100x1xf32>
    %logistic3A_52 = arith.divf %logistic3A_50, %logistic3A_51 : vector<100x1xf32>
    %swap3A = arith.constant 0 : index
    %swap3A_53 = arith.constant 0 : index
    %swap3A_54 = vector.load %arg8[%swap3A, %swap3A_53] : memref<100x1xf32, #tpu.memory_space<vmem>>, vector<100x1xf32>
    tpu.vector_store %arg8[%swap3A, %swap3A_53], %logistic3A_52 {strides = array<i32>} : memref<100x1xf32, #tpu.memory_space<vmem>>, vector<100x1xf32>,
    return
  }
}

</mosaic_0001>

<sc_bundles>
// kernel: kernel.12.cloned.1.call-start
scs
__scs_entry_jumppad:
0x0: {  	(pc) =	sbr.rel $0x88, $3  }
0x1: {  	(tag) =	ssettag $0x0;
	lr =	simm.s32 $0x1  }
0x2: {  	[smem:$0x3F94] =	sst lr;
	_ =	strace $0xD0000000  }
0x3: {  	_ = 	snop  }
0x4: {  	_ = 	snop  }
0x5: {  	_ = 	snop  }
0x6: {  	_ = 	snop  }
0x7: {  	_ = 	snop  }
__scs_overlays_trampoline_lowered:
0x8: {  	[smem:$0x3FA3] =	sst s0  }
0x9: {  	[smem:$0x3FA4] =	sst s1  }
0xa: {  	[smem:$0x3FA5] =	sst s2  }
0xb: {  	[smem:$0x3FA6] =	sst s3  }
0xc: {  	[smem:$0x3FA7] =	sst s4  }
0xd: {  	[smem:$0x3FA8] =	sst s5  }
0xe: {  	[smem:$0x3FA9] =	sst s6  }
0xf: {  	[smem:$0x3FAA] =	sst s7  }
0x10: {  	[smem:$0x3FAB] =	sst s8  }
0x11: {  	[smem:$0x3FAC] =	sst s9;
	s0 =	simm.s32 @!p0 $0x0  }
0x12: {  	s1 =	sld [smem:$0x3F92];
	s0 =	simm.s32 @p0 $0x1  }
0x13: {  	[smem:$0x3FAD] =	sst s0;
	s0 =	simm.s32 @!p1 $0x0  }
0x14: {  	s2 =	sld [smem:$0x3F91];
	s0 =	simm.s32 @p1 $0x1  }
0x15: {  	[smem:$0x3FAE] =	sst s0;
	s0 =	simm.s32 @!p2 $0x0  }
0x16: {  	s3 =	sld [smem:$0x3FDB];
	s0 =	simm.s32 @p2 $0x1  }
0x17: {  	s4 =	simm.s32 $0x1BF5;
	[smem:$0x3FB0] =	sst s0  }
0x18: {  	s0 =	sld [smem:$0x3F93];
	_ =	swait.ge [sflag:s4], $0x0  }
0x19: {  	s7 =	sld [smem:$0x3F94]  }
0x1a: {  	s8 =	sadd.s32 $0xFFFFE003, lr  }
0x1b: {  	s9 =	sadd.s32 $0xFFFFFEF7, lr;
	s5 =	simm.s32 $0xFFFFFFFF;
	p2 =	slt.u32 s8, $0xFFFFF086  }
0x1c: {  	p1 =	slt.u32 s9, $0xF7A;
	s5 =	simm.s32 @!p2 $0x0  }
0x1d: {  	s5 =	simm.s32 @p1 $0x1;
	p0 =	seq.s32 s7, s2  }
0x1e: {  	s7 =	smul.u32 @!p0 $0xF7A, s2;
	p2 =	seq.s32 @!p0 s5, $0x0  }
0x1f: {  	s9 =	smul.u32 $0xF7A, s1;
	s8 =	simm.s32 @!p0 $0x1BF5;
	p2 =	por !p2, p0  }
0x20: {  	[sflag:s8] =	ssyncset.s32 @!p0 $0xFFFFF086;
	s6 =	sadd.s32 @!p0 s3, s7;
	s7 =	simm.s32 @!p0 $0x108  }
0x21: {  	s3 =	sadd.s32 s3, s9;
	s6 =	sadd.s32 @!p0 $0x88, s6;
	s7 =	simm.s32 @p2 $0x1082  }
0x22: {  	[simem:s7], [sflag:s8] =	dma.local @!p0 [hbm:s6], $0xF7A  }
0x23: {  	s9 =	sor.u32 $0xD0000000, s2;
	s6 =	simm.s32 $0x108;
	_ =	swait.ge @!p0 [sflag:s8], $0x0  }
0x24: {  	s3 =	sadd.s32 $0x88, s3;
	s6 =	simm.s32 @!p1 $0x1082;
	[sflag:s4] =	ssyncset.s32 $0xFFFFF086  }
0x25: {  	[simem:s6], [sflag:s4] =	dma.local [hbm:s3], $0xF7A  }
0x26: {  	[smem:$0x3F94] =	sst s1;
	(tag) =	ssettag s2;
	_ =	strace s9  }
0x27: {  	s1 =	sld [smem:$0x3FA4]  }
0x28: {  	s2 =	sld [smem:$0x3FA5]  }
0x29: {  	s4 =	sld [smem:$0x3FA7]  }
0x2a: {  	p0 =	seq.s32 s5, $0x0;
	s5 =	sld [smem:$0x3FA8]  }
0x2b: {  	s6 =	sld [smem:$0x3FA9]  }
0x2c: {  	s7 =	sld [smem:$0x3FAA]  }
0x2d: {  	s3 =	simm.s32 $0x108;
	s8 =	sld [smem:$0x3FAB]  }
0x2e: {  	s3 =	simm.s32 @!p0 $0x1082;
	s9 =	sld [smem:$0x3FAC]  }
0x2f: {  	lr =	sadd.s32 s0, s3;
	s0 =	sld [smem:$0x3FA3]  }
0x30: {  	s3 =	sld [smem:$0x3FA6]  }
0x31: {  	[smem:$0x3FAF] =	sst s10  }
0x32: {  	s10 =	sld [smem:$0x3FAD];
	_ =	sdelay $0x3  }
0x33: {  	p0 =	seq.s32 s10, $0x1;
	s10 =	sld [smem:$0x3FAF];
	_ =	sdelay $0x3  }
0x34: {  	[smem:$0x3FAF] =	sst s10  }
0x35: {  	s10 =	sld [smem:$0x3FAE];
	_ =	sdelay $0x3  }
0x36: {  	p1 =	seq.s32 s10, $0x1;
	s10 =	sld [smem:$0x3FAF];
	_ =	sdelay $0x3  }
0x37: {  	[smem:$0x3FAF] =	sst s10  }
0x38: {  	s10 =	sld [smem:$0x3FB0]  }
0x39: {  	_ = 	snop;
	(pc) =	sbr.ind lr, $3  }
0x3a: {  	_ = 	snop  }
0x3b: {  	_ = 	snop  }
0x3c: {  	p2 =	seq.s32 s10, $0x1;
	s10 =	sld [smem:$0x3FAF]  }
0x3d: {  	_ =	shalt  }
0x3e: {  	_ =	shalt  }
0x3f: {  	_ =	shalt  }
0x40: {  	_ =	shalt  }
0x41: {  	_ =	shalt  }
0x42: {  	_ =	shalt  }
0x43: {  	_ =	shalt  }
0x44: {  	_ =	shalt  }
0x45: {  	_ =	shalt  }
0x46: {  	_ =	shalt  }
0x47: {  	_ =	shalt  }
0x48: {  	_ =	shalt  }
0x49: {  	_ =	shalt  }
0x4a: {  	_ =	shalt  }
0x4b: {  	_ =	shalt  }
0x4c: {  	_ =	shalt  }
0x4d: {  	_ =	shalt  }
0x4e: {  	_ =	shalt  }
0x4f: {  	_ =	shalt  }
0x50: {  	_ =	shalt  }
0x51: {  	_ =	shalt  }
0x52: {  	_ =	shalt  }
0x53: {  	_ =	shalt  }
0x54: {  	_ =	shalt  }
0x55: {  	_ =	shalt  }
0x56: {  	_ =	shalt  }
0x57: {  	_ =	shalt  }
0x58: {  	_ =	shalt  }
0x59: {  	_ =	shalt  }
0x5a: {  	_ =	shalt  }
0x5b: {  	_ =	shalt  }
0x5c: {  	_ =	shalt  }
0x5d: {  	_ =	shalt  }
0x5e: {  	_ =	shalt  }
0x5f: {  	_ =	shalt  }
0x60: {  	_ =	shalt  }
0x61: {  	_ =	shalt  }
0x62: {  	_ =	shalt  }
0x63: {  	_ =	shalt  }
0x64: {  	_ =	shalt  }
0x65: {  	_ =	shalt  }
0x66: {  	_ =	shalt  }
0x67: {  	_ =	shalt  }
0x68: {  	_ =	shalt  }
0x69: {  	_ =	shalt  }
0x6a: {  	_ =	shalt  }
0x6b: {  	_ =	shalt  }
0x6c: {  	_ =	shalt  }
0x6d: {  	_ =	shalt  }
0x6e: {  	_ =	shalt  }
0x6f: {  	_ =	shalt  }
0x70: {  	_ =	shalt  }
0x71: {  	_ =	shalt  }
0x72: {  	_ =	shalt  }
0x73: {  	_ =	shalt  }
0x74: {  	_ =	shalt  }
0x75: {  	_ =	shalt  }
0x76: {  	_ =	shalt  }
0x77: {  	_ =	shalt  }
0x78: {  	_ =	shalt  }
0x79: {  	_ =	shalt  }
0x7a: {  	_ =	shalt  }
0x7b: {  	_ =	shalt  }
0x7c: {  	_ =	shalt  }
0x7d: {  	_ =	shalt  }
0x7e: {  	_ =	shalt  }
0x7f: {  	_ =	shalt  }
0x80: {  	_ =	shalt  }
0x81: {  	_ =	shalt  }
0x82: {  	_ =	shalt  }
0x83: {  	_ =	shalt  }
0x84: {  	_ =	shalt  }
0x85: {  	_ =	shalt  }
0x86: {  	_ =	shalt  }
0x87: {  	_ =	shalt  }
.Lfunc_end0:
.L_simem_size_0:
called_computation.1_lowered:
.L_overlay_start_0:
0x88: {  	s2 =	sld [smem:$0x3FD9]  }
0x89: {  	s3 =	sld [smem:$0x3FFE];
	_ =	sdelay $0x1  }
0x8a: {  	s1 =	srdreg.scid  }
0x8b: {  	s0 =	sand.u32 $0x1, s1  }
0x8c: {  	s16 =	sshll.u32 s0, $0xA;
	s2 =	sadd.s32 s3, s2  }
0x8d: {  	s2 =	sadd.s32 s2, s16  }
0x8e: {  	[smem:$0x3FBB] =	sst s2  }
0x8f: {  	_ = 	snop  }
0x90: {  	(tm) =	ssettm $0x1  }
0x91: {  	s17 =	sld [smem:$0x3FFB];
	_ =	sdelay $0x3  }
0x92: {  	_ =	strace s17  }
0x93: {  	s2 =	sld [smem:$0x3FFC];
	_ =	sdelay $0x3  }
0x94: {  	_ =	strace s2  }
0x95: {  	s2 =	sld [smem:$0x3FFD];
	_ =	sdelay $0x3  }
0x96: {  	_ =	strace s2  }
0x97: {  	_ =	strace $0x8FFFFFFF  }
0x98: {  	s18 =	sld [smem:$0x3FDB];
	_ =	sdelay $0x1  }
0x99: {  	s19 =	simm.s32 $_scs_section_size  }
0x9a: {  	s4 =	simm.s32 $_size__tile_overlayer_lowered;
	s5 =	simm.s32 $_tile_overlayer_lowered  }
0x9b: {  	s22 =	simm.s32 $0x1BFF;
	s21 =	sshll.u32 s5, $0x1;
	s2 =	sadd.s32 s19, s18  }
0x9c: {  	s6 =	simm.s32 $0x0;
	s20 =	sshll.u32 s4, $0x1;
	s4 =	sadd.s32 s21, s2  }
0x9d: {  	[timem:s6], [sflag:s22] =	dma.local [hbm:s4], s20  }
0x9e: {  	_ =	swait.ge [sflag:s22], s20  }
0x9f: {  	s3 =	ssub.s32 $0x0, s20;
	[sflag:s22] =	ssyncset.done $0x0  }
0xa0: {  	[sflag:s22] =	ssyncadd.s32 s3;
	_ =	sdelay $0x1  }
0xa1: {  	s23 =	simm.s32 $0x1B8B  }
0xa2: {  	_ =	swait.ge [sflag:s23], $0x1  }
0xa3: {  	[sflag:s23] =	ssyncset.done $0x0  }
0xa4: {  	s25 =	simm.s32 $0x1B8E;
	s24 =	sld [smem:$0x3FFE];
	[sflag:s23] =	ssyncadd.s32 $0xFFFFFFFF  }
0xa5: {  	s26 =	simm.s32 $execute0_lowered;
	[smem:$0x3FD2] =	sst s25  }
0xa6: {  	s4 =	sshll.u32 s26, $0x1;
	_ =	strace $0x80000049;
	[dreg:$0x1] =	wrdreg $0xFFFFFFFF  }
0xa7: {  	s28 =	simm.s32 $_size_execute0_lowered;
	s2 =	sadd.s32 s2, s4;
	[dreg:$0x0] =	wrdreg $0x0  }
0xa8: {  	s4 =	sshll.u32 s28, $0x1;
	[dreg:$0x2] =	wrdreg s2  }
0xa9: {  	[dreg:$0x3] =	wrdreg s4  }
0xaa: {  	[dreg:$0x4] =	wrdreg $0xC0  }
0xab: {  	_ =	task [dreg:s6], $0x5FFFF  }
0xac: {  	[dreg:$0x1] =	wrdreg $0xFFFFFFFF  }
0xad: {  	[dreg:$0x0] =	wrdreg $0x60  }
0xae: {  	[dreg:$0x2] =	wrdreg s24  }
0xaf: {  	[dreg:$0x3] =	wrdreg $0x0  }
0xb0: {  	[dreg:$0x4] =	wrdreg $0x9  }
0xb1: {  	_ =	task.clear_ibuf [dreg:s6], $0x5FFFF;
	_ =	strace $0x90000049  }
0xb2: {  	s29 =	simm.s32 $0x9;
	_ =	strace $0x8000004B  }
0xb3: {  	_ =	swait.ge [sflag:s29], $0x1  }
0xb4: {  	[sflag:s29] =	ssyncadd.s32 $0xFFFFFFFF  }
0xb5: {  	_ =	strace $0x9000004B  }
0xb6: {  	_ =	sfence  }
0xb7: {  	s30 =	sld [smem:$0x0];
	_ =	sdelay $0x2  }
0xb8: {  	s31 =	sshll.u32 s1, $0xD;
	s1 =	sshrl.u32 s1, $0x2  }
0xb9: {  	s3 =	sand.u32 $0x4000, s31;
	s1 =	sadd.s32 s1, s30  }
0xba: {  	s0 =	sor.u32 s3, s0;
	s1 =	sshll.u32 s1, $0x11  }
0xbb: {  	s0 =	sor.u32 s1, s0  }
0xbc: {  	s0 =	sadd.s32 $0x8F2B, s0  }
0xbd: {  	[sflag:s0] =	ssyncadd.remote.s32 $0x1  }
0xbe: {  	_ =	sfence.sel $0xFFFF  }
0xbf: {  	[dreg:$0x0] =	wrdreg $0xFFFFFFFF;
	(pc) =	sbr.abs _section_cstart, $3  }
0xc0: {  	[dreg:$0x1] =	wrdreg $0xFFFFFFFF  }
0xc1: {  	_ =	task.clear_ibuf [dreg:s6], $0x2FFFF;
	_ =	strace $0x9FFFFFFF  }
0xc2: {  	(tm) =	ssettm $0x7FFFFFFF  }
0xc3: {  	_ =	shalt  }
tec
execute0_lowered:
.L_overlay_start_1:
0x0: {  	(tag) =	ssettag $0x1  }
0x1: {  	s0 =	rddreg [dreg:$0x0]  }
0x2: {  	s1 =	rddreg [dreg:$0x1]  }
0x3: {  	s2 =	srdreg.scid;
	s4 =	simm.s32 $0x0;
	s11 =	stileid.u32  }
0x4: {  	s14 =	simm.s32 $0x28;
	s15 =	simm.s32 $0xEA60;
	s17 =	simm.s32 $0xF460  }
0x5: {  	s19 =	simm.s32 $0xFE60;
	s21 =	simm.s32 $0x10860;
	s28 =	simm.s32 $0x13060  }
0x6: {  	s29 =	simm.s32 $0x13A60;
	s30 =	simm.s32 $0x14460;
	s31 =	simm.s32 $0x1  }
0x7: {  	s2 =	sand.u32 $0x1, s2;
	[smem:$0x7FF] =	sst s4;
	s5 =	smul.u32 $0x9C40, s11  }
0x8: {  	s4 =	sadd.s32 $0x15C00, s0;
	s23 =	sshll.u32 s11, $0x6;
	s3 =	sshll.u32 s2, $0x4  }
0x9: {  	_ =	strace $0x8000004A;
	s6 =	smul.u32 $0x13880, s2;
	s2 =	ssub.s32 $0x2, s2  }
0xa: {  	s3 =	sor.u32 s11, s3;
	s13 =	sshrl.u32 s5, $0x3;
	s9 =	sshrl.u32 s2, $0x1  }
0xb: {  	s24 =	sadd.s32 s5, s1;
	s3 =	smul.u32 $0x4E2, s3;
	s8 =	sadd.s32 s13, s0  }
0xc: {  	s10 =	sadd.s32 s6, s0;
	s2 =	ssub.s32 s2, s9;
	s6 =	sor.u32 $0x1C05, s23  }
0xd: {  	s9 =	sshrl.u32 s24, $0x3;
	s23 =	simm.s32 $0x11260;
	s25 =	sadd.s32 $0x29600, s8  }
0xe: {  	s16 =	sadd.s32 $0x3D000, s10;
	s2 =	smax.u32 s2, $0x1;
	s10 =	simm.s32 $0x5  }
0xf: {  	s7 =	sadd.s32 s3, s0;
	[dreg:$0x3] =	wrdreg s25;
	s0 =	sadd.s32 $0xBE40, s0  }
0x10: {  	[dreg:$0x5] =	wrdreg s2;
	s24 =	sadd.s32 s13, s16;
	s25 =	simm.s32 $0x11C60  }
0x11: {  	s2 =	simm.s32 $0x2;
	s13 =	simm.s32 $0x4;
	s26 =	sadd.s32 $0x2200, s7  }
0x12: {  	s16 =	simm.s32 $0x0;
	s0 =	sadd.s32 s3, s0;
	[dreg:$0x4] =	wrdreg s26  }
0x13: {  	[dreg:$0x6] =	wrdreg s0;
	s26 =	simm.s32 $0x12660;
	s0 =	simm.s32 $0x3  }
.LBB2_1:
0x14: {  	s3 =	rddreg [dreg:$0x3]  }
0x15: {  	[spmem:s9], [sflag:s6] =	dma.local [hbm:s3], $0x1388  }
0x16: {  	_ =	swait.ge [sflag:s10], $0x1388  }
0x17: {  	s12 =	simm.s32 $0x0;
	[sflag:s10] =	ssyncset.done $0x0  }
0x18: {  	s7 =	simm.s32 $0x9C40;
	s5 =	rddreg [dreg:$0x4];
	[sflag:s10] =	ssyncadd.s32 $0xFFFFEC78  }
0x19: {  	[tilespmem:s7], [sflag:$0x5] =	stream.linear.gather [hbm4b:s5+s12], $0x2710, $0x38;
	[tilespmem:$0x14E60] =	vst v63  }
0x1a: {  	_ =	swait.ge [sflag:s10], $0x2710  }
0x1b: {  	[sflag:s10] =	ssyncset.done $0x0  }
0x1c: {  	s8 =	simm.s32 $0xC350;
	s18 =	rddreg [dreg:$0x6];
	[sflag:s10] =	ssyncadd.s32 $0xFFFFD8F0  }
0x1d: {  	[tilespmem:s8], [sflag:$0x5] =	stream.linear.gather [hbm4b:s18+s12], $0x2710, $0x38;
	[tilespmem:$0x14E60] =	vst v63  }
0x1e: {  	_ =	swait.ge [sflag:s10], $0x2710  }
0x1f: {  	[sflag:s10] =	ssyncset.done $0x0  }
0x20: {  	[sflag:s10] =	ssyncadd.s32 $0xFFFFD8F0  }
0x21: {  	[bflag:$0x0] =	sbarrier.arrive $0xFFFF  }
0x22: {  	[tilespmem:s15], [sflag:$0x1] =	stream.indirect.gather [hbm4b:s4+s14], $0x40, s7, s14, $0xb8;
	[tilespmem:$0x14E60] =	vst v63  }
0x23: {  	s20 =	simm.s32 $0x9C68  }
0x24: {  	[tilespmem:s17], [sflag:$0x1] =	stream.indirect.gather [hbm4b:s4+s14], $0x40, s20, s14, $0xb8;
	[tilespmem:$0x14E60] =	vst v63  }
0x25: {  	s22 =	simm.s32 $0x9C90;
	p0 =	por $0x1, $0x1  }
0x26: {  	[tilespmem:s19], [sflag:$0x1] =	stream.indirect.gather [hbm4b:s4+s14], $0x40, s22, s14, $0xb8;
	[tilespmem:$0x14E60] =	vst v63  }
0x27: {  	p0 =	por p0, p0;
	s5 =	simm.s32 $0x9CB8  }
0x28: {  	[tilespmem:s21], [sflag:$0x1] =	stream.indirect.gather [hbm4b:s4+s14], $0x40, s5, s14, $0xb8;
	[tilespmem:$0x14E60] =	vst v63  }
0x29: {  	s3 =	simm.s32 @!p0 $0x4;
	s7 =	simm.s32 $0x9CE0  }
0x2a: {  	[tilespmem:s23], [sflag:$0x1] =	stream.indirect.gather [hbm4b:s4+s14], $0x40, s7, s14, $0xb8;
	[tilespmem:$0x14E60] =	vst v63  }
0x2b: {  	_ =	swait.ge @!p0 [sflag:s3], $0xA00  }
0x2c: {  	[sflag:s3] =	ssyncset.done @!p0 $0x0  }
0x2d: {  	[sflag:s3] =	ssyncadd.s32 @!p0 $0xFFFFF600  }
0x2e: {  	_ =	swait.ge @!p0 [sflag:s3], $0xA00  }
0x2f: {  	[sflag:s3] =	ssyncset.done @!p0 $0x0  }
0x30: {  	[sflag:s3] =	ssyncadd.s32 @!p0 $0xFFFFF600  }
0x31: {  	_ =	swait.ge @!p0 [sflag:s3], $0xA00  }
0x32: {  	[sflag:s3] =	ssyncset.done @!p0 $0x0  }
0x33: {  	[sflag:s3] =	ssyncadd.s32 @!p0 $0xFFFFF600  }
0x34: {  	_ =	swait.ge @!p0 [sflag:s3], $0xA00  }
0x35: {  	[sflag:s3] =	ssyncset.done @!p0 $0x0  }
0x36: {  	[sflag:s3] =	ssyncadd.s32 @!p0 $0xFFFFF600  }
0x37: {  	_ =	swait.ge @!p0 [sflag:s3], $0xA00  }
0x38: {  	[sflag:s3] =	ssyncset.done @!p0 $0x0  }
0x39: {  	s8 =	simm.s32 $0x9D08;
	[sflag:s3] =	ssyncadd.s32 @!p0 $0xFFFFF600  }
0x3a: {  	[tilespmem:s25], [sflag:$0x2] =	stream.indirect.gather [hbm4b:s4+s14], $0x40, s8, s14, $0xb8;
	[tilespmem:$0x14E60] =	vst v63  }
0x3b: {  	s11 =	simm.s32 $0x9D30  }
0x3c: {  	[tilespmem:s26], [sflag:$0x2] =	stream.indirect.gather [hbm4b:s4+s14], $0x40, s11, s14, $0xb8;
	[tilespmem:$0x14E60] =	vst v63  }
0x3d: {  	s12 =	simm.s32 $0x9D58  }
0x3e: {  	[tilespmem:s28], [sflag:$0x2] =	stream.indirect.gather [hbm4b:s4+s14], $0x40, s12, s14, $0xb8;
	[tilespmem:$0x14E60] =	vst v63  }
0x3f: {  	s18 =	simm.s32 $0x9D80  }
0x40: {  	[tilespmem:s29], [sflag:$0x2] =	stream.indirect.gather [hbm4b:s4+s14], $0x40, s18, s14, $0xb8;
	[tilespmem:$0x14E60] =	vst v63  }
0x41: {  	s20 =	simm.s32 $0x9DA8  }
0x42: {  	[tilespmem:s30], [sflag:$0x2] =	stream.indirect.gather [hbm4b:s4+s14], $0x40, s20, s14, $0xb8;
	[tilespmem:$0x14E60] =	vst v63  }
0x43: {  	_ =	swait.ge [sflag:s31], $0xA00  }
0x44: {  	[sflag:s31] =	ssyncset.done $0x0  }
0x45: {  	[sflag:s31] =	ssyncadd.s32 $0xFFFFF600  }
0x46: {  	_ =	swait.ge [sflag:s31], $0xA00  }
0x47: {  	[sflag:s31] =	ssyncset.done $0x0  }
0x48: {  	[sflag:s31] =	ssyncadd.s32 $0xFFFFF600  }
0x49: {  	_ =	swait.ge [sflag:s31], $0xA00  }
0x4a: {  	[sflag:s31] =	ssyncset.done $0x0  }
0x4b: {  	[sflag:s31] =	ssyncadd.s32 $0xFFFFF600  }
0x4c: {  	_ =	swait.ge [sflag:s31], $0xA00  }
0x4d: {  	[sflag:s31] =	ssyncset.done $0x0  }
0x4e: {  	[sflag:s31] =	ssyncadd.s32 $0xFFFFF600  }
0x4f: {  	_ =	swait.ge [sflag:s31], $0xA00  }
0x50: {  	[sflag:s31] =	ssyncset.done $0x0  }
0x51: {  	s22 =	simm.s32 $0xC350;
	[sflag:s31] =	ssyncadd.s32 $0xFFFFF600  }
0x52: {  	[spmem:s1] =	stream.indirect.scatter.add.f32 [tilespmem:s15], [sflag:$0x3], $0x40, s22, s14, $0xb8;
	[tilespmem:$0x14E60] =	vst v63  }
0x53: {  	s5 =	simm.s32 $0xC378  }
0x54: {  	[spmem:s1] =	stream.indirect.scatter.add.f32 [tilespmem:s17], [sflag:$0x3], $0x40, s5, s14, $0xb8;
	[tilespmem:$0x14E60] =	vst v63  }
0x55: {  	s7 =	simm.s32 $0xC3A0  }
0x56: {  	[spmem:s1] =	stream.indirect.scatter.add.f32 [tilespmem:s19], [sflag:$0x3], $0x40, s7, s14, $0xb8;
	[tilespmem:$0x14E60] =	vst v63  }
0x57: {  	s8 =	simm.s32 $0xC3C8  }
0x58: {  	[spmem:s1] =	stream.indirect.scatter.add.f32 [tilespmem:s21], [sflag:$0x3], $0x40, s8, s14, $0xb8;
	[tilespmem:$0x14E60] =	vst v63  }
0x59: {  	s11 =	simm.s32 $0xC3F0  }
0x5a: {  	[spmem:s1] =	stream.indirect.scatter.add.f32 [tilespmem:s23], [sflag:$0x3], $0x40, s11, s14, $0xb8;
	[tilespmem:$0x14E60] =	vst v63  }
0x5b: {  	_ =	swait.ge [sflag:s0], $0xA00  }
0x5c: {  	[sflag:s0] =	ssyncset.done $0x0  }
0x5d: {  	[sflag:s0] =	ssyncadd.s32 $0xFFFFF600  }
0x5e: {  	_ =	swait.ge [sflag:s0], $0xA00  }
0x5f: {  	[sflag:s0] =	ssyncset.done $0x0  }
0x60: {  	[sflag:s0] =	ssyncadd.s32 $0xFFFFF600  }
0x61: {  	_ =	swait.ge [sflag:s0], $0xA00  }
0x62: {  	[sflag:s0] =	ssyncset.done $0x0  }
0x63: {  	[sflag:s0] =	ssyncadd.s32 $0xFFFFF600  }
0x64: {  	_ =	swait.ge [sflag:s0], $0xA00  }
0x65: {  	[sflag:s0] =	ssyncset.done $0x0  }
0x66: {  	[sflag:s0] =	ssyncadd.s32 $0xFFFFF600  }
0x67: {  	p0 =	por $0x0, $0x0;
	_ =	swait.ge [sflag:s0], $0xA00  }
0x68: {  	s3 =	simm.s32 @!p0 $0xEA60;
	[sflag:s0] =	ssyncset.done $0x0  }
0x69: {  	s18 =	simm.s32 @!p0 $0x9DD0;
	s20 =	simm.s32 @!p0 $0x28;
	[sflag:s0] =	ssyncadd.s32 $0xFFFFF600  }
0x6a: {  	[tilespmem:s3], [sflag:$0x1] =	stream.indirect.gather @!p0 [hbm4b:s4+s20], $0x40, s18, s20, $0xb8;
	[tilespmem:$0x14E60] =	vst v63  }
0x6b: {  	s3 =	simm.s32 @!p0 $0x9DF8;
	s18 =	simm.s32 @!p0 $0xF460  }
0x6c: {  	[tilespmem:s18], [sflag:$0x1] =	stream.indirect.gather @!p0 [hbm4b:s4+s20], $0x40, s3, s20, $0xb8;
	[tilespmem:$0x14E60] =	vst v63  }
0x6d: {  	s3 =	simm.s32 @!p0 $0x9E20;
	s18 =	simm.s32 @!p0 $0xFE60  }
0x6e: {  	[tilespmem:s18], [sflag:$0x1] =	stream.indirect.gather @!p0 [hbm4b:s4+s20], $0x40, s3, s20, $0xb8;
	[tilespmem:$0x14E60] =	vst v63  }
0x6f: {  	s3 =	simm.s32 @!p0 $0x9E48;
	s18 =	simm.s32 @!p0 $0x10860  }
0x70: {  	[tilespmem:s18], [sflag:$0x1] =	stream.indirect.gather @!p0 [hbm4b:s4+s20], $0x40, s3, s20, $0xb8;
	[tilespmem:$0x14E60] =	vst v63  }
0x71: {  	s3 =	simm.s32 @!p0 $0x9E70;
	s18 =	simm.s32 @!p0 $0x11260  }
0x72: {  	[tilespmem:s18], [sflag:$0x1] =	stream.indirect.gather @!p0 [hbm4b:s4+s20], $0x40, s3, s20, $0xb8;
	[tilespmem:$0x14E60] =	vst v63  }
0x73: {  	_ =	swait.ge [sflag:s2], $0xA00  }
0x74: {  	[sflag:s2] =	ssyncset.done $0x0  }
0x75: {  	[sflag:s2] =	ssyncadd.s32 $0xFFFFF600  }
0x76: {  	_ =	swait.ge [sflag:s2], $0xA00  }
0x77: {  	[sflag:s2] =	ssyncset.done $0x0  }
0x78: {  	[sflag:s2] =	ssyncadd.s32 $0xFFFFF600  }
0x79: {  	_ =	swait.ge [sflag:s2], $0xA00  }
0x7a: {  	[sflag:s2] =	ssyncset.done $0x0  }
0x7b: {  	[sflag:s2] =	ssyncadd.s32 $0xFFFFF600  }
0x7c: {  	_ =	swait.ge [sflag:s2], $0xA00  }
0x7d: {  	[sflag:s2] =	ssyncset.done $0x0  }
0x7e: {  	[sflag:s2] =	ssyncadd.s32 $0xFFFFF600  }
0x7f: {  	_ =	swait.ge [sflag:s2], $0xA00  }
0x80: {  	[sflag:s2] =	ssyncset.done $0x0  }
0x81: {  	s12 =	simm.s32 $0xC418;
	[sflag:s2] =	ssyncadd.s32 $0xFFFFF600  }
0x82: {  	[spmem:s1] =	stream.indirect.scatter.add.f32 [tilespmem:s25], [sflag:$0x4], $0x40, s12, s14, $0xb8;
	[tilespmem:$0x14E60] =	vst v63  }
0x83: {  	p6 =	por $0x0, $0x0;
	s18 =	simm.s32 $0xC440  }
0x84: {  	[spmem:s1] =	stream.indirect.scatter.add.f32 [tilespmem:s26], [sflag:$0x4], $0x40, s18, s14, $0xb8;
	[tilespmem:$0x14E60] =	vst v63  }
0x85: {  	s22 =	simm.s32 $0xC490;
	s20 =	simm.s32 $0xC468;
	p0 =	por p6, p6  }
0x86: {  	[spmem:s1] =	stream.indirect.scatter.add.f32 [tilespmem:s28], [sflag:$0x4], $0x40, s20, s14, $0xb8;
	[tilespmem:$0x14E60] =	vst v63  }
0x87: {  	s3 =	simm.s32 $0xC4B8;
	s18 =	simm.s32 $0x640;
	s20 =	simm.s32 $0xC80  }
0x88: {  	[spmem:s1] =	stream.indirect.scatter.add.f32 [tilespmem:s29], [sflag:$0x4], $0x40, s22, s14, $0xb8;
	[tilespmem:$0x14E60] =	vst v63  }
.LBB2_2:
0x89: {  	[spmem:s1] =	stream.indirect.scatter.add.f32 [tilespmem:s30], [sflag:$0x4], $0x40, s3, s14, $0xb8;
	[tilespmem:$0x14E60] =	vst v63  }
0x8a: {  	s3 =	smov.u32 s20  }
0x8b: {  	s20 =	sadd.s32 $0x640, s20;
	s11 =	simm.s32 @!p0 $0x4;
	p2 =	seq.s32 s3, $0x0  }
0x8c: {  	p1 =	sne.s32 s20, $0x9C40;
	_ =	swait.ge @!p0 [sflag:s11], $0xA00  }
0x8d: {  	[sflag:s11] =	ssyncset.done @!p0 $0x0  }
0x8e: {  	[sflag:s11] =	ssyncadd.s32 @!p0 $0xFFFFF600  }
0x8f: {  	_ =	swait.ge @!p0 [sflag:s11], $0xA00  }
0x90: {  	[sflag:s11] =	ssyncset.done @!p0 $0x0  }
0x91: {  	[sflag:s11] =	ssyncadd.s32 @!p0 $0xFFFFF600  }
0x92: {  	_ =	swait.ge @!p0 [sflag:s11], $0xA00  }
0x93: {  	[sflag:s11] =	ssyncset.done @!p0 $0x0  }
0x94: {  	[sflag:s11] =	ssyncadd.s32 @!p0 $0xFFFFF600  }
0x95: {  	_ =	swait.ge @!p0 [sflag:s11], $0xA00  }
0x96: {  	[sflag:s11] =	ssyncset.done @!p0 $0x0  }
0x97: {  	[sflag:s11] =	ssyncadd.s32 @!p0 $0xFFFFF600  }
0x98: {  	_ =	swait.ge @!p0 [sflag:s11], $0xA00  }
0x99: {  	s22 =	sshra.s32 s18, $0x2;
	[sflag:s11] =	ssyncset.done @!p0 $0x0  }
0x9a: {  	[sflag:s11] =	ssyncadd.s32 @!p0 $0xFFFFF600;
	s11 =	sadd.s32 $0x9D08, s22;
	p0 =	por p2, p2  }
0x9b: {  	[tilespmem:s25], [sflag:$0x2] =	stream.indirect.gather [hbm4b:s4+s14], $0x40, s11, s14, $0xb8;
	[tilespmem:$0x14E60] =	vst v63  }
0x9c: {  	s11 =	sadd.s32 $0x9D30, s22  }
0x9d: {  	[tilespmem:s26], [sflag:$0x2] =	stream.indirect.gather [hbm4b:s4+s14], $0x40, s11, s14, $0xb8;
	[tilespmem:$0x14E60] =	vst v63  }
0x9e: {  	s11 =	sadd.s32 $0x9D58, s22  }
0x9f: {  	[tilespmem:s28], [sflag:$0x2] =	stream.indirect.gather [hbm4b:s4+s14], $0x40, s11, s14, $0xb8;
	[tilespmem:$0x14E60] =	vst v63  }
0xa0: {  	s11 =	sadd.s32 $0x9D80, s22  }
0xa1: {  	[tilespmem:s29], [sflag:$0x2] =	stream.indirect.gather [hbm4b:s4+s14], $0x40, s11, s14, $0xb8;
	[tilespmem:$0x14E60] =	vst v63  }
0xa2: {  	s11 =	sadd.s32 $0x9DA8, s22  }
0xa3: {  	[tilespmem:s30], [sflag:$0x2] =	stream.indirect.gather [hbm4b:s4+s14], $0x40, s11, s14, $0xb8;
	[tilespmem:$0x14E60] =	vst v63  }
0xa4: {  	_ =	swait.ge [sflag:s31], $0xA00  }
0xa5: {  	[sflag:s31] =	ssyncset.done $0x0  }
0xa6: {  	[sflag:s31] =	ssyncadd.s32 $0xFFFFF600  }
0xa7: {  	_ =	swait.ge [sflag:s31], $0xA00  }
0xa8: {  	[sflag:s31] =	ssyncset.done $0x0  }
0xa9: {  	[sflag:s31] =	ssyncadd.s32 $0xFFFFF600  }
0xaa: {  	_ =	swait.ge [sflag:s31], $0xA00  }
0xab: {  	[sflag:s31] =	ssyncset.done $0x0  }
0xac: {  	[sflag:s31] =	ssyncadd.s32 $0xFFFFF600  }
0xad: {  	_ =	swait.ge [sflag:s31], $0xA00  }
0xae: {  	[sflag:s31] =	ssyncset.done $0x0  }
0xaf: {  	[sflag:s31] =	ssyncadd.s32 $0xFFFFF600  }
0xb0: {  	_ =	swait.ge [sflag:s31], $0xA00  }
0xb1: {  	[sflag:s31] =	ssyncset.done $0x0  }
0xb2: {  	s11 =	sadd.s32 $0xC350, s22;
	[sflag:s31] =	ssyncadd.s32 $0xFFFFF600  }
0xb3: {  	[spmem:s1] =	stream.indirect.scatter.add.f32 [tilespmem:s15], [sflag:$0x3], $0x40, s11, s14, $0xb8;
	[tilespmem:$0x14E60] =	vst v63  }
0xb4: {  	s11 =	sadd.s32 $0xC378, s22  }
0xb5: {  	[spmem:s1] =	stream.indirect.scatter.add.f32 [tilespmem:s17], [sflag:$0x3], $0x40, s11, s14, $0xb8;
	[tilespmem:$0x14E60] =	vst v63  }
0xb6: {  	s11 =	sadd.s32 $0xC3A0, s22  }
0xb7: {  	[spmem:s1] =	stream.indirect.scatter.add.f32 [tilespmem:s19], [sflag:$0x3], $0x40, s11, s14, $0xb8;
	[tilespmem:$0x14E60] =	vst v63  }
0xb8: {  	s11 =	sadd.s32 $0xC3C8, s22  }
0xb9: {  	[spmem:s1] =	stream.indirect.scatter.add.f32 [tilespmem:s21], [sflag:$0x3], $0x40, s11, s14, $0xb8;
	[tilespmem:$0x14E60] =	vst v63  }
0xba: {  	s11 =	sadd.s32 $0xC3F0, s22  }
0xbb: {  	[spmem:s1] =	stream.indirect.scatter.add.f32 [tilespmem:s23], [sflag:$0x3], $0x40, s11, s14, $0xb8;
	[tilespmem:$0x14E60] =	vst v63  }
0xbc: {  	_ =	swait.ge [sflag:s0], $0xA00  }
0xbd: {  	[sflag:s0] =	ssyncset.done $0x0  }
0xbe: {  	[sflag:s0] =	ssyncadd.s32 $0xFFFFF600  }
0xbf: {  	_ =	swait.ge [sflag:s0], $0xA00  }
0xc0: {  	[sflag:s0] =	ssyncset.done $0x0  }
0xc1: {  	[sflag:s0] =	ssyncadd.s32 $0xFFFFF600  }
0xc2: {  	_ =	swait.ge [sflag:s0], $0xA00  }
0xc3: {  	[sflag:s0] =	ssyncset.done $0x0  }
0xc4: {  	[sflag:s0] =	ssyncadd.s32 $0xFFFFF600  }
0xc5: {  	_ =	swait.ge [sflag:s0], $0xA00  }
0xc6: {  	[sflag:s0] =	ssyncset.done $0x0  }
0xc7: {  	[sflag:s0] =	ssyncadd.s32 $0xFFFFF600  }
0xc8: {  	p2 =	seq.s32 s18, $0x9600;
	_ =	swait.ge [sflag:s0], $0xA00  }
0xc9: {  	s11 =	sshra.s32 @!p2 s18, $0x2;
	s18 =	simm.s32 @!p2 $0xEA60;
	[sflag:s0] =	ssyncset.done $0x0  }
0xca: {  	s7 =	simm.s32 @!p2 $0x28;
	s5 =	sadd.s32 @!p2 $0x9DD0, s11;
	[sflag:s0] =	ssyncadd.s32 $0xFFFFF600  }
0xcb: {  	[tilespmem:s18], [sflag:$0x1] =	stream.indirect.gather @!p2 [hbm4b:s4+s7], $0x40, s5, s7, $0xb8;
	[tilespmem:$0x14E60] =	vst v63  }
0xcc: {  	s8 =	sadd.s32 @!p2 $0x9E20, s11;
	s5 =	sadd.s32 @!p2 $0x9DF8, s11;
	s18 =	simm.s32 @!p2 $0xF460  }
0xcd: {  	[tilespmem:s18], [sflag:$0x1] =	stream.indirect.gather @!p2 [hbm4b:s4+s7], $0x40, s5, s7, $0xb8;
	[tilespmem:$0x14E60] =	vst v63  }
0xce: {  	s12 =	sadd.s32 @!p2 $0x9E48, s11;
	s11 =	sadd.s32 @!p2 $0x9E70, s11;
	s5 =	simm.s32 @!p2 $0xFE60  }
0xcf: {  	[tilespmem:s5], [sflag:$0x1] =	stream.indirect.gather @!p2 [hbm4b:s4+s7], $0x40, s8, s7, $0xb8;
	[tilespmem:$0x14E60] =	vst v63  }
0xd0: {  	s18 =	smov.u32 s3;
	s5 =	simm.s32 @!p2 $0x10860  }
0xd1: {  	[tilespmem:s5], [sflag:$0x1] =	stream.indirect.gather @!p2 [hbm4b:s4+s7], $0x40, s12, s7, $0xb8;
	[tilespmem:$0x14E60] =	vst v63  }
0xd2: {  	s3 =	simm.s32 @!p2 $0x11260  }
0xd3: {  	[tilespmem:s3], [sflag:$0x1] =	stream.indirect.gather @!p2 [hbm4b:s4+s7], $0x40, s11, s7, $0xb8;
	[tilespmem:$0x14E60] =	vst v63  }
0xd4: {  	_ =	swait.ge [sflag:s2], $0xA00  }
0xd5: {  	[sflag:s2] =	ssyncset.done $0x0  }
0xd6: {  	[sflag:s2] =	ssyncadd.s32 $0xFFFFF600  }
0xd7: {  	_ =	swait.ge [sflag:s2], $0xA00  }
0xd8: {  	[sflag:s2] =	ssyncset.done $0x0  }
0xd9: {  	[sflag:s2] =	ssyncadd.s32 $0xFFFFF600  }
0xda: {  	_ =	swait.ge [sflag:s2], $0xA00  }
0xdb: {  	[sflag:s2] =	ssyncset.done $0x0  }
0xdc: {  	[sflag:s2] =	ssyncadd.s32 $0xFFFFF600  }
0xdd: {  	_ =	swait.ge [sflag:s2], $0xA00  }
0xde: {  	[sflag:s2] =	ssyncset.done $0x0  }
0xdf: {  	[sflag:s2] =	ssyncadd.s32 $0xFFFFF600  }
0xe0: {  	_ =	swait.ge [sflag:s2], $0xA00  }
0xe1: {  	[sflag:s2] =	ssyncset.done $0x0  }
0xe2: {  	s3 =	sadd.s32 $0xC418, s22;
	[sflag:s2] =	ssyncadd.s32 $0xFFFFF600  }
0xe3: {  	[spmem:s1] =	stream.indirect.scatter.add.f32 [tilespmem:s25], [sflag:$0x4], $0x40, s3, s14, $0xb8;
	[tilespmem:$0x14E60] =	vst v63  }
0xe4: {  	s3 =	sadd.s32 $0xC440, s22  }
0xe5: {  	[spmem:s1] =	stream.indirect.scatter.add.f32 [tilespmem:s26], [sflag:$0x4], $0x40, s3, s14, $0xb8;
	[tilespmem:$0x14E60] =	vst v63  }
.Ltmp0:
0xe6: {  	s3 =	sadd.s32 $0xC468, s22;
	(pc) =	sbr.rel @p1 .LBB2_2-.Ltmp0, $4  }
0xe7: {  	[spmem:s1] =	stream.indirect.scatter.add.f32 [tilespmem:s28], [sflag:$0x4], $0x40, s3, s14, $0xb8;
	[tilespmem:$0x14E60] =	vst v63  }
0xe8: {  	s3 =	sadd.s32 $0xC490, s22  }
0xe9: {  	[spmem:s1] =	stream.indirect.scatter.add.f32 [tilespmem:s29], [sflag:$0x4], $0x40, s3, s14, $0xb8;
	[tilespmem:$0x14E60] =	vst v63  }
0xea: {  	s3 =	sadd.s32 $0xC4B8, s22  }
0xeb: {  	[spmem:s1] =	stream.indirect.scatter.add.f32 [tilespmem:s30], [sflag:$0x4], $0x40, s3, s14, $0xb8;
	[tilespmem:$0x14E60] =	vst v63  }
0xec: {  	s5 =	simm.s32 @!p0 $0x4  }
0xed: {  	_ =	swait.ge @!p0 [sflag:s5], $0xA00  }
0xee: {  	[sflag:s5] =	ssyncset.done @!p0 $0x0  }
0xef: {  	[sflag:s5] =	ssyncadd.s32 @!p0 $0xFFFFF600  }
0xf0: {  	_ =	swait.ge @!p0 [sflag:s5], $0xA00  }
0xf1: {  	[sflag:s5] =	ssyncset.done @!p0 $0x0  }
0xf2: {  	[sflag:s5] =	ssyncadd.s32 @!p0 $0xFFFFF600  }
0xf3: {  	_ =	swait.ge @!p0 [sflag:s5], $0xA00  }
0xf4: {  	[sflag:s5] =	ssyncset.done @!p0 $0x0  }
0xf5: {  	[sflag:s5] =	ssyncadd.s32 @!p0 $0xFFFFF600  }
0xf6: {  	_ =	swait.ge @!p0 [sflag:s5], $0xA00  }
0xf7: {  	[sflag:s5] =	ssyncset.done @!p0 $0x0  }
0xf8: {  	[sflag:s5] =	ssyncadd.s32 @!p0 $0xFFFFF600  }
0xf9: {  	_ =	swait.ge @!p0 [sflag:s5], $0xA00  }
0xfa: {  	s3 =	sshra.s32 s18, $0x2;
	[sflag:s5] =	ssyncset.done @!p0 $0x0  }
0xfb: {  	s20 =	sadd.s32 $0x9D08, s3;
	[sflag:s5] =	ssyncadd.s32 @!p0 $0xFFFFF600  }
0xfc: {  	[tilespmem:s25], [sflag:$0x2] =	stream.indirect.gather [hbm4b:s4+s14], $0x40, s20, s14, $0xb8;
	[tilespmem:$0x14E60] =	vst v63  }
0xfd: {  	s22 =	sadd.s32 $0x9D30, s3  }
0xfe: {  	[tilespmem:s26], [sflag:$0x2] =	stream.indirect.gather [hbm4b:s4+s14], $0x40, s22, s14, $0xb8;
	[tilespmem:$0x14E60] =	vst v63  }
0xff: {  	s7 =	sadd.s32 $0x9D58, s3  }
0x100: {  	[tilespmem:s28], [sflag:$0x2] =	stream.indirect.gather [hbm4b:s4+s14], $0x40, s7, s14, $0xb8;
	[tilespmem:$0x14E60] =	vst v63  }
0x101: {  	s8 =	sadd.s32 $0x9D80, s3  }
0x102: {  	[tilespmem:s29], [sflag:$0x2] =	stream.indirect.gather [hbm4b:s4+s14], $0x40, s8, s14, $0xb8;
	[tilespmem:$0x14E60] =	vst v63  }
0x103: {  	s11 =	sadd.s32 $0x9DA8, s3  }
0x104: {  	[tilespmem:s30], [sflag:$0x2] =	stream.indirect.gather [hbm4b:s4+s14], $0x40, s11, s14, $0xb8;
	[tilespmem:$0x14E60] =	vst v63  }
0x105: {  	_ =	swait.ge [sflag:s31], $0xA00  }
0x106: {  	[sflag:s31] =	ssyncset.done $0x0  }
0x107: {  	[sflag:s31] =	ssyncadd.s32 $0xFFFFF600  }
0x108: {  	_ =	swait.ge [sflag:s31], $0xA00  }
0x109: {  	[sflag:s31] =	ssyncset.done $0x0  }
0x10a: {  	[sflag:s31] =	ssyncadd.s32 $0xFFFFF600  }
0x10b: {  	_ =	swait.ge [sflag:s31], $0xA00  }
0x10c: {  	[sflag:s31] =	ssyncset.done $0x0  }
0x10d: {  	[sflag:s31] =	ssyncadd.s32 $0xFFFFF600  }
0x10e: {  	_ =	swait.ge [sflag:s31], $0xA00  }
0x10f: {  	[sflag:s31] =	ssyncset.done $0x0  }
0x110: {  	[sflag:s31] =	ssyncadd.s32 $0xFFFFF600  }
0x111: {  	_ =	swait.ge [sflag:s31], $0xA00  }
0x112: {  	[sflag:s31] =	ssyncset.done $0x0  }
0x113: {  	s12 =	sadd.s32 $0xC350, s3;
	[sflag:s31] =	ssyncadd.s32 $0xFFFFF600  }
0x114: {  	[spmem:s1] =	stream.indirect.scatter.add.f32 [tilespmem:s15], [sflag:$0x3], $0x40, s12, s14, $0xb8;
	[tilespmem:$0x14E60] =	vst v63  }
0x115: {  	s20 =	sadd.s32 $0xC378, s3  }
0x116: {  	[spmem:s1] =	stream.indirect.scatter.add.f32 [tilespmem:s17], [sflag:$0x3], $0x40, s20, s14, $0xb8;
	[tilespmem:$0x14E60] =	vst v63  }
0x117: {  	s22 =	sadd.s32 $0xC3A0, s3  }
0x118: {  	[spmem:s1] =	stream.indirect.scatter.add.f32 [tilespmem:s19], [sflag:$0x3], $0x40, s22, s14, $0xb8;
	[tilespmem:$0x14E60] =	vst v63  }
0x119: {  	s7 =	sadd.s32 $0xC3C8, s3  }
0x11a: {  	[spmem:s1] =	stream.indirect.scatter.add.f32 [tilespmem:s21], [sflag:$0x3], $0x40, s7, s14, $0xb8;
	[tilespmem:$0x14E60] =	vst v63  }
0x11b: {  	s8 =	sadd.s32 $0xC3F0, s3  }
0x11c: {  	[spmem:s1] =	stream.indirect.scatter.add.f32 [tilespmem:s23], [sflag:$0x3], $0x40, s8, s14, $0xb8;
	[tilespmem:$0x14E60] =	vst v63  }
0x11d: {  	_ =	swait.ge [sflag:s0], $0xA00  }
0x11e: {  	[sflag:s0] =	ssyncset.done $0x0  }
0x11f: {  	[sflag:s0] =	ssyncadd.s32 $0xFFFFF600  }
0x120: {  	_ =	swait.ge [sflag:s0], $0xA00  }
0x121: {  	[sflag:s0] =	ssyncset.done $0x0  }
0x122: {  	[sflag:s0] =	ssyncadd.s32 $0xFFFFF600  }
0x123: {  	_ =	swait.ge [sflag:s0], $0xA00  }
0x124: {  	[sflag:s0] =	ssyncset.done $0x0  }
0x125: {  	[sflag:s0] =	ssyncadd.s32 $0xFFFFF600  }
0x126: {  	_ =	swait.ge [sflag:s0], $0xA00  }
0x127: {  	[sflag:s0] =	ssyncset.done $0x0  }
0x128: {  	[sflag:s0] =	ssyncadd.s32 $0xFFFFF600  }
0x129: {  	p0 =	seq.s32 s18, $0x9600;
	_ =	swait.ge [sflag:s0], $0xA00  }
0x12a: {  	s5 =	sshra.s32 @!p0 s18, $0x2;
	s11 =	simm.s32 @!p0 $0x28;
	[sflag:s0] =	ssyncset.done $0x0  }
0x12b: {  	s7 =	simm.s32 @!p0 $0xEA60;
	s8 =	sadd.s32 @!p0 $0x9DD0, s5;
	[sflag:s0] =	ssyncadd.s32 $0xFFFFF600  }
0x12c: {  	[tilespmem:s7], [sflag:$0x1] =	stream.indirect.gather @!p0 [hbm4b:s4+s11], $0x40, s8, s11, $0xb8;
	[tilespmem:$0x14E60] =	vst v63  }
0x12d: {  	s7 =	sadd.s32 @!p0 $0x9DF8, s5;
	s8 =	simm.s32 @!p0 $0xF460  }
0x12e: {  	[tilespmem:s8], [sflag:$0x1] =	stream.indirect.gather @!p0 [hbm4b:s4+s11], $0x40, s7, s11, $0xb8;
	[tilespmem:$0x14E60] =	vst v63  }
0x12f: {  	s7 =	sadd.s32 @!p0 $0x9E20, s5;
	s8 =	simm.s32 @!p0 $0xFE60  }
0x130: {  	[tilespmem:s8], [sflag:$0x1] =	stream.indirect.gather @!p0 [hbm4b:s4+s11], $0x40, s7, s11, $0xb8;
	[tilespmem:$0x14E60] =	vst v63  }
0x131: {  	s7 =	sadd.s32 @!p0 $0x9E48, s5;
	s8 =	simm.s32 @!p0 $0x10860  }
0x132: {  	[tilespmem:s8], [sflag:$0x1] =	stream.indirect.gather @!p0 [hbm4b:s4+s11], $0x40, s7, s11, $0xb8;
	[tilespmem:$0x14E60] =	vst v63  }
0x133: {  	s5 =	sadd.s32 @!p0 $0x9E70, s5;
	s7 =	simm.s32 @!p0 $0x11260  }
0x134: {  	[tilespmem:s7], [sflag:$0x1] =	stream.indirect.gather @!p0 [hbm4b:s4+s11], $0x40, s5, s11, $0xb8;
	[tilespmem:$0x14E60] =	vst v63  }
0x135: {  	_ =	swait.ge [sflag:s2], $0xA00  }
0x136: {  	[sflag:s2] =	ssyncset.done $0x0  }
0x137: {  	[sflag:s2] =	ssyncadd.s32 $0xFFFFF600  }
0x138: {  	_ =	swait.ge [sflag:s2], $0xA00  }
0x139: {  	[sflag:s2] =	ssyncset.done $0x0  }
0x13a: {  	[sflag:s2] =	ssyncadd.s32 $0xFFFFF600  }
0x13b: {  	_ =	swait.ge [sflag:s2], $0xA00  }
0x13c: {  	[sflag:s2] =	ssyncset.done $0x0  }
0x13d: {  	[sflag:s2] =	ssyncadd.s32 $0xFFFFF600  }
0x13e: {  	_ =	swait.ge [sflag:s2], $0xA00  }
0x13f: {  	[sflag:s2] =	ssyncset.done $0x0  }
0x140: {  	[sflag:s2] =	ssyncadd.s32 $0xFFFFF600  }
0x141: {  	_ =	swait.ge [sflag:s2], $0xA00  }
0x142: {  	[sflag:s2] =	ssyncset.done $0x0  }
0x143: {  	s11 =	sadd.s32 $0xC418, s3;
	[sflag:s2] =	ssyncadd.s32 $0xFFFFF600  }
0x144: {  	[spmem:s1] =	stream.indirect.scatter.add.f32 [tilespmem:s25], [sflag:$0x4], $0x40, s11, s14, $0xb8;
	[tilespmem:$0x14E60] =	vst v63  }
0x145: {  	s12 =	sadd.s32 $0xC440, s3  }
0x146: {  	[spmem:s1] =	stream.indirect.scatter.add.f32 [tilespmem:s26], [sflag:$0x4], $0x40, s12, s14, $0xb8;
	[tilespmem:$0x14E60] =	vst v63  }
0x147: {  	s18 =	sadd.s32 $0xC468, s3  }
0x148: {  	[spmem:s1] =	stream.indirect.scatter.add.f32 [tilespmem:s28], [sflag:$0x4], $0x40, s18, s14, $0xb8;
	[tilespmem:$0x14E60] =	vst v63  }
0x149: {  	s20 =	sadd.s32 $0xC490, s3  }
0x14a: {  	[spmem:s1] =	stream.indirect.scatter.add.f32 [tilespmem:s29], [sflag:$0x4], $0x40, s20, s14, $0xb8;
	[tilespmem:$0x14E60] =	vst v63  }
0x14b: {  	s3 =	sadd.s32 $0xC4B8, s3  }
0x14c: {  	[spmem:s1] =	stream.indirect.scatter.add.f32 [tilespmem:s30], [sflag:$0x4], $0x40, s3, s14, $0xb8;
	[tilespmem:$0x14E60] =	vst v63  }
0x14d: {  	_ =	swait.ge [sflag:s13], $0xA00  }
0x14e: {  	[sflag:s13] =	ssyncset.done $0x0  }
0x14f: {  	[sflag:s13] =	ssyncadd.s32 $0xFFFFF600  }
0x150: {  	_ =	swait.ge [sflag:s13], $0xA00  }
0x151: {  	[sflag:s13] =	ssyncset.done $0x0  }
0x152: {  	[sflag:s13] =	ssyncadd.s32 $0xFFFFF600  }
0x153: {  	_ =	swait.ge [sflag:s13], $0xA00  }
0x154: {  	[sflag:s13] =	ssyncset.done $0x0  }
0x155: {  	[sflag:s13] =	ssyncadd.s32 $0xFFFFF600  }
0x156: {  	_ =	swait.ge [sflag:s13], $0xA00  }
0x157: {  	[sflag:s13] =	ssyncset.done $0x0  }
0x158: {  	[sflag:s13] =	ssyncadd.s32 $0xFFFFF600  }
0x159: {  	_ =	swait.ge [sflag:s13], $0xA00  }
0x15a: {  	[sflag:s13] =	ssyncset.done $0x0  }
0x15b: {  	[sflag:s13] =	ssyncadd.s32 $0xFFFFF600  }
0x15c: {  	[bflag:$0x0] =	sbarrier.arrive $0xFFFF  }
0x15d: {  	[hbm:s24], [sflag:s6] =	dma.local [spmem:s9], $0x1388  }
0x15e: {  	_ =	swait.ge [sflag:s10], $0x1388  }
0x15f: {  	s16 =	sadd.s32 $0x1, s16;
	s22 =	rddreg [dreg:$0x5]  }
0x160: {  	p0 =	sne.s32 s16, s22  }
.Ltmp1:
0x161: {  	_ = 	snop;
	(pc) =	sbr.rel @p0 .LBB2_1-.Ltmp1, $3  }
0x162: {  	_ =	sdelay $0x1  }
0x163: {  	[sflag:s10] =	ssyncset.done $0x0  }
0x164: {  	[sflag:s10] =	ssyncadd.s32 $0xFFFFEC78  }
0x165: {  	_ =	sfence.sel $0x180000  }
0x166: {  	[bflag:$0x0] =	sbarrier.arrive $0xFFFF  }
0x167: {  	_ =	strace $0x9000004A  }
0x168: {  	s0 =	stileid.u32;
	[bflag:$0x2] =	sbarrier.arrive $0xFFFF  }
0x169: {  	p0 =	sne.s32 s0, $0x0;
	s0 =	rddreg [dreg:$0x2]  }
0x16a: {  	s0 =	sadd.s32 @!p0 $0x100000, s0  }
0x16b: {  	[sflag:s0] =	ssyncadd.tile.s32 @!p0 $0x1;
	_ =	shalt  }
.Lfunc_end2:
_tile_overlayer_lowered:
.L_overlay_start_2:
0x16c: {  	(tag) =	ssettag $0x2  }
0x16d: {  	s0 =	rddreg [dreg:$0x0];
	s2 =	stileid.u32  }
0x16e: {  	s1 =	rddreg [dreg:$0x1];
	p0 =	sne.s32 s2, $0x0  }
0x16f: {  	s3 =	rddreg [dreg:$0x2];
	[bflag:$0x3] =	sbarrier.arrive $0xFFFF;
	s2 =	simm.s32 @!p0 $0x1C05  }
0x170: {  	[timem:s3], [sflag:s2] =	dma.local @!p0 [hbm:s0], s1  }
0x171: {  	s0 =	simm.s32 @!p0 $0x5  }
0x172: {  	_ =	swait.ge @!p0 [sflag:s0], s1  }
0x173: {  	s1 =	ssub.s32 @!p0 $0x0, s1;
	[sflag:s0] =	ssyncset.done @!p0 $0x0  }
0x174: {  	[sflag:s0] =	ssyncadd.s32 @!p0 s1  }
0x175: {  	[bflag:$0x3] =	sbarrier.arrive $0xFFFF  }
0x176: {  	_ =	shalt  }

// kernel: kernel.15.cloned.1.call-start
scs
__scs_entry_jumppad:
0x0: {  	(pc) =	sbr.rel $0x88, $3  }
0x1: {  	(tag) =	ssettag $0x0;
	lr =	simm.s32 $0x1  }
0x2: {  	[smem:$0x3F94] =	sst lr;
	_ =	strace $0xD0000000  }
0x3: {  	_ = 	snop  }
0x4: {  	_ = 	snop  }
0x5: {  	_ = 	snop  }
0x6: {  	_ = 	snop  }
0x7: {  	_ = 	snop  }
__scs_overlays_trampoline_lowered:
0x8: {  	[smem:$0x3FA3] =	sst s0  }
0x9: {  	[smem:$0x3FA4] =	sst s1  }
0xa: {  	[smem:$0x3FA5] =	sst s2  }
0xb: {  	[smem:$0x3FA6] =	sst s3  }
0xc: {  	[smem:$0x3FA7] =	sst s4  }
0xd: {  	[smem:$0x3FA8] =	sst s5  }
0xe: {  	[smem:$0x3FA9] =	sst s6  }
0xf: {  	[smem:$0x3FAA] =	sst s7  }
0x10: {  	[smem:$0x3FAB] =	sst s8  }
0x11: {  	[smem:$0x3FAC] =	sst s9;
	s0 =	simm.s32 @!p0 $0x0  }
0x12: {  	s1 =	sld [smem:$0x3F92];
	s0 =	simm.s32 @p0 $0x1  }
0x13: {  	[smem:$0x3FAD] =	sst s0;
	s0 =	simm.s32 @!p1 $0x0  }
0x14: {  	s2 =	sld [smem:$0x3F91];
	s0 =	simm.s32 @p1 $0x1  }
0x15: {  	[smem:$0x3FAE] =	sst s0;
	s0 =	simm.s32 @!p2 $0x0  }
0x16: {  	s3 =	sld [smem:$0x3FDB];
	s0 =	simm.s32 @p2 $0x1  }
0x17: {  	s4 =	simm.s32 $0x1BF5;
	[smem:$0x3FB0] =	sst s0  }
0x18: {  	s0 =	sld [smem:$0x3F93];
	_ =	swait.ge [sflag:s4], $0x0  }
0x19: {  	s7 =	sld [smem:$0x3F94]  }
0x1a: {  	s8 =	sadd.s32 $0xFFFFE003, lr  }
0x1b: {  	s9 =	sadd.s32 $0xFFFFFEF7, lr;
	s5 =	simm.s32 $0xFFFFFFFF;
	p2 =	slt.u32 s8, $0xFFFFF086  }
0x1c: {  	p1 =	slt.u32 s9, $0xF7A;
	s5 =	simm.s32 @!p2 $0x0  }
0x1d: {  	s5 =	simm.s32 @p1 $0x1;
	p0 =	seq.s32 s7, s2  }
0x1e: {  	s7 =	smul.u32 @!p0 $0xF7A, s2;
	p2 =	seq.s32 @!p0 s5, $0x0  }
0x1f: {  	s9 =	smul.u32 $0xF7A, s1;
	s8 =	simm.s32 @!p0 $0x1BF5;
	p2 =	por !p2, p0  }
0x20: {  	[sflag:s8] =	ssyncset.s32 @!p0 $0xFFFFF086;
	s6 =	sadd.s32 @!p0 s3, s7;
	s7 =	simm.s32 @!p0 $0x108  }
0x21: {  	s3 =	sadd.s32 s3, s9;
	s6 =	sadd.s32 @!p0 $0x88, s6;
	s7 =	simm.s32 @p2 $0x1082  }
0x22: {  	[simem:s7], [sflag:s8] =	dma.local @!p0 [hbm:s6], $0xF7A  }
0x23: {  	s9 =	sor.u32 $0xD0000000, s2;
	s6 =	simm.s32 $0x108;
	_ =	swait.ge @!p0 [sflag:s8], $0x0  }
0x24: {  	s3 =	sadd.s32 $0x88, s3;
	s6 =	simm.s32 @!p1 $0x1082;
	[sflag:s4] =	ssyncset.s32 $0xFFFFF086  }
0x25: {  	[simem:s6], [sflag:s4] =	dma.local [hbm:s3], $0xF7A  }
0x26: {  	[smem:$0x3F94] =	sst s1;
	(tag) =	ssettag s2;
	_ =	strace s9  }
0x27: {  	s1 =	sld [smem:$0x3FA4]  }
0x28: {  	s2 =	sld [smem:$0x3FA5]  }
0x29: {  	s4 =	sld [smem:$0x3FA7]  }
0x2a: {  	p0 =	seq.s32 s5, $0x0;
	s5 =	sld [smem:$0x3FA8]  }
0x2b: {  	s6 =	sld [smem:$0x3FA9]  }
0x2c: {  	s7 =	sld [smem:$0x3FAA]  }
0x2d: {  	s3 =	simm.s32 $0x108;
	s8 =	sld [smem:$0x3FAB]  }
0x2e: {  	s3 =	simm.s32 @!p0 $0x1082;
	s9 =	sld [smem:$0x3FAC]  }
0x2f: {  	lr =	sadd.s32 s0, s3;
	s0 =	sld [smem:$0x3FA3]  }
0x30: {  	s3 =	sld [smem:$0x3FA6]  }
0x31: {  	[smem:$0x3FAF] =	sst s10  }
0x32: {  	s10 =	sld [smem:$0x3FAD];
	_ =	sdelay $0x3  }
0x33: {  	p0 =	seq.s32 s10, $0x1;
	s10 =	sld [smem:$0x3FAF];
	_ =	sdelay $0x3  }
0x34: {  	[smem:$0x3FAF] =	sst s10  }
0x35: {  	s10 =	sld [smem:$0x3FAE];
	_ =	sdelay $0x3  }
0x36: {  	p1 =	seq.s32 s10, $0x1;
	s10 =	sld [smem:$0x3FAF];
	_ =	sdelay $0x3  }
0x37: {  	[smem:$0x3FAF] =	sst s10  }
0x38: {  	s10 =	sld [smem:$0x3FB0]  }
0x39: {  	_ = 	snop;
	(pc) =	sbr.ind lr, $3  }
0x3a: {  	_ = 	snop  }
0x3b: {  	_ = 	snop  }
0x3c: {  	p2 =	seq.s32 s10, $0x1;
	s10 =	sld [smem:$0x3FAF]  }
0x3d: {  	_ =	shalt  }
0x3e: {  	_ =	shalt  }
0x3f: {  	_ =	shalt  }
0x40: {  	_ =	shalt  }
0x41: {  	_ =	shalt  }
0x42: {  	_ =	shalt  }
0x43: {  	_ =	shalt  }
0x44: {  	_ =	shalt  }
0x45: {  	_ =	shalt  }
0x46: {  	_ =	shalt  }
0x47: {  	_ =	shalt  }
0x48: {  	_ =	shalt  }
0x49: {  	_ =	shalt  }
0x4a: {  	_ =	shalt  }
0x4b: {  	_ =	shalt  }
0x4c: {  	_ =	shalt  }
0x4d: {  	_ =	shalt  }
0x4e: {  	_ =	shalt  }
0x4f: {  	_ =	shalt  }
0x50: {  	_ =	shalt  }
0x51: {  	_ =	shalt  }
0x52: {  	_ =	shalt  }
0x53: {  	_ =	shalt  }
0x54: {  	_ =	shalt  }
0x55: {  	_ =	shalt  }
0x56: {  	_ =	shalt  }
0x57: {  	_ =	shalt  }
0x58: {  	_ =	shalt  }
0x59: {  	_ =	shalt  }
0x5a: {  	_ =	shalt  }
0x5b: {  	_ =	shalt  }
0x5c: {  	_ =	shalt  }
0x5d: {  	_ =	shalt  }
0x5e: {  	_ =	shalt  }
0x5f: {  	_ =	shalt  }
0x60: {  	_ =	shalt  }
0x61: {  	_ =	shalt  }
0x62: {  	_ =	shalt  }
0x63: {  	_ =	shalt  }
0x64: {  	_ =	shalt  }
0x65: {  	_ =	shalt  }
0x66: {  	_ =	shalt  }
0x67: {  	_ =	shalt  }
0x68: {  	_ =	shalt  }
0x69: {  	_ =	shalt  }
0x6a: {  	_ =	shalt  }
0x6b: {  	_ =	shalt  }
0x6c: {  	_ =	shalt  }
0x6d: {  	_ =	shalt  }
0x6e: {  	_ =	shalt  }
0x6f: {  	_ =	shalt  }
0x70: {  	_ =	shalt  }
0x71: {  	_ =	shalt  }
0x72: {  	_ =	shalt  }
0x73: {  	_ =	shalt  }
0x74: {  	_ =	shalt  }
0x75: {  	_ =	shalt  }
0x76: {  	_ =	shalt  }
0x77: {  	_ =	shalt  }
0x78: {  	_ =	shalt  }
0x79: {  	_ =	shalt  }
0x7a: {  	_ =	shalt  }
0x7b: {  	_ =	shalt  }
0x7c: {  	_ =	shalt  }
0x7d: {  	_ =	shalt  }
0x7e: {  	_ =	shalt  }
0x7f: {  	_ =	shalt  }
0x80: {  	_ =	shalt  }
0x81: {  	_ =	shalt  }
0x82: {  	_ =	shalt  }
0x83: {  	_ =	shalt  }
0x84: {  	_ =	shalt  }
0x85: {  	_ =	shalt  }
0x86: {  	_ =	shalt  }
0x87: {  	_ =	shalt  }
.Lfunc_end0:
.L_simem_size_0:
called_computation.2_lowered:
.L_overlay_start_0:
0x88: {  	s2 =	sld [smem:$0x3FD9]  }
0x89: {  	s3 =	sld [smem:$0x3FFE];
	_ =	sdelay $0x1  }
0x8a: {  	s1 =	srdreg.scid  }
0x8b: {  	s0 =	sand.u32 $0x1, s1  }
0x8c: {  	s16 =	sshll.u32 s0, $0xA;
	s2 =	sadd.s32 s3, s2  }
0x8d: {  	s2 =	sadd.s32 s2, s16  }
0x8e: {  	[smem:$0x3FBB] =	sst s2  }
0x8f: {  	_ = 	snop  }
0x90: {  	(tm) =	ssettm $0x1  }
0x91: {  	s17 =	sld [smem:$0x3FFB];
	_ =	sdelay $0x3  }
0x92: {  	_ =	strace s17  }
0x93: {  	s2 =	sld [smem:$0x3FFC];
	_ =	sdelay $0x3  }
0x94: {  	_ =	strace s2  }
0x95: {  	s2 =	sld [smem:$0x3FFD];
	_ =	sdelay $0x3  }
0x96: {  	_ =	strace s2  }
0x97: {  	_ =	strace $0x8FFFFFFF  }
0x98: {  	s18 =	sld [smem:$0x3FDB];
	_ =	sdelay $0x1  }
0x99: {  	s19 =	simm.s32 $_scs_section_size  }
0x9a: {  	s4 =	simm.s32 $_size__tile_overlayer_lowered;
	s5 =	simm.s32 $_tile_overlayer_lowered  }
0x9b: {  	s22 =	simm.s32 $0x1BFF;
	s21 =	sshll.u32 s5, $0x1;
	s2 =	sadd.s32 s19, s18  }
0x9c: {  	s6 =	simm.s32 $0x0;
	s20 =	sshll.u32 s4, $0x1;
	s4 =	sadd.s32 s21, s2  }
0x9d: {  	[timem:s6], [sflag:s22] =	dma.local [hbm:s4], s20  }
0x9e: {  	_ =	swait.ge [sflag:s22], s20  }
0x9f: {  	s3 =	ssub.s32 $0x0, s20;
	[sflag:s22] =	ssyncset.done $0x0  }
0xa0: {  	[sflag:s22] =	ssyncadd.s32 s3;
	_ =	sdelay $0x1  }
0xa1: {  	s23 =	simm.s32 $0x1B8B  }
0xa2: {  	_ =	swait.ge [sflag:s23], $0x1  }
0xa3: {  	[sflag:s23] =	ssyncset.done $0x0  }
0xa4: {  	s25 =	simm.s32 $0x1B8E;
	s24 =	sld [smem:$0x3FFE];
	[sflag:s23] =	ssyncadd.s32 $0xFFFFFFFF  }
0xa5: {  	s26 =	simm.s32 $execute0_lowered;
	[smem:$0x3FD2] =	sst s25  }
0xa6: {  	s4 =	sshll.u32 s26, $0x1;
	_ =	strace $0x8000004C;
	[dreg:$0x1] =	wrdreg $0xFFFFFFFF  }
0xa7: {  	s28 =	simm.s32 $_size_execute0_lowered;
	s2 =	sadd.s32 s2, s4;
	[dreg:$0x0] =	wrdreg $0x0  }
0xa8: {  	s4 =	sshll.u32 s28, $0x1;
	[dreg:$0x2] =	wrdreg s2  }
0xa9: {  	[dreg:$0x3] =	wrdreg s4  }
0xaa: {  	[dreg:$0x4] =	wrdreg $0xC0  }
0xab: {  	_ =	task [dreg:s6], $0x5FFFF  }
0xac: {  	[dreg:$0x1] =	wrdreg $0xFFFFFFFF  }
0xad: {  	[dreg:$0x0] =	wrdreg $0x60  }
0xae: {  	[dreg:$0x2] =	wrdreg s24  }
0xaf: {  	[dreg:$0x3] =	wrdreg $0x0  }
0xb0: {  	[dreg:$0x4] =	wrdreg $0x9  }
0xb1: {  	_ =	task.clear_ibuf [dreg:s6], $0x5FFFF;
	_ =	strace $0x9000004C  }
0xb2: {  	s29 =	simm.s32 $0x9;
	_ =	strace $0x8000004E  }
0xb3: {  	_ =	swait.ge [sflag:s29], $0x1  }
0xb4: {  	[sflag:s29] =	ssyncadd.s32 $0xFFFFFFFF  }
0xb5: {  	_ =	strace $0x9000004E  }
0xb6: {  	_ =	sfence  }
0xb7: {  	s30 =	sld [smem:$0x0];
	_ =	sdelay $0x2  }
0xb8: {  	s31 =	sshll.u32 s1, $0xD;
	s1 =	sshrl.u32 s1, $0x2  }
0xb9: {  	s3 =	sand.u32 $0x4000, s31;
	s1 =	sadd.s32 s1, s30  }
0xba: {  	s0 =	sor.u32 s3, s0;
	s1 =	sshll.u32 s1, $0x11  }
0xbb: {  	s0 =	sor.u32 s1, s0  }
0xbc: {  	s0 =	sadd.s32 $0x8F2B, s0  }
0xbd: {  	[sflag:s0] =	ssyncadd.remote.s32 $0x1  }
0xbe: {  	_ =	sfence.sel $0xFFFF  }
0xbf: {  	[dreg:$0x0] =	wrdreg $0xFFFFFFFF;
	(pc) =	sbr.abs _section_cstart, $3  }
0xc0: {  	[dreg:$0x1] =	wrdreg $0xFFFFFFFF  }
0xc1: {  	_ =	task.clear_ibuf [dreg:s6], $0x2FFFF;
	_ =	strace $0x9FFFFFFF  }
0xc2: {  	(tm) =	ssettm $0x7FFFFFFF  }
0xc3: {  	_ =	shalt  }
tec
execute0_lowered:
.L_overlay_start_1:
0x0: {  	(tag) =	ssettag $0x1  }
0x1: {  	s0 =	rddreg [dreg:$0x0]  }
0x2: {  	s1 =	rddreg [dreg:$0x1]  }
0x3: {  	s2 =	srdreg.scid;
	s4 =	simm.s32 $0x0;
	s11 =	stileid.u32  }
0x4: {  	s14 =	simm.s32 $0x28;
	s15 =	simm.s32 $0xEA60;
	s17 =	simm.s32 $0xF460  }
0x5: {  	s19 =	simm.s32 $0xFE60;
	s21 =	simm.s32 $0x10860;
	s28 =	simm.s32 $0x13060  }
0x6: {  	s29 =	simm.s32 $0x13A60;
	s30 =	simm.s32 $0x14460;
	s31 =	simm.s32 $0x1  }
0x7: {  	s2 =	sand.u32 $0x1, s2;
	[smem:$0x7FF] =	sst s4;
	s5 =	smul.u32 $0x9C40, s11  }
0x8: {  	s4 =	sadd.s32 $0x15C00, s0;
	s23 =	sshll.u32 s11, $0x6;
	s3 =	sshll.u32 s2, $0x4  }
0x9: {  	_ =	strace $0x8000004D;
	s6 =	smul.u32 $0x13880, s2;
	s2 =	ssub.s32 $0x2, s2  }
0xa: {  	s3 =	sor.u32 s11, s3;
	s13 =	sshrl.u32 s5, $0x3;
	s9 =	sshrl.u32 s2, $0x1  }
0xb: {  	s24 =	sadd.s32 s5, s1;
	s3 =	smul.u32 $0x4E2, s3;
	s8 =	sadd.s32 s13, s0  }
0xc: {  	s10 =	sadd.s32 s6, s0;
	s2 =	ssub.s32 s2, s9;
	s6 =	sor.u32 $0x1C05, s23  }
0xd: {  	s9 =	sshrl.u32 s24, $0x3;
	s23 =	simm.s32 $0x11260;
	s25 =	sadd.s32 $0x29600, s8  }
0xe: {  	s16 =	sadd.s32 $0x3D000, s10;
	s2 =	smax.u32 s2, $0x1;
	s10 =	simm.s32 $0x5  }
0xf: {  	s7 =	sadd.s32 s3, s0;
	[dreg:$0x3] =	wrdreg s25;
	s0 =	sadd.s32 $0xBE40, s0  }
0x10: {  	[dreg:$0x5] =	wrdreg s2;
	s24 =	sadd.s32 s13, s16;
	s25 =	simm.s32 $0x11C60  }
0x11: {  	s2 =	simm.s32 $0x2;
	s13 =	simm.s32 $0x4;
	s26 =	sadd.s32 $0x2200, s7  }
0x12: {  	s16 =	simm.s32 $0x0;
	s0 =	sadd.s32 s3, s0;
	[dreg:$0x4] =	wrdreg s26  }
0x13: {  	[dreg:$0x6] =	wrdreg s0;
	s26 =	simm.s32 $0x12660;
	s0 =	simm.s32 $0x3  }
.LBB2_1:
0x14: {  	s3 =	rddreg [dreg:$0x3]  }
0x15: {  	[spmem:s9], [sflag:s6] =	dma.local [hbm:s3], $0x1388  }
0x16: {  	_ =	swait.ge [sflag:s10], $0x1388  }
0x17: {  	s12 =	simm.s32 $0x0;
	[sflag:s10] =	ssyncset.done $0x0  }
0x18: {  	s7 =	simm.s32 $0x9C40;
	s5 =	rddreg [dreg:$0x4];
	[sflag:s10] =	ssyncadd.s32 $0xFFFFEC78  }
0x19: {  	[tilespmem:s7], [sflag:$0x5] =	stream.linear.gather [hbm4b:s5+s12], $0x2710, $0x38;
	[tilespmem:$0x14E60] =	vst v63  }
0x1a: {  	_ =	swait.ge [sflag:s10], $0x2710  }
0x1b: {  	[sflag:s10] =	ssyncset.done $0x0  }
0x1c: {  	s8 =	simm.s32 $0xC350;
	s18 =	rddreg [dreg:$0x6];
	[sflag:s10] =	ssyncadd.s32 $0xFFFFD8F0  }
0x1d: {  	[tilespmem:s8], [sflag:$0x5] =	stream.linear.gather [hbm4b:s18+s12], $0x2710, $0x38;
	[tilespmem:$0x14E60] =	vst v63  }
0x1e: {  	_ =	swait.ge [sflag:s10], $0x2710  }
0x1f: {  	[sflag:s10] =	ssyncset.done $0x0  }
0x20: {  	[sflag:s10] =	ssyncadd.s32 $0xFFFFD8F0  }
0x21: {  	[bflag:$0x0] =	sbarrier.arrive $0xFFFF  }
0x22: {  	[tilespmem:s15], [sflag:$0x1] =	stream.indirect.gather [hbm4b:s4+s14], $0x40, s7, s14, $0xb8;
	[tilespmem:$0x14E60] =	vst v63  }
0x23: {  	s20 =	simm.s32 $0x9C68  }
0x24: {  	[tilespmem:s17], [sflag:$0x1] =	stream.indirect.gather [hbm4b:s4+s14], $0x40, s20, s14, $0xb8;
	[tilespmem:$0x14E60] =	vst v63  }
0x25: {  	s22 =	simm.s32 $0x9C90;
	p0 =	por $0x1, $0x1  }
0x26: {  	[tilespmem:s19], [sflag:$0x1] =	stream.indirect.gather [hbm4b:s4+s14], $0x40, s22, s14, $0xb8;
	[tilespmem:$0x14E60] =	vst v63  }
0x27: {  	p0 =	por p0, p0;
	s5 =	simm.s32 $0x9CB8  }
0x28: {  	[tilespmem:s21], [sflag:$0x1] =	stream.indirect.gather [hbm4b:s4+s14], $0x40, s5, s14, $0xb8;
	[tilespmem:$0x14E60] =	vst v63  }
0x29: {  	s3 =	simm.s32 @!p0 $0x4;
	s7 =	simm.s32 $0x9CE0  }
0x2a: {  	[tilespmem:s23], [sflag:$0x1] =	stream.indirect.gather [hbm4b:s4+s14], $0x40, s7, s14, $0xb8;
	[tilespmem:$0x14E60] =	vst v63  }
0x2b: {  	_ =	swait.ge @!p0 [sflag:s3], $0xA00  }
0x2c: {  	[sflag:s3] =	ssyncset.done @!p0 $0x0  }
0x2d: {  	[sflag:s3] =	ssyncadd.s32 @!p0 $0xFFFFF600  }
0x2e: {  	_ =	swait.ge @!p0 [sflag:s3], $0xA00  }
0x2f: {  	[sflag:s3] =	ssyncset.done @!p0 $0x0  }
0x30: {  	[sflag:s3] =	ssyncadd.s32 @!p0 $0xFFFFF600  }
0x31: {  	_ =	swait.ge @!p0 [sflag:s3], $0xA00  }
0x32: {  	[sflag:s3] =	ssyncset.done @!p0 $0x0  }
0x33: {  	[sflag:s3] =	ssyncadd.s32 @!p0 $0xFFFFF600  }
0x34: {  	_ =	swait.ge @!p0 [sflag:s3], $0xA00  }
0x35: {  	[sflag:s3] =	ssyncset.done @!p0 $0x0  }
0x36: {  	[sflag:s3] =	ssyncadd.s32 @!p0 $0xFFFFF600  }
0x37: {  	_ =	swait.ge @!p0 [sflag:s3], $0xA00  }
0x38: {  	[sflag:s3] =	ssyncset.done @!p0 $0x0  }
0x39: {  	s8 =	simm.s32 $0x9D08;
	[sflag:s3] =	ssyncadd.s32 @!p0 $0xFFFFF600  }
0x3a: {  	[tilespmem:s25], [sflag:$0x2] =	stream.indirect.gather [hbm4b:s4+s14], $0x40, s8, s14, $0xb8;
	[tilespmem:$0x14E60] =	vst v63  }
0x3b: {  	s11 =	simm.s32 $0x9D30  }
0x3c: {  	[tilespmem:s26], [sflag:$0x2] =	stream.indirect.gather [hbm4b:s4+s14], $0x40, s11, s14, $0xb8;
	[tilespmem:$0x14E60] =	vst v63  }
0x3d: {  	s12 =	simm.s32 $0x9D58  }
0x3e: {  	[tilespmem:s28], [sflag:$0x2] =	stream.indirect.gather [hbm4b:s4+s14], $0x40, s12, s14, $0xb8;
	[tilespmem:$0x14E60] =	vst v63  }
0x3f: {  	s18 =	simm.s32 $0x9D80  }
0x40: {  	[tilespmem:s29], [sflag:$0x2] =	stream.indirect.gather [hbm4b:s4+s14], $0x40, s18, s14, $0xb8;
	[tilespmem:$0x14E60] =	vst v63  }
0x41: {  	s20 =	simm.s32 $0x9DA8  }
0x42: {  	[tilespmem:s30], [sflag:$0x2] =	stream.indirect.gather [hbm4b:s4+s14], $0x40, s20, s14, $0xb8;
	[tilespmem:$0x14E60] =	vst v63  }
0x43: {  	_ =	swait.ge [sflag:s31], $0xA00  }
0x44: {  	[sflag:s31] =	ssyncset.done $0x0  }
0x45: {  	[sflag:s31] =	ssyncadd.s32 $0xFFFFF600  }
0x46: {  	_ =	swait.ge [sflag:s31], $0xA00  }
0x47: {  	[sflag:s31] =	ssyncset.done $0x0  }
0x48: {  	[sflag:s31] =	ssyncadd.s32 $0xFFFFF600  }
0x49: {  	_ =	swait.ge [sflag:s31], $0xA00  }
0x4a: {  	[sflag:s31] =	ssyncset.done $0x0  }
0x4b: {  	[sflag:s31] =	ssyncadd.s32 $0xFFFFF600  }
0x4c: {  	_ =	swait.ge [sflag:s31], $0xA00  }
0x4d: {  	[sflag:s31] =	ssyncset.done $0x0  }
0x4e: {  	[sflag:s31] =	ssyncadd.s32 $0xFFFFF600  }
0x4f: {  	_ =	swait.ge [sflag:s31], $0xA00  }
0x50: {  	[sflag:s31] =	ssyncset.done $0x0  }
0x51: {  	s22 =	simm.s32 $0xC350;
	[sflag:s31] =	ssyncadd.s32 $0xFFFFF600  }
0x52: {  	[spmem:s1] =	stream.indirect.scatter.add.f32 [tilespmem:s15], [sflag:$0x3], $0x40, s22, s14, $0xb8;
	[tilespmem:$0x14E60] =	vst v63  }
0x53: {  	s5 =	simm.s32 $0xC378  }
0x54: {  	[spmem:s1] =	stream.indirect.scatter.add.f32 [tilespmem:s17], [sflag:$0x3], $0x40, s5, s14, $0xb8;
	[tilespmem:$0x14E60] =	vst v63  }
0x55: {  	s7 =	simm.s32 $0xC3A0  }
0x56: {  	[spmem:s1] =	stream.indirect.scatter.add.f32 [tilespmem:s19], [sflag:$0x3], $0x40, s7, s14, $0xb8;
	[tilespmem:$0x14E60] =	vst v63  }
0x57: {  	s8 =	simm.s32 $0xC3C8  }
0x58: {  	[spmem:s1] =	stream.indirect.scatter.add.f32 [tilespmem:s21], [sflag:$0x3], $0x40, s8, s14, $0xb8;
	[tilespmem:$0x14E60] =	vst v63  }
0x59: {  	s11 =	simm.s32 $0xC3F0  }
0x5a: {  	[spmem:s1] =	stream.indirect.scatter.add.f32 [tilespmem:s23], [sflag:$0x3], $0x40, s11, s14, $0xb8;
	[tilespmem:$0x14E60] =	vst v63  }
0x5b: {  	_ =	swait.ge [sflag:s0], $0xA00  }
0x5c: {  	[sflag:s0] =	ssyncset.done $0x0  }
0x5d: {  	[sflag:s0] =	ssyncadd.s32 $0xFFFFF600  }
0x5e: {  	_ =	swait.ge [sflag:s0], $0xA00  }
0x5f: {  	[sflag:s0] =	ssyncset.done $0x0  }
0x60: {  	[sflag:s0] =	ssyncadd.s32 $0xFFFFF600  }
0x61: {  	_ =	swait.ge [sflag:s0], $0xA00  }
0x62: {  	[sflag:s0] =	ssyncset.done $0x0  }
0x63: {  	[sflag:s0] =	ssyncadd.s32 $0xFFFFF600  }
0x64: {  	_ =	swait.ge [sflag:s0], $0xA00  }
0x65: {  	[sflag:s0] =	ssyncset.done $0x0  }
0x66: {  	[sflag:s0] =	ssyncadd.s32 $0xFFFFF600  }
0x67: {  	p0 =	por $0x0, $0x0;
	_ =	swait.ge [sflag:s0], $0xA00  }
0x68: {  	s3 =	simm.s32 @!p0 $0xEA60;
	[sflag:s0] =	ssyncset.done $0x0  }
0x69: {  	s18 =	simm.s32 @!p0 $0x9DD0;
	s20 =	simm.s32 @!p0 $0x28;
	[sflag:s0] =	ssyncadd.s32 $0xFFFFF600  }
0x6a: {  	[tilespmem:s3], [sflag:$0x1] =	stream.indirect.gather @!p0 [hbm4b:s4+s20], $0x40, s18, s20, $0xb8;
	[tilespmem:$0x14E60] =	vst v63  }
0x6b: {  	s3 =	simm.s32 @!p0 $0x9DF8;
	s18 =	simm.s32 @!p0 $0xF460  }
0x6c: {  	[tilespmem:s18], [sflag:$0x1] =	stream.indirect.gather @!p0 [hbm4b:s4+s20], $0x40, s3, s20, $0xb8;
	[tilespmem:$0x14E60] =	vst v63  }
0x6d: {  	s3 =	simm.s32 @!p0 $0x9E20;
	s18 =	simm.s32 @!p0 $0xFE60  }
0x6e: {  	[tilespmem:s18], [sflag:$0x1] =	stream.indirect.gather @!p0 [hbm4b:s4+s20], $0x40, s3, s20, $0xb8;
	[tilespmem:$0x14E60] =	vst v63  }
0x6f: {  	s3 =	simm.s32 @!p0 $0x9E48;
	s18 =	simm.s32 @!p0 $0x10860  }
0x70: {  	[tilespmem:s18], [sflag:$0x1] =	stream.indirect.gather @!p0 [hbm4b:s4+s20], $0x40, s3, s20, $0xb8;
	[tilespmem:$0x14E60] =	vst v63  }
0x71: {  	s3 =	simm.s32 @!p0 $0x9E70;
	s18 =	simm.s32 @!p0 $0x11260  }
0x72: {  	[tilespmem:s18], [sflag:$0x1] =	stream.indirect.gather @!p0 [hbm4b:s4+s20], $0x40, s3, s20, $0xb8;
	[tilespmem:$0x14E60] =	vst v63  }
0x73: {  	_ =	swait.ge [sflag:s2], $0xA00  }
0x74: {  	[sflag:s2] =	ssyncset.done $0x0  }
0x75: {  	[sflag:s2] =	ssyncadd.s32 $0xFFFFF600  }
0x76: {  	_ =	swait.ge [sflag:s2], $0xA00  }
0x77: {  	[sflag:s2] =	ssyncset.done $0x0  }
0x78: {  	[sflag:s2] =	ssyncadd.s32 $0xFFFFF600  }
0x79: {  	_ =	swait.ge [sflag:s2], $0xA00  }
0x7a: {  	[sflag:s2] =	ssyncset.done $0x0  }
0x7b: {  	[sflag:s2] =	ssyncadd.s32 $0xFFFFF600  }
0x7c: {  	_ =	swait.ge [sflag:s2], $0xA00  }
0x7d: {  	[sflag:s2] =	ssyncset.done $0x0  }
0x7e: {  	[sflag:s2] =	ssyncadd.s32 $0xFFFFF600  }
0x7f: {  	_ =	swait.ge [sflag:s2], $0xA00  }
0x80: {  	[sflag:s2] =	ssyncset.done $0x0  }
0x81: {  	s12 =	simm.s32 $0xC418;
	[sflag:s2] =	ssyncadd.s32 $0xFFFFF600  }
0x82: {  	[spmem:s1] =	stream.indirect.scatter.add.f32 [tilespmem:s25], [sflag:$0x4], $0x40, s12, s14, $0xb8;
	[tilespmem:$0x14E60] =	vst v63  }
0x83: {  	p6 =	por $0x0, $0x0;
	s18 =	simm.s32 $0xC440  }
0x84: {  	[spmem:s1] =	stream.indirect.scatter.add.f32 [tilespmem:s26], [sflag:$0x4], $0x40, s18, s14, $0xb8;
	[tilespmem:$0x14E60] =	vst v63  }
0x85: {  	s22 =	simm.s32 $0xC490;
	s20 =	simm.s32 $0xC468;
	p0 =	por p6, p6  }
0x86: {  	[spmem:s1] =	stream.indirect.scatter.add.f32 [tilespmem:s28], [sflag:$0x4], $0x40, s20, s14, $0xb8;
	[tilespmem:$0x14E60] =	vst v63  }
0x87: {  	s3 =	simm.s32 $0xC4B8;
	s18 =	simm.s32 $0x640;
	s20 =	simm.s32 $0xC80  }
0x88: {  	[spmem:s1] =	stream.indirect.scatter.add.f32 [tilespmem:s29], [sflag:$0x4], $0x40, s22, s14, $0xb8;
	[tilespmem:$0x14E60] =	vst v63  }
.LBB2_2:
0x89: {  	[spmem:s1] =	stream.indirect.scatter.add.f32 [tilespmem:s30], [sflag:$0x4], $0x40, s3, s14, $0xb8;
	[tilespmem:$0x14E60] =	vst v63  }
0x8a: {  	s3 =	smov.u32 s20  }
0x8b: {  	s20 =	sadd.s32 $0x640, s20;
	s11 =	simm.s32 @!p0 $0x4;
	p2 =	seq.s32 s3, $0x0  }
0x8c: {  	p1 =	sne.s32 s20, $0x9C40;
	_ =	swait.ge @!p0 [sflag:s11], $0xA00  }
0x8d: {  	[sflag:s11] =	ssyncset.done @!p0 $0x0  }
0x8e: {  	[sflag:s11] =	ssyncadd.s32 @!p0 $0xFFFFF600  }
0x8f: {  	_ =	swait.ge @!p0 [sflag:s11], $0xA00  }
0x90: {  	[sflag:s11] =	ssyncset.done @!p0 $0x0  }
0x91: {  	[sflag:s11] =	ssyncadd.s32 @!p0 $0xFFFFF600  }
0x92: {  	_ =	swait.ge @!p0 [sflag:s11], $0xA00  }
0x93: {  	[sflag:s11] =	ssyncset.done @!p0 $0x0  }
0x94: {  	[sflag:s11] =	ssyncadd.s32 @!p0 $0xFFFFF600  }
0x95: {  	_ =	swait.ge @!p0 [sflag:s11], $0xA00  }
0x96: {  	[sflag:s11] =	ssyncset.done @!p0 $0x0  }
0x97: {  	[sflag:s11] =	ssyncadd.s32 @!p0 $0xFFFFF600  }
0x98: {  	_ =	swait.ge @!p0 [sflag:s11], $0xA00  }
0x99: {  	s22 =	sshra.s32 s18, $0x2;
	[sflag:s11] =	ssyncset.done @!p0 $0x0  }
0x9a: {  	[sflag:s11] =	ssyncadd.s32 @!p0 $0xFFFFF600;
	s11 =	sadd.s32 $0x9D08, s22;
	p0 =	por p2, p2  }
0x9b: {  	[tilespmem:s25], [sflag:$0x2] =	stream.indirect.gather [hbm4b:s4+s14], $0x40, s11, s14, $0xb8;
	[tilespmem:$0x14E60] =	vst v63  }
0x9c: {  	s11 =	sadd.s32 $0x9D30, s22  }
0x9d: {  	[tilespmem:s26], [sflag:$0x2] =	stream.indirect.gather [hbm4b:s4+s14], $0x40, s11, s14, $0xb8;
	[tilespmem:$0x14E60] =	vst v63  }
0x9e: {  	s11 =	sadd.s32 $0x9D58, s22  }
0x9f: {  	[tilespmem:s28], [sflag:$0x2] =	stream.indirect.gather [hbm4b:s4+s14], $0x40, s11, s14, $0xb8;
	[tilespmem:$0x14E60] =	vst v63  }
0xa0: {  	s11 =	sadd.s32 $0x9D80, s22  }
0xa1: {  	[tilespmem:s29], [sflag:$0x2] =	stream.indirect.gather [hbm4b:s4+s14], $0x40, s11, s14, $0xb8;
	[tilespmem:$0x14E60] =	vst v63  }
0xa2: {  	s11 =	sadd.s32 $0x9DA8, s22  }
0xa3: {  	[tilespmem:s30], [sflag:$0x2] =	stream.indirect.gather [hbm4b:s4+s14], $0x40, s11, s14, $0xb8;
	[tilespmem:$0x14E60] =	vst v63  }
0xa4: {  	_ =	swait.ge [sflag:s31], $0xA00  }
0xa5: {  	[sflag:s31] =	ssyncset.done $0x0  }
0xa6: {  	[sflag:s31] =	ssyncadd.s32 $0xFFFFF600  }
0xa7: {  	_ =	swait.ge [sflag:s31], $0xA00  }
0xa8: {  	[sflag:s31] =	ssyncset.done $0x0  }
0xa9: {  	[sflag:s31] =	ssyncadd.s32 $0xFFFFF600  }
0xaa: {  	_ =	swait.ge [sflag:s31], $0xA00  }
0xab: {  	[sflag:s31] =	ssyncset.done $0x0  }
0xac: {  	[sflag:s31] =	ssyncadd.s32 $0xFFFFF600  }
0xad: {  	_ =	swait.ge [sflag:s31], $0xA00  }
0xae: {  	[sflag:s31] =	ssyncset.done $0x0  }
0xaf: {  	[sflag:s31] =	ssyncadd.s32 $0xFFFFF600  }
0xb0: {  	_ =	swait.ge [sflag:s31], $0xA00  }
0xb1: {  	[sflag:s31] =	ssyncset.done $0x0  }
0xb2: {  	s11 =	sadd.s32 $0xC350, s22;
	[sflag:s31] =	ssyncadd.s32 $0xFFFFF600  }
0xb3: {  	[spmem:s1] =	stream.indirect.scatter.add.f32 [tilespmem:s15], [sflag:$0x3], $0x40, s11, s14, $0xb8;
	[tilespmem:$0x14E60] =	vst v63  }
0xb4: {  	s11 =	sadd.s32 $0xC378, s22  }
0xb5: {  	[spmem:s1] =	stream.indirect.scatter.add.f32 [tilespmem:s17], [sflag:$0x3], $0x40, s11, s14, $0xb8;
	[tilespmem:$0x14E60] =	vst v63  }
0xb6: {  	s11 =	sadd.s32 $0xC3A0, s22  }
0xb7: {  	[spmem:s1] =	stream.indirect.scatter.add.f32 [tilespmem:s19], [sflag:$0x3], $0x40, s11, s14, $0xb8;
	[tilespmem:$0x14E60] =	vst v63  }
0xb8: {  	s11 =	sadd.s32 $0xC3C8, s22  }
0xb9: {  	[spmem:s1] =	stream.indirect.scatter.add.f32 [tilespmem:s21], [sflag:$0x3], $0x40, s11, s14, $0xb8;
	[tilespmem:$0x14E60] =	vst v63  }
0xba: {  	s11 =	sadd.s32 $0xC3F0, s22  }
0xbb: {  	[spmem:s1] =	stream.indirect.scatter.add.f32 [tilespmem:s23], [sflag:$0x3], $0x40, s11, s14, $0xb8;
	[tilespmem:$0x14E60] =	vst v63  }
0xbc: {  	_ =	swait.ge [sflag:s0], $0xA00  }
0xbd: {  	[sflag:s0] =	ssyncset.done $0x0  }
0xbe: {  	[sflag:s0] =	ssyncadd.s32 $0xFFFFF600  }
0xbf: {  	_ =	swait.ge [sflag:s0], $0xA00  }
0xc0: {  	[sflag:s0] =	ssyncset.done $0x0  }
0xc1: {  	[sflag:s0] =	ssyncadd.s32 $0xFFFFF600  }
0xc2: {  	_ =	swait.ge [sflag:s0], $0xA00  }
0xc3: {  	[sflag:s0] =	ssyncset.done $0x0  }
0xc4: {  	[sflag:s0] =	ssyncadd.s32 $0xFFFFF600  }
0xc5: {  	_ =	swait.ge [sflag:s0], $0xA00  }
0xc6: {  	[sflag:s0] =	ssyncset.done $0x0  }
0xc7: {  	[sflag:s0] =	ssyncadd.s32 $0xFFFFF600  }
0xc8: {  	p2 =	seq.s32 s18, $0x9600;
	_ =	swait.ge [sflag:s0], $0xA00  }
0xc9: {  	s11 =	sshra.s32 @!p2 s18, $0x2;
	s18 =	simm.s32 @!p2 $0xEA60;
	[sflag:s0] =	ssyncset.done $0x0  }
0xca: {  	s7 =	simm.s32 @!p2 $0x28;
	s5 =	sadd.s32 @!p2 $0x9DD0, s11;
	[sflag:s0] =	ssyncadd.s32 $0xFFFFF600  }
0xcb: {  	[tilespmem:s18], [sflag:$0x1] =	stream.indirect.gather @!p2 [hbm4b:s4+s7], $0x40, s5, s7, $0xb8;
	[tilespmem:$0x14E60] =	vst v63  }
0xcc: {  	s8 =	sadd.s32 @!p2 $0x9E20, s11;
	s5 =	sadd.s32 @!p2 $0x9DF8, s11;
	s18 =	simm.s32 @!p2 $0xF460  }
0xcd: {  	[tilespmem:s18], [sflag:$0x1] =	stream.indirect.gather @!p2 [hbm4b:s4+s7], $0x40, s5, s7, $0xb8;
	[tilespmem:$0x14E60] =	vst v63  }
0xce: {  	s12 =	sadd.s32 @!p2 $0x9E48, s11;
	s11 =	sadd.s32 @!p2 $0x9E70, s11;
	s5 =	simm.s32 @!p2 $0xFE60  }
0xcf: {  	[tilespmem:s5], [sflag:$0x1] =	stream.indirect.gather @!p2 [hbm4b:s4+s7], $0x40, s8, s7, $0xb8;
	[tilespmem:$0x14E60] =	vst v63  }
0xd0: {  	s18 =	smov.u32 s3;
	s5 =	simm.s32 @!p2 $0x10860  }
0xd1: {  	[tilespmem:s5], [sflag:$0x1] =	stream.indirect.gather @!p2 [hbm4b:s4+s7], $0x40, s12, s7, $0xb8;
	[tilespmem:$0x14E60] =	vst v63  }
0xd2: {  	s3 =	simm.s32 @!p2 $0x11260  }
0xd3: {  	[tilespmem:s3], [sflag:$0x1] =	stream.indirect.gather @!p2 [hbm4b:s4+s7], $0x40, s11, s7, $0xb8;
	[tilespmem:$0x14E60] =	vst v63  }
0xd4: {  	_ =	swait.ge [sflag:s2], $0xA00  }
0xd5: {  	[sflag:s2] =	ssyncset.done $0x0  }
0xd6: {  	[sflag:s2] =	ssyncadd.s32 $0xFFFFF600  }
0xd7: {  	_ =	swait.ge [sflag:s2], $0xA00  }
0xd8: {  	[sflag:s2] =	ssyncset.done $0x0  }
0xd9: {  	[sflag:s2] =	ssyncadd.s32 $0xFFFFF600  }
0xda: {  	_ =	swait.ge [sflag:s2], $0xA00  }
0xdb: {  	[sflag:s2] =	ssyncset.done $0x0  }
0xdc: {  	[sflag:s2] =	ssyncadd.s32 $0xFFFFF600  }
0xdd: {  	_ =	swait.ge [sflag:s2], $0xA00  }
0xde: {  	[sflag:s2] =	ssyncset.done $0x0  }
0xdf: {  	[sflag:s2] =	ssyncadd.s32 $0xFFFFF600  }
0xe0: {  	_ =	swait.ge [sflag:s2], $0xA00  }
0xe1: {  	[sflag:s2] =	ssyncset.done $0x0  }
0xe2: {  	s3 =	sadd.s32 $0xC418, s22;
	[sflag:s2] =	ssyncadd.s32 $0xFFFFF600  }
0xe3: {  	[spmem:s1] =	stream.indirect.scatter.add.f32 [tilespmem:s25], [sflag:$0x4], $0x40, s3, s14, $0xb8;
	[tilespmem:$0x14E60] =	vst v63  }
0xe4: {  	s3 =	sadd.s32 $0xC440, s22  }
0xe5: {  	[spmem:s1] =	stream.indirect.scatter.add.f32 [tilespmem:s26], [sflag:$0x4], $0x40, s3, s14, $0xb8;
	[tilespmem:$0x14E60] =	vst v63  }
.Ltmp0:
0xe6: {  	s3 =	sadd.s32 $0xC468, s22;
	(pc) =	sbr.rel @p1 .LBB2_2-.Ltmp0, $4  }
0xe7: {  	[spmem:s1] =	stream.indirect.scatter.add.f32 [tilespmem:s28], [sflag:$0x4], $0x40, s3, s14, $0xb8;
	[tilespmem:$0x14E60] =	vst v63  }
0xe8: {  	s3 =	sadd.s32 $0xC490, s22  }
0xe9: {  	[spmem:s1] =	stream.indirect.scatter.add.f32 [tilespmem:s29], [sflag:$0x4], $0x40, s3, s14, $0xb8;
	[tilespmem:$0x14E60] =	vst v63  }
0xea: {  	s3 =	sadd.s32 $0xC4B8, s22  }
0xeb: {  	[spmem:s1] =	stream.indirect.scatter.add.f32 [tilespmem:s30], [sflag:$0x4], $0x40, s3, s14, $0xb8;
	[tilespmem:$0x14E60] =	vst v63  }
0xec: {  	s5 =	simm.s32 @!p0 $0x4  }
0xed: {  	_ =	swait.ge @!p0 [sflag:s5], $0xA00  }
0xee: {  	[sflag:s5] =	ssyncset.done @!p0 $0x0  }
0xef: {  	[sflag:s5] =	ssyncadd.s32 @!p0 $0xFFFFF600  }
0xf0: {  	_ =	swait.ge @!p0 [sflag:s5], $0xA00  }
0xf1: {  	[sflag:s5] =	ssyncset.done @!p0 $0x0  }
0xf2: {  	[sflag:s5] =	ssyncadd.s32 @!p0 $0xFFFFF600  }
0xf3: {  	_ =	swait.ge @!p0 [sflag:s5], $0xA00  }
0xf4: {  	[sflag:s5] =	ssyncset.done @!p0 $0x0  }
0xf5: {  	[sflag:s5] =	ssyncadd.s32 @!p0 $0xFFFFF600  }
0xf6: {  	_ =	swait.ge @!p0 [sflag:s5], $0xA00  }
0xf7: {  	[sflag:s5] =	ssyncset.done @!p0 $0x0  }
0xf8: {  	[sflag:s5] =	ssyncadd.s32 @!p0 $0xFFFFF600  }
0xf9: {  	_ =	swait.ge @!p0 [sflag:s5], $0xA00  }
0xfa: {  	s3 =	sshra.s32 s18, $0x2;
	[sflag:s5] =	ssyncset.done @!p0 $0x0  }
0xfb: {  	s20 =	sadd.s32 $0x9D08, s3;
	[sflag:s5] =	ssyncadd.s32 @!p0 $0xFFFFF600  }
0xfc: {  	[tilespmem:s25], [sflag:$0x2] =	stream.indirect.gather [hbm4b:s4+s14], $0x40, s20, s14, $0xb8;
	[tilespmem:$0x14E60] =	vst v63  }
0xfd: {  	s22 =	sadd.s32 $0x9D30, s3  }
0xfe: {  	[tilespmem:s26], [sflag:$0x2] =	stream.indirect.gather [hbm4b:s4+s14], $0x40, s22, s14, $0xb8;
	[tilespmem:$0x14E60] =	vst v63  }
0xff: {  	s7 =	sadd.s32 $0x9D58, s3  }
0x100: {  	[tilespmem:s28], [sflag:$0x2] =	stream.indirect.gather [hbm4b:s4+s14], $0x40, s7, s14, $0xb8;
	[tilespmem:$0x14E60] =	vst v63  }
0x101: {  	s8 =	sadd.s32 $0x9D80, s3  }
0x102: {  	[tilespmem:s29], [sflag:$0x2] =	stream.indirect.gather [hbm4b:s4+s14], $0x40, s8, s14, $0xb8;
	[tilespmem:$0x14E60] =	vst v63  }
0x103: {  	s11 =	sadd.s32 $0x9DA8, s3  }
0x104: {  	[tilespmem:s30], [sflag:$0x2] =	stream.indirect.gather [hbm4b:s4+s14], $0x40, s11, s14, $0xb8;
	[tilespmem:$0x14E60] =	vst v63  }
0x105: {  	_ =	swait.ge [sflag:s31], $0xA00  }
0x106: {  	[sflag:s31] =	ssyncset.done $0x0  }
0x107: {  	[sflag:s31] =	ssyncadd.s32 $0xFFFFF600  }
0x108: {  	_ =	swait.ge [sflag:s31], $0xA00  }
0x109: {  	[sflag:s31] =	ssyncset.done $0x0  }
0x10a: {  	[sflag:s31] =	ssyncadd.s32 $0xFFFFF600  }
0x10b: {  	_ =	swait.ge [sflag:s31], $0xA00  }
0x10c: {  	[sflag:s31] =	ssyncset.done $0x0  }
0x10d: {  	[sflag:s31] =	ssyncadd.s32 $0xFFFFF600  }
0x10e: {  	_ =	swait.ge [sflag:s31], $0xA00  }
0x10f: {  	[sflag:s31] =	ssyncset.done $0x0  }
0x110: {  	[sflag:s31] =	ssyncadd.s32 $0xFFFFF600  }
0x111: {  	_ =	swait.ge [sflag:s31], $0xA00  }
0x112: {  	[sflag:s31] =	ssyncset.done $0x0  }
0x113: {  	s12 =	sadd.s32 $0xC350, s3;
	[sflag:s31] =	ssyncadd.s32 $0xFFFFF600  }
0x114: {  	[spmem:s1] =	stream.indirect.scatter.add.f32 [tilespmem:s15], [sflag:$0x3], $0x40, s12, s14, $0xb8;
	[tilespmem:$0x14E60] =	vst v63  }
0x115: {  	s20 =	sadd.s32 $0xC378, s3  }
0x116: {  	[spmem:s1] =	stream.indirect.scatter.add.f32 [tilespmem:s17], [sflag:$0x3], $0x40, s20, s14, $0xb8;
	[tilespmem:$0x14E60] =	vst v63  }
0x117: {  	s22 =	sadd.s32 $0xC3A0, s3  }
0x118: {  	[spmem:s1] =	stream.indirect.scatter.add.f32 [tilespmem:s19], [sflag:$0x3], $0x40, s22, s14, $0xb8;
	[tilespmem:$0x14E60] =	vst v63  }
0x119: {  	s7 =	sadd.s32 $0xC3C8, s3  }
0x11a: {  	[spmem:s1] =	stream.indirect.scatter.add.f32 [tilespmem:s21], [sflag:$0x3], $0x40, s7, s14, $0xb8;
	[tilespmem:$0x14E60] =	vst v63  }
0x11b: {  	s8 =	sadd.s32 $0xC3F0, s3  }
0x11c: {  	[spmem:s1] =	stream.indirect.scatter.add.f32 [tilespmem:s23], [sflag:$0x3], $0x40, s8, s14, $0xb8;
	[tilespmem:$0x14E60] =	vst v63  }
0x11d: {  	_ =	swait.ge [sflag:s0], $0xA00  }
0x11e: {  	[sflag:s0] =	ssyncset.done $0x0  }
0x11f: {  	[sflag:s0] =	ssyncadd.s32 $0xFFFFF600  }
0x120: {  	_ =	swait.ge [sflag:s0], $0xA00  }
0x121: {  	[sflag:s0] =	ssyncset.done $0x0  }
0x122: {  	[sflag:s0] =	ssyncadd.s32 $0xFFFFF600  }
0x123: {  	_ =	swait.ge [sflag:s0], $0xA00  }
0x124: {  	[sflag:s0] =	ssyncset.done $0x0  }
0x125: {  	[sflag:s0] =	ssyncadd.s32 $0xFFFFF600  }
0x126: {  	_ =	swait.ge [sflag:s0], $0xA00  }
0x127: {  	[sflag:s0] =	ssyncset.done $0x0  }
0x128: {  	[sflag:s0] =	ssyncadd.s32 $0xFFFFF600  }
0x129: {  	p0 =	seq.s32 s18, $0x9600;
	_ =	swait.ge [sflag:s0], $0xA00  }
0x12a: {  	s5 =	sshra.s32 @!p0 s18, $0x2;
	s11 =	simm.s32 @!p0 $0x28;
	[sflag:s0] =	ssyncset.done $0x0  }
0x12b: {  	s7 =	simm.s32 @!p0 $0xEA60;
	s8 =	sadd.s32 @!p0 $0x9DD0, s5;
	[sflag:s0] =	ssyncadd.s32 $0xFFFFF600  }
0x12c: {  	[tilespmem:s7], [sflag:$0x1] =	stream.indirect.gather @!p0 [hbm4b:s4+s11], $0x40, s8, s11, $0xb8;
	[tilespmem:$0x14E60] =	vst v63  }
0x12d: {  	s7 =	sadd.s32 @!p0 $0x9DF8, s5;
	s8 =	simm.s32 @!p0 $0xF460  }
0x12e: {  	[tilespmem:s8], [sflag:$0x1] =	stream.indirect.gather @!p0 [hbm4b:s4+s11], $0x40, s7, s11, $0xb8;
	[tilespmem:$0x14E60] =	vst v63  }
0x12f: {  	s7 =	sadd.s32 @!p0 $0x9E20, s5;
	s8 =	simm.s32 @!p0 $0xFE60  }
0x130: {  	[tilespmem:s8], [sflag:$0x1] =	stream.indirect.gather @!p0 [hbm4b:s4+s11], $0x40, s7, s11, $0xb8;
	[tilespmem:$0x14E60] =	vst v63  }
0x131: {  	s7 =	sadd.s32 @!p0 $0x9E48, s5;
	s8 =	simm.s32 @!p0 $0x10860  }
0x132: {  	[tilespmem:s8], [sflag:$0x1] =	stream.indirect.gather @!p0 [hbm4b:s4+s11], $0x40, s7, s11, $0xb8;
	[tilespmem:$0x14E60] =	vst v63  }
0x133: {  	s5 =	sadd.s32 @!p0 $0x9E70, s5;
	s7 =	simm.s32 @!p0 $0x11260  }
0x134: {  	[tilespmem:s7], [sflag:$0x1] =	stream.indirect.gather @!p0 [hbm4b:s4+s11], $0x40, s5, s11, $0xb8;
	[tilespmem:$0x14E60] =	vst v63  }
0x135: {  	_ =	swait.ge [sflag:s2], $0xA00  }
0x136: {  	[sflag:s2] =	ssyncset.done $0x0  }
0x137: {  	[sflag:s2] =	ssyncadd.s32 $0xFFFFF600  }
0x138: {  	_ =	swait.ge [sflag:s2], $0xA00  }
0x139: {  	[sflag:s2] =	ssyncset.done $0x0  }
0x13a: {  	[sflag:s2] =	ssyncadd.s32 $0xFFFFF600  }
0x13b: {  	_ =	swait.ge [sflag:s2], $0xA00  }
0x13c: {  	[sflag:s2] =	ssyncset.done $0x0  }
0x13d: {  	[sflag:s2] =	ssyncadd.s32 $0xFFFFF600  }
0x13e: {  	_ =	swait.ge [sflag:s2], $0xA00  }
0x13f: {  	[sflag:s2] =	ssyncset.done $0x0  }
0x140: {  	[sflag:s2] =	ssyncadd.s32 $0xFFFFF600  }
0x141: {  	_ =	swait.ge [sflag:s2], $0xA00  }
0x142: {  	[sflag:s2] =	ssyncset.done $0x0  }
0x143: {  	s11 =	sadd.s32 $0xC418, s3;
	[sflag:s2] =	ssyncadd.s32 $0xFFFFF600  }
0x144: {  	[spmem:s1] =	stream.indirect.scatter.add.f32 [tilespmem:s25], [sflag:$0x4], $0x40, s11, s14, $0xb8;
	[tilespmem:$0x14E60] =	vst v63  }
0x145: {  	s12 =	sadd.s32 $0xC440, s3  }
0x146: {  	[spmem:s1] =	stream.indirect.scatter.add.f32 [tilespmem:s26], [sflag:$0x4], $0x40, s12, s14, $0xb8;
	[tilespmem:$0x14E60] =	vst v63  }
0x147: {  	s18 =	sadd.s32 $0xC468, s3  }
0x148: {  	[spmem:s1] =	stream.indirect.scatter.add.f32 [tilespmem:s28], [sflag:$0x4], $0x40, s18, s14, $0xb8;
	[tilespmem:$0x14E60] =	vst v63  }
0x149: {  	s20 =	sadd.s32 $0xC490, s3  }
0x14a: {  	[spmem:s1] =	stream.indirect.scatter.add.f32 [tilespmem:s29], [sflag:$0x4], $0x40, s20, s14, $0xb8;
	[tilespmem:$0x14E60] =	vst v63  }
0x14b: {  	s3 =	sadd.s32 $0xC4B8, s3  }
0x14c: {  	[spmem:s1] =	stream.indirect.scatter.add.f32 [tilespmem:s30], [sflag:$0x4], $0x40, s3, s14, $0xb8;
	[tilespmem:$0x14E60] =	vst v63  }
0x14d: {  	_ =	swait.ge [sflag:s13], $0xA00  }
0x14e: {  	[sflag:s13] =	ssyncset.done $0x0  }
0x14f: {  	[sflag:s13] =	ssyncadd.s32 $0xFFFFF600  }
0x150: {  	_ =	swait.ge [sflag:s13], $0xA00  }
0x151: {  	[sflag:s13] =	ssyncset.done $0x0  }
0x152: {  	[sflag:s13] =	ssyncadd.s32 $0xFFFFF600  }
0x153: {  	_ =	swait.ge [sflag:s13], $0xA00  }
0x154: {  	[sflag:s13] =	ssyncset.done $0x0  }
0x155: {  	[sflag:s13] =	ssyncadd.s32 $0xFFFFF600  }
0x156: {  	_ =	swait.ge [sflag:s13], $0xA00  }
0x157: {  	[sflag:s13] =	ssyncset.done $0x0  }
0x158: {  	[sflag:s13] =	ssyncadd.s32 $0xFFFFF600  }
0x159: {  	_ =	swait.ge [sflag:s13], $0xA00  }
0x15a: {  	[sflag:s13] =	ssyncset.done $0x0  }
0x15b: {  	[sflag:s13] =	ssyncadd.s32 $0xFFFFF600  }
0x15c: {  	[bflag:$0x0] =	sbarrier.arrive $0xFFFF  }
0x15d: {  	[hbm:s24], [sflag:s6] =	dma.local [spmem:s9], $0x1388  }
0x15e: {  	_ =	swait.ge [sflag:s10], $0x1388  }
0x15f: {  	s16 =	sadd.s32 $0x1, s16;
	s22 =	rddreg [dreg:$0x5]  }
0x160: {  	p0 =	sne.s32 s16, s22  }
.Ltmp1:
0x161: {  	_ = 	snop;
	(pc) =	sbr.rel @p0 .LBB2_1-.Ltmp1, $3  }
0x162: {  	_ =	sdelay $0x1  }
0x163: {  	[sflag:s10] =	ssyncset.done $0x0  }
0x164: {  	[sflag:s10] =	ssyncadd.s32 $0xFFFFEC78  }
0x165: {  	_ =	sfence.sel $0x180000  }
0x166: {  	[bflag:$0x0] =	sbarrier.arrive $0xFFFF  }
0x167: {  	_ =	strace $0x9000004D  }
0x168: {  	s0 =	stileid.u32;
	[bflag:$0x2] =	sbarrier.arrive $0xFFFF  }
0x169: {  	p0 =	sne.s32 s0, $0x0;
	s0 =	rddreg [dreg:$0x2]  }
0x16a: {  	s0 =	sadd.s32 @!p0 $0x100000, s0  }
0x16b: {  	[sflag:s0] =	ssyncadd.tile.s32 @!p0 $0x1;
	_ =	shalt  }
.Lfunc_end2:
_tile_overlayer_lowered:
.L_overlay_start_2:
0x16c: {  	(tag) =	ssettag $0x2  }
0x16d: {  	s0 =	rddreg [dreg:$0x0];
	s2 =	stileid.u32  }
0x16e: {  	s1 =	rddreg [dreg:$0x1];
	p0 =	sne.s32 s2, $0x0  }
0x16f: {  	s3 =	rddreg [dreg:$0x2];
	[bflag:$0x3] =	sbarrier.arrive $0xFFFF;
	s2 =	simm.s32 @!p0 $0x1C05  }
0x170: {  	[timem:s3], [sflag:s2] =	dma.local @!p0 [hbm:s0], s1  }
0x171: {  	s0 =	simm.s32 @!p0 $0x5  }
0x172: {  	_ =	swait.ge @!p0 [sflag:s0], s1  }
0x173: {  	s1 =	ssub.s32 @!p0 $0x0, s1;
	[sflag:s0] =	ssyncset.done @!p0 $0x0  }
0x174: {  	[sflag:s0] =	ssyncadd.s32 @!p0 s1  }
0x175: {  	[bflag:$0x3] =	sbarrier.arrive $0xFFFF  }
0x176: {  	_ =	shalt  }

// kernel: kernel.9.cloned.1.call-start
scs
__scs_entry_jumppad:
0x0: {  	(pc) =	sbr.rel $0x88, $3  }
0x1: {  	(tag) =	ssettag $0x0;
	lr =	simm.s32 $0x1  }
0x2: {  	[smem:$0x3F94] =	sst lr;
	_ =	strace $0xD0000000  }
0x3: {  	_ = 	snop  }
0x4: {  	_ = 	snop  }
0x5: {  	_ = 	snop  }
0x6: {  	_ = 	snop  }
0x7: {  	_ = 	snop  }
__scs_overlays_trampoline_lowered:
0x8: {  	[smem:$0x3FA3] =	sst s0  }
0x9: {  	[smem:$0x3FA4] =	sst s1  }
0xa: {  	[smem:$0x3FA5] =	sst s2  }
0xb: {  	[smem:$0x3FA6] =	sst s3  }
0xc: {  	[smem:$0x3FA7] =	sst s4  }
0xd: {  	[smem:$0x3FA8] =	sst s5  }
0xe: {  	[smem:$0x3FA9] =	sst s6  }
0xf: {  	[smem:$0x3FAA] =	sst s7  }
0x10: {  	[smem:$0x3FAB] =	sst s8  }
0x11: {  	[smem:$0x3FAC] =	sst s9;
	s0 =	simm.s32 @!p0 $0x0  }
0x12: {  	s1 =	sld [smem:$0x3F92];
	s0 =	simm.s32 @p0 $0x1  }
0x13: {  	[smem:$0x3FAD] =	sst s0;
	s0 =	simm.s32 @!p1 $0x0  }
0x14: {  	s2 =	sld [smem:$0x3F91];
	s0 =	simm.s32 @p1 $0x1  }
0x15: {  	[smem:$0x3FAE] =	sst s0;
	s0 =	simm.s32 @!p2 $0x0  }
0x16: {  	s3 =	sld [smem:$0x3FDB];
	s0 =	simm.s32 @p2 $0x1  }
0x17: {  	s4 =	simm.s32 $0x1BF5;
	[smem:$0x3FB0] =	sst s0  }
0x18: {  	s0 =	sld [smem:$0x3F93];
	_ =	swait.ge [sflag:s4], $0x0  }
0x19: {  	s7 =	sld [smem:$0x3F94]  }
0x1a: {  	s8 =	sadd.s32 $0xFFFFE003, lr  }
0x1b: {  	s9 =	sadd.s32 $0xFFFFFEF7, lr;
	s5 =	simm.s32 $0xFFFFFFFF;
	p2 =	slt.u32 s8, $0xFFFFF086  }
0x1c: {  	p1 =	slt.u32 s9, $0xF7A;
	s5 =	simm.s32 @!p2 $0x0  }
0x1d: {  	s5 =	simm.s32 @p1 $0x1;
	p0 =	seq.s32 s7, s2  }
0x1e: {  	s7 =	smul.u32 @!p0 $0xF7A, s2;
	p2 =	seq.s32 @!p0 s5, $0x0  }
0x1f: {  	s9 =	smul.u32 $0xF7A, s1;
	s8 =	simm.s32 @!p0 $0x1BF5;
	p2 =	por !p2, p0  }
0x20: {  	[sflag:s8] =	ssyncset.s32 @!p0 $0xFFFFF086;
	s6 =	sadd.s32 @!p0 s3, s7;
	s7 =	simm.s32 @!p0 $0x108  }
0x21: {  	s3 =	sadd.s32 s3, s9;
	s6 =	sadd.s32 @!p0 $0x88, s6;
	s7 =	simm.s32 @p2 $0x1082  }
0x22: {  	[simem:s7], [sflag:s8] =	dma.local @!p0 [hbm:s6], $0xF7A  }
0x23: {  	s9 =	sor.u32 $0xD0000000, s2;
	s6 =	simm.s32 $0x108;
	_ =	swait.ge @!p0 [sflag:s8], $0x0  }
0x24: {  	s3 =	sadd.s32 $0x88, s3;
	s6 =	simm.s32 @!p1 $0x1082;
	[sflag:s4] =	ssyncset.s32 $0xFFFFF086  }
0x25: {  	[simem:s6], [sflag:s4] =	dma.local [hbm:s3], $0xF7A  }
0x26: {  	[smem:$0x3F94] =	sst s1;
	(tag) =	ssettag s2;
	_ =	strace s9  }
0x27: {  	s1 =	sld [smem:$0x3FA4]  }
0x28: {  	s2 =	sld [smem:$0x3FA5]  }
0x29: {  	s4 =	sld [smem:$0x3FA7]  }
0x2a: {  	p0 =	seq.s32 s5, $0x0;
	s5 =	sld [smem:$0x3FA8]  }
0x2b: {  	s6 =	sld [smem:$0x3FA9]  }
0x2c: {  	s7 =	sld [smem:$0x3FAA]  }
0x2d: {  	s3 =	simm.s32 $0x108;
	s8 =	sld [smem:$0x3FAB]  }
0x2e: {  	s3 =	simm.s32 @!p0 $0x1082;
	s9 =	sld [smem:$0x3FAC]  }
0x2f: {  	lr =	sadd.s32 s0, s3;
	s0 =	sld [smem:$0x3FA3]  }
0x30: {  	s3 =	sld [smem:$0x3FA6]  }
0x31: {  	[smem:$0x3FAF] =	sst s10  }
0x32: {  	s10 =	sld [smem:$0x3FAD];
	_ =	sdelay $0x3  }
0x33: {  	p0 =	seq.s32 s10, $0x1;
	s10 =	sld [smem:$0x3FAF];
	_ =	sdelay $0x3  }
0x34: {  	[smem:$0x3FAF] =	sst s10  }
0x35: {  	s10 =	sld [smem:$0x3FAE];
	_ =	sdelay $0x3  }
0x36: {  	p1 =	seq.s32 s10, $0x1;
	s10 =	sld [smem:$0x3FAF];
	_ =	sdelay $0x3  }
0x37: {  	[smem:$0x3FAF] =	sst s10  }
0x38: {  	s10 =	sld [smem:$0x3FB0]  }
0x39: {  	_ = 	snop;
	(pc) =	sbr.ind lr, $3  }
0x3a: {  	_ = 	snop  }
0x3b: {  	_ = 	snop  }
0x3c: {  	p2 =	seq.s32 s10, $0x1;
	s10 =	sld [smem:$0x3FAF]  }
0x3d: {  	_ =	shalt  }
0x3e: {  	_ =	shalt  }
0x3f: {  	_ =	shalt  }
0x40: {  	_ =	shalt  }
0x41: {  	_ =	shalt  }
0x42: {  	_ =	shalt  }
0x43: {  	_ =	shalt  }
0x44: {  	_ =	shalt  }
0x45: {  	_ =	shalt  }
0x46: {  	_ =	shalt  }
0x47: {  	_ =	shalt  }
0x48: {  	_ =	shalt  }
0x49: {  	_ =	shalt  }
0x4a: {  	_ =	shalt  }
0x4b: {  	_ =	shalt  }
0x4c: {  	_ =	shalt  }
0x4d: {  	_ =	shalt  }
0x4e: {  	_ =	shalt  }
0x4f: {  	_ =	shalt  }
0x50: {  	_ =	shalt  }
0x51: {  	_ =	shalt  }
0x52: {  	_ =	shalt  }
0x53: {  	_ =	shalt  }
0x54: {  	_ =	shalt  }
0x55: {  	_ =	shalt  }
0x56: {  	_ =	shalt  }
0x57: {  	_ =	shalt  }
0x58: {  	_ =	shalt  }
0x59: {  	_ =	shalt  }
0x5a: {  	_ =	shalt  }
0x5b: {  	_ =	shalt  }
0x5c: {  	_ =	shalt  }
0x5d: {  	_ =	shalt  }
0x5e: {  	_ =	shalt  }
0x5f: {  	_ =	shalt  }
0x60: {  	_ =	shalt  }
0x61: {  	_ =	shalt  }
0x62: {  	_ =	shalt  }
0x63: {  	_ =	shalt  }
0x64: {  	_ =	shalt  }
0x65: {  	_ =	shalt  }
0x66: {  	_ =	shalt  }
0x67: {  	_ =	shalt  }
0x68: {  	_ =	shalt  }
0x69: {  	_ =	shalt  }
0x6a: {  	_ =	shalt  }
0x6b: {  	_ =	shalt  }
0x6c: {  	_ =	shalt  }
0x6d: {  	_ =	shalt  }
0x6e: {  	_ =	shalt  }
0x6f: {  	_ =	shalt  }
0x70: {  	_ =	shalt  }
0x71: {  	_ =	shalt  }
0x72: {  	_ =	shalt  }
0x73: {  	_ =	shalt  }
0x74: {  	_ =	shalt  }
0x75: {  	_ =	shalt  }
0x76: {  	_ =	shalt  }
0x77: {  	_ =	shalt  }
0x78: {  	_ =	shalt  }
0x79: {  	_ =	shalt  }
0x7a: {  	_ =	shalt  }
0x7b: {  	_ =	shalt  }
0x7c: {  	_ =	shalt  }
0x7d: {  	_ =	shalt  }
0x7e: {  	_ =	shalt  }
0x7f: {  	_ =	shalt  }
0x80: {  	_ =	shalt  }
0x81: {  	_ =	shalt  }
0x82: {  	_ =	shalt  }
0x83: {  	_ =	shalt  }
0x84: {  	_ =	shalt  }
0x85: {  	_ =	shalt  }
0x86: {  	_ =	shalt  }
0x87: {  	_ =	shalt  }
.Lfunc_end0:
.L_simem_size_0:
called_computation_lowered:
.L_overlay_start_0:
0x88: {  	s2 =	sld [smem:$0x3FD9]  }
0x89: {  	s3 =	sld [smem:$0x3FFE];
	_ =	sdelay $0x1  }
0x8a: {  	s1 =	srdreg.scid  }
0x8b: {  	s0 =	sand.u32 $0x1, s1  }
0x8c: {  	s16 =	sshll.u32 s0, $0xA;
	s2 =	sadd.s32 s3, s2  }
0x8d: {  	s2 =	sadd.s32 s2, s16  }
0x8e: {  	[smem:$0x3FBB] =	sst s2  }
0x8f: {  	_ = 	snop  }
0x90: {  	(tm) =	ssettm $0x1  }
0x91: {  	s17 =	sld [smem:$0x3FFB];
	_ =	sdelay $0x3  }
0x92: {  	_ =	strace s17  }
0x93: {  	s2 =	sld [smem:$0x3FFC];
	_ =	sdelay $0x3  }
0x94: {  	_ =	strace s2  }
0x95: {  	s2 =	sld [smem:$0x3FFD];
	_ =	sdelay $0x3  }
0x96: {  	_ =	strace s2  }
0x97: {  	_ =	strace $0x8FFFFFFF  }
0x98: {  	s18 =	sld [smem:$0x3FDB];
	_ =	sdelay $0x1  }
0x99: {  	s19 =	simm.s32 $_scs_section_size  }
0x9a: {  	s4 =	simm.s32 $_size__tile_overlayer_lowered;
	s5 =	simm.s32 $_tile_overlayer_lowered  }
0x9b: {  	s22 =	simm.s32 $0x1BFF;
	s21 =	sshll.u32 s5, $0x1;
	s2 =	sadd.s32 s19, s18  }
0x9c: {  	s6 =	simm.s32 $0x0;
	s20 =	sshll.u32 s4, $0x1;
	s4 =	sadd.s32 s21, s2  }
0x9d: {  	[timem:s6], [sflag:s22] =	dma.local [hbm:s4], s20  }
0x9e: {  	_ =	swait.ge [sflag:s22], s20  }
0x9f: {  	s3 =	ssub.s32 $0x0, s20;
	[sflag:s22] =	ssyncset.done $0x0  }
0xa0: {  	[sflag:s22] =	ssyncadd.s32 s3;
	_ =	sdelay $0x1  }
0xa1: {  	s23 =	simm.s32 $0x1B8B  }
0xa2: {  	_ =	swait.ge [sflag:s23], $0x1  }
0xa3: {  	[sflag:s23] =	ssyncset.done $0x0  }
0xa4: {  	s25 =	simm.s32 $0x1B8E;
	s24 =	sld [smem:$0x3FFE];
	[sflag:s23] =	ssyncadd.s32 $0xFFFFFFFF  }
0xa5: {  	s26 =	simm.s32 $execute0_lowered;
	[smem:$0x3FD2] =	sst s25  }
0xa6: {  	s4 =	sshll.u32 s26, $0x1;
	_ =	strace $0x80000046;
	[dreg:$0x1] =	wrdreg $0xFFFFFFFF  }
0xa7: {  	s28 =	simm.s32 $_size_execute0_lowered;
	s2 =	sadd.s32 s2, s4;
	[dreg:$0x0] =	wrdreg $0x0  }
0xa8: {  	s4 =	sshll.u32 s28, $0x1;
	[dreg:$0x2] =	wrdreg s2  }
0xa9: {  	[dreg:$0x3] =	wrdreg s4  }
0xaa: {  	[dreg:$0x4] =	wrdreg $0xC0  }
0xab: {  	_ =	task [dreg:s6], $0x5FFFF  }
0xac: {  	[dreg:$0x1] =	wrdreg $0xFFFFFFFF  }
0xad: {  	[dreg:$0x0] =	wrdreg $0x60  }
0xae: {  	[dreg:$0x2] =	wrdreg s24  }
0xaf: {  	[dreg:$0x3] =	wrdreg $0x0  }
0xb0: {  	[dreg:$0x4] =	wrdreg $0x9  }
0xb1: {  	_ =	task.clear_ibuf [dreg:s6], $0x5FFFF;
	_ =	strace $0x90000046  }
0xb2: {  	s29 =	simm.s32 $0x9;
	_ =	strace $0x80000048  }
0xb3: {  	_ =	swait.ge [sflag:s29], $0x1  }
0xb4: {  	[sflag:s29] =	ssyncadd.s32 $0xFFFFFFFF  }
0xb5: {  	_ =	strace $0x90000048  }
0xb6: {  	_ =	sfence  }
0xb7: {  	s30 =	sld [smem:$0x0];
	_ =	sdelay $0x2  }
0xb8: {  	s31 =	sshll.u32 s1, $0xD;
	s1 =	sshrl.u32 s1, $0x2  }
0xb9: {  	s3 =	sand.u32 $0x4000, s31;
	s1 =	sadd.s32 s1, s30  }
0xba: {  	s0 =	sor.u32 s3, s0;
	s1 =	sshll.u32 s1, $0x11  }
0xbb: {  	s0 =	sor.u32 s1, s0  }
0xbc: {  	s0 =	sadd.s32 $0x8F2B, s0  }
0xbd: {  	[sflag:s0] =	ssyncadd.remote.s32 $0x1  }
0xbe: {  	_ =	sfence.sel $0xFFFF  }
0xbf: {  	[dreg:$0x0] =	wrdreg $0xFFFFFFFF;
	(pc) =	sbr.abs _section_cstart, $3  }
0xc0: {  	[dreg:$0x1] =	wrdreg $0xFFFFFFFF  }
0xc1: {  	_ =	task.clear_ibuf [dreg:s6], $0x2FFFF;
	_ =	strace $0x9FFFFFFF  }
0xc2: {  	(tm) =	ssettm $0x7FFFFFFF  }
0xc3: {  	_ =	shalt  }
tec
execute0_lowered:
.L_overlay_start_1:
0x0: {  	(tag) =	ssettag $0x1  }
0x1: {  	s0 =	rddreg [dreg:$0x0]  }
0x2: {  	s1 =	rddreg [dreg:$0x1]  }
0x3: {  	s2 =	srdreg.scid;
	s4 =	simm.s32 $0x0;
	s11 =	stileid.u32  }
0x4: {  	s14 =	simm.s32 $0x28;
	s15 =	simm.s32 $0xEA60;
	s17 =	simm.s32 $0xF460  }
0x5: {  	s19 =	simm.s32 $0xFE60;
	s21 =	simm.s32 $0x10860;
	s28 =	simm.s32 $0x13060  }
0x6: {  	s29 =	simm.s32 $0x13A60;
	s30 =	simm.s32 $0x14460;
	s31 =	simm.s32 $0x1  }
0x7: {  	s2 =	sand.u32 $0x1, s2;
	[smem:$0x7FF] =	sst s4;
	s5 =	smul.u32 $0x9C40, s11  }
0x8: {  	s4 =	sadd.s32 $0x15C00, s0;
	s23 =	sshll.u32 s11, $0x6;
	s3 =	sshll.u32 s2, $0x4  }
0x9: {  	_ =	strace $0x80000047;
	s6 =	smul.u32 $0x13880, s2;
	s2 =	ssub.s32 $0x2, s2  }
0xa: {  	s3 =	sor.u32 s11, s3;
	s13 =	sshrl.u32 s5, $0x3;
	s9 =	sshrl.u32 s2, $0x1  }
0xb: {  	s24 =	sadd.s32 s5, s1;
	s3 =	smul.u32 $0x4E2, s3;
	s8 =	sadd.s32 s13, s0  }
0xc: {  	s10 =	sadd.s32 s6, s0;
	s2 =	ssub.s32 s2, s9;
	s6 =	sor.u32 $0x1C05, s23  }
0xd: {  	s9 =	sshrl.u32 s24, $0x3;
	s23 =	simm.s32 $0x11260;
	s25 =	sadd.s32 $0x29600, s8  }
0xe: {  	s16 =	sadd.s32 $0x3D000, s10;
	s2 =	smax.u32 s2, $0x1;
	s10 =	simm.s32 $0x5  }
0xf: {  	s7 =	sadd.s32 s3, s0;
	[dreg:$0x3] =	wrdreg s25;
	s0 =	sadd.s32 $0xBE40, s0  }
0x10: {  	[dreg:$0x5] =	wrdreg s2;
	s24 =	sadd.s32 s13, s16;
	s25 =	simm.s32 $0x11C60  }
0x11: {  	s2 =	simm.s32 $0x2;
	s13 =	simm.s32 $0x4;
	s26 =	sadd.s32 $0x2200, s7  }
0x12: {  	s16 =	simm.s32 $0x0;
	s0 =	sadd.s32 s3, s0;
	[dreg:$0x4] =	wrdreg s26  }
0x13: {  	[dreg:$0x6] =	wrdreg s0;
	s26 =	simm.s32 $0x12660;
	s0 =	simm.s32 $0x3  }
.LBB2_1:
0x14: {  	s3 =	rddreg [dreg:$0x3]  }
0x15: {  	[spmem:s9], [sflag:s6] =	dma.local [hbm:s3], $0x1388  }
0x16: {  	_ =	swait.ge [sflag:s10], $0x1388  }
0x17: {  	s12 =	simm.s32 $0x0;
	[sflag:s10] =	ssyncset.done $0x0  }
0x18: {  	s7 =	simm.s32 $0x9C40;
	s5 =	rddreg [dreg:$0x4];
	[sflag:s10] =	ssyncadd.s32 $0xFFFFEC78  }
0x19: {  	[tilespmem:s7], [sflag:$0x5] =	stream.linear.gather [hbm4b:s5+s12], $0x2710, $0x38;
	[tilespmem:$0x14E60] =	vst v63  }
0x1a: {  	_ =	swait.ge [sflag:s10], $0x2710  }
0x1b: {  	[sflag:s10] =	ssyncset.done $0x0  }
0x1c: {  	s8 =	simm.s32 $0xC350;
	s18 =	rddreg [dreg:$0x6];
	[sflag:s10] =	ssyncadd.s32 $0xFFFFD8F0  }
0x1d: {  	[tilespmem:s8], [sflag:$0x5] =	stream.linear.gather [hbm4b:s18+s12], $0x2710, $0x38;
	[tilespmem:$0x14E60] =	vst v63  }
0x1e: {  	_ =	swait.ge [sflag:s10], $0x2710  }
0x1f: {  	[sflag:s10] =	ssyncset.done $0x0  }
0x20: {  	[sflag:s10] =	ssyncadd.s32 $0xFFFFD8F0  }
0x21: {  	[bflag:$0x0] =	sbarrier.arrive $0xFFFF  }
0x22: {  	[tilespmem:s15], [sflag:$0x1] =	stream.indirect.gather [hbm4b:s4+s14], $0x40, s7, s14, $0xb8;
	[tilespmem:$0x14E60] =	vst v63  }
0x23: {  	s20 =	simm.s32 $0x9C68  }
0x24: {  	[tilespmem:s17], [sflag:$0x1] =	stream.indirect.gather [hbm4b:s4+s14], $0x40, s20, s14, $0xb8;
	[tilespmem:$0x14E60] =	vst v63  }
0x25: {  	s22 =	simm.s32 $0x9C90;
	p0 =	por $0x1, $0x1  }
0x26: {  	[tilespmem:s19], [sflag:$0x1] =	stream.indirect.gather [hbm4b:s4+s14], $0x40, s22, s14, $0xb8;
	[tilespmem:$0x14E60] =	vst v63  }
0x27: {  	p0 =	por p0, p0;
	s5 =	simm.s32 $0x9CB8  }
0x28: {  	[tilespmem:s21], [sflag:$0x1] =	stream.indirect.gather [hbm4b:s4+s14], $0x40, s5, s14, $0xb8;
	[tilespmem:$0x14E60] =	vst v63  }
0x29: {  	s3 =	simm.s32 @!p0 $0x4;
	s7 =	simm.s32 $0x9CE0  }
0x2a: {  	[tilespmem:s23], [sflag:$0x1] =	stream.indirect.gather [hbm4b:s4+s14], $0x40, s7, s14, $0xb8;
	[tilespmem:$0x14E60] =	vst v63  }
0x2b: {  	_ =	swait.ge @!p0 [sflag:s3], $0xA00  }
0x2c: {  	[sflag:s3] =	ssyncset.done @!p0 $0x0  }
0x2d: {  	[sflag:s3] =	ssyncadd.s32 @!p0 $0xFFFFF600  }
0x2e: {  	_ =	swait.ge @!p0 [sflag:s3], $0xA00  }
0x2f: {  	[sflag:s3] =	ssyncset.done @!p0 $0x0  }
0x30: {  	[sflag:s3] =	ssyncadd.s32 @!p0 $0xFFFFF600  }
0x31: {  	_ =	swait.ge @!p0 [sflag:s3], $0xA00  }
0x32: {  	[sflag:s3] =	ssyncset.done @!p0 $0x0  }
0x33: {  	[sflag:s3] =	ssyncadd.s32 @!p0 $0xFFFFF600  }
0x34: {  	_ =	swait.ge @!p0 [sflag:s3], $0xA00  }
0x35: {  	[sflag:s3] =	ssyncset.done @!p0 $0x0  }
0x36: {  	[sflag:s3] =	ssyncadd.s32 @!p0 $0xFFFFF600  }
0x37: {  	_ =	swait.ge @!p0 [sflag:s3], $0xA00  }
0x38: {  	[sflag:s3] =	ssyncset.done @!p0 $0x0  }
0x39: {  	s8 =	simm.s32 $0x9D08;
	[sflag:s3] =	ssyncadd.s32 @!p0 $0xFFFFF600  }
0x3a: {  	[tilespmem:s25], [sflag:$0x2] =	stream.indirect.gather [hbm4b:s4+s14], $0x40, s8, s14, $0xb8;
	[tilespmem:$0x14E60] =	vst v63  }
0x3b: {  	s11 =	simm.s32 $0x9D30  }
0x3c: {  	[tilespmem:s26], [sflag:$0x2] =	stream.indirect.gather [hbm4b:s4+s14], $0x40, s11, s14, $0xb8;
	[tilespmem:$0x14E60] =	vst v63  }
0x3d: {  	s12 =	simm.s32 $0x9D58  }
0x3e: {  	[tilespmem:s28], [sflag:$0x2] =	stream.indirect.gather [hbm4b:s4+s14], $0x40, s12, s14, $0xb8;
	[tilespmem:$0x14E60] =	vst v63  }
0x3f: {  	s18 =	simm.s32 $0x9D80  }
0x40: {  	[tilespmem:s29], [sflag:$0x2] =	stream.indirect.gather [hbm4b:s4+s14], $0x40, s18, s14, $0xb8;
	[tilespmem:$0x14E60] =	vst v63  }
0x41: {  	s20 =	simm.s32 $0x9DA8  }
0x42: {  	[tilespmem:s30], [sflag:$0x2] =	stream.indirect.gather [hbm4b:s4+s14], $0x40, s20, s14, $0xb8;
	[tilespmem:$0x14E60] =	vst v63  }
0x43: {  	_ =	swait.ge [sflag:s31], $0xA00  }
0x44: {  	[sflag:s31] =	ssyncset.done $0x0  }
0x45: {  	[sflag:s31] =	ssyncadd.s32 $0xFFFFF600  }
0x46: {  	_ =	swait.ge [sflag:s31], $0xA00  }
0x47: {  	[sflag:s31] =	ssyncset.done $0x0  }
0x48: {  	[sflag:s31] =	ssyncadd.s32 $0xFFFFF600  }
0x49: {  	_ =	swait.ge [sflag:s31], $0xA00  }
0x4a: {  	[sflag:s31] =	ssyncset.done $0x0  }
0x4b: {  	[sflag:s31] =	ssyncadd.s32 $0xFFFFF600  }
0x4c: {  	_ =	swait.ge [sflag:s31], $0xA00  }
0x4d: {  	[sflag:s31] =	ssyncset.done $0x0  }
0x4e: {  	[sflag:s31] =	ssyncadd.s32 $0xFFFFF600  }
0x4f: {  	_ =	swait.ge [sflag:s31], $0xA00  }
0x50: {  	[sflag:s31] =	ssyncset.done $0x0  }
0x51: {  	s22 =	simm.s32 $0xC350;
	[sflag:s31] =	ssyncadd.s32 $0xFFFFF600  }
0x52: {  	[spmem:s1] =	stream.indirect.scatter.add.f32 [tilespmem:s15], [sflag:$0x3], $0x40, s22, s14, $0xb8;
	[tilespmem:$0x14E60] =	vst v63  }
0x53: {  	s5 =	simm.s32 $0xC378  }
0x54: {  	[spmem:s1] =	stream.indirect.scatter.add.f32 [tilespmem:s17], [sflag:$0x3], $0x40, s5, s14, $0xb8;
	[tilespmem:$0x14E60] =	vst v63  }
0x55: {  	s7 =	simm.s32 $0xC3A0  }
0x56: {  	[spmem:s1] =	stream.indirect.scatter.add.f32 [tilespmem:s19], [sflag:$0x3], $0x40, s7, s14, $0xb8;
	[tilespmem:$0x14E60] =	vst v63  }
0x57: {  	s8 =	simm.s32 $0xC3C8  }
0x58: {  	[spmem:s1] =	stream.indirect.scatter.add.f32 [tilespmem:s21], [sflag:$0x3], $0x40, s8, s14, $0xb8;
	[tilespmem:$0x14E60] =	vst v63  }
0x59: {  	s11 =	simm.s32 $0xC3F0  }
0x5a: {  	[spmem:s1] =	stream.indirect.scatter.add.f32 [tilespmem:s23], [sflag:$0x3], $0x40, s11, s14, $0xb8;
	[tilespmem:$0x14E60] =	vst v63  }
0x5b: {  	_ =	swait.ge [sflag:s0], $0xA00  }
0x5c: {  	[sflag:s0] =	ssyncset.done $0x0  }
0x5d: {  	[sflag:s0] =	ssyncadd.s32 $0xFFFFF600  }
0x5e: {  	_ =	swait.ge [sflag:s0], $0xA00  }
0x5f: {  	[sflag:s0] =	ssyncset.done $0x0  }
0x60: {  	[sflag:s0] =	ssyncadd.s32 $0xFFFFF600  }
0x61: {  	_ =	swait.ge [sflag:s0], $0xA00  }
0x62: {  	[sflag:s0] =	ssyncset.done $0x0  }
0x63: {  	[sflag:s0] =	ssyncadd.s32 $0xFFFFF600  }
0x64: {  	_ =	swait.ge [sflag:s0], $0xA00  }
0x65: {  	[sflag:s0] =	ssyncset.done $0x0  }
0x66: {  	[sflag:s0] =	ssyncadd.s32 $0xFFFFF600  }
0x67: {  	p0 =	por $0x0, $0x0;
	_ =	swait.ge [sflag:s0], $0xA00  }
0x68: {  	s3 =	simm.s32 @!p0 $0xEA60;
	[sflag:s0] =	ssyncset.done $0x0  }
0x69: {  	s18 =	simm.s32 @!p0 $0x9DD0;
	s20 =	simm.s32 @!p0 $0x28;
	[sflag:s0] =	ssyncadd.s32 $0xFFFFF600  }
0x6a: {  	[tilespmem:s3], [sflag:$0x1] =	stream.indirect.gather @!p0 [hbm4b:s4+s20], $0x40, s18, s20, $0xb8;
	[tilespmem:$0x14E60] =	vst v63  }
0x6b: {  	s3 =	simm.s32 @!p0 $0x9DF8;
	s18 =	simm.s32 @!p0 $0xF460  }
0x6c: {  	[tilespmem:s18], [sflag:$0x1] =	stream.indirect.gather @!p0 [hbm4b:s4+s20], $0x40, s3, s20, $0xb8;
	[tilespmem:$0x14E60] =	vst v63  }
0x6d: {  	s3 =	simm.s32 @!p0 $0x9E20;
	s18 =	simm.s32 @!p0 $0xFE60  }
0x6e: {  	[tilespmem:s18], [sflag:$0x1] =	stream.indirect.gather @!p0 [hbm4b:s4+s20], $0x40, s3, s20, $0xb8;
	[tilespmem:$0x14E60] =	vst v63  }
0x6f: {  	s3 =	simm.s32 @!p0 $0x9E48;
	s18 =	simm.s32 @!p0 $0x10860  }
0x70: {  	[tilespmem:s18], [sflag:$0x1] =	stream.indirect.gather @!p0 [hbm4b:s4+s20], $0x40, s3, s20, $0xb8;
	[tilespmem:$0x14E60] =	vst v63  }
0x71: {  	s3 =	simm.s32 @!p0 $0x9E70;
	s18 =	simm.s32 @!p0 $0x11260  }
0x72: {  	[tilespmem:s18], [sflag:$0x1] =	stream.indirect.gather @!p0 [hbm4b:s4+s20], $0x40, s3, s20, $0xb8;
	[tilespmem:$0x14E60] =	vst v63  }
0x73: {  	_ =	swait.ge [sflag:s2], $0xA00  }
0x74: {  	[sflag:s2] =	ssyncset.done $0x0  }
0x75: {  	[sflag:s2] =	ssyncadd.s32 $0xFFFFF600  }
0x76: {  	_ =	swait.ge [sflag:s2], $0xA00  }
0x77: {  	[sflag:s2] =	ssyncset.done $0x0  }
0x78: {  	[sflag:s2] =	ssyncadd.s32 $0xFFFFF600  }
0x79: {  	_ =	swait.ge [sflag:s2], $0xA00  }
0x7a: {  	[sflag:s2] =	ssyncset.done $0x0  }
0x7b: {  	[sflag:s2] =	ssyncadd.s32 $0xFFFFF600  }
0x7c: {  	_ =	swait.ge [sflag:s2], $0xA00  }
0x7d: {  	[sflag:s2] =	ssyncset.done $0x0  }
0x7e: {  	[sflag:s2] =	ssyncadd.s32 $0xFFFFF600  }
0x7f: {  	_ =	swait.ge [sflag:s2], $0xA00  }
0x80: {  	[sflag:s2] =	ssyncset.done $0x0  }
0x81: {  	s12 =	simm.s32 $0xC418;
	[sflag:s2] =	ssyncadd.s32 $0xFFFFF600  }
0x82: {  	[spmem:s1] =	stream.indirect.scatter.add.f32 [tilespmem:s25], [sflag:$0x4], $0x40, s12, s14, $0xb8;
	[tilespmem:$0x14E60] =	vst v63  }
0x83: {  	p6 =	por $0x0, $0x0;
	s18 =	simm.s32 $0xC440  }
0x84: {  	[spmem:s1] =	stream.indirect.scatter.add.f32 [tilespmem:s26], [sflag:$0x4], $0x40, s18, s14, $0xb8;
	[tilespmem:$0x14E60] =	vst v63  }
0x85: {  	s22 =	simm.s32 $0xC490;
	s20 =	simm.s32 $0xC468;
	p0 =	por p6, p6  }
0x86: {  	[spmem:s1] =	stream.indirect.scatter.add.f32 [tilespmem:s28], [sflag:$0x4], $0x40, s20, s14, $0xb8;
	[tilespmem:$0x14E60] =	vst v63  }
0x87: {  	s3 =	simm.s32 $0xC4B8;
	s18 =	simm.s32 $0x640;
	s20 =	simm.s32 $0xC80  }
0x88: {  	[spmem:s1] =	stream.indirect.scatter.add.f32 [tilespmem:s29], [sflag:$0x4], $0x40, s22, s14, $0xb8;
	[tilespmem:$0x14E60] =	vst v63  }
.LBB2_2:
0x89: {  	[spmem:s1] =	stream.indirect.scatter.add.f32 [tilespmem:s30], [sflag:$0x4], $0x40, s3, s14, $0xb8;
	[tilespmem:$0x14E60] =	vst v63  }
0x8a: {  	s3 =	smov.u32 s20  }
0x8b: {  	s20 =	sadd.s32 $0x640, s20;
	s11 =	simm.s32 @!p0 $0x4;
	p2 =	seq.s32 s3, $0x0  }
0x8c: {  	p1 =	sne.s32 s20, $0x9C40;
	_ =	swait.ge @!p0 [sflag:s11], $0xA00  }
0x8d: {  	[sflag:s11] =	ssyncset.done @!p0 $0x0  }
0x8e: {  	[sflag:s11] =	ssyncadd.s32 @!p0 $0xFFFFF600  }
0x8f: {  	_ =	swait.ge @!p0 [sflag:s11], $0xA00  }
0x90: {  	[sflag:s11] =	ssyncset.done @!p0 $0x0  }
0x91: {  	[sflag:s11] =	ssyncadd.s32 @!p0 $0xFFFFF600  }
0x92: {  	_ =	swait.ge @!p0 [sflag:s11], $0xA00  }
0x93: {  	[sflag:s11] =	ssyncset.done @!p0 $0x0  }
0x94: {  	[sflag:s11] =	ssyncadd.s32 @!p0 $0xFFFFF600  }
0x95: {  	_ =	swait.ge @!p0 [sflag:s11], $0xA00  }
0x96: {  	[sflag:s11] =	ssyncset.done @!p0 $0x0  }
0x97: {  	[sflag:s11] =	ssyncadd.s32 @!p0 $0xFFFFF600  }
0x98: {  	_ =	swait.ge @!p0 [sflag:s11], $0xA00  }
0x99: {  	s22 =	sshra.s32 s18, $0x2;
	[sflag:s11] =	ssyncset.done @!p0 $0x0  }
0x9a: {  	[sflag:s11] =	ssyncadd.s32 @!p0 $0xFFFFF600;
	s11 =	sadd.s32 $0x9D08, s22;
	p0 =	por p2, p2  }
0x9b: {  	[tilespmem:s25], [sflag:$0x2] =	stream.indirect.gather [hbm4b:s4+s14], $0x40, s11, s14, $0xb8;
	[tilespmem:$0x14E60] =	vst v63  }
0x9c: {  	s11 =	sadd.s32 $0x9D30, s22  }
0x9d: {  	[tilespmem:s26], [sflag:$0x2] =	stream.indirect.gather [hbm4b:s4+s14], $0x40, s11, s14, $0xb8;
	[tilespmem:$0x14E60] =	vst v63  }
0x9e: {  	s11 =	sadd.s32 $0x9D58, s22  }
0x9f: {  	[tilespmem:s28], [sflag:$0x2] =	stream.indirect.gather [hbm4b:s4+s14], $0x40, s11, s14, $0xb8;
	[tilespmem:$0x14E60] =	vst v63  }
0xa0: {  	s11 =	sadd.s32 $0x9D80, s22  }
0xa1: {  	[tilespmem:s29], [sflag:$0x2] =	stream.indirect.gather [hbm4b:s4+s14], $0x40, s11, s14, $0xb8;
	[tilespmem:$0x14E60] =	vst v63  }
0xa2: {  	s11 =	sadd.s32 $0x9DA8, s22  }
0xa3: {  	[tilespmem:s30], [sflag:$0x2] =	stream.indirect.gather [hbm4b:s4+s14], $0x40, s11, s14, $0xb8;
	[tilespmem:$0x14E60] =	vst v63  }
0xa4: {  	_ =	swait.ge [sflag:s31], $0xA00  }
0xa5: {  	[sflag:s31] =	ssyncset.done $0x0  }
0xa6: {  	[sflag:s31] =	ssyncadd.s32 $0xFFFFF600  }
0xa7: {  	_ =	swait.ge [sflag:s31], $0xA00  }
0xa8: {  	[sflag:s31] =	ssyncset.done $0x0  }
0xa9: {  	[sflag:s31] =	ssyncadd.s32 $0xFFFFF600  }
0xaa: {  	_ =	swait.ge [sflag:s31], $0xA00  }
0xab: {  	[sflag:s31] =	ssyncset.done $0x0  }
0xac: {  	[sflag:s31] =	ssyncadd.s32 $0xFFFFF600  }
0xad: {  	_ =	swait.ge [sflag:s31], $0xA00  }
0xae: {  	[sflag:s31] =	ssyncset.done $0x0  }
0xaf: {  	[sflag:s31] =	ssyncadd.s32 $0xFFFFF600  }
0xb0: {  	_ =	swait.ge [sflag:s31], $0xA00  }
0xb1: {  	[sflag:s31] =	ssyncset.done $0x0  }
0xb2: {  	s11 =	sadd.s32 $0xC350, s22;
	[sflag:s31] =	ssyncadd.s32 $0xFFFFF600  }
0xb3: {  	[spmem:s1] =	stream.indirect.scatter.add.f32 [tilespmem:s15], [sflag:$0x3], $0x40, s11, s14, $0xb8;
	[tilespmem:$0x14E60] =	vst v63  }
0xb4: {  	s11 =	sadd.s32 $0xC378, s22  }
0xb5: {  	[spmem:s1] =	stream.indirect.scatter.add.f32 [tilespmem:s17], [sflag:$0x3], $0x40, s11, s14, $0xb8;
	[tilespmem:$0x14E60] =	vst v63  }
0xb6: {  	s11 =	sadd.s32 $0xC3A0, s22  }
0xb7: {  	[spmem:s1] =	stream.indirect.scatter.add.f32 [tilespmem:s19], [sflag:$0x3], $0x40, s11, s14, $0xb8;
	[tilespmem:$0x14E60] =	vst v63  }
0xb8: {  	s11 =	sadd.s32 $0xC3C8, s22  }
0xb9: {  	[spmem:s1] =	stream.indirect.scatter.add.f32 [tilespmem:s21], [sflag:$0x3], $0x40, s11, s14, $0xb8;
	[tilespmem:$0x14E60] =	vst v63  }
0xba: {  	s11 =	sadd.s32 $0xC3F0, s22  }
0xbb: {  	[spmem:s1] =	stream.indirect.scatter.add.f32 [tilespmem:s23], [sflag:$0x3], $0x40, s11, s14, $0xb8;
	[tilespmem:$0x14E60] =	vst v63  }
0xbc: {  	_ =	swait.ge [sflag:s0], $0xA00  }
0xbd: {  	[sflag:s0] =	ssyncset.done $0x0  }
0xbe: {  	[sflag:s0] =	ssyncadd.s32 $0xFFFFF600  }
0xbf: {  	_ =	swait.ge [sflag:s0], $0xA00  }
0xc0: {  	[sflag:s0] =	ssyncset.done $0x0  }
0xc1: {  	[sflag:s0] =	ssyncadd.s32 $0xFFFFF600  }
0xc2: {  	_ =	swait.ge [sflag:s0], $0xA00  }
0xc3: {  	[sflag:s0] =	ssyncset.done $0x0  }
0xc4: {  	[sflag:s0] =	ssyncadd.s32 $0xFFFFF600  }
0xc5: {  	_ =	swait.ge [sflag:s0], $0xA00  }
0xc6: {  	[sflag:s0] =	ssyncset.done $0x0  }
0xc7: {  	[sflag:s0] =	ssyncadd.s32 $0xFFFFF600  }
0xc8: {  	p2 =	seq.s32 s18, $0x9600;
	_ =	swait.ge [sflag:s0], $0xA00  }
0xc9: {  	s11 =	sshra.s32 @!p2 s18, $0x2;
	s18 =	simm.s32 @!p2 $0xEA60;
	[sflag:s0] =	ssyncset.done $0x0  }
0xca: {  	s7 =	simm.s32 @!p2 $0x28;
	s5 =	sadd.s32 @!p2 $0x9DD0, s11;
	[sflag:s0] =	ssyncadd.s32 $0xFFFFF600  }
0xcb: {  	[tilespmem:s18], [sflag:$0x1] =	stream.indirect.gather @!p2 [hbm4b:s4+s7], $0x40, s5, s7, $0xb8;
	[tilespmem:$0x14E60] =	vst v63  }
0xcc: {  	s8 =	sadd.s32 @!p2 $0x9E20, s11;
	s5 =	sadd.s32 @!p2 $0x9DF8, s11;
	s18 =	simm.s32 @!p2 $0xF460  }
0xcd: {  	[tilespmem:s18], [sflag:$0x1] =	stream.indirect.gather @!p2 [hbm4b:s4+s7], $0x40, s5, s7, $0xb8;
	[tilespmem:$0x14E60] =	vst v63  }
0xce: {  	s12 =	sadd.s32 @!p2 $0x9E48, s11;
	s11 =	sadd.s32 @!p2 $0x9E70, s11;
	s5 =	simm.s32 @!p2 $0xFE60  }
0xcf: {  	[tilespmem:s5], [sflag:$0x1] =	stream.indirect.gather @!p2 [hbm4b:s4+s7], $0x40, s8, s7, $0xb8;
	[tilespmem:$0x14E60] =	vst v63  }
0xd0: {  	s18 =	smov.u32 s3;
	s5 =	simm.s32 @!p2 $0x10860  }
0xd1: {  	[tilespmem:s5], [sflag:$0x1] =	stream.indirect.gather @!p2 [hbm4b:s4+s7], $0x40, s12, s7, $0xb8;
	[tilespmem:$0x14E60] =	vst v63  }
0xd2: {  	s3 =	simm.s32 @!p2 $0x11260  }
0xd3: {  	[tilespmem:s3], [sflag:$0x1] =	stream.indirect.gather @!p2 [hbm4b:s4+s7], $0x40, s11, s7, $0xb8;
	[tilespmem:$0x14E60] =	vst v63  }
0xd4: {  	_ =	swait.ge [sflag:s2], $0xA00  }
0xd5: {  	[sflag:s2] =	ssyncset.done $0x0  }
0xd6: {  	[sflag:s2] =	ssyncadd.s32 $0xFFFFF600  }
0xd7: {  	_ =	swait.ge [sflag:s2], $0xA00  }
0xd8: {  	[sflag:s2] =	ssyncset.done $0x0  }
0xd9: {  	[sflag:s2] =	ssyncadd.s32 $0xFFFFF600  }
0xda: {  	_ =	swait.ge [sflag:s2], $0xA00  }
0xdb: {  	[sflag:s2] =	ssyncset.done $0x0  }
0xdc: {  	[sflag:s2] =	ssyncadd.s32 $0xFFFFF600  }
0xdd: {  	_ =	swait.ge [sflag:s2], $0xA00  }
0xde: {  	[sflag:s2] =	ssyncset.done $0x0  }
0xdf: {  	[sflag:s2] =	ssyncadd.s32 $0xFFFFF600  }
0xe0: {  	_ =	swait.ge [sflag:s2], $0xA00  }
0xe1: {  	[sflag:s2] =	ssyncset.done $0x0  }
0xe2: {  	s3 =	sadd.s32 $0xC418, s22;
	[sflag:s2] =	ssyncadd.s32 $0xFFFFF600  }
0xe3: {  	[spmem:s1] =	stream.indirect.scatter.add.f32 [tilespmem:s25], [sflag:$0x4], $0x40, s3, s14, $0xb8;
	[tilespmem:$0x14E60] =	vst v63  }
0xe4: {  	s3 =	sadd.s32 $0xC440, s22  }
0xe5: {  	[spmem:s1] =	stream.indirect.scatter.add.f32 [tilespmem:s26], [sflag:$0x4], $0x40, s3, s14, $0xb8;
	[tilespmem:$0x14E60] =	vst v63  }
.Ltmp0:
0xe6: {  	s3 =	sadd.s32 $0xC468, s22;
	(pc) =	sbr.rel @p1 .LBB2_2-.Ltmp0, $4  }
0xe7: {  	[spmem:s1] =	stream.indirect.scatter.add.f32 [tilespmem:s28], [sflag:$0x4], $0x40, s3, s14, $0xb8;
	[tilespmem:$0x14E60] =	vst v63  }
0xe8: {  	s3 =	sadd.s32 $0xC490, s22  }
0xe9: {  	[spmem:s1] =	stream.indirect.scatter.add.f32 [tilespmem:s29], [sflag:$0x4], $0x40, s3, s14, $0xb8;
	[tilespmem:$0x14E60] =	vst v63  }
0xea: {  	s3 =	sadd.s32 $0xC4B8, s22  }
0xeb: {  	[spmem:s1] =	stream.indirect.scatter.add.f32 [tilespmem:s30], [sflag:$0x4], $0x40, s3, s14, $0xb8;
	[tilespmem:$0x14E60] =	vst v63  }
0xec: {  	s5 =	simm.s32 @!p0 $0x4  }
0xed: {  	_ =	swait.ge @!p0 [sflag:s5], $0xA00  }
0xee: {  	[sflag:s5] =	ssyncset.done @!p0 $0x0  }
0xef: {  	[sflag:s5] =	ssyncadd.s32 @!p0 $0xFFFFF600  }
0xf0: {  	_ =	swait.ge @!p0 [sflag:s5], $0xA00  }
0xf1: {  	[sflag:s5] =	ssyncset.done @!p0 $0x0  }
0xf2: {  	[sflag:s5] =	ssyncadd.s32 @!p0 $0xFFFFF600  }
0xf3: {  	_ =	swait.ge @!p0 [sflag:s5], $0xA00  }
0xf4: {  	[sflag:s5] =	ssyncset.done @!p0 $0x0  }
0xf5: {  	[sflag:s5] =	ssyncadd.s32 @!p0 $0xFFFFF600  }
0xf6: {  	_ =	swait.ge @!p0 [sflag:s5], $0xA00  }
0xf7: {  	[sflag:s5] =	ssyncset.done @!p0 $0x0  }
0xf8: {  	[sflag:s5] =	ssyncadd.s32 @!p0 $0xFFFFF600  }
0xf9: {  	_ =	swait.ge @!p0 [sflag:s5], $0xA00  }
0xfa: {  	s3 =	sshra.s32 s18, $0x2;
	[sflag:s5] =	ssyncset.done @!p0 $0x0  }
0xfb: {  	s20 =	sadd.s32 $0x9D08, s3;
	[sflag:s5] =	ssyncadd.s32 @!p0 $0xFFFFF600  }
0xfc: {  	[tilespmem:s25], [sflag:$0x2] =	stream.indirect.gather [hbm4b:s4+s14], $0x40, s20, s14, $0xb8;
	[tilespmem:$0x14E60] =	vst v63  }
0xfd: {  	s22 =	sadd.s32 $0x9D30, s3  }
0xfe: {  	[tilespmem:s26], [sflag:$0x2] =	stream.indirect.gather [hbm4b:s4+s14], $0x40, s22, s14, $0xb8;
	[tilespmem:$0x14E60] =	vst v63  }
0xff: {  	s7 =	sadd.s32 $0x9D58, s3  }
0x100: {  	[tilespmem:s28], [sflag:$0x2] =	stream.indirect.gather [hbm4b:s4+s14], $0x40, s7, s14, $0xb8;
	[tilespmem:$0x14E60] =	vst v63  }
0x101: {  	s8 =	sadd.s32 $0x9D80, s3  }
0x102: {  	[tilespmem:s29], [sflag:$0x2] =	stream.indirect.gather [hbm4b:s4+s14], $0x40, s8, s14, $0xb8;
	[tilespmem:$0x14E60] =	vst v63  }
0x103: {  	s11 =	sadd.s32 $0x9DA8, s3  }
0x104: {  	[tilespmem:s30], [sflag:$0x2] =	stream.indirect.gather [hbm4b:s4+s14], $0x40, s11, s14, $0xb8;
	[tilespmem:$0x14E60] =	vst v63  }
0x105: {  	_ =	swait.ge [sflag:s31], $0xA00  }
0x106: {  	[sflag:s31] =	ssyncset.done $0x0  }
0x107: {  	[sflag:s31] =	ssyncadd.s32 $0xFFFFF600  }
0x108: {  	_ =	swait.ge [sflag:s31], $0xA00  }
0x109: {  	[sflag:s31] =	ssyncset.done $0x0  }
0x10a: {  	[sflag:s31] =	ssyncadd.s32 $0xFFFFF600  }
0x10b: {  	_ =	swait.ge [sflag:s31], $0xA00  }
0x10c: {  	[sflag:s31] =	ssyncset.done $0x0  }
0x10d: {  	[sflag:s31] =	ssyncadd.s32 $0xFFFFF600  }
0x10e: {  	_ =	swait.ge [sflag:s31], $0xA00  }
0x10f: {  	[sflag:s31] =	ssyncset.done $0x0  }
0x110: {  	[sflag:s31] =	ssyncadd.s32 $0xFFFFF600  }
0x111: {  	_ =	swait.ge [sflag:s31], $0xA00  }
0x112: {  	[sflag:s31] =	ssyncset.done $0x0  }
0x113: {  	s12 =	sadd.s32 $0xC350, s3;
	[sflag:s31] =	ssyncadd.s32 $0xFFFFF600  }
0x114: {  	[spmem:s1] =	stream.indirect.scatter.add.f32 [tilespmem:s15], [sflag:$0x3], $0x40, s12, s14, $0xb8;
	[tilespmem:$0x14E60] =	vst v63  }
0x115: {  	s20 =	sadd.s32 $0xC378, s3  }
0x116: {  	[spmem:s1] =	stream.indirect.scatter.add.f32 [tilespmem:s17], [sflag:$0x3], $0x40, s20, s14, $0xb8;
	[tilespmem:$0x14E60] =	vst v63  }
0x117: {  	s22 =	sadd.s32 $0xC3A0, s3  }
0x118: {  	[spmem:s1] =	stream.indirect.scatter.add.f32 [tilespmem:s19], [sflag:$0x3], $0x40, s22, s14, $0xb8;
	[tilespmem:$0x14E60] =	vst v63  }
0x119: {  	s7 =	sadd.s32 $0xC3C8, s3  }
0x11a: {  	[spmem:s1] =	stream.indirect.scatter.add.f32 [tilespmem:s21], [sflag:$0x3], $0x40, s7, s14, $0xb8;
	[tilespmem:$0x14E60] =	vst v63  }
0x11b: {  	s8 =	sadd.s32 $0xC3F0, s3  }
0x11c: {  	[spmem:s1] =	stream.indirect.scatter.add.f32 [tilespmem:s23], [sflag:$0x3], $0x40, s8, s14, $0xb8;
	[tilespmem:$0x14E60] =	vst v63  }
0x11d: {  	_ =	swait.ge [sflag:s0], $0xA00  }
0x11e: {  	[sflag:s0] =	ssyncset.done $0x0  }
0x11f: {  	[sflag:s0] =	ssyncadd.s32 $0xFFFFF600  }
0x120: {  	_ =	swait.ge [sflag:s0], $0xA00  }
0x121: {  	[sflag:s0] =	ssyncset.done $0x0  }
0x122: {  	[sflag:s0] =	ssyncadd.s32 $0xFFFFF600  }
0x123: {  	_ =	swait.ge [sflag:s0], $0xA00  }
0x124: {  	[sflag:s0] =	ssyncset.done $0x0  }
0x125: {  	[sflag:s0] =	ssyncadd.s32 $0xFFFFF600  }
0x126: {  	_ =	swait.ge [sflag:s0], $0xA00  }
0x127: {  	[sflag:s0] =	ssyncset.done $0x0  }
0x128: {  	[sflag:s0] =	ssyncadd.s32 $0xFFFFF600  }
0x129: {  	p0 =	seq.s32 s18, $0x9600;
	_ =	swait.ge [sflag:s0], $0xA00  }
0x12a: {  	s5 =	sshra.s32 @!p0 s18, $0x2;
	s11 =	simm.s32 @!p0 $0x28;
	[sflag:s0] =	ssyncset.done $0x0  }
0x12b: {  	s7 =	simm.s32 @!p0 $0xEA60;
	s8 =	sadd.s32 @!p0 $0x9DD0, s5;
	[sflag:s0] =	ssyncadd.s32 $0xFFFFF600  }
0x12c: {  	[tilespmem:s7], [sflag:$0x1] =	stream.indirect.gather @!p0 [hbm4b:s4+s11], $0x40, s8, s11, $0xb8;
	[tilespmem:$0x14E60] =	vst v63  }
0x12d: {  	s7 =	sadd.s32 @!p0 $0x9DF8, s5;
	s8 =	simm.s32 @!p0 $0xF460  }
0x12e: {  	[tilespmem:s8], [sflag:$0x1] =	stream.indirect.gather @!p0 [hbm4b:s4+s11], $0x40, s7, s11, $0xb8;
	[tilespmem:$0x14E60] =	vst v63  }
0x12f: {  	s7 =	sadd.s32 @!p0 $0x9E20, s5;
	s8 =	simm.s32 @!p0 $0xFE60  }
0x130: {  	[tilespmem:s8], [sflag:$0x1] =	stream.indirect.gather @!p0 [hbm4b:s4+s11], $0x40, s7, s11, $0xb8;
	[tilespmem:$0x14E60] =	vst v63  }
0x131: {  	s7 =	sadd.s32 @!p0 $0x9E48, s5;
	s8 =	simm.s32 @!p0 $0x10860  }
0x132: {  	[tilespmem:s8], [sflag:$0x1] =	stream.indirect.gather @!p0 [hbm4b:s4+s11], $0x40, s7, s11, $0xb8;
	[tilespmem:$0x14E60] =	vst v63  }
0x133: {  	s5 =	sadd.s32 @!p0 $0x9E70, s5;
	s7 =	simm.s32 @!p0 $0x11260  }
0x134: {  	[tilespmem:s7], [sflag:$0x1] =	stream.indirect.gather @!p0 [hbm4b:s4+s11], $0x40, s5, s11, $0xb8;
	[tilespmem:$0x14E60] =	vst v63  }
0x135: {  	_ =	swait.ge [sflag:s2], $0xA00  }
0x136: {  	[sflag:s2] =	ssyncset.done $0x0  }
0x137: {  	[sflag:s2] =	ssyncadd.s32 $0xFFFFF600  }
0x138: {  	_ =	swait.ge [sflag:s2], $0xA00  }
0x139: {  	[sflag:s2] =	ssyncset.done $0x0  }
0x13a: {  	[sflag:s2] =	ssyncadd.s32 $0xFFFFF600  }
0x13b: {  	_ =	swait.ge [sflag:s2], $0xA00  }
0x13c: {  	[sflag:s2] =	ssyncset.done $0x0  }
0x13d: {  	[sflag:s2] =	ssyncadd.s32 $0xFFFFF600  }
0x13e: {  	_ =	swait.ge [sflag:s2], $0xA00  }
0x13f: {  	[sflag:s2] =	ssyncset.done $0x0  }
0x140: {  	[sflag:s2] =	ssyncadd.s32 $0xFFFFF600  }
0x141: {  	_ =	swait.ge [sflag:s2], $0xA00  }
0x142: {  	[sflag:s2] =	ssyncset.done $0x0  }
0x143: {  	s11 =	sadd.s32 $0xC418, s3;
	[sflag:s2] =	ssyncadd.s32 $0xFFFFF600  }
0x144: {  	[spmem:s1] =	stream.indirect.scatter.add.f32 [tilespmem:s25], [sflag:$0x4], $0x40, s11, s14, $0xb8;
	[tilespmem:$0x14E60] =	vst v63  }
0x145: {  	s12 =	sadd.s32 $0xC440, s3  }
0x146: {  	[spmem:s1] =	stream.indirect.scatter.add.f32 [tilespmem:s26], [sflag:$0x4], $0x40, s12, s14, $0xb8;
	[tilespmem:$0x14E60] =	vst v63  }
0x147: {  	s18 =	sadd.s32 $0xC468, s3  }
0x148: {  	[spmem:s1] =	stream.indirect.scatter.add.f32 [tilespmem:s28], [sflag:$0x4], $0x40, s18, s14, $0xb8;
	[tilespmem:$0x14E60] =	vst v63  }
0x149: {  	s20 =	sadd.s32 $0xC490, s3  }
0x14a: {  	[spmem:s1] =	stream.indirect.scatter.add.f32 [tilespmem:s29], [sflag:$0x4], $0x40, s20, s14, $0xb8;
	[tilespmem:$0x14E60] =	vst v63  }
0x14b: {  	s3 =	sadd.s32 $0xC4B8, s3  }
0x14c: {  	[spmem:s1] =	stream.indirect.scatter.add.f32 [tilespmem:s30], [sflag:$0x4], $0x40, s3, s14, $0xb8;
	[tilespmem:$0x14E60] =	vst v63  }
0x14d: {  	_ =	swait.ge [sflag:s13], $0xA00  }
0x14e: {  	[sflag:s13] =	ssyncset.done $0x0  }
0x14f: {  	[sflag:s13] =	ssyncadd.s32 $0xFFFFF600  }
0x150: {  	_ =	swait.ge [sflag:s13], $0xA00  }
0x151: {  	[sflag:s13] =	ssyncset.done $0x0  }
0x152: {  	[sflag:s13] =	ssyncadd.s32 $0xFFFFF600  }
0x153: {  	_ =	swait.ge [sflag:s13], $0xA00  }
0x154: {  	[sflag:s13] =	ssyncset.done $0x0  }
0x155: {  	[sflag:s13] =	ssyncadd.s32 $0xFFFFF600  }
0x156: {  	_ =	swait.ge [sflag:s13], $0xA00  }
0x157: {  	[sflag:s13] =	ssyncset.done $0x0  }
0x158: {  	[sflag:s13] =	ssyncadd.s32 $0xFFFFF600  }
0x159: {  	_ =	swait.ge [sflag:s13], $0xA00  }
0x15a: {  	[sflag:s13] =	ssyncset.done $0x0  }
0x15b: {  	[sflag:s13] =	ssyncadd.s32 $0xFFFFF600  }
0x15c: {  	[bflag:$0x0] =	sbarrier.arrive $0xFFFF  }
0x15d: {  	[hbm:s24], [sflag:s6] =	dma.local [spmem:s9], $0x1388  }
0x15e: {  	_ =	swait.ge [sflag:s10], $0x1388  }
0x15f: {  	s16 =	sadd.s32 $0x1, s16;
	s22 =	rddreg [dreg:$0x5]  }
0x160: {  	p0 =	sne.s32 s16, s22  }
.Ltmp1:
0x161: {  	_ = 	snop;
	(pc) =	sbr.rel @p0 .LBB2_1-.Ltmp1, $3  }
0x162: {  	_ =	sdelay $0x1  }
0x163: {  	[sflag:s10] =	ssyncset.done $0x0  }
0x164: {  	[sflag:s10] =	ssyncadd.s32 $0xFFFFEC78  }
0x165: {  	_ =	sfence.sel $0x180000  }
0x166: {  	[bflag:$0x0] =	sbarrier.arrive $0xFFFF  }
0x167: {  	_ =	strace $0x90000047  }
0x168: {  	s0 =	stileid.u32;
	[bflag:$0x2] =	sbarrier.arrive $0xFFFF  }
0x169: {  	p0 =	sne.s32 s0, $0x0;
	s0 =	rddreg [dreg:$0x2]  }
0x16a: {  	s0 =	sadd.s32 @!p0 $0x100000, s0  }
0x16b: {  	[sflag:s0] =	ssyncadd.tile.s32 @!p0 $0x1;
	_ =	shalt  }
.Lfunc_end2:
_tile_overlayer_lowered:
.L_overlay_start_2:
0x16c: {  	(tag) =	ssettag $0x2  }
0x16d: {  	s0 =	rddreg [dreg:$0x0];
	s2 =	stileid.u32  }
0x16e: {  	s1 =	rddreg [dreg:$0x1];
	p0 =	sne.s32 s2, $0x0  }
0x16f: {  	s3 =	rddreg [dreg:$0x2];
	[bflag:$0x3] =	sbarrier.arrive $0xFFFF;
	s2 =	simm.s32 @!p0 $0x1C05  }
0x170: {  	[timem:s3], [sflag:s2] =	dma.local @!p0 [hbm:s0], s1  }
0x171: {  	s0 =	simm.s32 @!p0 $0x5  }
0x172: {  	_ =	swait.ge @!p0 [sflag:s0], s1  }
0x173: {  	s1 =	ssub.s32 @!p0 $0x0, s1;
	[sflag:s0] =	ssyncset.done @!p0 $0x0  }
0x174: {  	[sflag:s0] =	ssyncadd.s32 @!p0 s1  }
0x175: {  	[bflag:$0x3] =	sbarrier.arrive $0xFFFF  }
0x176: {  	_ =	shalt  }

</sc_bundles>
